<compile_context>
chip_gen: v7x
topology: tpu7x:2x2x1
jax: 0.10.2.dev20260603
libtpu: 0.0.44.dev20260713+nightly
codegen_flags: <defaults>
</compile_context>

<pallas_src>
import functools

import numpy as np

import jax
import jax.numpy as jnp
from jax import lax
from jax.experimental import pallas as pl
from jax.experimental.pallas import tpu as pltpu
from jax.experimental.pallas import tpu_sc as plsc

_BATCH = 16384
_NP = 20
_D = 32
_B = _BATCH * _NP
_NC = 2
_NS = 16
_NW = _NC * _NS
_BPW = _B // _NW
_GROW = 128
_GPC = 5
_CROW = _GROW * _GPC
_CB = _CROW // _NP
_NCHUNK = _BPW // _CROW
_BPWB = _BPW // _NP

_TB = 128
_TD = 8
_NTI = _D // _TD
_NTJ = _BATCH // _TB
_NQ = _NP * _D // 128

_mesh = plsc.VectorSubcoreMesh(
    core_axis_name="c", subcore_axis_name="s",
    num_cores=_NC, num_subcores=_NS)


@functools.partial(
    pl.kernel,
    out_type=jax.ShapeDtypeStruct((_BATCH, _NP, _D), jnp.float32),
    mesh=_mesh,
    compiler_params=pltpu.CompilerParams(use_tc_tiling_on_sc=False),
    scratch_types=[
        pltpu.VMEM((_BPW,), jnp.int32),
        pltpu.VMEM((_CROW, _D), jnp.float32),
        pltpu.VMEM((_CROW, _D), jnp.float32),
        pltpu.SemaphoreType.DMA,
        pltpu.SemaphoreType.DMA,
        pltpu.SemaphoreType.DMA,
        pltpu.SemaphoreType.DMA,
    ],
)
def _gather_kernel(idx_hbm, table_hbm, out_hbm, idx_v, rows0, rows1,
                   gsem0, gsem1, fsem0, fsem1):
    wid = lax.axis_index("s") * _NC + lax.axis_index("c")
    bbase = wid * _BPWB
    pltpu.sync_copy(idx_hbm.at[pl.ds(wid * _BPW, _BPW)], idx_v)

    def fire_gather(k, rows, sem):
        for g in range(_GPC):
            pltpu.async_copy(
                table_hbm.at[idx_v.at[pl.ds(k * _CROW + g * _GROW, _GROW)]],
                rows.at[pl.ds(g * _GROW, _GROW)], sem)

    def drain_gather(k, rows, sem):
        for g in range(_GPC):
            pltpu.make_async_copy(
                table_hbm.at[idx_v.at[pl.ds(k * _CROW + g * _GROW, _GROW)]],
                rows.at[pl.ds(g * _GROW, _GROW)], sem).wait()

    def fire_flush(k, rows, sem):
        for e in range(_CB):
            pltpu.async_copy(rows.at[pl.ds(e * _NP, _NP)],
                             out_hbm.at[bbase + k * _CB + e], sem)

    def drain_flush(k, rows, sem):
        for e in range(_CB):
            pltpu.make_async_copy(rows.at[pl.ds(e * _NP, _NP)],
                                  out_hbm.at[bbase + k * _CB + e],
                                  sem).wait()

    fire_gather(0, rows0, gsem0)

    @pl.loop(0, _NCHUNK, step=2)
    def _body(k):
        fire_gather(k + 1, rows1, gsem1)
        drain_gather(k, rows0, gsem0)
        fire_flush(k, rows0, fsem0)
        drain_gather(k + 1, rows1, gsem1)
        fire_flush(k + 1, rows1, fsem1)
        drain_flush(k, rows0, fsem0)

        @pl.when(k + 2 < _NCHUNK)
        def _():
            fire_gather(k + 2, rows0, gsem0)

        drain_flush(k + 1, rows1, fsem1)


def _transpose_body(in_ref, sel_ref, out_ref):
    x = in_ref[...]
    for j in range(_NQ):
        z = lax.dot_general(x, sel_ref[j], (((0,), (0,)), ((), ())),
                            precision=lax.Precision.HIGHEST,
                            preferred_element_type=jnp.float32)
        out_ref[j * 4:j * 4 + 4] = z.reshape(4, _NTI, 1, _TD, _TB)


_transpose_kernel = pl.pallas_call(
    _transpose_body,
    grid=(_NTJ,),
    in_specs=[pl.BlockSpec((_CROW, 128), lambda tj: (tj, 0)),
              pl.BlockSpec((_NQ, _CROW, _TB), lambda tj: (0, 0, 0))],
    out_specs=pl.BlockSpec((_NP, _NTI, 1, _TD, _TB),
                           lambda tj: (0, 0, tj, 0, 0)),
    out_shape=jax.ShapeDtypeStruct((_NP, _NTI, _NTJ, _TD, _TB),
                                   jnp.float32),
)

_i = np.arange(_CROW)[:, None]
_b = np.arange(_TB)[None, :]
_SEL = np.stack([(_i == _b * _NQ + j) for j in range(_NQ)]
                ).astype(np.float32)


def kernel(species_ids, table):
    flat3 = _gather_kernel(species_ids.reshape(-1).astype(jnp.int32), table)
    in2d = flat3.reshape(_B * _D // 128, 128)
    out5 = _transpose_kernel(in2d, jnp.asarray(_SEL))
    return out5.transpose(2, 4, 0, 1, 3).reshape(_BATCH, _NP, _D)

# --- scband reference (transcript-rebuilt; emitter-appended) ---
"""Pipeline reference for scband-species-embedding-26946624815595 (READ-ONLY COPY).

The authoritative reference and input builder live on the scoring server;
editing this copy changes nothing except your own understanding.
"""

import jax, jax.numpy as jnp
import numpy as np

NUM_SPECIES = 100000
EMBED_DIM = 32
BATCH = 16384
NUM_POKEMON = 20

def setup_inputs(seed: int = 0) -> dict:
    key = jax.random.key(seed)
    k1, k2 = jax.random.split(key)
    species_ids = jax.random.randint(k1, (BATCH, NUM_POKEMON), 0, NUM_SPECIES)
    table = jax.random.normal(k2, (NUM_SPECIES, EMBED_DIM), dtype=jnp.float32)
    # padding_idx=0 -> row 0 is zeros
    table = table.at[0].set(0.0)
    return {"species_ids": species_ids, "table": table}

def reference(species_ids, table):
    # nn.Embedding lookup: [batch, num_pokemon] -> [batch, num_pokemon, embed_dim]
    return jnp.take(table, species_ids, axis=0)

if __name__ == "__main__":
    import jax
    _d = setup_inputs()
    print(jax.jit(kernel)(*tuple(_d.values())))

</pallas_src>

<mosaic_0001>
#map = affine_map<(d0, d1) -> (0)>
#map1 = affine_map<(d0, d1) -> (0, 0)>
#map2 = affine_map<(d0, d1) -> (0, 0, 0)>
module attributes {stable_mosaic.version = 14 : i64} {
  func.func @_gather_kernel(%arg0: i32, %arg1: i32, %arg2: memref<327680xi32, #tpu.memory_space<hbm>>, %arg3: memref<100000x32xf32, #tpu.memory_space<hbm>>, %arg4: memref<16384x20x32xf32, #tpu.memory_space<hbm>>, %arg5: memref<10240xi32, #tpu.memory_space<vmem>>, %arg6: memref<640x32xf32, #tpu.memory_space<vmem>>, %arg7: memref<640x32xf32, #tpu.memory_space<vmem>>, %arg8: memref<!tpu.dma_semaphore, #tpu.memory_space<semaphore_mem>>, %arg9: memref<!tpu.dma_semaphore, #tpu.memory_space<semaphore_mem>>, %arg10: memref<!tpu.dma_semaphore, #tpu.memory_space<semaphore_mem>>, %arg11: memref<!tpu.dma_semaphore, #tpu.memory_space<semaphore_mem>>) attributes {dimension_semantics = [#tpu.dimension_semantics<core_parallel>, #tpu.dimension_semantics<subcore_parallel>], iteration_bounds = array<i64: 2, 16>, scalar_prefetch = 0 : i64, scratch_operands = 7 : i64, tpu.core_type = #tpu.core_type<sc_vector_subcore>, window_params = [{transform_indices = #map}, {transform_indices = #map1}, {transform_indices = #map2}]} {
    %mul3A = arith.constant 2 : i32
    %mul3A_0 = arith.muli %arg1, %mul3A : i32
    %add3A = arith.addi %mul3A_0, %arg0 : i32
    %mul3A_1 = arith.constant 512 : i32
    %mul3A_2 = arith.muli %add3A, %mul3A_1 : i32
    %mul3A_3 = arith.constant 10240 : i32
    %mul3A_4 = arith.muli %add3A, %mul3A_3 : i32
    "tpu.region"() ({
      %run_scoped3A = tpu.sem_alloc : memref<!tpu.dma_semaphore, #tpu.memory_space<semaphore_mem>>
      %dma_start3A_48 = tpu.memref_slice %arg2[%mul3A_4] : memref<327680xi32, #tpu.memory_space<hbm>> -> memref<10240xi32, #tpu.memory_space<hbm>>
      %dma_start3A_49 = tpu.memref_slice %arg2[%mul3A_4] : memref<327680xi32, #tpu.memory_space<hbm>> -> memref<10240xi32, #tpu.memory_space<hbm>>
      tpu.enqueue_dma source(%dma_start3A_49 : memref<10240xi32, #tpu.memory_space<hbm>>) target(%arg5 : memref<10240xi32, #tpu.memory_space<vmem>>) target_semaphore(%run_scoped3A : memref<!tpu.dma_semaphore, #tpu.memory_space<semaphore_mem>>)
      %dma_wait3A = tpu.memref_slice %arg2[%mul3A_4] : memref<327680xi32, #tpu.memory_space<hbm>> -> memref<10240xi32, #tpu.memory_space<hbm>>
      %dma_wait3A_50 = tpu.memref_slice %arg2[%mul3A_4] : memref<327680xi32, #tpu.memory_space<hbm>> -> memref<10240xi32, #tpu.memory_space<hbm>>
      tpu.wait_dma2 semaphore(%run_scoped3A : memref<!tpu.dma_semaphore, #tpu.memory_space<semaphore_mem>>) src(%dma_wait3A_50 : memref<10240xi32, #tpu.memory_space<hbm>>) dst(%arg5 : memref<10240xi32, #tpu.memory_space<vmem>>)
      tpu.yield
    }) : () -> ()
    %dma_start3A = arith.constant 0 : i32
    %dma_start3A_5 = arith.constant 0 : i32
    %dma_start3A_6 = tpu.memref_slice %arg6[%dma_start3A, %dma_start3A_5] : memref<640x32xf32, #tpu.memory_space<vmem>> -> memref<128x32xf32, #tpu.memory_space<vmem>>
    %dma_start3A_7 = arith.constant 0 : i32
    %dma_start3A_8 = tpu.memref_slice %arg5[%dma_start3A_7] : memref<10240xi32, #tpu.memory_space<vmem>> -> memref<128xi32, #tpu.memory_space<vmem>>
    %dma_start3A_9 = arith.constant 0 : i32
    %dma_start3A_10 = arith.constant 0 : i32
    %dma_start3A_11 = tpu.memref_slice %arg3[%dma_start3A_9, %dma_start3A_10] : memref<100000x32xf32, #tpu.memory_space<hbm>> -> memref<100000x32xf32, #tpu.memory_space<hbm>>
    tpu.enqueue_indirect_dma source(%dma_start3A_11 : memref<100000x32xf32, #tpu.memory_space<hbm>>) target(%dma_start3A_6 : memref<128x32xf32, #tpu.memory_space<vmem>>) offsets(%dma_start3A_8 : memref<128xi32, #tpu.memory_space<vmem>>) semaphore(%arg8 : memref<!tpu.dma_semaphore, #tpu.memory_space<semaphore_mem>>)
    %dma_start3A_12 = arith.constant 128 : i32
    %dma_start3A_13 = arith.constant 0 : i32
    %dma_start3A_14 = tpu.memref_slice %arg6[%dma_start3A_12, %dma_start3A_13] : memref<640x32xf32, #tpu.memory_space<vmem>> -> memref<128x32xf32, #tpu.memory_space<vmem>>
    %dma_start3A_15 = arith.constant 128 : i32
    %dma_start3A_16 = tpu.memref_slice %arg5[%dma_start3A_15] : memref<10240xi32, #tpu.memory_space<vmem>> -> memref<128xi32, #tpu.memory_space<vmem>>
    %dma_start3A_17 = arith.constant 0 : i32
    %dma_start3A_18 = arith.constant 0 : i32
    %dma_start3A_19 = tpu.memref_slice %arg3[%dma_start3A_17, %dma_start3A_18] : memref<100000x32xf32, #tpu.memory_space<hbm>> -> memref<100000x32xf32, #tpu.memory_space<hbm>>
    tpu.enqueue_indirect_dma source(%dma_start3A_19 : memref<100000x32xf32, #tpu.memory_space<hbm>>) target(%dma_start3A_14 : memref<128x32xf32, #tpu.memory_space<vmem>>) offsets(%dma_start3A_16 : memref<128xi32, #tpu.memory_space<vmem>>) semaphore(%arg8 : memref<!tpu.dma_semaphore, #tpu.memory_space<semaphore_mem>>)
    %dma_start3A_20 = arith.constant 256 : i32
    %dma_start3A_21 = arith.constant 0 : i32
    %dma_start3A_22 = tpu.memref_slice %arg6[%dma_start3A_20, %dma_start3A_21] : memref<640x32xf32, #tpu.memory_space<vmem>> -> memref<128x32xf32, #tpu.memory_space<vmem>>
    %dma_start3A_23 = arith.constant 256 : i32
    %dma_start3A_24 = tpu.memref_slice %arg5[%dma_start3A_23] : memref<10240xi32, #tpu.memory_space<vmem>> -> memref<128xi32, #tpu.memory_space<vmem>>
    %dma_start3A_25 = arith.constant 0 : i32
    %dma_start3A_26 = arith.constant 0 : i32
    %dma_start3A_27 = tpu.memref_slice %arg3[%dma_start3A_25, %dma_start3A_26] : memref<100000x32xf32, #tpu.memory_space<hbm>> -> memref<100000x32xf32, #tpu.memory_space<hbm>>
    tpu.enqueue_indirect_dma source(%dma_start3A_27 : memref<100000x32xf32, #tpu.memory_space<hbm>>) target(%dma_start3A_22 : memref<128x32xf32, #tpu.memory_space<vmem>>) offsets(%dma_start3A_24 : memref<128xi32, #tpu.memory_space<vmem>>) semaphore(%arg8 : memref<!tpu.dma_semaphore, #tpu.memory_space<semaphore_mem>>)
    %dma_start3A_28 = arith.constant 384 : i32
    %dma_start3A_29 = arith.constant 0 : i32
    %dma_start3A_30 = tpu.memref_slice %arg6[%dma_start3A_28, %dma_start3A_29] : memref<640x32xf32, #tpu.memory_space<vmem>> -> memref<128x32xf32, #tpu.memory_space<vmem>>
    %dma_start3A_31 = arith.constant 384 : i32
    %dma_start3A_32 = tpu.memref_slice %arg5[%dma_start3A_31] : memref<10240xi32, #tpu.memory_space<vmem>> -> memref<128xi32, #tpu.memory_space<vmem>>
    %dma_start3A_33 = arith.constant 0 : i32
    %dma_start3A_34 = arith.constant 0 : i32
    %dma_start3A_35 = tpu.memref_slice %arg3[%dma_start3A_33, %dma_start3A_34] : memref<100000x32xf32, #tpu.memory_space<hbm>> -> memref<100000x32xf32, #tpu.memory_space<hbm>>
    tpu.enqueue_indirect_dma source(%dma_start3A_35 : memref<100000x32xf32, #tpu.memory_space<hbm>>) target(%dma_start3A_30 : memref<128x32xf32, #tpu.memory_space<vmem>>) offsets(%dma_start3A_32 : memref<128xi32, #tpu.memory_space<vmem>>) semaphore(%arg8 : memref<!tpu.dma_semaphore, #tpu.memory_space<semaphore_mem>>)
    %dma_start3A_36 = arith.constant 512 : i32
    %dma_start3A_37 = arith.constant 0 : i32
    %dma_start3A_38 = tpu.memref_slice %arg6[%dma_start3A_36, %dma_start3A_37] : memref<640x32xf32, #tpu.memory_space<vmem>> -> memref<128x32xf32, #tpu.memory_space<vmem>>
    %dma_start3A_39 = arith.constant 512 : i32
    %dma_start3A_40 = tpu.memref_slice %arg5[%dma_start3A_39] : memref<10240xi32, #tpu.memory_space<vmem>> -> memref<128xi32, #tpu.memory_space<vmem>>
    %dma_start3A_41 = arith.constant 0 : i32
    %dma_start3A_42 = arith.constant 0 : i32
    %dma_start3A_43 = tpu.memref_slice %arg3[%dma_start3A_41, %dma_start3A_42] : memref<100000x32xf32, #tpu.memory_space<hbm>> -> memref<100000x32xf32, #tpu.memory_space<hbm>>
    tpu.enqueue_indirect_dma source(%dma_start3A_43 : memref<100000x32xf32, #tpu.memory_space<hbm>>) target(%dma_start3A_38 : memref<128x32xf32, #tpu.memory_space<vmem>>) offsets(%dma_start3A_40 : memref<128xi32, #tpu.memory_space<vmem>>) semaphore(%arg8 : memref<!tpu.dma_semaphore, #tpu.memory_space<semaphore_mem>>)
    %scan3A = arith.constant 0 : i32
    %scan3A_44 = arith.constant 8 : i32
    %scan3A_45 = arith.addi %scan3A, %scan3A_44 : i32
    %scan3A_46 = arith.constant 1 : i32
    scf.for %scan3A_48 = %scan3A to %scan3A_45 step %scan3A_46  : i32 {
      %mul3A_49 = arith.constant 2 : i32
      %mul3A_50 = arith.muli %scan3A_48, %mul3A_49 : i32
      %add3A_51 = arith.constant 0 : i32
      %add3A_52 = arith.addi %add3A_51, %mul3A_50 : i32
      %add3A_53 = arith.constant 1 : i32
      %add3A_54 = arith.addi %add3A_52, %add3A_53 : i32
      %mul3A_55 = arith.constant 640 : i32
      %mul3A_56 = arith.muli %add3A_54, %mul3A_55 : i32
      %add3A_57 = arith.constant 0 : i32
      %add3A_58 = arith.addi %mul3A_56, %add3A_57 : i32
      %dma_start3A_59 = arith.constant 0 : i32
      %dma_start3A_60 = arith.constant 0 : i32
      %dma_start3A_61 = tpu.memref_slice %arg7[%dma_start3A_59, %dma_start3A_60] : memref<640x32xf32, #tpu.memory_space<vmem>> -> memref<128x32xf32, #tpu.memory_space<vmem>>
      %dma_start3A_62 = tpu.memref_slice %arg5[%add3A_58] : memref<10240xi32, #tpu.memory_space<vmem>> -> memref<128xi32, #tpu.memory_space<vmem>>
      %dma_start3A_63 = arith.constant 0 : i32
      %dma_start3A_64 = arith.constant 0 : i32
      %dma_start3A_65 = tpu.memref_slice %arg3[%dma_start3A_63, %dma_start3A_64] : memref<100000x32xf32, #tpu.memory_space<hbm>> -> memref<100000x32xf32, #tpu.memory_space<hbm>>
      tpu.enqueue_indirect_dma source(%dma_start3A_65 : memref<100000x32xf32, #tpu.memory_space<hbm>>) target(%dma_start3A_61 : memref<128x32xf32, #tpu.memory_space<vmem>>) offsets(%dma_start3A_62 : memref<128xi32, #tpu.memory_space<vmem>>) semaphore(%arg9 : memref<!tpu.dma_semaphore, #tpu.memory_space<semaphore_mem>>)
      %mul3A_66 = arith.constant 640 : i32
      %mul3A_67 = arith.muli %add3A_54, %mul3A_66 : i32
      %add3A_68 = arith.constant 128 : i32
      %add3A_69 = arith.addi %mul3A_67, %add3A_68 : i32
      %dma_start3A_70 = arith.constant 128 : i32
      %dma_start3A_71 = arith.constant 0 : i32
      %dma_start3A_72 = tpu.memref_slice %arg7[%dma_start3A_70, %dma_start3A_71] : memref<640x32xf32, #tpu.memory_space<vmem>> -> memref<128x32xf32, #tpu.memory_space<vmem>>
      %dma_start3A_73 = tpu.memref_slice %arg5[%add3A_69] : memref<10240xi32, #tpu.memory_space<vmem>> -> memref<128xi32, #tpu.memory_space<vmem>>
      %dma_start3A_74 = arith.constant 0 : i32
      %dma_start3A_75 = arith.constant 0 : i32
      %dma_start3A_76 = tpu.memref_slice %arg3[%dma_start3A_74, %dma_start3A_75] : memref<100000x32xf32, #tpu.memory_space<hbm>> -> memref<100000x32xf32, #tpu.memory_space<hbm>>
      tpu.enqueue_indirect_dma source(%dma_start3A_76 : memref<100000x32xf32, #tpu.memory_space<hbm>>) target(%dma_start3A_72 : memref<128x32xf32, #tpu.memory_space<vmem>>) offsets(%dma_start3A_73 : memref<128xi32, #tpu.memory_space<vmem>>) semaphore(%arg9 : memref<!tpu.dma_semaphore, #tpu.memory_space<semaphore_mem>>)
      %mul3A_77 = arith.constant 640 : i32
      %mul3A_78 = arith.muli %add3A_54, %mul3A_77 : i32
      %add3A_79 = arith.constant 256 : i32
      %add3A_80 = arith.addi %mul3A_78, %add3A_79 : i32
      %dma_start3A_81 = arith.constant 256 : i32
      %dma_start3A_82 = arith.constant 0 : i32
      %dma_start3A_83 = tpu.memref_slice %arg7[%dma_start3A_81, %dma_start3A_82] : memref<640x32xf32, #tpu.memory_space<vmem>> -> memref<128x32xf32, #tpu.memory_space<vmem>>
      %dma_start3A_84 = tpu.memref_slice %arg5[%add3A_80] : memref<10240xi32, #tpu.memory_space<vmem>> -> memref<128xi32, #tpu.memory_space<vmem>>
      %dma_start3A_85 = arith.constant 0 : i32
      %dma_start3A_86 = arith.constant 0 : i32
      %dma_start3A_87 = tpu.memref_slice %arg3[%dma_start3A_85, %dma_start3A_86] : memref<100000x32xf32, #tpu.memory_space<hbm>> -> memref<100000x32xf32, #tpu.memory_space<hbm>>
      tpu.enqueue_indirect_dma source(%dma_start3A_87 : memref<100000x32xf32, #tpu.memory_space<hbm>>) target(%dma_start3A_83 : memref<128x32xf32, #tpu.memory_space<vmem>>) offsets(%dma_start3A_84 : memref<128xi32, #tpu.memory_space<vmem>>) semaphore(%arg9 : memref<!tpu.dma_semaphore, #tpu.memory_space<semaphore_mem>>)
      %mul3A_88 = arith.constant 640 : i32
      %mul3A_89 = arith.muli %add3A_54, %mul3A_88 : i32
      %add3A_90 = arith.constant 384 : i32
      %add3A_91 = arith.addi %mul3A_89, %add3A_90 : i32
      %dma_start3A_92 = arith.constant 384 : i32
      %dma_start3A_93 = arith.constant 0 : i32
      %dma_start3A_94 = tpu.memref_slice %arg7[%dma_start3A_92, %dma_start3A_93] : memref<640x32xf32, #tpu.memory_space<vmem>> -> memref<128x32xf32, #tpu.memory_space<vmem>>
      %dma_start3A_95 = tpu.memref_slice %arg5[%add3A_91] : memref<10240xi32, #tpu.memory_space<vmem>> -> memref<128xi32, #tpu.memory_space<vmem>>
      %dma_start3A_96 = arith.constant 0 : i32
      %dma_start3A_97 = arith.constant 0 : i32
      %dma_start3A_98 = tpu.memref_slice %arg3[%dma_start3A_96, %dma_start3A_97] : memref<100000x32xf32, #tpu.memory_space<hbm>> -> memref<100000x32xf32, #tpu.memory_space<hbm>>
      tpu.enqueue_indirect_dma source(%dma_start3A_98 : memref<100000x32xf32, #tpu.memory_space<hbm>>) target(%dma_start3A_94 : memref<128x32xf32, #tpu.memory_space<vmem>>) offsets(%dma_start3A_95 : memref<128xi32, #tpu.memory_space<vmem>>) semaphore(%arg9 : memref<!tpu.dma_semaphore, #tpu.memory_space<semaphore_mem>>)
      %mul3A_99 = arith.constant 640 : i32
      %mul3A_100 = arith.muli %add3A_54, %mul3A_99 : i32
      %add3A_101 = arith.constant 512 : i32
      %add3A_102 = arith.addi %mul3A_100, %add3A_101 : i32
      %dma_start3A_103 = arith.constant 512 : i32
      %dma_start3A_104 = arith.constant 0 : i32
      %dma_start3A_105 = tpu.memref_slice %arg7[%dma_start3A_103, %dma_start3A_104] : memref<640x32xf32, #tpu.memory_space<vmem>> -> memref<128x32xf32, #tpu.memory_space<vmem>>
      %dma_start3A_106 = tpu.memref_slice %arg5[%add3A_102] : memref<10240xi32, #tpu.memory_space<vmem>> -> memref<128xi32, #tpu.memory_space<vmem>>
      %dma_start3A_107 = arith.constant 0 : i32
      %dma_start3A_108 = arith.constant 0 : i32
      %dma_start3A_109 = tpu.memref_slice %arg3[%dma_start3A_107, %dma_start3A_108] : memref<100000x32xf32, #tpu.memory_space<hbm>> -> memref<100000x32xf32, #tpu.memory_space<hbm>>
      tpu.enqueue_indirect_dma source(%dma_start3A_109 : memref<100000x32xf32, #tpu.memory_space<hbm>>) target(%dma_start3A_105 : memref<128x32xf32, #tpu.memory_space<vmem>>) offsets(%dma_start3A_106 : memref<128xi32, #tpu.memory_space<vmem>>) semaphore(%arg9 : memref<!tpu.dma_semaphore, #tpu.memory_space<semaphore_mem>>)
      %mul3A_110 = arith.constant 640 : i32
      %mul3A_111 = arith.muli %add3A_52, %mul3A_110 : i32
      %add3A_112 = arith.constant 0 : i32
      %add3A_113 = arith.addi %mul3A_111, %add3A_112 : i32
      %dma_wait3A = arith.constant 0 : i32
      %dma_wait3A_114 = arith.constant 0 : i32
      %dma_wait3A_115 = tpu.memref_slice %arg6[%dma_wait3A, %dma_wait3A_114] : memref<640x32xf32, #tpu.memory_space<vmem>> -> memref<128x32xf32, #tpu.memory_space<vmem>>
      %dma_wait3A_116 = tpu.memref_slice %arg5[%add3A_113] : memref<10240xi32, #tpu.memory_space<vmem>> -> memref<128xi32, #tpu.memory_space<vmem>>
      %dma_wait3A_117 = arith.constant 0 : i32
      %dma_wait3A_118 = arith.constant 0 : i32
      %dma_wait3A_119 = tpu.memref_slice %arg3[%dma_wait3A_117, %dma_wait3A_118] : memref<100000x32xf32, #tpu.memory_space<hbm>> -> memref<100000x32xf32, #tpu.memory_space<hbm>>
      tpu.wait_indirect_dma semaphore(%arg8 : memref<!tpu.dma_semaphore, #tpu.memory_space<semaphore_mem>>) src(%dma_wait3A_119 : memref<100000x32xf32, #tpu.memory_space<hbm>>) dst(%dma_wait3A_115 : memref<128x32xf32, #tpu.memory_space<vmem>>)
      %mul3A_120 = arith.constant 640 : i32
      %mul3A_121 = arith.muli %add3A_52, %mul3A_120 : i32
      %add3A_122 = arith.constant 128 : i32
      %add3A_123 = arith.addi %mul3A_121, %add3A_122 : i32
      %dma_wait3A_124 = arith.constant 128 : i32
      %dma_wait3A_125 = arith.constant 0 : i32
      %dma_wait3A_126 = tpu.memref_slice %arg6[%dma_wait3A_124, %dma_wait3A_125] : memref<640x32xf32, #tpu.memory_space<vmem>> -> memref<128x32xf32, #tpu.memory_space<vmem>>
      %dma_wait3A_127 = tpu.memref_slice %arg5[%add3A_123] : memref<10240xi32, #tpu.memory_space<vmem>> -> memref<128xi32, #tpu.memory_space<vmem>>
      %dma_wait3A_128 = arith.constant 0 : i32
      %dma_wait3A_129 = arith.constant 0 : i32
      %dma_wait3A_130 = tpu.memref_slice %arg3[%dma_wait3A_128, %dma_wait3A_129] : memref<100000x32xf32, #tpu.memory_space<hbm>> -> memref<100000x32xf32, #tpu.memory_space<hbm>>
      tpu.wait_indirect_dma semaphore(%arg8 : memref<!tpu.dma_semaphore, #tpu.memory_space<semaphore_mem>>) src(%dma_wait3A_130 : memref<100000x32xf32, #tpu.memory_space<hbm>>) dst(%dma_wait3A_126 : memref<128x32xf32, #tpu.memory_space<vmem>>)
      %mul3A_131 = arith.constant 640 : i32
      %mul3A_132 = arith.muli %add3A_52, %mul3A_131 : i32
      %add3A_133 = arith.constant 256 : i32
      %add3A_134 = arith.addi %mul3A_132, %add3A_133 : i32
      %dma_wait3A_135 = arith.constant 256 : i32
      %dma_wait3A_136 = arith.constant 0 : i32
      %dma_wait3A_137 = tpu.memref_slice %arg6[%dma_wait3A_135, %dma_wait3A_136] : memref<640x32xf32, #tpu.memory_space<vmem>> -> memref<128x32xf32, #tpu.memory_space<vmem>>
      %dma_wait3A_138 = tpu.memref_slice %arg5[%add3A_134] : memref<10240xi32, #tpu.memory_space<vmem>> -> memref<128xi32, #tpu.memory_space<vmem>>
      %dma_wait3A_139 = arith.constant 0 : i32
      %dma_wait3A_140 = arith.constant 0 : i32
      %dma_wait3A_141 = tpu.memref_slice %arg3[%dma_wait3A_139, %dma_wait3A_140] : memref<100000x32xf32, #tpu.memory_space<hbm>> -> memref<100000x32xf32, #tpu.memory_space<hbm>>
      tpu.wait_indirect_dma semaphore(%arg8 : memref<!tpu.dma_semaphore, #tpu.memory_space<semaphore_mem>>) src(%dma_wait3A_141 : memref<100000x32xf32, #tpu.memory_space<hbm>>) dst(%dma_wait3A_137 : memref<128x32xf32, #tpu.memory_space<vmem>>)
      %mul3A_142 = arith.constant 640 : i32
      %mul3A_143 = arith.muli %add3A_52, %mul3A_142 : i32
      %add3A_144 = arith.constant 384 : i32
      %add3A_145 = arith.addi %mul3A_143, %add3A_144 : i32
      %dma_wait3A_146 = arith.constant 384 : i32
      %dma_wait3A_147 = arith.constant 0 : i32
      %dma_wait3A_148 = tpu.memref_slice %arg6[%dma_wait3A_146, %dma_wait3A_147] : memref<640x32xf32, #tpu.memory_space<vmem>> -> memref<128x32xf32, #tpu.memory_space<vmem>>
      %dma_wait3A_149 = tpu.memref_slice %arg5[%add3A_145] : memref<10240xi32, #tpu.memory_space<vmem>> -> memref<128xi32, #tpu.memory_space<vmem>>
      %dma_wait3A_150 = arith.constant 0 : i32
      %dma_wait3A_151 = arith.constant 0 : i32
      %dma_wait3A_152 = tpu.memref_slice %arg3[%dma_wait3A_150, %dma_wait3A_151] : memref<100000x32xf32, #tpu.memory_space<hbm>> -> memref<100000x32xf32, #tpu.memory_space<hbm>>
      tpu.wait_indirect_dma semaphore(%arg8 : memref<!tpu.dma_semaphore, #tpu.memory_space<semaphore_mem>>) src(%dma_wait3A_152 : memref<100000x32xf32, #tpu.memory_space<hbm>>) dst(%dma_wait3A_148 : memref<128x32xf32, #tpu.memory_space<vmem>>)
      %mul3A_153 = arith.constant 640 : i32
      %mul3A_154 = arith.muli %add3A_52, %mul3A_153 : i32
      %add3A_155 = arith.constant 512 : i32
      %add3A_156 = arith.addi %mul3A_154, %add3A_155 : i32
      %dma_wait3A_157 = arith.constant 512 : i32
      %dma_wait3A_158 = arith.constant 0 : i32
      %dma_wait3A_159 = tpu.memref_slice %arg6[%dma_wait3A_157, %dma_wait3A_158] : memref<640x32xf32, #tpu.memory_space<vmem>> -> memref<128x32xf32, #tpu.memory_space<vmem>>
      %dma_wait3A_160 = tpu.memref_slice %arg5[%add3A_156] : memref<10240xi32, #tpu.memory_space<vmem>> -> memref<128xi32, #tpu.memory_space<vmem>>
      %dma_wait3A_161 = arith.constant 0 : i32
      %dma_wait3A_162 = arith.constant 0 : i32
      %dma_wait3A_163 = tpu.memref_slice %arg3[%dma_wait3A_161, %dma_wait3A_162] : memref<100000x32xf32, #tpu.memory_space<hbm>> -> memref<100000x32xf32, #tpu.memory_space<hbm>>
      tpu.wait_indirect_dma semaphore(%arg8 : memref<!tpu.dma_semaphore, #tpu.memory_space<semaphore_mem>>) src(%dma_wait3A_163 : memref<100000x32xf32, #tpu.memory_space<hbm>>) dst(%dma_wait3A_159 : memref<128x32xf32, #tpu.memory_space<vmem>>)
      %mul3A_164 = arith.constant 32 : i32
      %mul3A_165 = arith.muli %add3A_52, %mul3A_164 : i32
      %add3A_166 = arith.addi %mul3A_2, %mul3A_165 : i32
      %add3A_167 = arith.constant 0 : i32
      %add3A_168 = arith.addi %add3A_166, %add3A_167 : i32
      %dma_start3A_169 = arith.constant 0 : i32
      %dma_start3A_170 = arith.constant 0 : i32
      %dma_start3A_171 = tpu.memref_slice %arg6[%dma_start3A_169, %dma_start3A_170] : memref<640x32xf32, #tpu.memory_space<vmem>> -> memref<20x32xf32, #tpu.memory_space<vmem>>
      %dma_start3A_172 = arith.constant 0 : i32
      %dma_start3A_173 = arith.constant 0 : i32
      %dma_start3A_174 = tpu.memref_slice %arg4[%add3A_168, %dma_start3A_172, %dma_start3A_173] : memref<16384x20x32xf32, #tpu.memory_space<hbm>> -> memref<1x20x32xf32, #tpu.memory_space<hbm>>
      %dma_start3A_175 = tpu.memref_squeeze %dma_start3A_174 : memref<1x20x32xf32, #tpu.memory_space<hbm>> -> memref<20x32xf32, #tpu.memory_space<hbm>>
      %dma_start3A_176 = arith.constant 0 : i32
      %dma_start3A_177 = arith.constant 0 : i32
      %dma_start3A_178 = tpu.memref_slice %arg4[%add3A_168, %dma_start3A_176, %dma_start3A_177] : memref<16384x20x32xf32, #tpu.memory_space<hbm>> -> memref<1x20x32xf32, #tpu.memory_space<hbm>>
      %dma_start3A_179 = tpu.memref_squeeze %dma_start3A_178 : memref<1x20x32xf32, #tpu.memory_space<hbm>> -> memref<20x32xf32, #tpu.memory_space<hbm>>
      %dma_start3A_180 = arith.constant 0 : i32
      %dma_start3A_181 = arith.constant 0 : i32
      %dma_start3A_182 = tpu.memref_slice %arg6[%dma_start3A_180, %dma_start3A_181] : memref<640x32xf32, #tpu.memory_space<vmem>> -> memref<20x32xf32, #tpu.memory_space<vmem>>
      tpu.enqueue_dma source(%dma_start3A_182 : memref<20x32xf32, #tpu.memory_space<vmem>>) target(%dma_start3A_179 : memref<20x32xf32, #tpu.memory_space<hbm>>) target_semaphore(%arg10 : memref<!tpu.dma_semaphore, #tpu.memory_space<semaphore_mem>>)
      %mul3A_183 = arith.constant 32 : i32
      %mul3A_184 = arith.muli %add3A_52, %mul3A_183 : i32
      %add3A_185 = arith.addi %mul3A_2, %mul3A_184 : i32
      %add3A_186 = arith.constant 1 : i32
      %add3A_187 = arith.addi %add3A_185, %add3A_186 : i32
      %dma_start3A_188 = arith.constant 20 : i32
      %dma_start3A_189 = arith.constant 0 : i32
      %dma_start3A_190 = tpu.memref_slice %arg6[%dma_start3A_188, %dma_start3A_189] : memref<640x32xf32, #tpu.memory_space<vmem>> -> memref<20x32xf32, #tpu.memory_space<vmem>>
      %dma_start3A_191 = arith.constant 0 : i32
      %dma_start3A_192 = arith.constant 0 : i32
      %dma_start3A_193 = tpu.memref_slice %arg4[%add3A_187, %dma_start3A_191, %dma_start3A_192] : memref<16384x20x32xf32, #tpu.memory_space<hbm>> -> memref<1x20x32xf32, #tpu.memory_space<hbm>>
      %dma_start3A_194 = tpu.memref_squeeze %dma_start3A_193 : memref<1x20x32xf32, #tpu.memory_space<hbm>> -> memref<20x32xf32, #tpu.memory_space<hbm>>
      %dma_start3A_195 = arith.constant 0 : i32
      %dma_start3A_196 = arith.constant 0 : i32
      %dma_start3A_197 = tpu.memref_slice %arg4[%add3A_187, %dma_start3A_195, %dma_start3A_196] : memref<16384x20x32xf32, #tpu.memory_space<hbm>> -> memref<1x20x32xf32, #tpu.memory_space<hbm>>
      %dma_start3A_198 = tpu.memref_squeeze %dma_start3A_197 : memref<1x20x32xf32, #tpu.memory_space<hbm>> -> memref<20x32xf32, #tpu.memory_space<hbm>>
      %dma_start3A_199 = arith.constant 20 : i32
      %dma_start3A_200 = arith.constant 0 : i32
      %dma_start3A_201 = tpu.memref_slice %arg6[%dma_start3A_199, %dma_start3A_200] : memref<640x32xf32, #tpu.memory_space<vmem>> -> memref<20x32xf32, #tpu.memory_space<vmem>>
      tpu.enqueue_dma source(%dma_start3A_201 : memref<20x32xf32, #tpu.memory_space<vmem>>) target(%dma_start3A_198 : memref<20x32xf32, #tpu.memory_space<hbm>>) target_semaphore(%arg10 : memref<!tpu.dma_semaphore, #tpu.memory_space<semaphore_mem>>)
      %mul3A_202 = arith.constant 32 : i32
      %mul3A_203 = arith.muli %add3A_52, %mul3A_202 : i32
      %add3A_204 = arith.addi %mul3A_2, %mul3A_203 : i32
      %add3A_205 = arith.constant 2 : i32
      %add3A_206 = arith.addi %add3A_204, %add3A_205 : i32
      %dma_start3A_207 = arith.constant 40 : i32
      %dma_start3A_208 = arith.constant 0 : i32
      %dma_start3A_209 = tpu.memref_slice %arg6[%dma_start3A_207, %dma_start3A_208] : memref<640x32xf32, #tpu.memory_space<vmem>> -> memref<20x32xf32, #tpu.memory_space<vmem>>
      %dma_start3A_210 = arith.constant 0 : i32
      %dma_start3A_211 = arith.constant 0 : i32
      %dma_start3A_212 = tpu.memref_slice %arg4[%add3A_206, %dma_start3A_210, %dma_start3A_211] : memref<16384x20x32xf32, #tpu.memory_space<hbm>> -> memref<1x20x32xf32, #tpu.memory_space<hbm>>
      %dma_start3A_213 = tpu.memref_squeeze %dma_start3A_212 : memref<1x20x32xf32, #tpu.memory_space<hbm>> -> memref<20x32xf32, #tpu.memory_space<hbm>>
      %dma_start3A_214 = arith.constant 0 : i32
      %dma_start3A_215 = arith.constant 0 : i32
      %dma_start3A_216 = tpu.memref_slice %arg4[%add3A_206, %dma_start3A_214, %dma_start3A_215] : memref<16384x20x32xf32, #tpu.memory_space<hbm>> -> memref<1x20x32xf32, #tpu.memory_space<hbm>>
      %dma_start3A_217 = tpu.memref_squeeze %dma_start3A_216 : memref<1x20x32xf32, #tpu.memory_space<hbm>> -> memref<20x32xf32, #tpu.memory_space<hbm>>
      %dma_start3A_218 = arith.constant 40 : i32
      %dma_start3A_219 = arith.constant 0 : i32
      %dma_start3A_220 = tpu.memref_slice %arg6[%dma_start3A_218, %dma_start3A_219] : memref<640x32xf32, #tpu.memory_space<vmem>> -> memref<20x32xf32, #tpu.memory_space<vmem>>
      tpu.enqueue_dma source(%dma_start3A_220 : memref<20x32xf32, #tpu.memory_space<vmem>>) target(%dma_start3A_217 : memref<20x32xf32, #tpu.memory_space<hbm>>) target_semaphore(%arg10 : memref<!tpu.dma_semaphore, #tpu.memory_space<semaphore_mem>>)
      %mul3A_221 = arith.constant 32 : i32
      %mul3A_222 = arith.muli %add3A_52, %mul3A_221 : i32
      %add3A_223 = arith.addi %mul3A_2, %mul3A_222 : i32
      %add3A_224 = arith.constant 3 : i32
      %add3A_225 = arith.addi %add3A_223, %add3A_224 : i32
      %dma_start3A_226 = arith.constant 60 : i32
      %dma_start3A_227 = arith.constant 0 : i32
      %dma_start3A_228 = tpu.memref_slice %arg6[%dma_start3A_226, %dma_start3A_227] : memref<640x32xf32, #tpu.memory_space<vmem>> -> memref<20x32xf32, #tpu.memory_space<vmem>>
      %dma_start3A_229 = arith.constant 0 : i32
      %dma_start3A_230 = arith.constant 0 : i32
      %dma_start3A_231 = tpu.memref_slice %arg4[%add3A_225, %dma_start3A_229, %dma_start3A_230] : memref<16384x20x32xf32, #tpu.memory_space<hbm>> -> memref<1x20x32xf32, #tpu.memory_space<hbm>>
      %dma_start3A_232 = tpu.memref_squeeze %dma_start3A_231 : memref<1x20x32xf32, #tpu.memory_space<hbm>> -> memref<20x32xf32, #tpu.memory_space<hbm>>
      %dma_start3A_233 = arith.constant 0 : i32
      %dma_start3A_234 = arith.constant 0 : i32
      %dma_start3A_235 = tpu.memref_slice %arg4[%add3A_225, %dma_start3A_233, %dma_start3A_234] : memref<16384x20x32xf32, #tpu.memory_space<hbm>> -> memref<1x20x32xf32, #tpu.memory_space<hbm>>
      %dma_start3A_236 = tpu.memref_squeeze %dma_start3A_235 : memref<1x20x32xf32, #tpu.memory_space<hbm>> -> memref<20x32xf32, #tpu.memory_space<hbm>>
      %dma_start3A_237 = arith.constant 60 : i32
      %dma_start3A_238 = arith.constant 0 : i32
      %dma_start3A_239 = tpu.memref_slice %arg6[%dma_start3A_237, %dma_start3A_238] : memref<640x32xf32, #tpu.memory_space<vmem>> -> memref<20x32xf32, #tpu.memory_space<vmem>>
      tpu.enqueue_dma source(%dma_start3A_239 : memref<20x32xf32, #tpu.memory_space<vmem>>) target(%dma_start3A_236 : memref<20x32xf32, #tpu.memory_space<hbm>>) target_semaphore(%arg10 : memref<!tpu.dma_semaphore, #tpu.memory_space<semaphore_mem>>)
      %mul3A_240 = arith.constant 32 : i32
      %mul3A_241 = arith.muli %add3A_52, %mul3A_240 : i32
      %add3A_242 = arith.addi %mul3A_2, %mul3A_241 : i32
      %add3A_243 = arith.constant 4 : i32
      %add3A_244 = arith.addi %add3A_242, %add3A_243 : i32
      %dma_start3A_245 = arith.constant 80 : i32
      %dma_start3A_246 = arith.constant 0 : i32
      %dma_start3A_247 = tpu.memref_slice %arg6[%dma_start3A_245, %dma_start3A_246] : memref<640x32xf32, #tpu.memory_space<vmem>> -> memref<20x32xf32, #tpu.memory_space<vmem>>
      %dma_start3A_248 = arith.constant 0 : i32
      %dma_start3A_249 = arith.constant 0 : i32
      %dma_start3A_250 = tpu.memref_slice %arg4[%add3A_244, %dma_start3A_248, %dma_start3A_249] : memref<16384x20x32xf32, #tpu.memory_space<hbm>> -> memref<1x20x32xf32, #tpu.memory_space<hbm>>
      %dma_start3A_251 = tpu.memref_squeeze %dma_start3A_250 : memref<1x20x32xf32, #tpu.memory_space<hbm>> -> memref<20x32xf32, #tpu.memory_space<hbm>>
      %dma_start3A_252 = arith.constant 0 : i32
      %dma_start3A_253 = arith.constant 0 : i32
      %dma_start3A_254 = tpu.memref_slice %arg4[%add3A_244, %dma_start3A_252, %dma_start3A_253] : memref<16384x20x32xf32, #tpu.memory_space<hbm>> -> memref<1x20x32xf32, #tpu.memory_space<hbm>>
      %dma_start3A_255 = tpu.memref_squeeze %dma_start3A_254 : memref<1x20x32xf32, #tpu.memory_space<hbm>> -> memref<20x32xf32, #tpu.memory_space<hbm>>
      %dma_start3A_256 = arith.constant 80 : i32
      %dma_start3A_257 = arith.constant 0 : i32
      %dma_start3A_258 = tpu.memref_slice %arg6[%dma_start3A_256, %dma_start3A_257] : memref<640x32xf32, #tpu.memory_space<vmem>> -> memref<20x32xf32, #tpu.memory_space<vmem>>
      tpu.enqueue_dma source(%dma_start3A_258 : memref<20x32xf32, #tpu.memory_space<vmem>>) target(%dma_start3A_255 : memref<20x32xf32, #tpu.memory_space<hbm>>) target_semaphore(%arg10 : memref<!tpu.dma_semaphore, #tpu.memory_space<semaphore_mem>>)
      %mul3A_259 = arith.constant 32 : i32
      %mul3A_260 = arith.muli %add3A_52, %mul3A_259 : i32
      %add3A_261 = arith.addi %mul3A_2, %mul3A_260 : i32
      %add3A_262 = arith.constant 5 : i32
      %add3A_263 = arith.addi %add3A_261, %add3A_262 : i32
      %dma_start3A_264 = arith.constant 100 : i32
      %dma_start3A_265 = arith.constant 0 : i32
      %dma_start3A_266 = tpu.memref_slice %arg6[%dma_start3A_264, %dma_start3A_265] : memref<640x32xf32, #tpu.memory_space<vmem>> -> memref<20x32xf32, #tpu.memory_space<vmem>>
      %dma_start3A_267 = arith.constant 0 : i32
      %dma_start3A_268 = arith.constant 0 : i32
      %dma_start3A_269 = tpu.memref_slice %arg4[%add3A_263, %dma_start3A_267, %dma_start3A_268] : memref<16384x20x32xf32, #tpu.memory_space<hbm>> -> memref<1x20x32xf32, #tpu.memory_space<hbm>>
      %dma_start3A_270 = tpu.memref_squeeze %dma_start3A_269 : memref<1x20x32xf32, #tpu.memory_space<hbm>> -> memref<20x32xf32, #tpu.memory_space<hbm>>
      %dma_start3A_271 = arith.constant 0 : i32
      %dma_start3A_272 = arith.constant 0 : i32
      %dma_start3A_273 = tpu.memref_slice %arg4[%add3A_263, %dma_start3A_271, %dma_start3A_272] : memref<16384x20x32xf32, #tpu.memory_space<hbm>> -> memref<1x20x32xf32, #tpu.memory_space<hbm>>
      %dma_start3A_274 = tpu.memref_squeeze %dma_start3A_273 : memref<1x20x32xf32, #tpu.memory_space<hbm>> -> memref<20x32xf32, #tpu.memory_space<hbm>>
      %dma_start3A_275 = arith.constant 100 : i32
      %dma_start3A_276 = arith.constant 0 : i32
      %dma_start3A_277 = tpu.memref_slice %arg6[%dma_start3A_275, %dma_start3A_276] : memref<640x32xf32, #tpu.memory_space<vmem>> -> memref<20x32xf32, #tpu.memory_space<vmem>>
      tpu.enqueue_dma source(%dma_start3A_277 : memref<20x32xf32, #tpu.memory_space<vmem>>) target(%dma_start3A_274 : memref<20x32xf32, #tpu.memory_space<hbm>>) target_semaphore(%arg10 : memref<!tpu.dma_semaphore, #tpu.memory_space<semaphore_mem>>)
      %mul3A_278 = arith.constant 32 : i32
      %mul3A_279 = arith.muli %add3A_52, %mul3A_278 : i32
      %add3A_280 = arith.addi %mul3A_2, %mul3A_279 : i32
      %add3A_281 = arith.constant 6 : i32
      %add3A_282 = arith.addi %add3A_280, %add3A_281 : i32
      %dma_start3A_283 = arith.constant 120 : i32
      %dma_start3A_284 = arith.constant 0 : i32
      %dma_start3A_285 = tpu.memref_slice %arg6[%dma_start3A_283, %dma_start3A_284] : memref<640x32xf32, #tpu.memory_space<vmem>> -> memref<20x32xf32, #tpu.memory_space<vmem>>
      %dma_start3A_286 = arith.constant 0 : i32
      %dma_start3A_287 = arith.constant 0 : i32
      %dma_start3A_288 = tpu.memref_slice %arg4[%add3A_282, %dma_start3A_286, %dma_start3A_287] : memref<16384x20x32xf32, #tpu.memory_space<hbm>> -> memref<1x20x32xf32, #tpu.memory_space<hbm>>
      %dma_start3A_289 = tpu.memref_squeeze %dma_start3A_288 : memref<1x20x32xf32, #tpu.memory_space<hbm>> -> memref<20x32xf32, #tpu.memory_space<hbm>>
      %dma_start3A_290 = arith.constant 0 : i32
      %dma_start3A_291 = arith.constant 0 : i32
      %dma_start3A_292 = tpu.memref_slice %arg4[%add3A_282, %dma_start3A_290, %dma_start3A_291] : memref<16384x20x32xf32, #tpu.memory_space<hbm>> -> memref<1x20x32xf32, #tpu.memory_space<hbm>>
      %dma_start3A_293 = tpu.memref_squeeze %dma_start3A_292 : memref<1x20x32xf32, #tpu.memory_space<hbm>> -> memref<20x32xf32, #tpu.memory_space<hbm>>
      %dma_start3A_294 = arith.constant 120 : i32
      %dma_start3A_295 = arith.constant 0 : i32
      %dma_start3A_296 = tpu.memref_slice %arg6[%dma_start3A_294, %dma_start3A_295] : memref<640x32xf32, #tpu.memory_space<vmem>> -> memref<20x32xf32, #tpu.memory_space<vmem>>
      tpu.enqueue_dma source(%dma_start3A_296 : memref<20x32xf32, #tpu.memory_space<vmem>>) target(%dma_start3A_293 : memref<20x32xf32, #tpu.memory_space<hbm>>) target_semaphore(%arg10 : memref<!tpu.dma_semaphore, #tpu.memory_space<semaphore_mem>>)
      %mul3A_297 = arith.constant 32 : i32
      %mul3A_298 = arith.muli %add3A_52, %mul3A_297 : i32
      %add3A_299 = arith.addi %mul3A_2, %mul3A_298 : i32
      %add3A_300 = arith.constant 7 : i32
      %add3A_301 = arith.addi %add3A_299, %add3A_300 : i32
      %dma_start3A_302 = arith.constant 140 : i32
      %dma_start3A_303 = arith.constant 0 : i32
      %dma_start3A_304 = tpu.memref_slice %arg6[%dma_start3A_302, %dma_start3A_303] : memref<640x32xf32, #tpu.memory_space<vmem>> -> memref<20x32xf32, #tpu.memory_space<vmem>>
      %dma_start3A_305 = arith.constant 0 : i32
      %dma_start3A_306 = arith.constant 0 : i32
      %dma_start3A_307 = tpu.memref_slice %arg4[%add3A_301, %dma_start3A_305, %dma_start3A_306] : memref<16384x20x32xf32, #tpu.memory_space<hbm>> -> memref<1x20x32xf32, #tpu.memory_space<hbm>>
      %dma_start3A_308 = tpu.memref_squeeze %dma_start3A_307 : memref<1x20x32xf32, #tpu.memory_space<hbm>> -> memref<20x32xf32, #tpu.memory_space<hbm>>
      %dma_start3A_309 = arith.constant 0 : i32
      %dma_start3A_310 = arith.constant 0 : i32
      %dma_start3A_311 = tpu.memref_slice %arg4[%add3A_301, %dma_start3A_309, %dma_start3A_310] : memref<16384x20x32xf32, #tpu.memory_space<hbm>> -> memref<1x20x32xf32, #tpu.memory_space<hbm>>
      %dma_start3A_312 = tpu.memref_squeeze %dma_start3A_311 : memref<1x20x32xf32, #tpu.memory_space<hbm>> -> memref<20x32xf32, #tpu.memory_space<hbm>>
      %dma_start3A_313 = arith.constant 140 : i32
      %dma_start3A_314 = arith.constant 0 : i32
      %dma_start3A_315 = tpu.memref_slice %arg6[%dma_start3A_313, %dma_start3A_314] : memref<640x32xf32, #tpu.memory_space<vmem>> -> memref<20x32xf32, #tpu.memory_space<vmem>>
      tpu.enqueue_dma source(%dma_start3A_315 : memref<20x32xf32, #tpu.memory_space<vmem>>) target(%dma_start3A_312 : memref<20x32xf32, #tpu.memory_space<hbm>>) target_semaphore(%arg10 : memref<!tpu.dma_semaphore, #tpu.memory_space<semaphore_mem>>)
      %mul3A_316 = arith.constant 32 : i32
      %mul3A_317 = arith.muli %add3A_52, %mul3A_316 : i32
      %add3A_318 = arith.addi %mul3A_2, %mul3A_317 : i32
      %add3A_319 = arith.constant 8 : i32
      %add3A_320 = arith.addi %add3A_318, %add3A_319 : i32
      %dma_start3A_321 = arith.constant 160 : i32
      %dma_start3A_322 = arith.constant 0 : i32
      %dma_start3A_323 = tpu.memref_slice %arg6[%dma_start3A_321, %dma_start3A_322] : memref<640x32xf32, #tpu.memory_space<vmem>> -> memref<20x32xf32, #tpu.memory_space<vmem>>
      %dma_start3A_324 = arith.constant 0 : i32
      %dma_start3A_325 = arith.constant 0 : i32
      %dma_start3A_326 = tpu.memref_slice %arg4[%add3A_320, %dma_start3A_324, %dma_start3A_325] : memref<16384x20x32xf32, #tpu.memory_space<hbm>> -> memref<1x20x32xf32, #tpu.memory_space<hbm>>
      %dma_start3A_327 = tpu.memref_squeeze %dma_start3A_326 : memref<1x20x32xf32, #tpu.memory_space<hbm>> -> memref<20x32xf32, #tpu.memory_space<hbm>>
      %dma_start3A_328 = arith.constant 0 : i32
      %dma_start3A_329 = arith.constant 0 : i32
      %dma_start3A_330 = tpu.memref_slice %arg4[%add3A_320, %dma_start3A_328, %dma_start3A_329] : memref<16384x20x32xf32, #tpu.memory_space<hbm>> -> memref<1x20x32xf32, #tpu.memory_space<hbm>>
      %dma_start3A_331 = tpu.memref_squeeze %dma_start3A_330 : memref<1x20x32xf32, #tpu.memory_space<hbm>> -> memref<20x32xf32, #tpu.memory_space<hbm>>
      %dma_start3A_332 = arith.constant 160 : i32
      %dma_start3A_333 = arith.constant 0 : i32
      %dma_start3A_334 = tpu.memref_slice %arg6[%dma_start3A_332, %dma_start3A_333] : memref<640x32xf32, #tpu.memory_space<vmem>> -> memref<20x32xf32, #tpu.memory_space<vmem>>
      tpu.enqueue_dma source(%dma_start3A_334 : memref<20x32xf32, #tpu.memory_space<vmem>>) target(%dma_start3A_331 : memref<20x32xf32, #tpu.memory_space<hbm>>) target_semaphore(%arg10 : memref<!tpu.dma_semaphore, #tpu.memory_space<semaphore_mem>>)
      %mul3A_335 = arith.constant 32 : i32
      %mul3A_336 = arith.muli %add3A_52, %mul3A_335 : i32
      %add3A_337 = arith.addi %mul3A_2, %mul3A_336 : i32
      %add3A_338 = arith.constant 9 : i32
      %add3A_339 = arith.addi %add3A_337, %add3A_338 : i32
      %dma_start3A_340 = arith.constant 180 : i32
      %dma_start3A_341 = arith.constant 0 : i32
      %dma_start3A_342 = tpu.memref_slice %arg6[%dma_start3A_340, %dma_start3A_341] : memref<640x32xf32, #tpu.memory_space<vmem>> -> memref<20x32xf32, #tpu.memory_space<vmem>>
      %dma_start3A_343 = arith.constant 0 : i32
      %dma_start3A_344 = arith.constant 0 : i32
      %dma_start3A_345 = tpu.memref_slice %arg4[%add3A_339, %dma_start3A_343, %dma_start3A_344] : memref<16384x20x32xf32, #tpu.memory_space<hbm>> -> memref<1x20x32xf32, #tpu.memory_space<hbm>>
      %dma_start3A_346 = tpu.memref_squeeze %dma_start3A_345 : memref<1x20x32xf32, #tpu.memory_space<hbm>> -> memref<20x32xf32, #tpu.memory_space<hbm>>
      %dma_start3A_347 = arith.constant 0 : i32
      %dma_start3A_348 = arith.constant 0 : i32
      %dma_start3A_349 = tpu.memref_slice %arg4[%add3A_339, %dma_start3A_347, %dma_start3A_348] : memref<16384x20x32xf32, #tpu.memory_space<hbm>> -> memref<1x20x32xf32, #tpu.memory_space<hbm>>
      %dma_start3A_350 = tpu.memref_squeeze %dma_start3A_349 : memref<1x20x32xf32, #tpu.memory_space<hbm>> -> memref<20x32xf32, #tpu.memory_space<hbm>>
      %dma_start3A_351 = arith.constant 180 : i32
      %dma_start3A_352 = arith.constant 0 : i32
      %dma_start3A_353 = tpu.memref_slice %arg6[%dma_start3A_351, %dma_start3A_352] : memref<640x32xf32, #tpu.memory_space<vmem>> -> memref<20x32xf32, #tpu.memory_space<vmem>>
      tpu.enqueue_dma source(%dma_start3A_353 : memref<20x32xf32, #tpu.memory_space<vmem>>) target(%dma_start3A_350 : memref<20x32xf32, #tpu.memory_space<hbm>>) target_semaphore(%arg10 : memref<!tpu.dma_semaphore, #tpu.memory_space<semaphore_mem>>)
      %mul3A_354 = arith.constant 32 : i32
      %mul3A_355 = arith.muli %add3A_52, %mul3A_354 : i32
      %add3A_356 = arith.addi %mul3A_2, %mul3A_355 : i32
      %add3A_357 = arith.constant 10 : i32
      %add3A_358 = arith.addi %add3A_356, %add3A_357 : i32
      %dma_start3A_359 = arith.constant 200 : i32
      %dma_start3A_360 = arith.constant 0 : i32
      %dma_start3A_361 = tpu.memref_slice %arg6[%dma_start3A_359, %dma_start3A_360] : memref<640x32xf32, #tpu.memory_space<vmem>> -> memref<20x32xf32, #tpu.memory_space<vmem>>
      %dma_start3A_362 = arith.constant 0 : i32
      %dma_start3A_363 = arith.constant 0 : i32
      %dma_start3A_364 = tpu.memref_slice %arg4[%add3A_358, %dma_start3A_362, %dma_start3A_363] : memref<16384x20x32xf32, #tpu.memory_space<hbm>> -> memref<1x20x32xf32, #tpu.memory_space<hbm>>
      %dma_start3A_365 = tpu.memref_squeeze %dma_start3A_364 : memref<1x20x32xf32, #tpu.memory_space<hbm>> -> memref<20x32xf32, #tpu.memory_space<hbm>>
      %dma_start3A_366 = arith.constant 0 : i32
      %dma_start3A_367 = arith.constant 0 : i32
      %dma_start3A_368 = tpu.memref_slice %arg4[%add3A_358, %dma_start3A_366, %dma_start3A_367] : memref<16384x20x32xf32, #tpu.memory_space<hbm>> -> memref<1x20x32xf32, #tpu.memory_space<hbm>>
      %dma_start3A_369 = tpu.memref_squeeze %dma_start3A_368 : memref<1x20x32xf32, #tpu.memory_space<hbm>> -> memref<20x32xf32, #tpu.memory_space<hbm>>
      %dma_start3A_370 = arith.constant 200 : i32
      %dma_start3A_371 = arith.constant 0 : i32
      %dma_start3A_372 = tpu.memref_slice %arg6[%dma_start3A_370, %dma_start3A_371] : memref<640x32xf32, #tpu.memory_space<vmem>> -> memref<20x32xf32, #tpu.memory_space<vmem>>
      tpu.enqueue_dma source(%dma_start3A_372 : memref<20x32xf32, #tpu.memory_space<vmem>>) target(%dma_start3A_369 : memref<20x32xf32, #tpu.memory_space<hbm>>) target_semaphore(%arg10 : memref<!tpu.dma_semaphore, #tpu.memory_space<semaphore_mem>>)
      %mul3A_373 = arith.constant 32 : i32
      %mul3A_374 = arith.muli %add3A_52, %mul3A_373 : i32
      %add3A_375 = arith.addi %mul3A_2, %mul3A_374 : i32
      %add3A_376 = arith.constant 11 : i32
      %add3A_377 = arith.addi %add3A_375, %add3A_376 : i32
      %dma_start3A_378 = arith.constant 220 : i32
      %dma_start3A_379 = arith.constant 0 : i32
      %dma_start3A_380 = tpu.memref_slice %arg6[%dma_start3A_378, %dma_start3A_379] : memref<640x32xf32, #tpu.memory_space<vmem>> -> memref<20x32xf32, #tpu.memory_space<vmem>>
      %dma_start3A_381 = arith.constant 0 : i32
      %dma_start3A_382 = arith.constant 0 : i32
      %dma_start3A_383 = tpu.memref_slice %arg4[%add3A_377, %dma_start3A_381, %dma_start3A_382] : memref<16384x20x32xf32, #tpu.memory_space<hbm>> -> memref<1x20x32xf32, #tpu.memory_space<hbm>>
      %dma_start3A_384 = tpu.memref_squeeze %dma_start3A_383 : memref<1x20x32xf32, #tpu.memory_space<hbm>> -> memref<20x32xf32, #tpu.memory_space<hbm>>
      %dma_start3A_385 = arith.constant 0 : i32
      %dma_start3A_386 = arith.constant 0 : i32
      %dma_start3A_387 = tpu.memref_slice %arg4[%add3A_377, %dma_start3A_385, %dma_start3A_386] : memref<16384x20x32xf32, #tpu.memory_space<hbm>> -> memref<1x20x32xf32, #tpu.memory_space<hbm>>
      %dma_start3A_388 = tpu.memref_squeeze %dma_start3A_387 : memref<1x20x32xf32, #tpu.memory_space<hbm>> -> memref<20x32xf32, #tpu.memory_space<hbm>>
      %dma_start3A_389 = arith.constant 220 : i32
      %dma_start3A_390 = arith.constant 0 : i32
      %dma_start3A_391 = tpu.memref_slice %arg6[%dma_start3A_389, %dma_start3A_390] : memref<640x32xf32, #tpu.memory_space<vmem>> -> memref<20x32xf32, #tpu.memory_space<vmem>>
      tpu.enqueue_dma source(%dma_start3A_391 : memref<20x32xf32, #tpu.memory_space<vmem>>) target(%dma_start3A_388 : memref<20x32xf32, #tpu.memory_space<hbm>>) target_semaphore(%arg10 : memref<!tpu.dma_semaphore, #tpu.memory_space<semaphore_mem>>)
      %mul3A_392 = arith.constant 32 : i32
      %mul3A_393 = arith.muli %add3A_52, %mul3A_392 : i32
      %add3A_394 = arith.addi %mul3A_2, %mul3A_393 : i32
      %add3A_395 = arith.constant 12 : i32
      %add3A_396 = arith.addi %add3A_394, %add3A_395 : i32
      %dma_start3A_397 = arith.constant 240 : i32
      %dma_start3A_398 = arith.constant 0 : i32
      %dma_start3A_399 = tpu.memref_slice %arg6[%dma_start3A_397, %dma_start3A_398] : memref<640x32xf32, #tpu.memory_space<vmem>> -> memref<20x32xf32, #tpu.memory_space<vmem>>
      %dma_start3A_400 = arith.constant 0 : i32
      %dma_start3A_401 = arith.constant 0 : i32
      %dma_start3A_402 = tpu.memref_slice %arg4[%add3A_396, %dma_start3A_400, %dma_start3A_401] : memref<16384x20x32xf32, #tpu.memory_space<hbm>> -> memref<1x20x32xf32, #tpu.memory_space<hbm>>
      %dma_start3A_403 = tpu.memref_squeeze %dma_start3A_402 : memref<1x20x32xf32, #tpu.memory_space<hbm>> -> memref<20x32xf32, #tpu.memory_space<hbm>>
      %dma_start3A_404 = arith.constant 0 : i32
      %dma_start3A_405 = arith.constant 0 : i32
      %dma_start3A_406 = tpu.memref_slice %arg4[%add3A_396, %dma_start3A_404, %dma_start3A_405] : memref<16384x20x32xf32, #tpu.memory_space<hbm>> -> memref<1x20x32xf32, #tpu.memory_space<hbm>>
      %dma_start3A_407 = tpu.memref_squeeze %dma_start3A_406 : memref<1x20x32xf32, #tpu.memory_space<hbm>> -> memref<20x32xf32, #tpu.memory_space<hbm>>
      %dma_start3A_408 = arith.constant 240 : i32
      %dma_start3A_409 = arith.constant 0 : i32
      %dma_start3A_410 = tpu.memref_slice %arg6[%dma_start3A_408, %dma_start3A_409] : memref<640x32xf32, #tpu.memory_space<vmem>> -> memref<20x32xf32, #tpu.memory_space<vmem>>
      tpu.enqueue_dma source(%dma_start3A_410 : memref<20x32xf32, #tpu.memory_space<vmem>>) target(%dma_start3A_407 : memref<20x32xf32, #tpu.memory_space<hbm>>) target_semaphore(%arg10 : memref<!tpu.dma_semaphore, #tpu.memory_space<semaphore_mem>>)
      %mul3A_411 = arith.constant 32 : i32
      %mul3A_412 = arith.muli %add3A_52, %mul3A_411 : i32
      %add3A_413 = arith.addi %mul3A_2, %mul3A_412 : i32
      %add3A_414 = arith.constant 13 : i32
      %add3A_415 = arith.addi %add3A_413, %add3A_414 : i32
      %dma_start3A_416 = arith.constant 260 : i32
      %dma_start3A_417 = arith.constant 0 : i32
      %dma_start3A_418 = tpu.memref_slice %arg6[%dma_start3A_416, %dma_start3A_417] : memref<640x32xf32, #tpu.memory_space<vmem>> -> memref<20x32xf32, #tpu.memory_space<vmem>>
      %dma_start3A_419 = arith.constant 0 : i32
      %dma_start3A_420 = arith.constant 0 : i32
      %dma_start3A_421 = tpu.memref_slice %arg4[%add3A_415, %dma_start3A_419, %dma_start3A_420] : memref<16384x20x32xf32, #tpu.memory_space<hbm>> -> memref<1x20x32xf32, #tpu.memory_space<hbm>>
      %dma_start3A_422 = tpu.memref_squeeze %dma_start3A_421 : memref<1x20x32xf32, #tpu.memory_space<hbm>> -> memref<20x32xf32, #tpu.memory_space<hbm>>
      %dma_start3A_423 = arith.constant 0 : i32
      %dma_start3A_424 = arith.constant 0 : i32
      %dma_start3A_425 = tpu.memref_slice %arg4[%add3A_415, %dma_start3A_423, %dma_start3A_424] : memref<16384x20x32xf32, #tpu.memory_space<hbm>> -> memref<1x20x32xf32, #tpu.memory_space<hbm>>
      %dma_start3A_426 = tpu.memref_squeeze %dma_start3A_425 : memref<1x20x32xf32, #tpu.memory_space<hbm>> -> memref<20x32xf32, #tpu.memory_space<hbm>>
      %dma_start3A_427 = arith.constant 260 : i32
      %dma_start3A_428 = arith.constant 0 : i32
      %dma_start3A_429 = tpu.memref_slice %arg6[%dma_start3A_427, %dma_start3A_428] : memref<640x32xf32, #tpu.memory_space<vmem>> -> memref<20x32xf32, #tpu.memory_space<vmem>>
      tpu.enqueue_dma source(%dma_start3A_429 : memref<20x32xf32, #tpu.memory_space<vmem>>) target(%dma_start3A_426 : memref<20x32xf32, #tpu.memory_space<hbm>>) target_semaphore(%arg10 : memref<!tpu.dma_semaphore, #tpu.memory_space<semaphore_mem>>)
      %mul3A_430 = arith.constant 32 : i32
      %mul3A_431 = arith.muli %add3A_52, %mul3A_430 : i32
      %add3A_432 = arith.addi %mul3A_2, %mul3A_431 : i32
      %add3A_433 = arith.constant 14 : i32
      %add3A_434 = arith.addi %add3A_432, %add3A_433 : i32
      %dma_start3A_435 = arith.constant 280 : i32
      %dma_start3A_436 = arith.constant 0 : i32
      %dma_start3A_437 = tpu.memref_slice %arg6[%dma_start3A_435, %dma_start3A_436] : memref<640x32xf32, #tpu.memory_space<vmem>> -> memref<20x32xf32, #tpu.memory_space<vmem>>
      %dma_start3A_438 = arith.constant 0 : i32
      %dma_start3A_439 = arith.constant 0 : i32
      %dma_start3A_440 = tpu.memref_slice %arg4[%add3A_434, %dma_start3A_438, %dma_start3A_439] : memref<16384x20x32xf32, #tpu.memory_space<hbm>> -> memref<1x20x32xf32, #tpu.memory_space<hbm>>
      %dma_start3A_441 = tpu.memref_squeeze %dma_start3A_440 : memref<1x20x32xf32, #tpu.memory_space<hbm>> -> memref<20x32xf32, #tpu.memory_space<hbm>>
      %dma_start3A_442 = arith.constant 0 : i32
      %dma_start3A_443 = arith.constant 0 : i32
      %dma_start3A_444 = tpu.memref_slice %arg4[%add3A_434, %dma_start3A_442, %dma_start3A_443] : memref<16384x20x32xf32, #tpu.memory_space<hbm>> -> memref<1x20x32xf32, #tpu.memory_space<hbm>>
      %dma_start3A_445 = tpu.memref_squeeze %dma_start3A_444 : memref<1x20x32xf32, #tpu.memory_space<hbm>> -> memref<20x32xf32, #tpu.memory_space<hbm>>
      %dma_start3A_446 = arith.constant 280 : i32
      %dma_start3A_447 = arith.constant 0 : i32
      %dma_start3A_448 = tpu.memref_slice %arg6[%dma_start3A_446, %dma_start3A_447] : memref<640x32xf32, #tpu.memory_space<vmem>> -> memref<20x32xf32, #tpu.memory_space<vmem>>
      tpu.enqueue_dma source(%dma_start3A_448 : memref<20x32xf32, #tpu.memory_space<vmem>>) target(%dma_start3A_445 : memref<20x32xf32, #tpu.memory_space<hbm>>) target_semaphore(%arg10 : memref<!tpu.dma_semaphore, #tpu.memory_space<semaphore_mem>>)
      %mul3A_449 = arith.constant 32 : i32
      %mul3A_450 = arith.muli %add3A_52, %mul3A_449 : i32
      %add3A_451 = arith.addi %mul3A_2, %mul3A_450 : i32
      %add3A_452 = arith.constant 15 : i32
      %add3A_453 = arith.addi %add3A_451, %add3A_452 : i32
      %dma_start3A_454 = arith.constant 300 : i32
      %dma_start3A_455 = arith.constant 0 : i32
      %dma_start3A_456 = tpu.memref_slice %arg6[%dma_start3A_454, %dma_start3A_455] : memref<640x32xf32, #tpu.memory_space<vmem>> -> memref<20x32xf32, #tpu.memory_space<vmem>>
      %dma_start3A_457 = arith.constant 0 : i32
      %dma_start3A_458 = arith.constant 0 : i32
      %dma_start3A_459 = tpu.memref_slice %arg4[%add3A_453, %dma_start3A_457, %dma_start3A_458] : memref<16384x20x32xf32, #tpu.memory_space<hbm>> -> memref<1x20x32xf32, #tpu.memory_space<hbm>>
      %dma_start3A_460 = tpu.memref_squeeze %dma_start3A_459 : memref<1x20x32xf32, #tpu.memory_space<hbm>> -> memref<20x32xf32, #tpu.memory_space<hbm>>
      %dma_start3A_461 = arith.constant 0 : i32
      %dma_start3A_462 = arith.constant 0 : i32
      %dma_start3A_463 = tpu.memref_slice %arg4[%add3A_453, %dma_start3A_461, %dma_start3A_462] : memref<16384x20x32xf32, #tpu.memory_space<hbm>> -> memref<1x20x32xf32, #tpu.memory_space<hbm>>
      %dma_start3A_464 = tpu.memref_squeeze %dma_start3A_463 : memref<1x20x32xf32, #tpu.memory_space<hbm>> -> memref<20x32xf32, #tpu.memory_space<hbm>>
      %dma_start3A_465 = arith.constant 300 : i32
      %dma_start3A_466 = arith.constant 0 : i32
      %dma_start3A_467 = tpu.memref_slice %arg6[%dma_start3A_465, %dma_start3A_466] : memref<640x32xf32, #tpu.memory_space<vmem>> -> memref<20x32xf32, #tpu.memory_space<vmem>>
      tpu.enqueue_dma source(%dma_start3A_467 : memref<20x32xf32, #tpu.memory_space<vmem>>) target(%dma_start3A_464 : memref<20x32xf32, #tpu.memory_space<hbm>>) target_semaphore(%arg10 : memref<!tpu.dma_semaphore, #tpu.memory_space<semaphore_mem>>)
      %mul3A_468 = arith.constant 32 : i32
      %mul3A_469 = arith.muli %add3A_52, %mul3A_468 : i32
      %add3A_470 = arith.addi %mul3A_2, %mul3A_469 : i32
      %add3A_471 = arith.constant 16 : i32
      %add3A_472 = arith.addi %add3A_470, %add3A_471 : i32
      %dma_start3A_473 = arith.constant 320 : i32
      %dma_start3A_474 = arith.constant 0 : i32
      %dma_start3A_475 = tpu.memref_slice %arg6[%dma_start3A_473, %dma_start3A_474] : memref<640x32xf32, #tpu.memory_space<vmem>> -> memref<20x32xf32, #tpu.memory_space<vmem>>
      %dma_start3A_476 = arith.constant 0 : i32
      %dma_start3A_477 = arith.constant 0 : i32
      %dma_start3A_478 = tpu.memref_slice %arg4[%add3A_472, %dma_start3A_476, %dma_start3A_477] : memref<16384x20x32xf32, #tpu.memory_space<hbm>> -> memref<1x20x32xf32, #tpu.memory_space<hbm>>
      %dma_start3A_479 = tpu.memref_squeeze %dma_start3A_478 : memref<1x20x32xf32, #tpu.memory_space<hbm>> -> memref<20x32xf32, #tpu.memory_space<hbm>>
      %dma_start3A_480 = arith.constant 0 : i32
      %dma_start3A_481 = arith.constant 0 : i32
      %dma_start3A_482 = tpu.memref_slice %arg4[%add3A_472, %dma_start3A_480, %dma_start3A_481] : memref<16384x20x32xf32, #tpu.memory_space<hbm>> -> memref<1x20x32xf32, #tpu.memory_space<hbm>>
      %dma_start3A_483 = tpu.memref_squeeze %dma_start3A_482 : memref<1x20x32xf32, #tpu.memory_space<hbm>> -> memref<20x32xf32, #tpu.memory_space<hbm>>
      %dma_start3A_484 = arith.constant 320 : i32
      %dma_start3A_485 = arith.constant 0 : i32
      %dma_start3A_486 = tpu.memref_slice %arg6[%dma_start3A_484, %dma_start3A_485] : memref<640x32xf32, #tpu.memory_space<vmem>> -> memref<20x32xf32, #tpu.memory_space<vmem>>
      tpu.enqueue_dma source(%dma_start3A_486 : memref<20x32xf32, #tpu.memory_space<vmem>>) target(%dma_start3A_483 : memref<20x32xf32, #tpu.memory_space<hbm>>) target_semaphore(%arg10 : memref<!tpu.dma_semaphore, #tpu.memory_space<semaphore_mem>>)
      %mul3A_487 = arith.constant 32 : i32
      %mul3A_488 = arith.muli %add3A_52, %mul3A_487 : i32
      %add3A_489 = arith.addi %mul3A_2, %mul3A_488 : i32
      %add3A_490 = arith.constant 17 : i32
      %add3A_491 = arith.addi %add3A_489, %add3A_490 : i32
      %dma_start3A_492 = arith.constant 340 : i32
      %dma_start3A_493 = arith.constant 0 : i32
      %dma_start3A_494 = tpu.memref_slice %arg6[%dma_start3A_492, %dma_start3A_493] : memref<640x32xf32, #tpu.memory_space<vmem>> -> memref<20x32xf32, #tpu.memory_space<vmem>>
      %dma_start3A_495 = arith.constant 0 : i32
      %dma_start3A_496 = arith.constant 0 : i32
      %dma_start3A_497 = tpu.memref_slice %arg4[%add3A_491, %dma_start3A_495, %dma_start3A_496] : memref<16384x20x32xf32, #tpu.memory_space<hbm>> -> memref<1x20x32xf32, #tpu.memory_space<hbm>>
      %dma_start3A_498 = tpu.memref_squeeze %dma_start3A_497 : memref<1x20x32xf32, #tpu.memory_space<hbm>> -> memref<20x32xf32, #tpu.memory_space<hbm>>
      %dma_start3A_499 = arith.constant 0 : i32
      %dma_start3A_500 = arith.constant 0 : i32
      %dma_start3A_501 = tpu.memref_slice %arg4[%add3A_491, %dma_start3A_499, %dma_start3A_500] : memref<16384x20x32xf32, #tpu.memory_space<hbm>> -> memref<1x20x32xf32, #tpu.memory_space<hbm>>
      %dma_start3A_502 = tpu.memref_squeeze %dma_start3A_501 : memref<1x20x32xf32, #tpu.memory_space<hbm>> -> memref<20x32xf32, #tpu.memory_space<hbm>>
      %dma_start3A_503 = arith.constant 340 : i32
      %dma_start3A_504 = arith.constant 0 : i32
      %dma_start3A_505 = tpu.memref_slice %arg6[%dma_start3A_503, %dma_start3A_504] : memref<640x32xf32, #tpu.memory_space<vmem>> -> memref<20x32xf32, #tpu.memory_space<vmem>>
      tpu.enqueue_dma source(%dma_start3A_505 : memref<20x32xf32, #tpu.memory_space<vmem>>) target(%dma_start3A_502 : memref<20x32xf32, #tpu.memory_space<hbm>>) target_semaphore(%arg10 : memref<!tpu.dma_semaphore, #tpu.memory_space<semaphore_mem>>)
      %mul3A_506 = arith.constant 32 : i32
      %mul3A_507 = arith.muli %add3A_52, %mul3A_506 : i32
      %add3A_508 = arith.addi %mul3A_2, %mul3A_507 : i32
      %add3A_509 = arith.constant 18 : i32
      %add3A_510 = arith.addi %add3A_508, %add3A_509 : i32
      %dma_start3A_511 = arith.constant 360 : i32
      %dma_start3A_512 = arith.constant 0 : i32
      %dma_start3A_513 = tpu.memref_slice %arg6[%dma_start3A_511, %dma_start3A_512] : memref<640x32xf32, #tpu.memory_space<vmem>> -> memref<20x32xf32, #tpu.memory_space<vmem>>
      %dma_start3A_514 = arith.constant 0 : i32
      %dma_start3A_515 = arith.constant 0 : i32
      %dma_start3A_516 = tpu.memref_slice %arg4[%add3A_510, %dma_start3A_514, %dma_start3A_515] : memref<16384x20x32xf32, #tpu.memory_space<hbm>> -> memref<1x20x32xf32, #tpu.memory_space<hbm>>
      %dma_start3A_517 = tpu.memref_squeeze %dma_start3A_516 : memref<1x20x32xf32, #tpu.memory_space<hbm>> -> memref<20x32xf32, #tpu.memory_space<hbm>>
      %dma_start3A_518 = arith.constant 0 : i32
      %dma_start3A_519 = arith.constant 0 : i32
      %dma_start3A_520 = tpu.memref_slice %arg4[%add3A_510, %dma_start3A_518, %dma_start3A_519] : memref<16384x20x32xf32, #tpu.memory_space<hbm>> -> memref<1x20x32xf32, #tpu.memory_space<hbm>>
      %dma_start3A_521 = tpu.memref_squeeze %dma_start3A_520 : memref<1x20x32xf32, #tpu.memory_space<hbm>> -> memref<20x32xf32, #tpu.memory_space<hbm>>
      %dma_start3A_522 = arith.constant 360 : i32
      %dma_start3A_523 = arith.constant 0 : i32
      %dma_start3A_524 = tpu.memref_slice %arg6[%dma_start3A_522, %dma_start3A_523] : memref<640x32xf32, #tpu.memory_space<vmem>> -> memref<20x32xf32, #tpu.memory_space<vmem>>
      tpu.enqueue_dma source(%dma_start3A_524 : memref<20x32xf32, #tpu.memory_space<vmem>>) target(%dma_start3A_521 : memref<20x32xf32, #tpu.memory_space<hbm>>) target_semaphore(%arg10 : memref<!tpu.dma_semaphore, #tpu.memory_space<semaphore_mem>>)
      %mul3A_525 = arith.constant 32 : i32
      %mul3A_526 = arith.muli %add3A_52, %mul3A_525 : i32
      %add3A_527 = arith.addi %mul3A_2, %mul3A_526 : i32
      %add3A_528 = arith.constant 19 : i32
      %add3A_529 = arith.addi %add3A_527, %add3A_528 : i32
      %dma_start3A_530 = arith.constant 380 : i32
      %dma_start3A_531 = arith.constant 0 : i32
      %dma_start3A_532 = tpu.memref_slice %arg6[%dma_start3A_530, %dma_start3A_531] : memref<640x32xf32, #tpu.memory_space<vmem>> -> memref<20x32xf32, #tpu.memory_space<vmem>>
      %dma_start3A_533 = arith.constant 0 : i32
      %dma_start3A_534 = arith.constant 0 : i32
      %dma_start3A_535 = tpu.memref_slice %arg4[%add3A_529, %dma_start3A_533, %dma_start3A_534] : memref<16384x20x32xf32, #tpu.memory_space<hbm>> -> memref<1x20x32xf32, #tpu.memory_space<hbm>>
      %dma_start3A_536 = tpu.memref_squeeze %dma_start3A_535 : memref<1x20x32xf32, #tpu.memory_space<hbm>> -> memref<20x32xf32, #tpu.memory_space<hbm>>
      %dma_start3A_537 = arith.constant 0 : i32
      %dma_start3A_538 = arith.constant 0 : i32
      %dma_start3A_539 = tpu.memref_slice %arg4[%add3A_529, %dma_start3A_537, %dma_start3A_538] : memref<16384x20x32xf32, #tpu.memory_space<hbm>> -> memref<1x20x32xf32, #tpu.memory_space<hbm>>
      %dma_start3A_540 = tpu.memref_squeeze %dma_start3A_539 : memref<1x20x32xf32, #tpu.memory_space<hbm>> -> memref<20x32xf32, #tpu.memory_space<hbm>>
      %dma_start3A_541 = arith.constant 380 : i32
      %dma_start3A_542 = arith.constant 0 : i32
      %dma_start3A_543 = tpu.memref_slice %arg6[%dma_start3A_541, %dma_start3A_542] : memref<640x32xf32, #tpu.memory_space<vmem>> -> memref<20x32xf32, #tpu.memory_space<vmem>>
      tpu.enqueue_dma source(%dma_start3A_543 : memref<20x32xf32, #tpu.memory_space<vmem>>) target(%dma_start3A_540 : memref<20x32xf32, #tpu.memory_space<hbm>>) target_semaphore(%arg10 : memref<!tpu.dma_semaphore, #tpu.memory_space<semaphore_mem>>)
      %mul3A_544 = arith.constant 32 : i32
      %mul3A_545 = arith.muli %add3A_52, %mul3A_544 : i32
      %add3A_546 = arith.addi %mul3A_2, %mul3A_545 : i32
      %add3A_547 = arith.constant 20 : i32
      %add3A_548 = arith.addi %add3A_546, %add3A_547 : i32
      %dma_start3A_549 = arith.constant 400 : i32
      %dma_start3A_550 = arith.constant 0 : i32
      %dma_start3A_551 = tpu.memref_slice %arg6[%dma_start3A_549, %dma_start3A_550] : memref<640x32xf32, #tpu.memory_space<vmem>> -> memref<20x32xf32, #tpu.memory_space<vmem>>
      %dma_start3A_552 = arith.constant 0 : i32
      %dma_start3A_553 = arith.constant 0 : i32
      %dma_start3A_554 = tpu.memref_slice %arg4[%add3A_548, %dma_start3A_552, %dma_start3A_553] : memref<16384x20x32xf32, #tpu.memory_space<hbm>> -> memref<1x20x32xf32, #tpu.memory_space<hbm>>
      %dma_start3A_555 = tpu.memref_squeeze %dma_start3A_554 : memref<1x20x32xf32, #tpu.memory_space<hbm>> -> memref<20x32xf32, #tpu.memory_space<hbm>>
      %dma_start3A_556 = arith.constant 0 : i32
      %dma_start3A_557 = arith.constant 0 : i32
      %dma_start3A_558 = tpu.memref_slice %arg4[%add3A_548, %dma_start3A_556, %dma_start3A_557] : memref<16384x20x32xf32, #tpu.memory_space<hbm>> -> memref<1x20x32xf32, #tpu.memory_space<hbm>>
      %dma_start3A_559 = tpu.memref_squeeze %dma_start3A_558 : memref<1x20x32xf32, #tpu.memory_space<hbm>> -> memref<20x32xf32, #tpu.memory_space<hbm>>
      %dma_start3A_560 = arith.constant 400 : i32
      %dma_start3A_561 = arith.constant 0 : i32
      %dma_start3A_562 = tpu.memref_slice %arg6[%dma_start3A_560, %dma_start3A_561] : memref<640x32xf32, #tpu.memory_space<vmem>> -> memref<20x32xf32, #tpu.memory_space<vmem>>
      tpu.enqueue_dma source(%dma_start3A_562 : memref<20x32xf32, #tpu.memory_space<vmem>>) target(%dma_start3A_559 : memref<20x32xf32, #tpu.memory_space<hbm>>) target_semaphore(%arg10 : memref<!tpu.dma_semaphore, #tpu.memory_space<semaphore_mem>>)
      %mul3A_563 = arith.constant 32 : i32
      %mul3A_564 = arith.muli %add3A_52, %mul3A_563 : i32
      %add3A_565 = arith.addi %mul3A_2, %mul3A_564 : i32
      %add3A_566 = arith.constant 21 : i32
      %add3A_567 = arith.addi %add3A_565, %add3A_566 : i32
      %dma_start3A_568 = arith.constant 420 : i32
      %dma_start3A_569 = arith.constant 0 : i32
      %dma_start3A_570 = tpu.memref_slice %arg6[%dma_start3A_568, %dma_start3A_569] : memref<640x32xf32, #tpu.memory_space<vmem>> -> memref<20x32xf32, #tpu.memory_space<vmem>>
      %dma_start3A_571 = arith.constant 0 : i32
      %dma_start3A_572 = arith.constant 0 : i32
      %dma_start3A_573 = tpu.memref_slice %arg4[%add3A_567, %dma_start3A_571, %dma_start3A_572] : memref<16384x20x32xf32, #tpu.memory_space<hbm>> -> memref<1x20x32xf32, #tpu.memory_space<hbm>>
      %dma_start3A_574 = tpu.memref_squeeze %dma_start3A_573 : memref<1x20x32xf32, #tpu.memory_space<hbm>> -> memref<20x32xf32, #tpu.memory_space<hbm>>
      %dma_start3A_575 = arith.constant 0 : i32
      %dma_start3A_576 = arith.constant 0 : i32
      %dma_start3A_577 = tpu.memref_slice %arg4[%add3A_567, %dma_start3A_575, %dma_start3A_576] : memref<16384x20x32xf32, #tpu.memory_space<hbm>> -> memref<1x20x32xf32, #tpu.memory_space<hbm>>
      %dma_start3A_578 = tpu.memref_squeeze %dma_start3A_577 : memref<1x20x32xf32, #tpu.memory_space<hbm>> -> memref<20x32xf32, #tpu.memory_space<hbm>>
      %dma_start3A_579 = arith.constant 420 : i32
      %dma_start3A_580 = arith.constant 0 : i32
      %dma_start3A_581 = tpu.memref_slice %arg6[%dma_start3A_579, %dma_start3A_580] : memref<640x32xf32, #tpu.memory_space<vmem>> -> memref<20x32xf32, #tpu.memory_space<vmem>>
      tpu.enqueue_dma source(%dma_start3A_581 : memref<20x32xf32, #tpu.memory_space<vmem>>) target(%dma_start3A_578 : memref<20x32xf32, #tpu.memory_space<hbm>>) target_semaphore(%arg10 : memref<!tpu.dma_semaphore, #tpu.memory_space<semaphore_mem>>)
      %mul3A_582 = arith.constant 32 : i32
      %mul3A_583 = arith.muli %add3A_52, %mul3A_582 : i32
      %add3A_584 = arith.addi %mul3A_2, %mul3A_583 : i32
      %add3A_585 = arith.constant 22 : i32
      %add3A_586 = arith.addi %add3A_584, %add3A_585 : i32
      %dma_start3A_587 = arith.constant 440 : i32
      %dma_start3A_588 = arith.constant 0 : i32
      %dma_start3A_589 = tpu.memref_slice %arg6[%dma_start3A_587, %dma_start3A_588] : memref<640x32xf32, #tpu.memory_space<vmem>> -> memref<20x32xf32, #tpu.memory_space<vmem>>
      %dma_start3A_590 = arith.constant 0 : i32
      %dma_start3A_591 = arith.constant 0 : i32
      %dma_start3A_592 = tpu.memref_slice %arg4[%add3A_586, %dma_start3A_590, %dma_start3A_591] : memref<16384x20x32xf32, #tpu.memory_space<hbm>> -> memref<1x20x32xf32, #tpu.memory_space<hbm>>
      %dma_start3A_593 = tpu.memref_squeeze %dma_start3A_592 : memref<1x20x32xf32, #tpu.memory_space<hbm>> -> memref<20x32xf32, #tpu.memory_space<hbm>>
      %dma_start3A_594 = arith.constant 0 : i32
      %dma_start3A_595 = arith.constant 0 : i32
      %dma_start3A_596 = tpu.memref_slice %arg4[%add3A_586, %dma_start3A_594, %dma_start3A_595] : memref<16384x20x32xf32, #tpu.memory_space<hbm>> -> memref<1x20x32xf32, #tpu.memory_space<hbm>>
      %dma_start3A_597 = tpu.memref_squeeze %dma_start3A_596 : memref<1x20x32xf32, #tpu.memory_space<hbm>> -> memref<20x32xf32, #tpu.memory_space<hbm>>
      %dma_start3A_598 = arith.constant 440 : i32
      %dma_start3A_599 = arith.constant 0 : i32
      %dma_start3A_600 = tpu.memref_slice %arg6[%dma_start3A_598, %dma_start3A_599] : memref<640x32xf32, #tpu.memory_space<vmem>> -> memref<20x32xf32, #tpu.memory_space<vmem>>
      tpu.enqueue_dma source(%dma_start3A_600 : memref<20x32xf32, #tpu.memory_space<vmem>>) target(%dma_start3A_597 : memref<20x32xf32, #tpu.memory_space<hbm>>) target_semaphore(%arg10 : memref<!tpu.dma_semaphore, #tpu.memory_space<semaphore_mem>>)
      %mul3A_601 = arith.constant 32 : i32
      %mul3A_602 = arith.muli %add3A_52, %mul3A_601 : i32
      %add3A_603 = arith.addi %mul3A_2, %mul3A_602 : i32
      %add3A_604 = arith.constant 23 : i32
      %add3A_605 = arith.addi %add3A_603, %add3A_604 : i32
      %dma_start3A_606 = arith.constant 460 : i32
      %dma_start3A_607 = arith.constant 0 : i32
      %dma_start3A_608 = tpu.memref_slice %arg6[%dma_start3A_606, %dma_start3A_607] : memref<640x32xf32, #tpu.memory_space<vmem>> -> memref<20x32xf32, #tpu.memory_space<vmem>>
      %dma_start3A_609 = arith.constant 0 : i32
      %dma_start3A_610 = arith.constant 0 : i32
      %dma_start3A_611 = tpu.memref_slice %arg4[%add3A_605, %dma_start3A_609, %dma_start3A_610] : memref<16384x20x32xf32, #tpu.memory_space<hbm>> -> memref<1x20x32xf32, #tpu.memory_space<hbm>>
      %dma_start3A_612 = tpu.memref_squeeze %dma_start3A_611 : memref<1x20x32xf32, #tpu.memory_space<hbm>> -> memref<20x32xf32, #tpu.memory_space<hbm>>
      %dma_start3A_613 = arith.constant 0 : i32
      %dma_start3A_614 = arith.constant 0 : i32
      %dma_start3A_615 = tpu.memref_slice %arg4[%add3A_605, %dma_start3A_613, %dma_start3A_614] : memref<16384x20x32xf32, #tpu.memory_space<hbm>> -> memref<1x20x32xf32, #tpu.memory_space<hbm>>
      %dma_start3A_616 = tpu.memref_squeeze %dma_start3A_615 : memref<1x20x32xf32, #tpu.memory_space<hbm>> -> memref<20x32xf32, #tpu.memory_space<hbm>>
      %dma_start3A_617 = arith.constant 460 : i32
      %dma_start3A_618 = arith.constant 0 : i32
      %dma_start3A_619 = tpu.memref_slice %arg6[%dma_start3A_617, %dma_start3A_618] : memref<640x32xf32, #tpu.memory_space<vmem>> -> memref<20x32xf32, #tpu.memory_space<vmem>>
      tpu.enqueue_dma source(%dma_start3A_619 : memref<20x32xf32, #tpu.memory_space<vmem>>) target(%dma_start3A_616 : memref<20x32xf32, #tpu.memory_space<hbm>>) target_semaphore(%arg10 : memref<!tpu.dma_semaphore, #tpu.memory_space<semaphore_mem>>)
      %mul3A_620 = arith.constant 32 : i32
      %mul3A_621 = arith.muli %add3A_52, %mul3A_620 : i32
      %add3A_622 = arith.addi %mul3A_2, %mul3A_621 : i32
      %add3A_623 = arith.constant 24 : i32
      %add3A_624 = arith.addi %add3A_622, %add3A_623 : i32
      %dma_start3A_625 = arith.constant 480 : i32
      %dma_start3A_626 = arith.constant 0 : i32
      %dma_start3A_627 = tpu.memref_slice %arg6[%dma_start3A_625, %dma_start3A_626] : memref<640x32xf32, #tpu.memory_space<vmem>> -> memref<20x32xf32, #tpu.memory_space<vmem>>
      %dma_start3A_628 = arith.constant 0 : i32
      %dma_start3A_629 = arith.constant 0 : i32
      %dma_start3A_630 = tpu.memref_slice %arg4[%add3A_624, %dma_start3A_628, %dma_start3A_629] : memref<16384x20x32xf32, #tpu.memory_space<hbm>> -> memref<1x20x32xf32, #tpu.memory_space<hbm>>
      %dma_start3A_631 = tpu.memref_squeeze %dma_start3A_630 : memref<1x20x32xf32, #tpu.memory_space<hbm>> -> memref<20x32xf32, #tpu.memory_space<hbm>>
      %dma_start3A_632 = arith.constant 0 : i32
      %dma_start3A_633 = arith.constant 0 : i32
      %dma_start3A_634 = tpu.memref_slice %arg4[%add3A_624, %dma_start3A_632, %dma_start3A_633] : memref<16384x20x32xf32, #tpu.memory_space<hbm>> -> memref<1x20x32xf32, #tpu.memory_space<hbm>>
      %dma_start3A_635 = tpu.memref_squeeze %dma_start3A_634 : memref<1x20x32xf32, #tpu.memory_space<hbm>> -> memref<20x32xf32, #tpu.memory_space<hbm>>
      %dma_start3A_636 = arith.constant 480 : i32
      %dma_start3A_637 = arith.constant 0 : i32
      %dma_start3A_638 = tpu.memref_slice %arg6[%dma_start3A_636, %dma_start3A_637] : memref<640x32xf32, #tpu.memory_space<vmem>> -> memref<20x32xf32, #tpu.memory_space<vmem>>
      tpu.enqueue_dma source(%dma_start3A_638 : memref<20x32xf32, #tpu.memory_space<vmem>>) target(%dma_start3A_635 : memref<20x32xf32, #tpu.memory_space<hbm>>) target_semaphore(%arg10 : memref<!tpu.dma_semaphore, #tpu.memory_space<semaphore_mem>>)
      %mul3A_639 = arith.constant 32 : i32
      %mul3A_640 = arith.muli %add3A_52, %mul3A_639 : i32
      %add3A_641 = arith.addi %mul3A_2, %mul3A_640 : i32
      %add3A_642 = arith.constant 25 : i32
      %add3A_643 = arith.addi %add3A_641, %add3A_642 : i32
      %dma_start3A_644 = arith.constant 500 : i32
      %dma_start3A_645 = arith.constant 0 : i32
      %dma_start3A_646 = tpu.memref_slice %arg6[%dma_start3A_644, %dma_start3A_645] : memref<640x32xf32, #tpu.memory_space<vmem>> -> memref<20x32xf32, #tpu.memory_space<vmem>>
      %dma_start3A_647 = arith.constant 0 : i32
      %dma_start3A_648 = arith.constant 0 : i32
      %dma_start3A_649 = tpu.memref_slice %arg4[%add3A_643, %dma_start3A_647, %dma_start3A_648] : memref<16384x20x32xf32, #tpu.memory_space<hbm>> -> memref<1x20x32xf32, #tpu.memory_space<hbm>>
      %dma_start3A_650 = tpu.memref_squeeze %dma_start3A_649 : memref<1x20x32xf32, #tpu.memory_space<hbm>> -> memref<20x32xf32, #tpu.memory_space<hbm>>
      %dma_start3A_651 = arith.constant 0 : i32
      %dma_start3A_652 = arith.constant 0 : i32
      %dma_start3A_653 = tpu.memref_slice %arg4[%add3A_643, %dma_start3A_651, %dma_start3A_652] : memref<16384x20x32xf32, #tpu.memory_space<hbm>> -> memref<1x20x32xf32, #tpu.memory_space<hbm>>
      %dma_start3A_654 = tpu.memref_squeeze %dma_start3A_653 : memref<1x20x32xf32, #tpu.memory_space<hbm>> -> memref<20x32xf32, #tpu.memory_space<hbm>>
      %dma_start3A_655 = arith.constant 500 : i32
      %dma_start3A_656 = arith.constant 0 : i32
      %dma_start3A_657 = tpu.memref_slice %arg6[%dma_start3A_655, %dma_start3A_656] : memref<640x32xf32, #tpu.memory_space<vmem>> -> memref<20x32xf32, #tpu.memory_space<vmem>>
      tpu.enqueue_dma source(%dma_start3A_657 : memref<20x32xf32, #tpu.memory_space<vmem>>) target(%dma_start3A_654 : memref<20x32xf32, #tpu.memory_space<hbm>>) target_semaphore(%arg10 : memref<!tpu.dma_semaphore, #tpu.memory_space<semaphore_mem>>)
      %mul3A_658 = arith.constant 32 : i32
      %mul3A_659 = arith.muli %add3A_52, %mul3A_658 : i32
      %add3A_660 = arith.addi %mul3A_2, %mul3A_659 : i32
      %add3A_661 = arith.constant 26 : i32
      %add3A_662 = arith.addi %add3A_660, %add3A_661 : i32
      %dma_start3A_663 = arith.constant 520 : i32
      %dma_start3A_664 = arith.constant 0 : i32
      %dma_start3A_665 = tpu.memref_slice %arg6[%dma_start3A_663, %dma_start3A_664] : memref<640x32xf32, #tpu.memory_space<vmem>> -> memref<20x32xf32, #tpu.memory_space<vmem>>
      %dma_start3A_666 = arith.constant 0 : i32
      %dma_start3A_667 = arith.constant 0 : i32
      %dma_start3A_668 = tpu.memref_slice %arg4[%add3A_662, %dma_start3A_666, %dma_start3A_667] : memref<16384x20x32xf32, #tpu.memory_space<hbm>> -> memref<1x20x32xf32, #tpu.memory_space<hbm>>
      %dma_start3A_669 = tpu.memref_squeeze %dma_start3A_668 : memref<1x20x32xf32, #tpu.memory_space<hbm>> -> memref<20x32xf32, #tpu.memory_space<hbm>>
      %dma_start3A_670 = arith.constant 0 : i32
      %dma_start3A_671 = arith.constant 0 : i32
      %dma_start3A_672 = tpu.memref_slice %arg4[%add3A_662, %dma_start3A_670, %dma_start3A_671] : memref<16384x20x32xf32, #tpu.memory_space<hbm>> -> memref<1x20x32xf32, #tpu.memory_space<hbm>>
      %dma_start3A_673 = tpu.memref_squeeze %dma_start3A_672 : memref<1x20x32xf32, #tpu.memory_space<hbm>> -> memref<20x32xf32, #tpu.memory_space<hbm>>
      %dma_start3A_674 = arith.constant 520 : i32
      %dma_start3A_675 = arith.constant 0 : i32
      %dma_start3A_676 = tpu.memref_slice %arg6[%dma_start3A_674, %dma_start3A_675] : memref<640x32xf32, #tpu.memory_space<vmem>> -> memref<20x32xf32, #tpu.memory_space<vmem>>
      tpu.enqueue_dma source(%dma_start3A_676 : memref<20x32xf32, #tpu.memory_space<vmem>>) target(%dma_start3A_673 : memref<20x32xf32, #tpu.memory_space<hbm>>) target_semaphore(%arg10 : memref<!tpu.dma_semaphore, #tpu.memory_space<semaphore_mem>>)
      %mul3A_677 = arith.constant 32 : i32
      %mul3A_678 = arith.muli %add3A_52, %mul3A_677 : i32
      %add3A_679 = arith.addi %mul3A_2, %mul3A_678 : i32
      %add3A_680 = arith.constant 27 : i32
      %add3A_681 = arith.addi %add3A_679, %add3A_680 : i32
      %dma_start3A_682 = arith.constant 540 : i32
      %dma_start3A_683 = arith.constant 0 : i32
      %dma_start3A_684 = tpu.memref_slice %arg6[%dma_start3A_682, %dma_start3A_683] : memref<640x32xf32, #tpu.memory_space<vmem>> -> memref<20x32xf32, #tpu.memory_space<vmem>>
      %dma_start3A_685 = arith.constant 0 : i32
      %dma_start3A_686 = arith.constant 0 : i32
      %dma_start3A_687 = tpu.memref_slice %arg4[%add3A_681, %dma_start3A_685, %dma_start3A_686] : memref<16384x20x32xf32, #tpu.memory_space<hbm>> -> memref<1x20x32xf32, #tpu.memory_space<hbm>>
      %dma_start3A_688 = tpu.memref_squeeze %dma_start3A_687 : memref<1x20x32xf32, #tpu.memory_space<hbm>> -> memref<20x32xf32, #tpu.memory_space<hbm>>
      %dma_start3A_689 = arith.constant 0 : i32
      %dma_start3A_690 = arith.constant 0 : i32
      %dma_start3A_691 = tpu.memref_slice %arg4[%add3A_681, %dma_start3A_689, %dma_start3A_690] : memref<16384x20x32xf32, #tpu.memory_space<hbm>> -> memref<1x20x32xf32, #tpu.memory_space<hbm>>
      %dma_start3A_692 = tpu.memref_squeeze %dma_start3A_691 : memref<1x20x32xf32, #tpu.memory_space<hbm>> -> memref<20x32xf32, #tpu.memory_space<hbm>>
      %dma_start3A_693 = arith.constant 540 : i32
      %dma_start3A_694 = arith.constant 0 : i32
      %dma_start3A_695 = tpu.memref_slice %arg6[%dma_start3A_693, %dma_start3A_694] : memref<640x32xf32, #tpu.memory_space<vmem>> -> memref<20x32xf32, #tpu.memory_space<vmem>>
      tpu.enqueue_dma source(%dma_start3A_695 : memref<20x32xf32, #tpu.memory_space<vmem>>) target(%dma_start3A_692 : memref<20x32xf32, #tpu.memory_space<hbm>>) target_semaphore(%arg10 : memref<!tpu.dma_semaphore, #tpu.memory_space<semaphore_mem>>)
      %mul3A_696 = arith.constant 32 : i32
      %mul3A_697 = arith.muli %add3A_52, %mul3A_696 : i32
      %add3A_698 = arith.addi %mul3A_2, %mul3A_697 : i32
      %add3A_699 = arith.constant 28 : i32
      %add3A_700 = arith.addi %add3A_698, %add3A_699 : i32
      %dma_start3A_701 = arith.constant 560 : i32
      %dma_start3A_702 = arith.constant 0 : i32
      %dma_start3A_703 = tpu.memref_slice %arg6[%dma_start3A_701, %dma_start3A_702] : memref<640x32xf32, #tpu.memory_space<vmem>> -> memref<20x32xf32, #tpu.memory_space<vmem>>
      %dma_start3A_704 = arith.constant 0 : i32
      %dma_start3A_705 = arith.constant 0 : i32
      %dma_start3A_706 = tpu.memref_slice %arg4[%add3A_700, %dma_start3A_704, %dma_start3A_705] : memref<16384x20x32xf32, #tpu.memory_space<hbm>> -> memref<1x20x32xf32, #tpu.memory_space<hbm>>
      %dma_start3A_707 = tpu.memref_squeeze %dma_start3A_706 : memref<1x20x32xf32, #tpu.memory_space<hbm>> -> memref<20x32xf32, #tpu.memory_space<hbm>>
      %dma_start3A_708 = arith.constant 0 : i32
      %dma_start3A_709 = arith.constant 0 : i32
      %dma_start3A_710 = tpu.memref_slice %arg4[%add3A_700, %dma_start3A_708, %dma_start3A_709] : memref<16384x20x32xf32, #tpu.memory_space<hbm>> -> memref<1x20x32xf32, #tpu.memory_space<hbm>>
      %dma_start3A_711 = tpu.memref_squeeze %dma_start3A_710 : memref<1x20x32xf32, #tpu.memory_space<hbm>> -> memref<20x32xf32, #tpu.memory_space<hbm>>
      %dma_start3A_712 = arith.constant 560 : i32
      %dma_start3A_713 = arith.constant 0 : i32
      %dma_start3A_714 = tpu.memref_slice %arg6[%dma_start3A_712, %dma_start3A_713] : memref<640x32xf32, #tpu.memory_space<vmem>> -> memref<20x32xf32, #tpu.memory_space<vmem>>
      tpu.enqueue_dma source(%dma_start3A_714 : memref<20x32xf32, #tpu.memory_space<vmem>>) target(%dma_start3A_711 : memref<20x32xf32, #tpu.memory_space<hbm>>) target_semaphore(%arg10 : memref<!tpu.dma_semaphore, #tpu.memory_space<semaphore_mem>>)
      %mul3A_715 = arith.constant 32 : i32
      %mul3A_716 = arith.muli %add3A_52, %mul3A_715 : i32
      %add3A_717 = arith.addi %mul3A_2, %mul3A_716 : i32
      %add3A_718 = arith.constant 29 : i32
      %add3A_719 = arith.addi %add3A_717, %add3A_718 : i32
      %dma_start3A_720 = arith.constant 580 : i32
      %dma_start3A_721 = arith.constant 0 : i32
      %dma_start3A_722 = tpu.memref_slice %arg6[%dma_start3A_720, %dma_start3A_721] : memref<640x32xf32, #tpu.memory_space<vmem>> -> memref<20x32xf32, #tpu.memory_space<vmem>>
      %dma_start3A_723 = arith.constant 0 : i32
      %dma_start3A_724 = arith.constant 0 : i32
      %dma_start3A_725 = tpu.memref_slice %arg4[%add3A_719, %dma_start3A_723, %dma_start3A_724] : memref<16384x20x32xf32, #tpu.memory_space<hbm>> -> memref<1x20x32xf32, #tpu.memory_space<hbm>>
      %dma_start3A_726 = tpu.memref_squeeze %dma_start3A_725 : memref<1x20x32xf32, #tpu.memory_space<hbm>> -> memref<20x32xf32, #tpu.memory_space<hbm>>
      %dma_start3A_727 = arith.constant 0 : i32
      %dma_start3A_728 = arith.constant 0 : i32
      %dma_start3A_729 = tpu.memref_slice %arg4[%add3A_719, %dma_start3A_727, %dma_start3A_728] : memref<16384x20x32xf32, #tpu.memory_space<hbm>> -> memref<1x20x32xf32, #tpu.memory_space<hbm>>
      %dma_start3A_730 = tpu.memref_squeeze %dma_start3A_729 : memref<1x20x32xf32, #tpu.memory_space<hbm>> -> memref<20x32xf32, #tpu.memory_space<hbm>>
      %dma_start3A_731 = arith.constant 580 : i32
      %dma_start3A_732 = arith.constant 0 : i32
      %dma_start3A_733 = tpu.memref_slice %arg6[%dma_start3A_731, %dma_start3A_732] : memref<640x32xf32, #tpu.memory_space<vmem>> -> memref<20x32xf32, #tpu.memory_space<vmem>>
      tpu.enqueue_dma source(%dma_start3A_733 : memref<20x32xf32, #tpu.memory_space<vmem>>) target(%dma_start3A_730 : memref<20x32xf32, #tpu.memory_space<hbm>>) target_semaphore(%arg10 : memref<!tpu.dma_semaphore, #tpu.memory_space<semaphore_mem>>)
      %mul3A_734 = arith.constant 32 : i32
      %mul3A_735 = arith.muli %add3A_52, %mul3A_734 : i32
      %add3A_736 = arith.addi %mul3A_2, %mul3A_735 : i32
      %add3A_737 = arith.constant 30 : i32
      %add3A_738 = arith.addi %add3A_736, %add3A_737 : i32
      %dma_start3A_739 = arith.constant 600 : i32
      %dma_start3A_740 = arith.constant 0 : i32
      %dma_start3A_741 = tpu.memref_slice %arg6[%dma_start3A_739, %dma_start3A_740] : memref<640x32xf32, #tpu.memory_space<vmem>> -> memref<20x32xf32, #tpu.memory_space<vmem>>
      %dma_start3A_742 = arith.constant 0 : i32
      %dma_start3A_743 = arith.constant 0 : i32
      %dma_start3A_744 = tpu.memref_slice %arg4[%add3A_738, %dma_start3A_742, %dma_start3A_743] : memref<16384x20x32xf32, #tpu.memory_space<hbm>> -> memref<1x20x32xf32, #tpu.memory_space<hbm>>
      %dma_start3A_745 = tpu.memref_squeeze %dma_start3A_744 : memref<1x20x32xf32, #tpu.memory_space<hbm>> -> memref<20x32xf32, #tpu.memory_space<hbm>>
      %dma_start3A_746 = arith.constant 0 : i32
      %dma_start3A_747 = arith.constant 0 : i32
      %dma_start3A_748 = tpu.memref_slice %arg4[%add3A_738, %dma_start3A_746, %dma_start3A_747] : memref<16384x20x32xf32, #tpu.memory_space<hbm>> -> memref<1x20x32xf32, #tpu.memory_space<hbm>>
      %dma_start3A_749 = tpu.memref_squeeze %dma_start3A_748 : memref<1x20x32xf32, #tpu.memory_space<hbm>> -> memref<20x32xf32, #tpu.memory_space<hbm>>
      %dma_start3A_750 = arith.constant 600 : i32
      %dma_start3A_751 = arith.constant 0 : i32
      %dma_start3A_752 = tpu.memref_slice %arg6[%dma_start3A_750, %dma_start3A_751] : memref<640x32xf32, #tpu.memory_space<vmem>> -> memref<20x32xf32, #tpu.memory_space<vmem>>
      tpu.enqueue_dma source(%dma_start3A_752 : memref<20x32xf32, #tpu.memory_space<vmem>>) target(%dma_start3A_749 : memref<20x32xf32, #tpu.memory_space<hbm>>) target_semaphore(%arg10 : memref<!tpu.dma_semaphore, #tpu.memory_space<semaphore_mem>>)
      %mul3A_753 = arith.constant 32 : i32
      %mul3A_754 = arith.muli %add3A_52, %mul3A_753 : i32
      %add3A_755 = arith.addi %mul3A_2, %mul3A_754 : i32
      %add3A_756 = arith.constant 31 : i32
      %add3A_757 = arith.addi %add3A_755, %add3A_756 : i32
      %dma_start3A_758 = arith.constant 620 : i32
      %dma_start3A_759 = arith.constant 0 : i32
      %dma_start3A_760 = tpu.memref_slice %arg6[%dma_start3A_758, %dma_start3A_759] : memref<640x32xf32, #tpu.memory_space<vmem>> -> memref<20x32xf32, #tpu.memory_space<vmem>>
      %dma_start3A_761 = arith.constant 0 : i32
      %dma_start3A_762 = arith.constant 0 : i32
      %dma_start3A_763 = tpu.memref_slice %arg4[%add3A_757, %dma_start3A_761, %dma_start3A_762] : memref<16384x20x32xf32, #tpu.memory_space<hbm>> -> memref<1x20x32xf32, #tpu.memory_space<hbm>>
      %dma_start3A_764 = tpu.memref_squeeze %dma_start3A_763 : memref<1x20x32xf32, #tpu.memory_space<hbm>> -> memref<20x32xf32, #tpu.memory_space<hbm>>
      %dma_start3A_765 = arith.constant 0 : i32
      %dma_start3A_766 = arith.constant 0 : i32
      %dma_start3A_767 = tpu.memref_slice %arg4[%add3A_757, %dma_start3A_765, %dma_start3A_766] : memref<16384x20x32xf32, #tpu.memory_space<hbm>> -> memref<1x20x32xf32, #tpu.memory_space<hbm>>
      %dma_start3A_768 = tpu.memref_squeeze %dma_start3A_767 : memref<1x20x32xf32, #tpu.memory_space<hbm>> -> memref<20x32xf32, #tpu.memory_space<hbm>>
      %dma_start3A_769 = arith.constant 620 : i32
      %dma_start3A_770 = arith.constant 0 : i32
      %dma_start3A_771 = tpu.memref_slice %arg6[%dma_start3A_769, %dma_start3A_770] : memref<640x32xf32, #tpu.memory_space<vmem>> -> memref<20x32xf32, #tpu.memory_space<vmem>>
      tpu.enqueue_dma source(%dma_start3A_771 : memref<20x32xf32, #tpu.memory_space<vmem>>) target(%dma_start3A_768 : memref<20x32xf32, #tpu.memory_space<hbm>>) target_semaphore(%arg10 : memref<!tpu.dma_semaphore, #tpu.memory_space<semaphore_mem>>)
      %add3A_772 = arith.constant 1 : i32
      %add3A_773 = arith.addi %add3A_52, %add3A_772 : i32
      %mul3A_774 = arith.constant 640 : i32
      %mul3A_775 = arith.muli %add3A_773, %mul3A_774 : i32
      %add3A_776 = arith.constant 0 : i32
      %add3A_777 = arith.addi %mul3A_775, %add3A_776 : i32
      %dma_wait3A_778 = arith.constant 0 : i32
      %dma_wait3A_779 = arith.constant 0 : i32
      %dma_wait3A_780 = tpu.memref_slice %arg7[%dma_wait3A_778, %dma_wait3A_779] : memref<640x32xf32, #tpu.memory_space<vmem>> -> memref<128x32xf32, #tpu.memory_space<vmem>>
      %dma_wait3A_781 = tpu.memref_slice %arg5[%add3A_777] : memref<10240xi32, #tpu.memory_space<vmem>> -> memref<128xi32, #tpu.memory_space<vmem>>
      %dma_wait3A_782 = arith.constant 0 : i32
      %dma_wait3A_783 = arith.constant 0 : i32
      %dma_wait3A_784 = tpu.memref_slice %arg3[%dma_wait3A_782, %dma_wait3A_783] : memref<100000x32xf32, #tpu.memory_space<hbm>> -> memref<100000x32xf32, #tpu.memory_space<hbm>>
      tpu.wait_indirect_dma semaphore(%arg9 : memref<!tpu.dma_semaphore, #tpu.memory_space<semaphore_mem>>) src(%dma_wait3A_784 : memref<100000x32xf32, #tpu.memory_space<hbm>>) dst(%dma_wait3A_780 : memref<128x32xf32, #tpu.memory_space<vmem>>)
      %mul3A_785 = arith.constant 640 : i32
      %mul3A_786 = arith.muli %add3A_773, %mul3A_785 : i32
      %add3A_787 = arith.constant 128 : i32
      %add3A_788 = arith.addi %mul3A_786, %add3A_787 : i32
      %dma_wait3A_789 = arith.constant 128 : i32
      %dma_wait3A_790 = arith.constant 0 : i32
      %dma_wait3A_791 = tpu.memref_slice %arg7[%dma_wait3A_789, %dma_wait3A_790] : memref<640x32xf32, #tpu.memory_space<vmem>> -> memref<128x32xf32, #tpu.memory_space<vmem>>
      %dma_wait3A_792 = tpu.memref_slice %arg5[%add3A_788] : memref<10240xi32, #tpu.memory_space<vmem>> -> memref<128xi32, #tpu.memory_space<vmem>>
      %dma_wait3A_793 = arith.constant 0 : i32
      %dma_wait3A_794 = arith.constant 0 : i32
      %dma_wait3A_795 = tpu.memref_slice %arg3[%dma_wait3A_793, %dma_wait3A_794] : memref<100000x32xf32, #tpu.memory_space<hbm>> -> memref<100000x32xf32, #tpu.memory_space<hbm>>
      tpu.wait_indirect_dma semaphore(%arg9 : memref<!tpu.dma_semaphore, #tpu.memory_space<semaphore_mem>>) src(%dma_wait3A_795 : memref<100000x32xf32, #tpu.memory_space<hbm>>) dst(%dma_wait3A_791 : memref<128x32xf32, #tpu.memory_space<vmem>>)
      %mul3A_796 = arith.constant 640 : i32
      %mul3A_797 = arith.muli %add3A_773, %mul3A_796 : i32
      %add3A_798 = arith.constant 256 : i32
      %add3A_799 = arith.addi %mul3A_797, %add3A_798 : i32
      %dma_wait3A_800 = arith.constant 256 : i32
      %dma_wait3A_801 = arith.constant 0 : i32
      %dma_wait3A_802 = tpu.memref_slice %arg7[%dma_wait3A_800, %dma_wait3A_801] : memref<640x32xf32, #tpu.memory_space<vmem>> -> memref<128x32xf32, #tpu.memory_space<vmem>>
      %dma_wait3A_803 = tpu.memref_slice %arg5[%add3A_799] : memref<10240xi32, #tpu.memory_space<vmem>> -> memref<128xi32, #tpu.memory_space<vmem>>
      %dma_wait3A_804 = arith.constant 0 : i32
      %dma_wait3A_805 = arith.constant 0 : i32
      %dma_wait3A_806 = tpu.memref_slice %arg3[%dma_wait3A_804, %dma_wait3A_805] : memref<100000x32xf32, #tpu.memory_space<hbm>> -> memref<100000x32xf32, #tpu.memory_space<hbm>>
      tpu.wait_indirect_dma semaphore(%arg9 : memref<!tpu.dma_semaphore, #tpu.memory_space<semaphore_mem>>) src(%dma_wait3A_806 : memref<100000x32xf32, #tpu.memory_space<hbm>>) dst(%dma_wait3A_802 : memref<128x32xf32, #tpu.memory_space<vmem>>)
      %mul3A_807 = arith.constant 640 : i32
      %mul3A_808 = arith.muli %add3A_773, %mul3A_807 : i32
      %add3A_809 = arith.constant 384 : i32
      %add3A_810 = arith.addi %mul3A_808, %add3A_809 : i32
      %dma_wait3A_811 = arith.constant 384 : i32
      %dma_wait3A_812 = arith.constant 0 : i32
      %dma_wait3A_813 = tpu.memref_slice %arg7[%dma_wait3A_811, %dma_wait3A_812] : memref<640x32xf32, #tpu.memory_space<vmem>> -> memref<128x32xf32, #tpu.memory_space<vmem>>
      %dma_wait3A_814 = tpu.memref_slice %arg5[%add3A_810] : memref<10240xi32, #tpu.memory_space<vmem>> -> memref<128xi32, #tpu.memory_space<vmem>>
      %dma_wait3A_815 = arith.constant 0 : i32
      %dma_wait3A_816 = arith.constant 0 : i32
      %dma_wait3A_817 = tpu.memref_slice %arg3[%dma_wait3A_815, %dma_wait3A_816] : memref<100000x32xf32, #tpu.memory_space<hbm>> -> memref<100000x32xf32, #tpu.memory_space<hbm>>
      tpu.wait_indirect_dma semaphore(%arg9 : memref<!tpu.dma_semaphore, #tpu.memory_space<semaphore_mem>>) src(%dma_wait3A_817 : memref<100000x32xf32, #tpu.memory_space<hbm>>) dst(%dma_wait3A_813 : memref<128x32xf32, #tpu.memory_space<vmem>>)
      %mul3A_818 = arith.constant 640 : i32
      %mul3A_819 = arith.muli %add3A_773, %mul3A_818 : i32
      %add3A_820 = arith.constant 512 : i32
      %add3A_821 = arith.addi %mul3A_819, %add3A_820 : i32
      %dma_wait3A_822 = arith.constant 512 : i32
      %dma_wait3A_823 = arith.constant 0 : i32
      %dma_wait3A_824 = tpu.memref_slice %arg7[%dma_wait3A_822, %dma_wait3A_823] : memref<640x32xf32, #tpu.memory_space<vmem>> -> memref<128x32xf32, #tpu.memory_space<vmem>>
      %dma_wait3A_825 = tpu.memref_slice %arg5[%add3A_821] : memref<10240xi32, #tpu.memory_space<vmem>> -> memref<128xi32, #tpu.memory_space<vmem>>
      %dma_wait3A_826 = arith.constant 0 : i32
      %dma_wait3A_827 = arith.constant 0 : i32
      %dma_wait3A_828 = tpu.memref_slice %arg3[%dma_wait3A_826, %dma_wait3A_827] : memref<100000x32xf32, #tpu.memory_space<hbm>> -> memref<100000x32xf32, #tpu.memory_space<hbm>>
      tpu.wait_indirect_dma semaphore(%arg9 : memref<!tpu.dma_semaphore, #tpu.memory_space<semaphore_mem>>) src(%dma_wait3A_828 : memref<100000x32xf32, #tpu.memory_space<hbm>>) dst(%dma_wait3A_824 : memref<128x32xf32, #tpu.memory_space<vmem>>)
      %add3A_829 = arith.constant 1 : i32
      %add3A_830 = arith.addi %add3A_52, %add3A_829 : i32
      %mul3A_831 = arith.constant 32 : i32
      %mul3A_832 = arith.muli %add3A_830, %mul3A_831 : i32
      %add3A_833 = arith.addi %mul3A_2, %mul3A_832 : i32
      %add3A_834 = arith.constant 0 : i32
      %add3A_835 = arith.addi %add3A_833, %add3A_834 : i32
      %dma_start3A_836 = arith.constant 0 : i32
      %dma_start3A_837 = arith.constant 0 : i32
      %dma_start3A_838 = tpu.memref_slice %arg7[%dma_start3A_836, %dma_start3A_837] : memref<640x32xf32, #tpu.memory_space<vmem>> -> memref<20x32xf32, #tpu.memory_space<vmem>>
      %dma_start3A_839 = arith.constant 0 : i32
      %dma_start3A_840 = arith.constant 0 : i32
      %dma_start3A_841 = tpu.memref_slice %arg4[%add3A_835, %dma_start3A_839, %dma_start3A_840] : memref<16384x20x32xf32, #tpu.memory_space<hbm>> -> memref<1x20x32xf32, #tpu.memory_space<hbm>>
      %dma_start3A_842 = tpu.memref_squeeze %dma_start3A_841 : memref<1x20x32xf32, #tpu.memory_space<hbm>> -> memref<20x32xf32, #tpu.memory_space<hbm>>
      %dma_start3A_843 = arith.constant 0 : i32
      %dma_start3A_844 = arith.constant 0 : i32
      %dma_start3A_845 = tpu.memref_slice %arg4[%add3A_835, %dma_start3A_843, %dma_start3A_844] : memref<16384x20x32xf32, #tpu.memory_space<hbm>> -> memref<1x20x32xf32, #tpu.memory_space<hbm>>
      %dma_start3A_846 = tpu.memref_squeeze %dma_start3A_845 : memref<1x20x32xf32, #tpu.memory_space<hbm>> -> memref<20x32xf32, #tpu.memory_space<hbm>>
      %dma_start3A_847 = arith.constant 0 : i32
      %dma_start3A_848 = arith.constant 0 : i32
      %dma_start3A_849 = tpu.memref_slice %arg7[%dma_start3A_847, %dma_start3A_848] : memref<640x32xf32, #tpu.memory_space<vmem>> -> memref<20x32xf32, #tpu.memory_space<vmem>>
      tpu.enqueue_dma source(%dma_start3A_849 : memref<20x32xf32, #tpu.memory_space<vmem>>) target(%dma_start3A_846 : memref<20x32xf32, #tpu.memory_space<hbm>>) target_semaphore(%arg11 : memref<!tpu.dma_semaphore, #tpu.memory_space<semaphore_mem>>)
      %mul3A_850 = arith.constant 32 : i32
      %mul3A_851 = arith.muli %add3A_830, %mul3A_850 : i32
      %add3A_852 = arith.addi %mul3A_2, %mul3A_851 : i32
      %add3A_853 = arith.constant 1 : i32
      %add3A_854 = arith.addi %add3A_852, %add3A_853 : i32
      %dma_start3A_855 = arith.constant 20 : i32
      %dma_start3A_856 = arith.constant 0 : i32
      %dma_start3A_857 = tpu.memref_slice %arg7[%dma_start3A_855, %dma_start3A_856] : memref<640x32xf32, #tpu.memory_space<vmem>> -> memref<20x32xf32, #tpu.memory_space<vmem>>
      %dma_start3A_858 = arith.constant 0 : i32
      %dma_start3A_859 = arith.constant 0 : i32
      %dma_start3A_860 = tpu.memref_slice %arg4[%add3A_854, %dma_start3A_858, %dma_start3A_859] : memref<16384x20x32xf32, #tpu.memory_space<hbm>> -> memref<1x20x32xf32, #tpu.memory_space<hbm>>
      %dma_start3A_861 = tpu.memref_squeeze %dma_start3A_860 : memref<1x20x32xf32, #tpu.memory_space<hbm>> -> memref<20x32xf32, #tpu.memory_space<hbm>>
      %dma_start3A_862 = arith.constant 0 : i32
      %dma_start3A_863 = arith.constant 0 : i32
      %dma_start3A_864 = tpu.memref_slice %arg4[%add3A_854, %dma_start3A_862, %dma_start3A_863] : memref<16384x20x32xf32, #tpu.memory_space<hbm>> -> memref<1x20x32xf32, #tpu.memory_space<hbm>>
      %dma_start3A_865 = tpu.memref_squeeze %dma_start3A_864 : memref<1x20x32xf32, #tpu.memory_space<hbm>> -> memref<20x32xf32, #tpu.memory_space<hbm>>
      %dma_start3A_866 = arith.constant 20 : i32
      %dma_start3A_867 = arith.constant 0 : i32
      %dma_start3A_868 = tpu.memref_slice %arg7[%dma_start3A_866, %dma_start3A_867] : memref<640x32xf32, #tpu.memory_space<vmem>> -> memref<20x32xf32, #tpu.memory_space<vmem>>
      tpu.enqueue_dma source(%dma_start3A_868 : memref<20x32xf32, #tpu.memory_space<vmem>>) target(%dma_start3A_865 : memref<20x32xf32, #tpu.memory_space<hbm>>) target_semaphore(%arg11 : memref<!tpu.dma_semaphore, #tpu.memory_space<semaphore_mem>>)
      %mul3A_869 = arith.constant 32 : i32
      %mul3A_870 = arith.muli %add3A_830, %mul3A_869 : i32
      %add3A_871 = arith.addi %mul3A_2, %mul3A_870 : i32
      %add3A_872 = arith.constant 2 : i32
      %add3A_873 = arith.addi %add3A_871, %add3A_872 : i32
      %dma_start3A_874 = arith.constant 40 : i32
      %dma_start3A_875 = arith.constant 0 : i32
      %dma_start3A_876 = tpu.memref_slice %arg7[%dma_start3A_874, %dma_start3A_875] : memref<640x32xf32, #tpu.memory_space<vmem>> -> memref<20x32xf32, #tpu.memory_space<vmem>>
      %dma_start3A_877 = arith.constant 0 : i32
      %dma_start3A_878 = arith.constant 0 : i32
      %dma_start3A_879 = tpu.memref_slice %arg4[%add3A_873, %dma_start3A_877, %dma_start3A_878] : memref<16384x20x32xf32, #tpu.memory_space<hbm>> -> memref<1x20x32xf32, #tpu.memory_space<hbm>>
      %dma_start3A_880 = tpu.memref_squeeze %dma_start3A_879 : memref<1x20x32xf32, #tpu.memory_space<hbm>> -> memref<20x32xf32, #tpu.memory_space<hbm>>
      %dma_start3A_881 = arith.constant 0 : i32
      %dma_start3A_882 = arith.constant 0 : i32
      %dma_start3A_883 = tpu.memref_slice %arg4[%add3A_873, %dma_start3A_881, %dma_start3A_882] : memref<16384x20x32xf32, #tpu.memory_space<hbm>> -> memref<1x20x32xf32, #tpu.memory_space<hbm>>
      %dma_start3A_884 = tpu.memref_squeeze %dma_start3A_883 : memref<1x20x32xf32, #tpu.memory_space<hbm>> -> memref<20x32xf32, #tpu.memory_space<hbm>>
      %dma_start3A_885 = arith.constant 40 : i32
      %dma_start3A_886 = arith.constant 0 : i32
      %dma_start3A_887 = tpu.memref_slice %arg7[%dma_start3A_885, %dma_start3A_886] : memref<640x32xf32, #tpu.memory_space<vmem>> -> memref<20x32xf32, #tpu.memory_space<vmem>>
      tpu.enqueue_dma source(%dma_start3A_887 : memref<20x32xf32, #tpu.memory_space<vmem>>) target(%dma_start3A_884 : memref<20x32xf32, #tpu.memory_space<hbm>>) target_semaphore(%arg11 : memref<!tpu.dma_semaphore, #tpu.memory_space<semaphore_mem>>)
      %mul3A_888 = arith.constant 32 : i32
      %mul3A_889 = arith.muli %add3A_830, %mul3A_888 : i32
      %add3A_890 = arith.addi %mul3A_2, %mul3A_889 : i32
      %add3A_891 = arith.constant 3 : i32
      %add3A_892 = arith.addi %add3A_890, %add3A_891 : i32
      %dma_start3A_893 = arith.constant 60 : i32
      %dma_start3A_894 = arith.constant 0 : i32
      %dma_start3A_895 = tpu.memref_slice %arg7[%dma_start3A_893, %dma_start3A_894] : memref<640x32xf32, #tpu.memory_space<vmem>> -> memref<20x32xf32, #tpu.memory_space<vmem>>
      %dma_start3A_896 = arith.constant 0 : i32
      %dma_start3A_897 = arith.constant 0 : i32
      %dma_start3A_898 = tpu.memref_slice %arg4[%add3A_892, %dma_start3A_896, %dma_start3A_897] : memref<16384x20x32xf32, #tpu.memory_space<hbm>> -> memref<1x20x32xf32, #tpu.memory_space<hbm>>
      %dma_start3A_899 = tpu.memref_squeeze %dma_start3A_898 : memref<1x20x32xf32, #tpu.memory_space<hbm>> -> memref<20x32xf32, #tpu.memory_space<hbm>>
      %dma_start3A_900 = arith.constant 0 : i32
      %dma_start3A_901 = arith.constant 0 : i32
      %dma_start3A_902 = tpu.memref_slice %arg4[%add3A_892, %dma_start3A_900, %dma_start3A_901] : memref<16384x20x32xf32, #tpu.memory_space<hbm>> -> memref<1x20x32xf32, #tpu.memory_space<hbm>>
      %dma_start3A_903 = tpu.memref_squeeze %dma_start3A_902 : memref<1x20x32xf32, #tpu.memory_space<hbm>> -> memref<20x32xf32, #tpu.memory_space<hbm>>
      %dma_start3A_904 = arith.constant 60 : i32
      %dma_start3A_905 = arith.constant 0 : i32
      %dma_start3A_906 = tpu.memref_slice %arg7[%dma_start3A_904, %dma_start3A_905] : memref<640x32xf32, #tpu.memory_space<vmem>> -> memref<20x32xf32, #tpu.memory_space<vmem>>
      tpu.enqueue_dma source(%dma_start3A_906 : memref<20x32xf32, #tpu.memory_space<vmem>>) target(%dma_start3A_903 : memref<20x32xf32, #tpu.memory_space<hbm>>) target_semaphore(%arg11 : memref<!tpu.dma_semaphore, #tpu.memory_space<semaphore_mem>>)
      %mul3A_907 = arith.constant 32 : i32
      %mul3A_908 = arith.muli %add3A_830, %mul3A_907 : i32
      %add3A_909 = arith.addi %mul3A_2, %mul3A_908 : i32
      %add3A_910 = arith.constant 4 : i32
      %add3A_911 = arith.addi %add3A_909, %add3A_910 : i32
      %dma_start3A_912 = arith.constant 80 : i32
      %dma_start3A_913 = arith.constant 0 : i32
      %dma_start3A_914 = tpu.memref_slice %arg7[%dma_start3A_912, %dma_start3A_913] : memref<640x32xf32, #tpu.memory_space<vmem>> -> memref<20x32xf32, #tpu.memory_space<vmem>>
      %dma_start3A_915 = arith.constant 0 : i32
      %dma_start3A_916 = arith.constant 0 : i32
      %dma_start3A_917 = tpu.memref_slice %arg4[%add3A_911, %dma_start3A_915, %dma_start3A_916] : memref<16384x20x32xf32, #tpu.memory_space<hbm>> -> memref<1x20x32xf32, #tpu.memory_space<hbm>>
      %dma_start3A_918 = tpu.memref_squeeze %dma_start3A_917 : memref<1x20x32xf32, #tpu.memory_space<hbm>> -> memref<20x32xf32, #tpu.memory_space<hbm>>
      %dma_start3A_919 = arith.constant 0 : i32
      %dma_start3A_920 = arith.constant 0 : i32
      %dma_start3A_921 = tpu.memref_slice %arg4[%add3A_911, %dma_start3A_919, %dma_start3A_920] : memref<16384x20x32xf32, #tpu.memory_space<hbm>> -> memref<1x20x32xf32, #tpu.memory_space<hbm>>
      %dma_start3A_922 = tpu.memref_squeeze %dma_start3A_921 : memref<1x20x32xf32, #tpu.memory_space<hbm>> -> memref<20x32xf32, #tpu.memory_space<hbm>>
      %dma_start3A_923 = arith.constant 80 : i32
      %dma_start3A_924 = arith.constant 0 : i32
      %dma_start3A_925 = tpu.memref_slice %arg7[%dma_start3A_923, %dma_start3A_924] : memref<640x32xf32, #tpu.memory_space<vmem>> -> memref<20x32xf32, #tpu.memory_space<vmem>>
      tpu.enqueue_dma source(%dma_start3A_925 : memref<20x32xf32, #tpu.memory_space<vmem>>) target(%dma_start3A_922 : memref<20x32xf32, #tpu.memory_space<hbm>>) target_semaphore(%arg11 : memref<!tpu.dma_semaphore, #tpu.memory_space<semaphore_mem>>)
      %mul3A_926 = arith.constant 32 : i32
      %mul3A_927 = arith.muli %add3A_830, %mul3A_926 : i32
      %add3A_928 = arith.addi %mul3A_2, %mul3A_927 : i32
      %add3A_929 = arith.constant 5 : i32
      %add3A_930 = arith.addi %add3A_928, %add3A_929 : i32
      %dma_start3A_931 = arith.constant 100 : i32
      %dma_start3A_932 = arith.constant 0 : i32
      %dma_start3A_933 = tpu.memref_slice %arg7[%dma_start3A_931, %dma_start3A_932] : memref<640x32xf32, #tpu.memory_space<vmem>> -> memref<20x32xf32, #tpu.memory_space<vmem>>
      %dma_start3A_934 = arith.constant 0 : i32
      %dma_start3A_935 = arith.constant 0 : i32
      %dma_start3A_936 = tpu.memref_slice %arg4[%add3A_930, %dma_start3A_934, %dma_start3A_935] : memref<16384x20x32xf32, #tpu.memory_space<hbm>> -> memref<1x20x32xf32, #tpu.memory_space<hbm>>
      %dma_start3A_937 = tpu.memref_squeeze %dma_start3A_936 : memref<1x20x32xf32, #tpu.memory_space<hbm>> -> memref<20x32xf32, #tpu.memory_space<hbm>>
      %dma_start3A_938 = arith.constant 0 : i32
      %dma_start3A_939 = arith.constant 0 : i32
      %dma_start3A_940 = tpu.memref_slice %arg4[%add3A_930, %dma_start3A_938, %dma_start3A_939] : memref<16384x20x32xf32, #tpu.memory_space<hbm>> -> memref<1x20x32xf32, #tpu.memory_space<hbm>>
      %dma_start3A_941 = tpu.memref_squeeze %dma_start3A_940 : memref<1x20x32xf32, #tpu.memory_space<hbm>> -> memref<20x32xf32, #tpu.memory_space<hbm>>
      %dma_start3A_942 = arith.constant 100 : i32
      %dma_start3A_943 = arith.constant 0 : i32
      %dma_start3A_944 = tpu.memref_slice %arg7[%dma_start3A_942, %dma_start3A_943] : memref<640x32xf32, #tpu.memory_space<vmem>> -> memref<20x32xf32, #tpu.memory_space<vmem>>
      tpu.enqueue_dma source(%dma_start3A_944 : memref<20x32xf32, #tpu.memory_space<vmem>>) target(%dma_start3A_941 : memref<20x32xf32, #tpu.memory_space<hbm>>) target_semaphore(%arg11 : memref<!tpu.dma_semaphore, #tpu.memory_space<semaphore_mem>>)
      %mul3A_945 = arith.constant 32 : i32
      %mul3A_946 = arith.muli %add3A_830, %mul3A_945 : i32
      %add3A_947 = arith.addi %mul3A_2, %mul3A_946 : i32
      %add3A_948 = arith.constant 6 : i32
      %add3A_949 = arith.addi %add3A_947, %add3A_948 : i32
      %dma_start3A_950 = arith.constant 120 : i32
      %dma_start3A_951 = arith.constant 0 : i32
      %dma_start3A_952 = tpu.memref_slice %arg7[%dma_start3A_950, %dma_start3A_951] : memref<640x32xf32, #tpu.memory_space<vmem>> -> memref<20x32xf32, #tpu.memory_space<vmem>>
      %dma_start3A_953 = arith.constant 0 : i32
      %dma_start3A_954 = arith.constant 0 : i32
      %dma_start3A_955 = tpu.memref_slice %arg4[%add3A_949, %dma_start3A_953, %dma_start3A_954] : memref<16384x20x32xf32, #tpu.memory_space<hbm>> -> memref<1x20x32xf32, #tpu.memory_space<hbm>>
      %dma_start3A_956 = tpu.memref_squeeze %dma_start3A_955 : memref<1x20x32xf32, #tpu.memory_space<hbm>> -> memref<20x32xf32, #tpu.memory_space<hbm>>
      %dma_start3A_957 = arith.constant 0 : i32
      %dma_start3A_958 = arith.constant 0 : i32
      %dma_start3A_959 = tpu.memref_slice %arg4[%add3A_949, %dma_start3A_957, %dma_start3A_958] : memref<16384x20x32xf32, #tpu.memory_space<hbm>> -> memref<1x20x32xf32, #tpu.memory_space<hbm>>
      %dma_start3A_960 = tpu.memref_squeeze %dma_start3A_959 : memref<1x20x32xf32, #tpu.memory_space<hbm>> -> memref<20x32xf32, #tpu.memory_space<hbm>>
      %dma_start3A_961 = arith.constant 120 : i32
      %dma_start3A_962 = arith.constant 0 : i32
      %dma_start3A_963 = tpu.memref_slice %arg7[%dma_start3A_961, %dma_start3A_962] : memref<640x32xf32, #tpu.memory_space<vmem>> -> memref<20x32xf32, #tpu.memory_space<vmem>>
      tpu.enqueue_dma source(%dma_start3A_963 : memref<20x32xf32, #tpu.memory_space<vmem>>) target(%dma_start3A_960 : memref<20x32xf32, #tpu.memory_space<hbm>>) target_semaphore(%arg11 : memref<!tpu.dma_semaphore, #tpu.memory_space<semaphore_mem>>)
      %mul3A_964 = arith.constant 32 : i32
      %mul3A_965 = arith.muli %add3A_830, %mul3A_964 : i32
      %add3A_966 = arith.addi %mul3A_2, %mul3A_965 : i32
      %add3A_967 = arith.constant 7 : i32
      %add3A_968 = arith.addi %add3A_966, %add3A_967 : i32
      %dma_start3A_969 = arith.constant 140 : i32
      %dma_start3A_970 = arith.constant 0 : i32
      %dma_start3A_971 = tpu.memref_slice %arg7[%dma_start3A_969, %dma_start3A_970] : memref<640x32xf32, #tpu.memory_space<vmem>> -> memref<20x32xf32, #tpu.memory_space<vmem>>
      %dma_start3A_972 = arith.constant 0 : i32
      %dma_start3A_973 = arith.constant 0 : i32
      %dma_start3A_974 = tpu.memref_slice %arg4[%add3A_968, %dma_start3A_972, %dma_start3A_973] : memref<16384x20x32xf32, #tpu.memory_space<hbm>> -> memref<1x20x32xf32, #tpu.memory_space<hbm>>
      %dma_start3A_975 = tpu.memref_squeeze %dma_start3A_974 : memref<1x20x32xf32, #tpu.memory_space<hbm>> -> memref<20x32xf32, #tpu.memory_space<hbm>>
      %dma_start3A_976 = arith.constant 0 : i32
      %dma_start3A_977 = arith.constant 0 : i32
      %dma_start3A_978 = tpu.memref_slice %arg4[%add3A_968, %dma_start3A_976, %dma_start3A_977] : memref<16384x20x32xf32, #tpu.memory_space<hbm>> -> memref<1x20x32xf32, #tpu.memory_space<hbm>>
      %dma_start3A_979 = tpu.memref_squeeze %dma_start3A_978 : memref<1x20x32xf32, #tpu.memory_space<hbm>> -> memref<20x32xf32, #tpu.memory_space<hbm>>
      %dma_start3A_980 = arith.constant 140 : i32
      %dma_start3A_981 = arith.constant 0 : i32
      %dma_start3A_982 = tpu.memref_slice %arg7[%dma_start3A_980, %dma_start3A_981] : memref<640x32xf32, #tpu.memory_space<vmem>> -> memref<20x32xf32, #tpu.memory_space<vmem>>
      tpu.enqueue_dma source(%dma_start3A_982 : memref<20x32xf32, #tpu.memory_space<vmem>>) target(%dma_start3A_979 : memref<20x32xf32, #tpu.memory_space<hbm>>) target_semaphore(%arg11 : memref<!tpu.dma_semaphore, #tpu.memory_space<semaphore_mem>>)
      %mul3A_983 = arith.constant 32 : i32
      %mul3A_984 = arith.muli %add3A_830, %mul3A_983 : i32
      %add3A_985 = arith.addi %mul3A_2, %mul3A_984 : i32
      %add3A_986 = arith.constant 8 : i32
      %add3A_987 = arith.addi %add3A_985, %add3A_986 : i32
      %dma_start3A_988 = arith.constant 160 : i32
      %dma_start3A_989 = arith.constant 0 : i32
      %dma_start3A_990 = tpu.memref_slice %arg7[%dma_start3A_988, %dma_start3A_989] : memref<640x32xf32, #tpu.memory_space<vmem>> -> memref<20x32xf32, #tpu.memory_space<vmem>>
      %dma_start3A_991 = arith.constant 0 : i32
      %dma_start3A_992 = arith.constant 0 : i32
      %dma_start3A_993 = tpu.memref_slice %arg4[%add3A_987, %dma_start3A_991, %dma_start3A_992] : memref<16384x20x32xf32, #tpu.memory_space<hbm>> -> memref<1x20x32xf32, #tpu.memory_space<hbm>>
      %dma_start3A_994 = tpu.memref_squeeze %dma_start3A_993 : memref<1x20x32xf32, #tpu.memory_space<hbm>> -> memref<20x32xf32, #tpu.memory_space<hbm>>
      %dma_start3A_995 = arith.constant 0 : i32
      %dma_start3A_996 = arith.constant 0 : i32
      %dma_start3A_997 = tpu.memref_slice %arg4[%add3A_987, %dma_start3A_995, %dma_start3A_996] : memref<16384x20x32xf32, #tpu.memory_space<hbm>> -> memref<1x20x32xf32, #tpu.memory_space<hbm>>
      %dma_start3A_998 = tpu.memref_squeeze %dma_start3A_997 : memref<1x20x32xf32, #tpu.memory_space<hbm>> -> memref<20x32xf32, #tpu.memory_space<hbm>>
      %dma_start3A_999 = arith.constant 160 : i32
      %dma_start3A_1000 = arith.constant 0 : i32
      %dma_start3A_1001 = tpu.memref_slice %arg7[%dma_start3A_999, %dma_start3A_1000] : memref<640x32xf32, #tpu.memory_space<vmem>> -> memref<20x32xf32, #tpu.memory_space<vmem>>
      tpu.enqueue_dma source(%dma_start3A_1001 : memref<20x32xf32, #tpu.memory_space<vmem>>) target(%dma_start3A_998 : memref<20x32xf32, #tpu.memory_space<hbm>>) target_semaphore(%arg11 : memref<!tpu.dma_semaphore, #tpu.memory_space<semaphore_mem>>)
      %mul3A_1002 = arith.constant 32 : i32
      %mul3A_1003 = arith.muli %add3A_830, %mul3A_1002 : i32
      %add3A_1004 = arith.addi %mul3A_2, %mul3A_1003 : i32
      %add3A_1005 = arith.constant 9 : i32
      %add3A_1006 = arith.addi %add3A_1004, %add3A_1005 : i32
      %dma_start3A_1007 = arith.constant 180 : i32
      %dma_start3A_1008 = arith.constant 0 : i32
      %dma_start3A_1009 = tpu.memref_slice %arg7[%dma_start3A_1007, %dma_start3A_1008] : memref<640x32xf32, #tpu.memory_space<vmem>> -> memref<20x32xf32, #tpu.memory_space<vmem>>
      %dma_start3A_1010 = arith.constant 0 : i32
      %dma_start3A_1011 = arith.constant 0 : i32
      %dma_start3A_1012 = tpu.memref_slice %arg4[%add3A_1006, %dma_start3A_1010, %dma_start3A_1011] : memref<16384x20x32xf32, #tpu.memory_space<hbm>> -> memref<1x20x32xf32, #tpu.memory_space<hbm>>
      %dma_start3A_1013 = tpu.memref_squeeze %dma_start3A_1012 : memref<1x20x32xf32, #tpu.memory_space<hbm>> -> memref<20x32xf32, #tpu.memory_space<hbm>>
      %dma_start3A_1014 = arith.constant 0 : i32
      %dma_start3A_1015 = arith.constant 0 : i32
      %dma_start3A_1016 = tpu.memref_slice %arg4[%add3A_1006, %dma_start3A_1014, %dma_start3A_1015] : memref<16384x20x32xf32, #tpu.memory_space<hbm>> -> memref<1x20x32xf32, #tpu.memory_space<hbm>>
      %dma_start3A_1017 = tpu.memref_squeeze %dma_start3A_1016 : memref<1x20x32xf32, #tpu.memory_space<hbm>> -> memref<20x32xf32, #tpu.memory_space<hbm>>
      %dma_start3A_1018 = arith.constant 180 : i32
      %dma_start3A_1019 = arith.constant 0 : i32
      %dma_start3A_1020 = tpu.memref_slice %arg7[%dma_start3A_1018, %dma_start3A_1019] : memref<640x32xf32, #tpu.memory_space<vmem>> -> memref<20x32xf32, #tpu.memory_space<vmem>>
      tpu.enqueue_dma source(%dma_start3A_1020 : memref<20x32xf32, #tpu.memory_space<vmem>>) target(%dma_start3A_1017 : memref<20x32xf32, #tpu.memory_space<hbm>>) target_semaphore(%arg11 : memref<!tpu.dma_semaphore, #tpu.memory_space<semaphore_mem>>)
      %mul3A_1021 = arith.constant 32 : i32
      %mul3A_1022 = arith.muli %add3A_830, %mul3A_1021 : i32
      %add3A_1023 = arith.addi %mul3A_2, %mul3A_1022 : i32
      %add3A_1024 = arith.constant 10 : i32
      %add3A_1025 = arith.addi %add3A_1023, %add3A_1024 : i32
      %dma_start3A_1026 = arith.constant 200 : i32
      %dma_start3A_1027 = arith.constant 0 : i32
      %dma_start3A_1028 = tpu.memref_slice %arg7[%dma_start3A_1026, %dma_start3A_1027] : memref<640x32xf32, #tpu.memory_space<vmem>> -> memref<20x32xf32, #tpu.memory_space<vmem>>
      %dma_start3A_1029 = arith.constant 0 : i32
      %dma_start3A_1030 = arith.constant 0 : i32
      %dma_start3A_1031 = tpu.memref_slice %arg4[%add3A_1025, %dma_start3A_1029, %dma_start3A_1030] : memref<16384x20x32xf32, #tpu.memory_space<hbm>> -> memref<1x20x32xf32, #tpu.memory_space<hbm>>
      %dma_start3A_1032 = tpu.memref_squeeze %dma_start3A_1031 : memref<1x20x32xf32, #tpu.memory_space<hbm>> -> memref<20x32xf32, #tpu.memory_space<hbm>>
      %dma_start3A_1033 = arith.constant 0 : i32
      %dma_start3A_1034 = arith.constant 0 : i32
      %dma_start3A_1035 = tpu.memref_slice %arg4[%add3A_1025, %dma_start3A_1033, %dma_start3A_1034] : memref<16384x20x32xf32, #tpu.memory_space<hbm>> -> memref<1x20x32xf32, #tpu.memory_space<hbm>>
      %dma_start3A_1036 = tpu.memref_squeeze %dma_start3A_1035 : memref<1x20x32xf32, #tpu.memory_space<hbm>> -> memref<20x32xf32, #tpu.memory_space<hbm>>
      %dma_start3A_1037 = arith.constant 200 : i32
      %dma_start3A_1038 = arith.constant 0 : i32
      %dma_start3A_1039 = tpu.memref_slice %arg7[%dma_start3A_1037, %dma_start3A_1038] : memref<640x32xf32, #tpu.memory_space<vmem>> -> memref<20x32xf32, #tpu.memory_space<vmem>>
      tpu.enqueue_dma source(%dma_start3A_1039 : memref<20x32xf32, #tpu.memory_space<vmem>>) target(%dma_start3A_1036 : memref<20x32xf32, #tpu.memory_space<hbm>>) target_semaphore(%arg11 : memref<!tpu.dma_semaphore, #tpu.memory_space<semaphore_mem>>)
      %mul3A_1040 = arith.constant 32 : i32
      %mul3A_1041 = arith.muli %add3A_830, %mul3A_1040 : i32
      %add3A_1042 = arith.addi %mul3A_2, %mul3A_1041 : i32
      %add3A_1043 = arith.constant 11 : i32
      %add3A_1044 = arith.addi %add3A_1042, %add3A_1043 : i32
      %dma_start3A_1045 = arith.constant 220 : i32
      %dma_start3A_1046 = arith.constant 0 : i32
      %dma_start3A_1047 = tpu.memref_slice %arg7[%dma_start3A_1045, %dma_start3A_1046] : memref<640x32xf32, #tpu.memory_space<vmem>> -> memref<20x32xf32, #tpu.memory_space<vmem>>
      %dma_start3A_1048 = arith.constant 0 : i32
      %dma_start3A_1049 = arith.constant 0 : i32
      %dma_start3A_1050 = tpu.memref_slice %arg4[%add3A_1044, %dma_start3A_1048, %dma_start3A_1049] : memref<16384x20x32xf32, #tpu.memory_space<hbm>> -> memref<1x20x32xf32, #tpu.memory_space<hbm>>
      %dma_start3A_1051 = tpu.memref_squeeze %dma_start3A_1050 : memref<1x20x32xf32, #tpu.memory_space<hbm>> -> memref<20x32xf32, #tpu.memory_space<hbm>>
      %dma_start3A_1052 = arith.constant 0 : i32
      %dma_start3A_1053 = arith.constant 0 : i32
      %dma_start3A_1054 = tpu.memref_slice %arg4[%add3A_1044, %dma_start3A_1052, %dma_start3A_1053] : memref<16384x20x32xf32, #tpu.memory_space<hbm>> -> memref<1x20x32xf32, #tpu.memory_space<hbm>>
      %dma_start3A_1055 = tpu.memref_squeeze %dma_start3A_1054 : memref<1x20x32xf32, #tpu.memory_space<hbm>> -> memref<20x32xf32, #tpu.memory_space<hbm>>
      %dma_start3A_1056 = arith.constant 220 : i32
      %dma_start3A_1057 = arith.constant 0 : i32
      %dma_start3A_1058 = tpu.memref_slice %arg7[%dma_start3A_1056, %dma_start3A_1057] : memref<640x32xf32, #tpu.memory_space<vmem>> -> memref<20x32xf32, #tpu.memory_space<vmem>>
      tpu.enqueue_dma source(%dma_start3A_1058 : memref<20x32xf32, #tpu.memory_space<vmem>>) target(%dma_start3A_1055 : memref<20x32xf32, #tpu.memory_space<hbm>>) target_semaphore(%arg11 : memref<!tpu.dma_semaphore, #tpu.memory_space<semaphore_mem>>)
      %mul3A_1059 = arith.constant 32 : i32
      %mul3A_1060 = arith.muli %add3A_830, %mul3A_1059 : i32
      %add3A_1061 = arith.addi %mul3A_2, %mul3A_1060 : i32
      %add3A_1062 = arith.constant 12 : i32
      %add3A_1063 = arith.addi %add3A_1061, %add3A_1062 : i32
      %dma_start3A_1064 = arith.constant 240 : i32
      %dma_start3A_1065 = arith.constant 0 : i32
      %dma_start3A_1066 = tpu.memref_slice %arg7[%dma_start3A_1064, %dma_start3A_1065] : memref<640x32xf32, #tpu.memory_space<vmem>> -> memref<20x32xf32, #tpu.memory_space<vmem>>
      %dma_start3A_1067 = arith.constant 0 : i32
      %dma_start3A_1068 = arith.constant 0 : i32
      %dma_start3A_1069 = tpu.memref_slice %arg4[%add3A_1063, %dma_start3A_1067, %dma_start3A_1068] : memref<16384x20x32xf32, #tpu.memory_space<hbm>> -> memref<1x20x32xf32, #tpu.memory_space<hbm>>
      %dma_start3A_1070 = tpu.memref_squeeze %dma_start3A_1069 : memref<1x20x32xf32, #tpu.memory_space<hbm>> -> memref<20x32xf32, #tpu.memory_space<hbm>>
      %dma_start3A_1071 = arith.constant 0 : i32
      %dma_start3A_1072 = arith.constant 0 : i32
      %dma_start3A_1073 = tpu.memref_slice %arg4[%add3A_1063, %dma_start3A_1071, %dma_start3A_1072] : memref<16384x20x32xf32, #tpu.memory_space<hbm>> -> memref<1x20x32xf32, #tpu.memory_space<hbm>>
      %dma_start3A_1074 = tpu.memref_squeeze %dma_start3A_1073 : memref<1x20x32xf32, #tpu.memory_space<hbm>> -> memref<20x32xf32, #tpu.memory_space<hbm>>
      %dma_start3A_1075 = arith.constant 240 : i32
      %dma_start3A_1076 = arith.constant 0 : i32
      %dma_start3A_1077 = tpu.memref_slice %arg7[%dma_start3A_1075, %dma_start3A_1076] : memref<640x32xf32, #tpu.memory_space<vmem>> -> memref<20x32xf32, #tpu.memory_space<vmem>>
      tpu.enqueue_dma source(%dma_start3A_1077 : memref<20x32xf32, #tpu.memory_space<vmem>>) target(%dma_start3A_1074 : memref<20x32xf32, #tpu.memory_space<hbm>>) target_semaphore(%arg11 : memref<!tpu.dma_semaphore, #tpu.memory_space<semaphore_mem>>)
      %mul3A_1078 = arith.constant 32 : i32
      %mul3A_1079 = arith.muli %add3A_830, %mul3A_1078 : i32
      %add3A_1080 = arith.addi %mul3A_2, %mul3A_1079 : i32
      %add3A_1081 = arith.constant 13 : i32
      %add3A_1082 = arith.addi %add3A_1080, %add3A_1081 : i32
      %dma_start3A_1083 = arith.constant 260 : i32
      %dma_start3A_1084 = arith.constant 0 : i32
      %dma_start3A_1085 = tpu.memref_slice %arg7[%dma_start3A_1083, %dma_start3A_1084] : memref<640x32xf32, #tpu.memory_space<vmem>> -> memref<20x32xf32, #tpu.memory_space<vmem>>
      %dma_start3A_1086 = arith.constant 0 : i32
      %dma_start3A_1087 = arith.constant 0 : i32
      %dma_start3A_1088 = tpu.memref_slice %arg4[%add3A_1082, %dma_start3A_1086, %dma_start3A_1087] : memref<16384x20x32xf32, #tpu.memory_space<hbm>> -> memref<1x20x32xf32, #tpu.memory_space<hbm>>
      %dma_start3A_1089 = tpu.memref_squeeze %dma_start3A_1088 : memref<1x20x32xf32, #tpu.memory_space<hbm>> -> memref<20x32xf32, #tpu.memory_space<hbm>>
      %dma_start3A_1090 = arith.constant 0 : i32
      %dma_start3A_1091 = arith.constant 0 : i32
      %dma_start3A_1092 = tpu.memref_slice %arg4[%add3A_1082, %dma_start3A_1090, %dma_start3A_1091] : memref<16384x20x32xf32, #tpu.memory_space<hbm>> -> memref<1x20x32xf32, #tpu.memory_space<hbm>>
      %dma_start3A_1093 = tpu.memref_squeeze %dma_start3A_1092 : memref<1x20x32xf32, #tpu.memory_space<hbm>> -> memref<20x32xf32, #tpu.memory_space<hbm>>
      %dma_start3A_1094 = arith.constant 260 : i32
      %dma_start3A_1095 = arith.constant 0 : i32
      %dma_start3A_1096 = tpu.memref_slice %arg7[%dma_start3A_1094, %dma_start3A_1095] : memref<640x32xf32, #tpu.memory_space<vmem>> -> memref<20x32xf32, #tpu.memory_space<vmem>>
      tpu.enqueue_dma source(%dma_start3A_1096 : memref<20x32xf32, #tpu.memory_space<vmem>>) target(%dma_start3A_1093 : memref<20x32xf32, #tpu.memory_space<hbm>>) target_semaphore(%arg11 : memref<!tpu.dma_semaphore, #tpu.memory_space<semaphore_mem>>)
      %mul3A_1097 = arith.constant 32 : i32
      %mul3A_1098 = arith.muli %add3A_830, %mul3A_1097 : i32
      %add3A_1099 = arith.addi %mul3A_2, %mul3A_1098 : i32
      %add3A_1100 = arith.constant 14 : i32
      %add3A_1101 = arith.addi %add3A_1099, %add3A_1100 : i32
      %dma_start3A_1102 = arith.constant 280 : i32
      %dma_start3A_1103 = arith.constant 0 : i32
      %dma_start3A_1104 = tpu.memref_slice %arg7[%dma_start3A_1102, %dma_start3A_1103] : memref<640x32xf32, #tpu.memory_space<vmem>> -> memref<20x32xf32, #tpu.memory_space<vmem>>
      %dma_start3A_1105 = arith.constant 0 : i32
      %dma_start3A_1106 = arith.constant 0 : i32
      %dma_start3A_1107 = tpu.memref_slice %arg4[%add3A_1101, %dma_start3A_1105, %dma_start3A_1106] : memref<16384x20x32xf32, #tpu.memory_space<hbm>> -> memref<1x20x32xf32, #tpu.memory_space<hbm>>
      %dma_start3A_1108 = tpu.memref_squeeze %dma_start3A_1107 : memref<1x20x32xf32, #tpu.memory_space<hbm>> -> memref<20x32xf32, #tpu.memory_space<hbm>>
      %dma_start3A_1109 = arith.constant 0 : i32
      %dma_start3A_1110 = arith.constant 0 : i32
      %dma_start3A_1111 = tpu.memref_slice %arg4[%add3A_1101, %dma_start3A_1109, %dma_start3A_1110] : memref<16384x20x32xf32, #tpu.memory_space<hbm>> -> memref<1x20x32xf32, #tpu.memory_space<hbm>>
      %dma_start3A_1112 = tpu.memref_squeeze %dma_start3A_1111 : memref<1x20x32xf32, #tpu.memory_space<hbm>> -> memref<20x32xf32, #tpu.memory_space<hbm>>
      %dma_start3A_1113 = arith.constant 280 : i32
      %dma_start3A_1114 = arith.constant 0 : i32
      %dma_start3A_1115 = tpu.memref_slice %arg7[%dma_start3A_1113, %dma_start3A_1114] : memref<640x32xf32, #tpu.memory_space<vmem>> -> memref<20x32xf32, #tpu.memory_space<vmem>>
      tpu.enqueue_dma source(%dma_start3A_1115 : memref<20x32xf32, #tpu.memory_space<vmem>>) target(%dma_start3A_1112 : memref<20x32xf32, #tpu.memory_space<hbm>>) target_semaphore(%arg11 : memref<!tpu.dma_semaphore, #tpu.memory_space<semaphore_mem>>)
      %mul3A_1116 = arith.constant 32 : i32
      %mul3A_1117 = arith.muli %add3A_830, %mul3A_1116 : i32
      %add3A_1118 = arith.addi %mul3A_2, %mul3A_1117 : i32
      %add3A_1119 = arith.constant 15 : i32
      %add3A_1120 = arith.addi %add3A_1118, %add3A_1119 : i32
      %dma_start3A_1121 = arith.constant 300 : i32
      %dma_start3A_1122 = arith.constant 0 : i32
      %dma_start3A_1123 = tpu.memref_slice %arg7[%dma_start3A_1121, %dma_start3A_1122] : memref<640x32xf32, #tpu.memory_space<vmem>> -> memref<20x32xf32, #tpu.memory_space<vmem>>
      %dma_start3A_1124 = arith.constant 0 : i32
      %dma_start3A_1125 = arith.constant 0 : i32
      %dma_start3A_1126 = tpu.memref_slice %arg4[%add3A_1120, %dma_start3A_1124, %dma_start3A_1125] : memref<16384x20x32xf32, #tpu.memory_space<hbm>> -> memref<1x20x32xf32, #tpu.memory_space<hbm>>
      %dma_start3A_1127 = tpu.memref_squeeze %dma_start3A_1126 : memref<1x20x32xf32, #tpu.memory_space<hbm>> -> memref<20x32xf32, #tpu.memory_space<hbm>>
      %dma_start3A_1128 = arith.constant 0 : i32
      %dma_start3A_1129 = arith.constant 0 : i32
      %dma_start3A_1130 = tpu.memref_slice %arg4[%add3A_1120, %dma_start3A_1128, %dma_start3A_1129] : memref<16384x20x32xf32, #tpu.memory_space<hbm>> -> memref<1x20x32xf32, #tpu.memory_space<hbm>>
      %dma_start3A_1131 = tpu.memref_squeeze %dma_start3A_1130 : memref<1x20x32xf32, #tpu.memory_space<hbm>> -> memref<20x32xf32, #tpu.memory_space<hbm>>
      %dma_start3A_1132 = arith.constant 300 : i32
      %dma_start3A_1133 = arith.constant 0 : i32
      %dma_start3A_1134 = tpu.memref_slice %arg7[%dma_start3A_1132, %dma_start3A_1133] : memref<640x32xf32, #tpu.memory_space<vmem>> -> memref<20x32xf32, #tpu.memory_space<vmem>>
      tpu.enqueue_dma source(%dma_start3A_1134 : memref<20x32xf32, #tpu.memory_space<vmem>>) target(%dma_start3A_1131 : memref<20x32xf32, #tpu.memory_space<hbm>>) target_semaphore(%arg11 : memref<!tpu.dma_semaphore, #tpu.memory_space<semaphore_mem>>)
      %mul3A_1135 = arith.constant 32 : i32
      %mul3A_1136 = arith.muli %add3A_830, %mul3A_1135 : i32
      %add3A_1137 = arith.addi %mul3A_2, %mul3A_1136 : i32
      %add3A_1138 = arith.constant 16 : i32
      %add3A_1139 = arith.addi %add3A_1137, %add3A_1138 : i32
      %dma_start3A_1140 = arith.constant 320 : i32
      %dma_start3A_1141 = arith.constant 0 : i32
      %dma_start3A_1142 = tpu.memref_slice %arg7[%dma_start3A_1140, %dma_start3A_1141] : memref<640x32xf32, #tpu.memory_space<vmem>> -> memref<20x32xf32, #tpu.memory_space<vmem>>
      %dma_start3A_1143 = arith.constant 0 : i32
      %dma_start3A_1144 = arith.constant 0 : i32
      %dma_start3A_1145 = tpu.memref_slice %arg4[%add3A_1139, %dma_start3A_1143, %dma_start3A_1144] : memref<16384x20x32xf32, #tpu.memory_space<hbm>> -> memref<1x20x32xf32, #tpu.memory_space<hbm>>
      %dma_start3A_1146 = tpu.memref_squeeze %dma_start3A_1145 : memref<1x20x32xf32, #tpu.memory_space<hbm>> -> memref<20x32xf32, #tpu.memory_space<hbm>>
      %dma_start3A_1147 = arith.constant 0 : i32
      %dma_start3A_1148 = arith.constant 0 : i32
      %dma_start3A_1149 = tpu.memref_slice %arg4[%add3A_1139, %dma_start3A_1147, %dma_start3A_1148] : memref<16384x20x32xf32, #tpu.memory_space<hbm>> -> memref<1x20x32xf32, #tpu.memory_space<hbm>>
      %dma_start3A_1150 = tpu.memref_squeeze %dma_start3A_1149 : memref<1x20x32xf32, #tpu.memory_space<hbm>> -> memref<20x32xf32, #tpu.memory_space<hbm>>
      %dma_start3A_1151 = arith.constant 320 : i32
      %dma_start3A_1152 = arith.constant 0 : i32
      %dma_start3A_1153 = tpu.memref_slice %arg7[%dma_start3A_1151, %dma_start3A_1152] : memref<640x32xf32, #tpu.memory_space<vmem>> -> memref<20x32xf32, #tpu.memory_space<vmem>>
      tpu.enqueue_dma source(%dma_start3A_1153 : memref<20x32xf32, #tpu.memory_space<vmem>>) target(%dma_start3A_1150 : memref<20x32xf32, #tpu.memory_space<hbm>>) target_semaphore(%arg11 : memref<!tpu.dma_semaphore, #tpu.memory_space<semaphore_mem>>)
      %mul3A_1154 = arith.constant 32 : i32
      %mul3A_1155 = arith.muli %add3A_830, %mul3A_1154 : i32
      %add3A_1156 = arith.addi %mul3A_2, %mul3A_1155 : i32
      %add3A_1157 = arith.constant 17 : i32
      %add3A_1158 = arith.addi %add3A_1156, %add3A_1157 : i32
      %dma_start3A_1159 = arith.constant 340 : i32
      %dma_start3A_1160 = arith.constant 0 : i32
      %dma_start3A_1161 = tpu.memref_slice %arg7[%dma_start3A_1159, %dma_start3A_1160] : memref<640x32xf32, #tpu.memory_space<vmem>> -> memref<20x32xf32, #tpu.memory_space<vmem>>
      %dma_start3A_1162 = arith.constant 0 : i32
      %dma_start3A_1163 = arith.constant 0 : i32
      %dma_start3A_1164 = tpu.memref_slice %arg4[%add3A_1158, %dma_start3A_1162, %dma_start3A_1163] : memref<16384x20x32xf32, #tpu.memory_space<hbm>> -> memref<1x20x32xf32, #tpu.memory_space<hbm>>
      %dma_start3A_1165 = tpu.memref_squeeze %dma_start3A_1164 : memref<1x20x32xf32, #tpu.memory_space<hbm>> -> memref<20x32xf32, #tpu.memory_space<hbm>>
      %dma_start3A_1166 = arith.constant 0 : i32
      %dma_start3A_1167 = arith.constant 0 : i32
      %dma_start3A_1168 = tpu.memref_slice %arg4[%add3A_1158, %dma_start3A_1166, %dma_start3A_1167] : memref<16384x20x32xf32, #tpu.memory_space<hbm>> -> memref<1x20x32xf32, #tpu.memory_space<hbm>>
      %dma_start3A_1169 = tpu.memref_squeeze %dma_start3A_1168 : memref<1x20x32xf32, #tpu.memory_space<hbm>> -> memref<20x32xf32, #tpu.memory_space<hbm>>
      %dma_start3A_1170 = arith.constant 340 : i32
      %dma_start3A_1171 = arith.constant 0 : i32
      %dma_start3A_1172 = tpu.memref_slice %arg7[%dma_start3A_1170, %dma_start3A_1171] : memref<640x32xf32, #tpu.memory_space<vmem>> -> memref<20x32xf32, #tpu.memory_space<vmem>>
      tpu.enqueue_dma source(%dma_start3A_1172 : memref<20x32xf32, #tpu.memory_space<vmem>>) target(%dma_start3A_1169 : memref<20x32xf32, #tpu.memory_space<hbm>>) target_semaphore(%arg11 : memref<!tpu.dma_semaphore, #tpu.memory_space<semaphore_mem>>)
      %mul3A_1173 = arith.constant 32 : i32
      %mul3A_1174 = arith.muli %add3A_830, %mul3A_1173 : i32
      %add3A_1175 = arith.addi %mul3A_2, %mul3A_1174 : i32
      %add3A_1176 = arith.constant 18 : i32
      %add3A_1177 = arith.addi %add3A_1175, %add3A_1176 : i32
      %dma_start3A_1178 = arith.constant 360 : i32
      %dma_start3A_1179 = arith.constant 0 : i32
      %dma_start3A_1180 = tpu.memref_slice %arg7[%dma_start3A_1178, %dma_start3A_1179] : memref<640x32xf32, #tpu.memory_space<vmem>> -> memref<20x32xf32, #tpu.memory_space<vmem>>
      %dma_start3A_1181 = arith.constant 0 : i32
      %dma_start3A_1182 = arith.constant 0 : i32
      %dma_start3A_1183 = tpu.memref_slice %arg4[%add3A_1177, %dma_start3A_1181, %dma_start3A_1182] : memref<16384x20x32xf32, #tpu.memory_space<hbm>> -> memref<1x20x32xf32, #tpu.memory_space<hbm>>
      %dma_start3A_1184 = tpu.memref_squeeze %dma_start3A_1183 : memref<1x20x32xf32, #tpu.memory_space<hbm>> -> memref<20x32xf32, #tpu.memory_space<hbm>>
      %dma_start3A_1185 = arith.constant 0 : i32
      %dma_start3A_1186 = arith.constant 0 : i32
      %dma_start3A_1187 = tpu.memref_slice %arg4[%add3A_1177, %dma_start3A_1185, %dma_start3A_1186] : memref<16384x20x32xf32, #tpu.memory_space<hbm>> -> memref<1x20x32xf32, #tpu.memory_space<hbm>>
      %dma_start3A_1188 = tpu.memref_squeeze %dma_start3A_1187 : memref<1x20x32xf32, #tpu.memory_space<hbm>> -> memref<20x32xf32, #tpu.memory_space<hbm>>
      %dma_start3A_1189 = arith.constant 360 : i32
      %dma_start3A_1190 = arith.constant 0 : i32
      %dma_start3A_1191 = tpu.memref_slice %arg7[%dma_start3A_1189, %dma_start3A_1190] : memref<640x32xf32, #tpu.memory_space<vmem>> -> memref<20x32xf32, #tpu.memory_space<vmem>>
      tpu.enqueue_dma source(%dma_start3A_1191 : memref<20x32xf32, #tpu.memory_space<vmem>>) target(%dma_start3A_1188 : memref<20x32xf32, #tpu.memory_space<hbm>>) target_semaphore(%arg11 : memref<!tpu.dma_semaphore, #tpu.memory_space<semaphore_mem>>)
      %mul3A_1192 = arith.constant 32 : i32
      %mul3A_1193 = arith.muli %add3A_830, %mul3A_1192 : i32
      %add3A_1194 = arith.addi %mul3A_2, %mul3A_1193 : i32
      %add3A_1195 = arith.constant 19 : i32
      %add3A_1196 = arith.addi %add3A_1194, %add3A_1195 : i32
      %dma_start3A_1197 = arith.constant 380 : i32
      %dma_start3A_1198 = arith.constant 0 : i32
      %dma_start3A_1199 = tpu.memref_slice %arg7[%dma_start3A_1197, %dma_start3A_1198] : memref<640x32xf32, #tpu.memory_space<vmem>> -> memref<20x32xf32, #tpu.memory_space<vmem>>
      %dma_start3A_1200 = arith.constant 0 : i32
      %dma_start3A_1201 = arith.constant 0 : i32
      %dma_start3A_1202 = tpu.memref_slice %arg4[%add3A_1196, %dma_start3A_1200, %dma_start3A_1201] : memref<16384x20x32xf32, #tpu.memory_space<hbm>> -> memref<1x20x32xf32, #tpu.memory_space<hbm>>
      %dma_start3A_1203 = tpu.memref_squeeze %dma_start3A_1202 : memref<1x20x32xf32, #tpu.memory_space<hbm>> -> memref<20x32xf32, #tpu.memory_space<hbm>>
      %dma_start3A_1204 = arith.constant 0 : i32
      %dma_start3A_1205 = arith.constant 0 : i32
      %dma_start3A_1206 = tpu.memref_slice %arg4[%add3A_1196, %dma_start3A_1204, %dma_start3A_1205] : memref<16384x20x32xf32, #tpu.memory_space<hbm>> -> memref<1x20x32xf32, #tpu.memory_space<hbm>>
      %dma_start3A_1207 = tpu.memref_squeeze %dma_start3A_1206 : memref<1x20x32xf32, #tpu.memory_space<hbm>> -> memref<20x32xf32, #tpu.memory_space<hbm>>
      %dma_start3A_1208 = arith.constant 380 : i32
      %dma_start3A_1209 = arith.constant 0 : i32
      %dma_start3A_1210 = tpu.memref_slice %arg7[%dma_start3A_1208, %dma_start3A_1209] : memref<640x32xf32, #tpu.memory_space<vmem>> -> memref<20x32xf32, #tpu.memory_space<vmem>>
      tpu.enqueue_dma source(%dma_start3A_1210 : memref<20x32xf32, #tpu.memory_space<vmem>>) target(%dma_start3A_1207 : memref<20x32xf32, #tpu.memory_space<hbm>>) target_semaphore(%arg11 : memref<!tpu.dma_semaphore, #tpu.memory_space<semaphore_mem>>)
      %mul3A_1211 = arith.constant 32 : i32
      %mul3A_1212 = arith.muli %add3A_830, %mul3A_1211 : i32
      %add3A_1213 = arith.addi %mul3A_2, %mul3A_1212 : i32
      %add3A_1214 = arith.constant 20 : i32
      %add3A_1215 = arith.addi %add3A_1213, %add3A_1214 : i32
      %dma_start3A_1216 = arith.constant 400 : i32
      %dma_start3A_1217 = arith.constant 0 : i32
      %dma_start3A_1218 = tpu.memref_slice %arg7[%dma_start3A_1216, %dma_start3A_1217] : memref<640x32xf32, #tpu.memory_space<vmem>> -> memref<20x32xf32, #tpu.memory_space<vmem>>
      %dma_start3A_1219 = arith.constant 0 : i32
      %dma_start3A_1220 = arith.constant 0 : i32
      %dma_start3A_1221 = tpu.memref_slice %arg4[%add3A_1215, %dma_start3A_1219, %dma_start3A_1220] : memref<16384x20x32xf32, #tpu.memory_space<hbm>> -> memref<1x20x32xf32, #tpu.memory_space<hbm>>
      %dma_start3A_1222 = tpu.memref_squeeze %dma_start3A_1221 : memref<1x20x32xf32, #tpu.memory_space<hbm>> -> memref<20x32xf32, #tpu.memory_space<hbm>>
      %dma_start3A_1223 = arith.constant 0 : i32
      %dma_start3A_1224 = arith.constant 0 : i32
      %dma_start3A_1225 = tpu.memref_slice %arg4[%add3A_1215, %dma_start3A_1223, %dma_start3A_1224] : memref<16384x20x32xf32, #tpu.memory_space<hbm>> -> memref<1x20x32xf32, #tpu.memory_space<hbm>>
      %dma_start3A_1226 = tpu.memref_squeeze %dma_start3A_1225 : memref<1x20x32xf32, #tpu.memory_space<hbm>> -> memref<20x32xf32, #tpu.memory_space<hbm>>
      %dma_start3A_1227 = arith.constant 400 : i32
      %dma_start3A_1228 = arith.constant 0 : i32
      %dma_start3A_1229 = tpu.memref_slice %arg7[%dma_start3A_1227, %dma_start3A_1228] : memref<640x32xf32, #tpu.memory_space<vmem>> -> memref<20x32xf32, #tpu.memory_space<vmem>>
      tpu.enqueue_dma source(%dma_start3A_1229 : memref<20x32xf32, #tpu.memory_space<vmem>>) target(%dma_start3A_1226 : memref<20x32xf32, #tpu.memory_space<hbm>>) target_semaphore(%arg11 : memref<!tpu.dma_semaphore, #tpu.memory_space<semaphore_mem>>)
      %mul3A_1230 = arith.constant 32 : i32
      %mul3A_1231 = arith.muli %add3A_830, %mul3A_1230 : i32
      %add3A_1232 = arith.addi %mul3A_2, %mul3A_1231 : i32
      %add3A_1233 = arith.constant 21 : i32
      %add3A_1234 = arith.addi %add3A_1232, %add3A_1233 : i32
      %dma_start3A_1235 = arith.constant 420 : i32
      %dma_start3A_1236 = arith.constant 0 : i32
      %dma_start3A_1237 = tpu.memref_slice %arg7[%dma_start3A_1235, %dma_start3A_1236] : memref<640x32xf32, #tpu.memory_space<vmem>> -> memref<20x32xf32, #tpu.memory_space<vmem>>
      %dma_start3A_1238 = arith.constant 0 : i32
      %dma_start3A_1239 = arith.constant 0 : i32
      %dma_start3A_1240 = tpu.memref_slice %arg4[%add3A_1234, %dma_start3A_1238, %dma_start3A_1239] : memref<16384x20x32xf32, #tpu.memory_space<hbm>> -> memref<1x20x32xf32, #tpu.memory_space<hbm>>
      %dma_start3A_1241 = tpu.memref_squeeze %dma_start3A_1240 : memref<1x20x32xf32, #tpu.memory_space<hbm>> -> memref<20x32xf32, #tpu.memory_space<hbm>>
      %dma_start3A_1242 = arith.constant 0 : i32
      %dma_start3A_1243 = arith.constant 0 : i32
      %dma_start3A_1244 = tpu.memref_slice %arg4[%add3A_1234, %dma_start3A_1242, %dma_start3A_1243] : memref<16384x20x32xf32, #tpu.memory_space<hbm>> -> memref<1x20x32xf32, #tpu.memory_space<hbm>>
      %dma_start3A_1245 = tpu.memref_squeeze %dma_start3A_1244 : memref<1x20x32xf32, #tpu.memory_space<hbm>> -> memref<20x32xf32, #tpu.memory_space<hbm>>
      %dma_start3A_1246 = arith.constant 420 : i32
      %dma_start3A_1247 = arith.constant 0 : i32
      %dma_start3A_1248 = tpu.memref_slice %arg7[%dma_start3A_1246, %dma_start3A_1247] : memref<640x32xf32, #tpu.memory_space<vmem>> -> memref<20x32xf32, #tpu.memory_space<vmem>>
      tpu.enqueue_dma source(%dma_start3A_1248 : memref<20x32xf32, #tpu.memory_space<vmem>>) target(%dma_start3A_1245 : memref<20x32xf32, #tpu.memory_space<hbm>>) target_semaphore(%arg11 : memref<!tpu.dma_semaphore, #tpu.memory_space<semaphore_mem>>)
      %mul3A_1249 = arith.constant 32 : i32
      %mul3A_1250 = arith.muli %add3A_830, %mul3A_1249 : i32
      %add3A_1251 = arith.addi %mul3A_2, %mul3A_1250 : i32
      %add3A_1252 = arith.constant 22 : i32
      %add3A_1253 = arith.addi %add3A_1251, %add3A_1252 : i32
      %dma_start3A_1254 = arith.constant 440 : i32
      %dma_start3A_1255 = arith.constant 0 : i32
      %dma_start3A_1256 = tpu.memref_slice %arg7[%dma_start3A_1254, %dma_start3A_1255] : memref<640x32xf32, #tpu.memory_space<vmem>> -> memref<20x32xf32, #tpu.memory_space<vmem>>
      %dma_start3A_1257 = arith.constant 0 : i32
      %dma_start3A_1258 = arith.constant 0 : i32
      %dma_start3A_1259 = tpu.memref_slice %arg4[%add3A_1253, %dma_start3A_1257, %dma_start3A_1258] : memref<16384x20x32xf32, #tpu.memory_space<hbm>> -> memref<1x20x32xf32, #tpu.memory_space<hbm>>
      %dma_start3A_1260 = tpu.memref_squeeze %dma_start3A_1259 : memref<1x20x32xf32, #tpu.memory_space<hbm>> -> memref<20x32xf32, #tpu.memory_space<hbm>>
      %dma_start3A_1261 = arith.constant 0 : i32
      %dma_start3A_1262 = arith.constant 0 : i32
      %dma_start3A_1263 = tpu.memref_slice %arg4[%add3A_1253, %dma_start3A_1261, %dma_start3A_1262] : memref<16384x20x32xf32, #tpu.memory_space<hbm>> -> memref<1x20x32xf32, #tpu.memory_space<hbm>>
      %dma_start3A_1264 = tpu.memref_squeeze %dma_start3A_1263 : memref<1x20x32xf32, #tpu.memory_space<hbm>> -> memref<20x32xf32, #tpu.memory_space<hbm>>
      %dma_start3A_1265 = arith.constant 440 : i32
      %dma_start3A_1266 = arith.constant 0 : i32
      %dma_start3A_1267 = tpu.memref_slice %arg7[%dma_start3A_1265, %dma_start3A_1266] : memref<640x32xf32, #tpu.memory_space<vmem>> -> memref<20x32xf32, #tpu.memory_space<vmem>>
      tpu.enqueue_dma source(%dma_start3A_1267 : memref<20x32xf32, #tpu.memory_space<vmem>>) target(%dma_start3A_1264 : memref<20x32xf32, #tpu.memory_space<hbm>>) target_semaphore(%arg11 : memref<!tpu.dma_semaphore, #tpu.memory_space<semaphore_mem>>)
      %mul3A_1268 = arith.constant 32 : i32
      %mul3A_1269 = arith.muli %add3A_830, %mul3A_1268 : i32
      %add3A_1270 = arith.addi %mul3A_2, %mul3A_1269 : i32
      %add3A_1271 = arith.constant 23 : i32
      %add3A_1272 = arith.addi %add3A_1270, %add3A_1271 : i32
      %dma_start3A_1273 = arith.constant 460 : i32
      %dma_start3A_1274 = arith.constant 0 : i32
      %dma_start3A_1275 = tpu.memref_slice %arg7[%dma_start3A_1273, %dma_start3A_1274] : memref<640x32xf32, #tpu.memory_space<vmem>> -> memref<20x32xf32, #tpu.memory_space<vmem>>
      %dma_start3A_1276 = arith.constant 0 : i32
      %dma_start3A_1277 = arith.constant 0 : i32
      %dma_start3A_1278 = tpu.memref_slice %arg4[%add3A_1272, %dma_start3A_1276, %dma_start3A_1277] : memref<16384x20x32xf32, #tpu.memory_space<hbm>> -> memref<1x20x32xf32, #tpu.memory_space<hbm>>
      %dma_start3A_1279 = tpu.memref_squeeze %dma_start3A_1278 : memref<1x20x32xf32, #tpu.memory_space<hbm>> -> memref<20x32xf32, #tpu.memory_space<hbm>>
      %dma_start3A_1280 = arith.constant 0 : i32
      %dma_start3A_1281 = arith.constant 0 : i32
      %dma_start3A_1282 = tpu.memref_slice %arg4[%add3A_1272, %dma_start3A_1280, %dma_start3A_1281] : memref<16384x20x32xf32, #tpu.memory_space<hbm>> -> memref<1x20x32xf32, #tpu.memory_space<hbm>>
      %dma_start3A_1283 = tpu.memref_squeeze %dma_start3A_1282 : memref<1x20x32xf32, #tpu.memory_space<hbm>> -> memref<20x32xf32, #tpu.memory_space<hbm>>
      %dma_start3A_1284 = arith.constant 460 : i32
      %dma_start3A_1285 = arith.constant 0 : i32
      %dma_start3A_1286 = tpu.memref_slice %arg7[%dma_start3A_1284, %dma_start3A_1285] : memref<640x32xf32, #tpu.memory_space<vmem>> -> memref<20x32xf32, #tpu.memory_space<vmem>>
      tpu.enqueue_dma source(%dma_start3A_1286 : memref<20x32xf32, #tpu.memory_space<vmem>>) target(%dma_start3A_1283 : memref<20x32xf32, #tpu.memory_space<hbm>>) target_semaphore(%arg11 : memref<!tpu.dma_semaphore, #tpu.memory_space<semaphore_mem>>)
      %mul3A_1287 = arith.constant 32 : i32
      %mul3A_1288 = arith.muli %add3A_830, %mul3A_1287 : i32
      %add3A_1289 = arith.addi %mul3A_2, %mul3A_1288 : i32
      %add3A_1290 = arith.constant 24 : i32
      %add3A_1291 = arith.addi %add3A_1289, %add3A_1290 : i32
      %dma_start3A_1292 = arith.constant 480 : i32
      %dma_start3A_1293 = arith.constant 0 : i32
      %dma_start3A_1294 = tpu.memref_slice %arg7[%dma_start3A_1292, %dma_start3A_1293] : memref<640x32xf32, #tpu.memory_space<vmem>> -> memref<20x32xf32, #tpu.memory_space<vmem>>
      %dma_start3A_1295 = arith.constant 0 : i32
      %dma_start3A_1296 = arith.constant 0 : i32
      %dma_start3A_1297 = tpu.memref_slice %arg4[%add3A_1291, %dma_start3A_1295, %dma_start3A_1296] : memref<16384x20x32xf32, #tpu.memory_space<hbm>> -> memref<1x20x32xf32, #tpu.memory_space<hbm>>
      %dma_start3A_1298 = tpu.memref_squeeze %dma_start3A_1297 : memref<1x20x32xf32, #tpu.memory_space<hbm>> -> memref<20x32xf32, #tpu.memory_space<hbm>>
      %dma_start3A_1299 = arith.constant 0 : i32
      %dma_start3A_1300 = arith.constant 0 : i32
      %dma_start3A_1301 = tpu.memref_slice %arg4[%add3A_1291, %dma_start3A_1299, %dma_start3A_1300] : memref<16384x20x32xf32, #tpu.memory_space<hbm>> -> memref<1x20x32xf32, #tpu.memory_space<hbm>>
      %dma_start3A_1302 = tpu.memref_squeeze %dma_start3A_1301 : memref<1x20x32xf32, #tpu.memory_space<hbm>> -> memref<20x32xf32, #tpu.memory_space<hbm>>
      %dma_start3A_1303 = arith.constant 480 : i32
      %dma_start3A_1304 = arith.constant 0 : i32
      %dma_start3A_1305 = tpu.memref_slice %arg7[%dma_start3A_1303, %dma_start3A_1304] : memref<640x32xf32, #tpu.memory_space<vmem>> -> memref<20x32xf32, #tpu.memory_space<vmem>>
      tpu.enqueue_dma source(%dma_start3A_1305 : memref<20x32xf32, #tpu.memory_space<vmem>>) target(%dma_start3A_1302 : memref<20x32xf32, #tpu.memory_space<hbm>>) target_semaphore(%arg11 : memref<!tpu.dma_semaphore, #tpu.memory_space<semaphore_mem>>)
      %mul3A_1306 = arith.constant 32 : i32
      %mul3A_1307 = arith.muli %add3A_830, %mul3A_1306 : i32
      %add3A_1308 = arith.addi %mul3A_2, %mul3A_1307 : i32
      %add3A_1309 = arith.constant 25 : i32
      %add3A_1310 = arith.addi %add3A_1308, %add3A_1309 : i32
      %dma_start3A_1311 = arith.constant 500 : i32
      %dma_start3A_1312 = arith.constant 0 : i32
      %dma_start3A_1313 = tpu.memref_slice %arg7[%dma_start3A_1311, %dma_start3A_1312] : memref<640x32xf32, #tpu.memory_space<vmem>> -> memref<20x32xf32, #tpu.memory_space<vmem>>
      %dma_start3A_1314 = arith.constant 0 : i32
      %dma_start3A_1315 = arith.constant 0 : i32
      %dma_start3A_1316 = tpu.memref_slice %arg4[%add3A_1310, %dma_start3A_1314, %dma_start3A_1315] : memref<16384x20x32xf32, #tpu.memory_space<hbm>> -> memref<1x20x32xf32, #tpu.memory_space<hbm>>
      %dma_start3A_1317 = tpu.memref_squeeze %dma_start3A_1316 : memref<1x20x32xf32, #tpu.memory_space<hbm>> -> memref<20x32xf32, #tpu.memory_space<hbm>>
      %dma_start3A_1318 = arith.constant 0 : i32
      %dma_start3A_1319 = arith.constant 0 : i32
      %dma_start3A_1320 = tpu.memref_slice %arg4[%add3A_1310, %dma_start3A_1318, %dma_start3A_1319] : memref<16384x20x32xf32, #tpu.memory_space<hbm>> -> memref<1x20x32xf32, #tpu.memory_space<hbm>>
      %dma_start3A_1321 = tpu.memref_squeeze %dma_start3A_1320 : memref<1x20x32xf32, #tpu.memory_space<hbm>> -> memref<20x32xf32, #tpu.memory_space<hbm>>
      %dma_start3A_1322 = arith.constant 500 : i32
      %dma_start3A_1323 = arith.constant 0 : i32
      %dma_start3A_1324 = tpu.memref_slice %arg7[%dma_start3A_1322, %dma_start3A_1323] : memref<640x32xf32, #tpu.memory_space<vmem>> -> memref<20x32xf32, #tpu.memory_space<vmem>>
      tpu.enqueue_dma source(%dma_start3A_1324 : memref<20x32xf32, #tpu.memory_space<vmem>>) target(%dma_start3A_1321 : memref<20x32xf32, #tpu.memory_space<hbm>>) target_semaphore(%arg11 : memref<!tpu.dma_semaphore, #tpu.memory_space<semaphore_mem>>)
      %mul3A_1325 = arith.constant 32 : i32
      %mul3A_1326 = arith.muli %add3A_830, %mul3A_1325 : i32
      %add3A_1327 = arith.addi %mul3A_2, %mul3A_1326 : i32
      %add3A_1328 = arith.constant 26 : i32
      %add3A_1329 = arith.addi %add3A_1327, %add3A_1328 : i32
      %dma_start3A_1330 = arith.constant 520 : i32
      %dma_start3A_1331 = arith.constant 0 : i32
      %dma_start3A_1332 = tpu.memref_slice %arg7[%dma_start3A_1330, %dma_start3A_1331] : memref<640x32xf32, #tpu.memory_space<vmem>> -> memref<20x32xf32, #tpu.memory_space<vmem>>
      %dma_start3A_1333 = arith.constant 0 : i32
      %dma_start3A_1334 = arith.constant 0 : i32
      %dma_start3A_1335 = tpu.memref_slice %arg4[%add3A_1329, %dma_start3A_1333, %dma_start3A_1334] : memref<16384x20x32xf32, #tpu.memory_space<hbm>> -> memref<1x20x32xf32, #tpu.memory_space<hbm>>
      %dma_start3A_1336 = tpu.memref_squeeze %dma_start3A_1335 : memref<1x20x32xf32, #tpu.memory_space<hbm>> -> memref<20x32xf32, #tpu.memory_space<hbm>>
      %dma_start3A_1337 = arith.constant 0 : i32
      %dma_start3A_1338 = arith.constant 0 : i32
      %dma_start3A_1339 = tpu.memref_slice %arg4[%add3A_1329, %dma_start3A_1337, %dma_start3A_1338] : memref<16384x20x32xf32, #tpu.memory_space<hbm>> -> memref<1x20x32xf32, #tpu.memory_space<hbm>>
      %dma_start3A_1340 = tpu.memref_squeeze %dma_start3A_1339 : memref<1x20x32xf32, #tpu.memory_space<hbm>> -> memref<20x32xf32, #tpu.memory_space<hbm>>
      %dma_start3A_1341 = arith.constant 520 : i32
      %dma_start3A_1342 = arith.constant 0 : i32
      %dma_start3A_1343 = tpu.memref_slice %arg7[%dma_start3A_1341, %dma_start3A_1342] : memref<640x32xf32, #tpu.memory_space<vmem>> -> memref<20x32xf32, #tpu.memory_space<vmem>>
      tpu.enqueue_dma source(%dma_start3A_1343 : memref<20x32xf32, #tpu.memory_space<vmem>>) target(%dma_start3A_1340 : memref<20x32xf32, #tpu.memory_space<hbm>>) target_semaphore(%arg11 : memref<!tpu.dma_semaphore, #tpu.memory_space<semaphore_mem>>)
      %mul3A_1344 = arith.constant 32 : i32
      %mul3A_1345 = arith.muli %add3A_830, %mul3A_1344 : i32
      %add3A_1346 = arith.addi %mul3A_2, %mul3A_1345 : i32
      %add3A_1347 = arith.constant 27 : i32
      %add3A_1348 = arith.addi %add3A_1346, %add3A_1347 : i32
      %dma_start3A_1349 = arith.constant 540 : i32
      %dma_start3A_1350 = arith.constant 0 : i32
      %dma_start3A_1351 = tpu.memref_slice %arg7[%dma_start3A_1349, %dma_start3A_1350] : memref<640x32xf32, #tpu.memory_space<vmem>> -> memref<20x32xf32, #tpu.memory_space<vmem>>
      %dma_start3A_1352 = arith.constant 0 : i32
      %dma_start3A_1353 = arith.constant 0 : i32
      %dma_start3A_1354 = tpu.memref_slice %arg4[%add3A_1348, %dma_start3A_1352, %dma_start3A_1353] : memref<16384x20x32xf32, #tpu.memory_space<hbm>> -> memref<1x20x32xf32, #tpu.memory_space<hbm>>
      %dma_start3A_1355 = tpu.memref_squeeze %dma_start3A_1354 : memref<1x20x32xf32, #tpu.memory_space<hbm>> -> memref<20x32xf32, #tpu.memory_space<hbm>>
      %dma_start3A_1356 = arith.constant 0 : i32
      %dma_start3A_1357 = arith.constant 0 : i32
      %dma_start3A_1358 = tpu.memref_slice %arg4[%add3A_1348, %dma_start3A_1356, %dma_start3A_1357] : memref<16384x20x32xf32, #tpu.memory_space<hbm>> -> memref<1x20x32xf32, #tpu.memory_space<hbm>>
      %dma_start3A_1359 = tpu.memref_squeeze %dma_start3A_1358 : memref<1x20x32xf32, #tpu.memory_space<hbm>> -> memref<20x32xf32, #tpu.memory_space<hbm>>
      %dma_start3A_1360 = arith.constant 540 : i32
      %dma_start3A_1361 = arith.constant 0 : i32
      %dma_start3A_1362 = tpu.memref_slice %arg7[%dma_start3A_1360, %dma_start3A_1361] : memref<640x32xf32, #tpu.memory_space<vmem>> -> memref<20x32xf32, #tpu.memory_space<vmem>>
      tpu.enqueue_dma source(%dma_start3A_1362 : memref<20x32xf32, #tpu.memory_space<vmem>>) target(%dma_start3A_1359 : memref<20x32xf32, #tpu.memory_space<hbm>>) target_semaphore(%arg11 : memref<!tpu.dma_semaphore, #tpu.memory_space<semaphore_mem>>)
      %mul3A_1363 = arith.constant 32 : i32
      %mul3A_1364 = arith.muli %add3A_830, %mul3A_1363 : i32
      %add3A_1365 = arith.addi %mul3A_2, %mul3A_1364 : i32
      %add3A_1366 = arith.constant 28 : i32
      %add3A_1367 = arith.addi %add3A_1365, %add3A_1366 : i32
      %dma_start3A_1368 = arith.constant 560 : i32
      %dma_start3A_1369 = arith.constant 0 : i32
      %dma_start3A_1370 = tpu.memref_slice %arg7[%dma_start3A_1368, %dma_start3A_1369] : memref<640x32xf32, #tpu.memory_space<vmem>> -> memref<20x32xf32, #tpu.memory_space<vmem>>
      %dma_start3A_1371 = arith.constant 0 : i32
      %dma_start3A_1372 = arith.constant 0 : i32
      %dma_start3A_1373 = tpu.memref_slice %arg4[%add3A_1367, %dma_start3A_1371, %dma_start3A_1372] : memref<16384x20x32xf32, #tpu.memory_space<hbm>> -> memref<1x20x32xf32, #tpu.memory_space<hbm>>
      %dma_start3A_1374 = tpu.memref_squeeze %dma_start3A_1373 : memref<1x20x32xf32, #tpu.memory_space<hbm>> -> memref<20x32xf32, #tpu.memory_space<hbm>>
      %dma_start3A_1375 = arith.constant 0 : i32
      %dma_start3A_1376 = arith.constant 0 : i32
      %dma_start3A_1377 = tpu.memref_slice %arg4[%add3A_1367, %dma_start3A_1375, %dma_start3A_1376] : memref<16384x20x32xf32, #tpu.memory_space<hbm>> -> memref<1x20x32xf32, #tpu.memory_space<hbm>>
      %dma_start3A_1378 = tpu.memref_squeeze %dma_start3A_1377 : memref<1x20x32xf32, #tpu.memory_space<hbm>> -> memref<20x32xf32, #tpu.memory_space<hbm>>
      %dma_start3A_1379 = arith.constant 560 : i32
      %dma_start3A_1380 = arith.constant 0 : i32
      %dma_start3A_1381 = tpu.memref_slice %arg7[%dma_start3A_1379, %dma_start3A_1380] : memref<640x32xf32, #tpu.memory_space<vmem>> -> memref<20x32xf32, #tpu.memory_space<vmem>>
      tpu.enqueue_dma source(%dma_start3A_1381 : memref<20x32xf32, #tpu.memory_space<vmem>>) target(%dma_start3A_1378 : memref<20x32xf32, #tpu.memory_space<hbm>>) target_semaphore(%arg11 : memref<!tpu.dma_semaphore, #tpu.memory_space<semaphore_mem>>)
      %mul3A_1382 = arith.constant 32 : i32
      %mul3A_1383 = arith.muli %add3A_830, %mul3A_1382 : i32
      %add3A_1384 = arith.addi %mul3A_2, %mul3A_1383 : i32
      %add3A_1385 = arith.constant 29 : i32
      %add3A_1386 = arith.addi %add3A_1384, %add3A_1385 : i32
      %dma_start3A_1387 = arith.constant 580 : i32
      %dma_start3A_1388 = arith.constant 0 : i32
      %dma_start3A_1389 = tpu.memref_slice %arg7[%dma_start3A_1387, %dma_start3A_1388] : memref<640x32xf32, #tpu.memory_space<vmem>> -> memref<20x32xf32, #tpu.memory_space<vmem>>
      %dma_start3A_1390 = arith.constant 0 : i32
      %dma_start3A_1391 = arith.constant 0 : i32
      %dma_start3A_1392 = tpu.memref_slice %arg4[%add3A_1386, %dma_start3A_1390, %dma_start3A_1391] : memref<16384x20x32xf32, #tpu.memory_space<hbm>> -> memref<1x20x32xf32, #tpu.memory_space<hbm>>
      %dma_start3A_1393 = tpu.memref_squeeze %dma_start3A_1392 : memref<1x20x32xf32, #tpu.memory_space<hbm>> -> memref<20x32xf32, #tpu.memory_space<hbm>>
      %dma_start3A_1394 = arith.constant 0 : i32
      %dma_start3A_1395 = arith.constant 0 : i32
      %dma_start3A_1396 = tpu.memref_slice %arg4[%add3A_1386, %dma_start3A_1394, %dma_start3A_1395] : memref<16384x20x32xf32, #tpu.memory_space<hbm>> -> memref<1x20x32xf32, #tpu.memory_space<hbm>>
      %dma_start3A_1397 = tpu.memref_squeeze %dma_start3A_1396 : memref<1x20x32xf32, #tpu.memory_space<hbm>> -> memref<20x32xf32, #tpu.memory_space<hbm>>
      %dma_start3A_1398 = arith.constant 580 : i32
      %dma_start3A_1399 = arith.constant 0 : i32
      %dma_start3A_1400 = tpu.memref_slice %arg7[%dma_start3A_1398, %dma_start3A_1399] : memref<640x32xf32, #tpu.memory_space<vmem>> -> memref<20x32xf32, #tpu.memory_space<vmem>>
      tpu.enqueue_dma source(%dma_start3A_1400 : memref<20x32xf32, #tpu.memory_space<vmem>>) target(%dma_start3A_1397 : memref<20x32xf32, #tpu.memory_space<hbm>>) target_semaphore(%arg11 : memref<!tpu.dma_semaphore, #tpu.memory_space<semaphore_mem>>)
      %mul3A_1401 = arith.constant 32 : i32
      %mul3A_1402 = arith.muli %add3A_830, %mul3A_1401 : i32
      %add3A_1403 = arith.addi %mul3A_2, %mul3A_1402 : i32
      %add3A_1404 = arith.constant 30 : i32
      %add3A_1405 = arith.addi %add3A_1403, %add3A_1404 : i32
      %dma_start3A_1406 = arith.constant 600 : i32
      %dma_start3A_1407 = arith.constant 0 : i32
      %dma_start3A_1408 = tpu.memref_slice %arg7[%dma_start3A_1406, %dma_start3A_1407] : memref<640x32xf32, #tpu.memory_space<vmem>> -> memref<20x32xf32, #tpu.memory_space<vmem>>
      %dma_start3A_1409 = arith.constant 0 : i32
      %dma_start3A_1410 = arith.constant 0 : i32
      %dma_start3A_1411 = tpu.memref_slice %arg4[%add3A_1405, %dma_start3A_1409, %dma_start3A_1410] : memref<16384x20x32xf32, #tpu.memory_space<hbm>> -> memref<1x20x32xf32, #tpu.memory_space<hbm>>
      %dma_start3A_1412 = tpu.memref_squeeze %dma_start3A_1411 : memref<1x20x32xf32, #tpu.memory_space<hbm>> -> memref<20x32xf32, #tpu.memory_space<hbm>>
      %dma_start3A_1413 = arith.constant 0 : i32
      %dma_start3A_1414 = arith.constant 0 : i32
      %dma_start3A_1415 = tpu.memref_slice %arg4[%add3A_1405, %dma_start3A_1413, %dma_start3A_1414] : memref<16384x20x32xf32, #tpu.memory_space<hbm>> -> memref<1x20x32xf32, #tpu.memory_space<hbm>>
      %dma_start3A_1416 = tpu.memref_squeeze %dma_start3A_1415 : memref<1x20x32xf32, #tpu.memory_space<hbm>> -> memref<20x32xf32, #tpu.memory_space<hbm>>
      %dma_start3A_1417 = arith.constant 600 : i32
      %dma_start3A_1418 = arith.constant 0 : i32
      %dma_start3A_1419 = tpu.memref_slice %arg7[%dma_start3A_1417, %dma_start3A_1418] : memref<640x32xf32, #tpu.memory_space<vmem>> -> memref<20x32xf32, #tpu.memory_space<vmem>>
      tpu.enqueue_dma source(%dma_start3A_1419 : memref<20x32xf32, #tpu.memory_space<vmem>>) target(%dma_start3A_1416 : memref<20x32xf32, #tpu.memory_space<hbm>>) target_semaphore(%arg11 : memref<!tpu.dma_semaphore, #tpu.memory_space<semaphore_mem>>)
      %mul3A_1420 = arith.constant 32 : i32
      %mul3A_1421 = arith.muli %add3A_830, %mul3A_1420 : i32
      %add3A_1422 = arith.addi %mul3A_2, %mul3A_1421 : i32
      %add3A_1423 = arith.constant 31 : i32
      %add3A_1424 = arith.addi %add3A_1422, %add3A_1423 : i32
      %dma_start3A_1425 = arith.constant 620 : i32
      %dma_start3A_1426 = arith.constant 0 : i32
      %dma_start3A_1427 = tpu.memref_slice %arg7[%dma_start3A_1425, %dma_start3A_1426] : memref<640x32xf32, #tpu.memory_space<vmem>> -> memref<20x32xf32, #tpu.memory_space<vmem>>
      %dma_start3A_1428 = arith.constant 0 : i32
      %dma_start3A_1429 = arith.constant 0 : i32
      %dma_start3A_1430 = tpu.memref_slice %arg4[%add3A_1424, %dma_start3A_1428, %dma_start3A_1429] : memref<16384x20x32xf32, #tpu.memory_space<hbm>> -> memref<1x20x32xf32, #tpu.memory_space<hbm>>
      %dma_start3A_1431 = tpu.memref_squeeze %dma_start3A_1430 : memref<1x20x32xf32, #tpu.memory_space<hbm>> -> memref<20x32xf32, #tpu.memory_space<hbm>>
      %dma_start3A_1432 = arith.constant 0 : i32
      %dma_start3A_1433 = arith.constant 0 : i32
      %dma_start3A_1434 = tpu.memref_slice %arg4[%add3A_1424, %dma_start3A_1432, %dma_start3A_1433] : memref<16384x20x32xf32, #tpu.memory_space<hbm>> -> memref<1x20x32xf32, #tpu.memory_space<hbm>>
      %dma_start3A_1435 = tpu.memref_squeeze %dma_start3A_1434 : memref<1x20x32xf32, #tpu.memory_space<hbm>> -> memref<20x32xf32, #tpu.memory_space<hbm>>
      %dma_start3A_1436 = arith.constant 620 : i32
      %dma_start3A_1437 = arith.constant 0 : i32
      %dma_start3A_1438 = tpu.memref_slice %arg7[%dma_start3A_1436, %dma_start3A_1437] : memref<640x32xf32, #tpu.memory_space<vmem>> -> memref<20x32xf32, #tpu.memory_space<vmem>>
      tpu.enqueue_dma source(%dma_start3A_1438 : memref<20x32xf32, #tpu.memory_space<vmem>>) target(%dma_start3A_1435 : memref<20x32xf32, #tpu.memory_space<hbm>>) target_semaphore(%arg11 : memref<!tpu.dma_semaphore, #tpu.memory_space<semaphore_mem>>)
      %mul3A_1439 = arith.constant 32 : i32
      %mul3A_1440 = arith.muli %add3A_52, %mul3A_1439 : i32
      %add3A_1441 = arith.addi %mul3A_2, %mul3A_1440 : i32
      %add3A_1442 = arith.constant 0 : i32
      %add3A_1443 = arith.addi %add3A_1441, %add3A_1442 : i32
      %dma_wait3A_1444 = arith.constant 0 : i32
      %dma_wait3A_1445 = arith.constant 0 : i32
      %dma_wait3A_1446 = tpu.memref_slice %arg6[%dma_wait3A_1444, %dma_wait3A_1445] : memref<640x32xf32, #tpu.memory_space<vmem>> -> memref<20x32xf32, #tpu.memory_space<vmem>>
      %dma_wait3A_1447 = arith.constant 0 : i32
      %dma_wait3A_1448 = arith.constant 0 : i32
      %dma_wait3A_1449 = tpu.memref_slice %arg4[%add3A_1443, %dma_wait3A_1447, %dma_wait3A_1448] : memref<16384x20x32xf32, #tpu.memory_space<hbm>> -> memref<1x20x32xf32, #tpu.memory_space<hbm>>
      %dma_wait3A_1450 = tpu.memref_squeeze %dma_wait3A_1449 : memref<1x20x32xf32, #tpu.memory_space<hbm>> -> memref<20x32xf32, #tpu.memory_space<hbm>>
      %dma_wait3A_1451 = arith.constant 0 : i32
      %dma_wait3A_1452 = arith.constant 0 : i32
      %dma_wait3A_1453 = tpu.memref_slice %arg4[%add3A_1443, %dma_wait3A_1451, %dma_wait3A_1452] : memref<16384x20x32xf32, #tpu.memory_space<hbm>> -> memref<1x20x32xf32, #tpu.memory_space<hbm>>
      %dma_wait3A_1454 = tpu.memref_squeeze %dma_wait3A_1453 : memref<1x20x32xf32, #tpu.memory_space<hbm>> -> memref<20x32xf32, #tpu.memory_space<hbm>>
      %dma_wait3A_1455 = arith.constant 0 : i32
      %dma_wait3A_1456 = arith.constant 0 : i32
      %dma_wait3A_1457 = tpu.memref_slice %arg6[%dma_wait3A_1455, %dma_wait3A_1456] : memref<640x32xf32, #tpu.memory_space<vmem>> -> memref<20x32xf32, #tpu.memory_space<vmem>>
      tpu.wait_dma2 semaphore(%arg10 : memref<!tpu.dma_semaphore, #tpu.memory_space<semaphore_mem>>) src(%dma_wait3A_1457 : memref<20x32xf32, #tpu.memory_space<vmem>>) dst(%dma_wait3A_1454 : memref<20x32xf32, #tpu.memory_space<hbm>>)
      %mul3A_1458 = arith.constant 32 : i32
      %mul3A_1459 = arith.muli %add3A_52, %mul3A_1458 : i32
      %add3A_1460 = arith.addi %mul3A_2, %mul3A_1459 : i32
      %add3A_1461 = arith.constant 1 : i32
      %add3A_1462 = arith.addi %add3A_1460, %add3A_1461 : i32
      %dma_wait3A_1463 = arith.constant 20 : i32
      %dma_wait3A_1464 = arith.constant 0 : i32
      %dma_wait3A_1465 = tpu.memref_slice %arg6[%dma_wait3A_1463, %dma_wait3A_1464] : memref<640x32xf32, #tpu.memory_space<vmem>> -> memref<20x32xf32, #tpu.memory_space<vmem>>
      %dma_wait3A_1466 = arith.constant 0 : i32
      %dma_wait3A_1467 = arith.constant 0 : i32
      %dma_wait3A_1468 = tpu.memref_slice %arg4[%add3A_1462, %dma_wait3A_1466, %dma_wait3A_1467] : memref<16384x20x32xf32, #tpu.memory_space<hbm>> -> memref<1x20x32xf32, #tpu.memory_space<hbm>>
      %dma_wait3A_1469 = tpu.memref_squeeze %dma_wait3A_1468 : memref<1x20x32xf32, #tpu.memory_space<hbm>> -> memref<20x32xf32, #tpu.memory_space<hbm>>
      %dma_wait3A_1470 = arith.constant 0 : i32
      %dma_wait3A_1471 = arith.constant 0 : i32
      %dma_wait3A_1472 = tpu.memref_slice %arg4[%add3A_1462, %dma_wait3A_1470, %dma_wait3A_1471] : memref<16384x20x32xf32, #tpu.memory_space<hbm>> -> memref<1x20x32xf32, #tpu.memory_space<hbm>>
      %dma_wait3A_1473 = tpu.memref_squeeze %dma_wait3A_1472 : memref<1x20x32xf32, #tpu.memory_space<hbm>> -> memref<20x32xf32, #tpu.memory_space<hbm>>
      %dma_wait3A_1474 = arith.constant 20 : i32
      %dma_wait3A_1475 = arith.constant 0 : i32
      %dma_wait3A_1476 = tpu.memref_slice %arg6[%dma_wait3A_1474, %dma_wait3A_1475] : memref<640x32xf32, #tpu.memory_space<vmem>> -> memref<20x32xf32, #tpu.memory_space<vmem>>
      tpu.wait_dma2 semaphore(%arg10 : memref<!tpu.dma_semaphore, #tpu.memory_space<semaphore_mem>>) src(%dma_wait3A_1476 : memref<20x32xf32, #tpu.memory_space<vmem>>) dst(%dma_wait3A_1473 : memref<20x32xf32, #tpu.memory_space<hbm>>)
      %mul3A_1477 = arith.constant 32 : i32
      %mul3A_1478 = arith.muli %add3A_52, %mul3A_1477 : i32
      %add3A_1479 = arith.addi %mul3A_2, %mul3A_1478 : i32
      %add3A_1480 = arith.constant 2 : i32
      %add3A_1481 = arith.addi %add3A_1479, %add3A_1480 : i32
      %dma_wait3A_1482 = arith.constant 40 : i32
      %dma_wait3A_1483 = arith.constant 0 : i32
      %dma_wait3A_1484 = tpu.memref_slice %arg6[%dma_wait3A_1482, %dma_wait3A_1483] : memref<640x32xf32, #tpu.memory_space<vmem>> -> memref<20x32xf32, #tpu.memory_space<vmem>>
      %dma_wait3A_1485 = arith.constant 0 : i32
      %dma_wait3A_1486 = arith.constant 0 : i32
      %dma_wait3A_1487 = tpu.memref_slice %arg4[%add3A_1481, %dma_wait3A_1485, %dma_wait3A_1486] : memref<16384x20x32xf32, #tpu.memory_space<hbm>> -> memref<1x20x32xf32, #tpu.memory_space<hbm>>
      %dma_wait3A_1488 = tpu.memref_squeeze %dma_wait3A_1487 : memref<1x20x32xf32, #tpu.memory_space<hbm>> -> memref<20x32xf32, #tpu.memory_space<hbm>>
      %dma_wait3A_1489 = arith.constant 0 : i32
      %dma_wait3A_1490 = arith.constant 0 : i32
      %dma_wait3A_1491 = tpu.memref_slice %arg4[%add3A_1481, %dma_wait3A_1489, %dma_wait3A_1490] : memref<16384x20x32xf32, #tpu.memory_space<hbm>> -> memref<1x20x32xf32, #tpu.memory_space<hbm>>
      %dma_wait3A_1492 = tpu.memref_squeeze %dma_wait3A_1491 : memref<1x20x32xf32, #tpu.memory_space<hbm>> -> memref<20x32xf32, #tpu.memory_space<hbm>>
      %dma_wait3A_1493 = arith.constant 40 : i32
      %dma_wait3A_1494 = arith.constant 0 : i32
      %dma_wait3A_1495 = tpu.memref_slice %arg6[%dma_wait3A_1493, %dma_wait3A_1494] : memref<640x32xf32, #tpu.memory_space<vmem>> -> memref<20x32xf32, #tpu.memory_space<vmem>>
      tpu.wait_dma2 semaphore(%arg10 : memref<!tpu.dma_semaphore, #tpu.memory_space<semaphore_mem>>) src(%dma_wait3A_1495 : memref<20x32xf32, #tpu.memory_space<vmem>>) dst(%dma_wait3A_1492 : memref<20x32xf32, #tpu.memory_space<hbm>>)
      %mul3A_1496 = arith.constant 32 : i32
      %mul3A_1497 = arith.muli %add3A_52, %mul3A_1496 : i32
      %add3A_1498 = arith.addi %mul3A_2, %mul3A_1497 : i32
      %add3A_1499 = arith.constant 3 : i32
      %add3A_1500 = arith.addi %add3A_1498, %add3A_1499 : i32
      %dma_wait3A_1501 = arith.constant 60 : i32
      %dma_wait3A_1502 = arith.constant 0 : i32
      %dma_wait3A_1503 = tpu.memref_slice %arg6[%dma_wait3A_1501, %dma_wait3A_1502] : memref<640x32xf32, #tpu.memory_space<vmem>> -> memref<20x32xf32, #tpu.memory_space<vmem>>
      %dma_wait3A_1504 = arith.constant 0 : i32
      %dma_wait3A_1505 = arith.constant 0 : i32
      %dma_wait3A_1506 = tpu.memref_slice %arg4[%add3A_1500, %dma_wait3A_1504, %dma_wait3A_1505] : memref<16384x20x32xf32, #tpu.memory_space<hbm>> -> memref<1x20x32xf32, #tpu.memory_space<hbm>>
      %dma_wait3A_1507 = tpu.memref_squeeze %dma_wait3A_1506 : memref<1x20x32xf32, #tpu.memory_space<hbm>> -> memref<20x32xf32, #tpu.memory_space<hbm>>
      %dma_wait3A_1508 = arith.constant 0 : i32
      %dma_wait3A_1509 = arith.constant 0 : i32
      %dma_wait3A_1510 = tpu.memref_slice %arg4[%add3A_1500, %dma_wait3A_1508, %dma_wait3A_1509] : memref<16384x20x32xf32, #tpu.memory_space<hbm>> -> memref<1x20x32xf32, #tpu.memory_space<hbm>>
      %dma_wait3A_1511 = tpu.memref_squeeze %dma_wait3A_1510 : memref<1x20x32xf32, #tpu.memory_space<hbm>> -> memref<20x32xf32, #tpu.memory_space<hbm>>
      %dma_wait3A_1512 = arith.constant 60 : i32
      %dma_wait3A_1513 = arith.constant 0 : i32
      %dma_wait3A_1514 = tpu.memref_slice %arg6[%dma_wait3A_1512, %dma_wait3A_1513] : memref<640x32xf32, #tpu.memory_space<vmem>> -> memref<20x32xf32, #tpu.memory_space<vmem>>
      tpu.wait_dma2 semaphore(%arg10 : memref<!tpu.dma_semaphore, #tpu.memory_space<semaphore_mem>>) src(%dma_wait3A_1514 : memref<20x32xf32, #tpu.memory_space<vmem>>) dst(%dma_wait3A_1511 : memref<20x32xf32, #tpu.memory_space<hbm>>)
      %mul3A_1515 = arith.constant 32 : i32
      %mul3A_1516 = arith.muli %add3A_52, %mul3A_1515 : i32
      %add3A_1517 = arith.addi %mul3A_2, %mul3A_1516 : i32
      %add3A_1518 = arith.constant 4 : i32
      %add3A_1519 = arith.addi %add3A_1517, %add3A_1518 : i32
      %dma_wait3A_1520 = arith.constant 80 : i32
      %dma_wait3A_1521 = arith.constant 0 : i32
      %dma_wait3A_1522 = tpu.memref_slice %arg6[%dma_wait3A_1520, %dma_wait3A_1521] : memref<640x32xf32, #tpu.memory_space<vmem>> -> memref<20x32xf32, #tpu.memory_space<vmem>>
      %dma_wait3A_1523 = arith.constant 0 : i32
      %dma_wait3A_1524 = arith.constant 0 : i32
      %dma_wait3A_1525 = tpu.memref_slice %arg4[%add3A_1519, %dma_wait3A_1523, %dma_wait3A_1524] : memref<16384x20x32xf32, #tpu.memory_space<hbm>> -> memref<1x20x32xf32, #tpu.memory_space<hbm>>
      %dma_wait3A_1526 = tpu.memref_squeeze %dma_wait3A_1525 : memref<1x20x32xf32, #tpu.memory_space<hbm>> -> memref<20x32xf32, #tpu.memory_space<hbm>>
      %dma_wait3A_1527 = arith.constant 0 : i32
      %dma_wait3A_1528 = arith.constant 0 : i32
      %dma_wait3A_1529 = tpu.memref_slice %arg4[%add3A_1519, %dma_wait3A_1527, %dma_wait3A_1528] : memref<16384x20x32xf32, #tpu.memory_space<hbm>> -> memref<1x20x32xf32, #tpu.memory_space<hbm>>
      %dma_wait3A_1530 = tpu.memref_squeeze %dma_wait3A_1529 : memref<1x20x32xf32, #tpu.memory_space<hbm>> -> memref<20x32xf32, #tpu.memory_space<hbm>>
      %dma_wait3A_1531 = arith.constant 80 : i32
      %dma_wait3A_1532 = arith.constant 0 : i32
      %dma_wait3A_1533 = tpu.memref_slice %arg6[%dma_wait3A_1531, %dma_wait3A_1532] : memref<640x32xf32, #tpu.memory_space<vmem>> -> memref<20x32xf32, #tpu.memory_space<vmem>>
      tpu.wait_dma2 semaphore(%arg10 : memref<!tpu.dma_semaphore, #tpu.memory_space<semaphore_mem>>) src(%dma_wait3A_1533 : memref<20x32xf32, #tpu.memory_space<vmem>>) dst(%dma_wait3A_1530 : memref<20x32xf32, #tpu.memory_space<hbm>>)
      %mul3A_1534 = arith.constant 32 : i32
      %mul3A_1535 = arith.muli %add3A_52, %mul3A_1534 : i32
      %add3A_1536 = arith.addi %mul3A_2, %mul3A_1535 : i32
      %add3A_1537 = arith.constant 5 : i32
      %add3A_1538 = arith.addi %add3A_1536, %add3A_1537 : i32
      %dma_wait3A_1539 = arith.constant 100 : i32
      %dma_wait3A_1540 = arith.constant 0 : i32
      %dma_wait3A_1541 = tpu.memref_slice %arg6[%dma_wait3A_1539, %dma_wait3A_1540] : memref<640x32xf32, #tpu.memory_space<vmem>> -> memref<20x32xf32, #tpu.memory_space<vmem>>
      %dma_wait3A_1542 = arith.constant 0 : i32
      %dma_wait3A_1543 = arith.constant 0 : i32
      %dma_wait3A_1544 = tpu.memref_slice %arg4[%add3A_1538, %dma_wait3A_1542, %dma_wait3A_1543] : memref<16384x20x32xf32, #tpu.memory_space<hbm>> -> memref<1x20x32xf32, #tpu.memory_space<hbm>>
      %dma_wait3A_1545 = tpu.memref_squeeze %dma_wait3A_1544 : memref<1x20x32xf32, #tpu.memory_space<hbm>> -> memref<20x32xf32, #tpu.memory_space<hbm>>
      %dma_wait3A_1546 = arith.constant 0 : i32
      %dma_wait3A_1547 = arith.constant 0 : i32
      %dma_wait3A_1548 = tpu.memref_slice %arg4[%add3A_1538, %dma_wait3A_1546, %dma_wait3A_1547] : memref<16384x20x32xf32, #tpu.memory_space<hbm>> -> memref<1x20x32xf32, #tpu.memory_space<hbm>>
      %dma_wait3A_1549 = tpu.memref_squeeze %dma_wait3A_1548 : memref<1x20x32xf32, #tpu.memory_space<hbm>> -> memref<20x32xf32, #tpu.memory_space<hbm>>
      %dma_wait3A_1550 = arith.constant 100 : i32
      %dma_wait3A_1551 = arith.constant 0 : i32
      %dma_wait3A_1552 = tpu.memref_slice %arg6[%dma_wait3A_1550, %dma_wait3A_1551] : memref<640x32xf32, #tpu.memory_space<vmem>> -> memref<20x32xf32, #tpu.memory_space<vmem>>
      tpu.wait_dma2 semaphore(%arg10 : memref<!tpu.dma_semaphore, #tpu.memory_space<semaphore_mem>>) src(%dma_wait3A_1552 : memref<20x32xf32, #tpu.memory_space<vmem>>) dst(%dma_wait3A_1549 : memref<20x32xf32, #tpu.memory_space<hbm>>)
      %mul3A_1553 = arith.constant 32 : i32
      %mul3A_1554 = arith.muli %add3A_52, %mul3A_1553 : i32
      %add3A_1555 = arith.addi %mul3A_2, %mul3A_1554 : i32
      %add3A_1556 = arith.constant 6 : i32
      %add3A_1557 = arith.addi %add3A_1555, %add3A_1556 : i32
      %dma_wait3A_1558 = arith.constant 120 : i32
      %dma_wait3A_1559 = arith.constant 0 : i32
      %dma_wait3A_1560 = tpu.memref_slice %arg6[%dma_wait3A_1558, %dma_wait3A_1559] : memref<640x32xf32, #tpu.memory_space<vmem>> -> memref<20x32xf32, #tpu.memory_space<vmem>>
      %dma_wait3A_1561 = arith.constant 0 : i32
      %dma_wait3A_1562 = arith.constant 0 : i32
      %dma_wait3A_1563 = tpu.memref_slice %arg4[%add3A_1557, %dma_wait3A_1561, %dma_wait3A_1562] : memref<16384x20x32xf32, #tpu.memory_space<hbm>> -> memref<1x20x32xf32, #tpu.memory_space<hbm>>
      %dma_wait3A_1564 = tpu.memref_squeeze %dma_wait3A_1563 : memref<1x20x32xf32, #tpu.memory_space<hbm>> -> memref<20x32xf32, #tpu.memory_space<hbm>>
      %dma_wait3A_1565 = arith.constant 0 : i32
      %dma_wait3A_1566 = arith.constant 0 : i32
      %dma_wait3A_1567 = tpu.memref_slice %arg4[%add3A_1557, %dma_wait3A_1565, %dma_wait3A_1566] : memref<16384x20x32xf32, #tpu.memory_space<hbm>> -> memref<1x20x32xf32, #tpu.memory_space<hbm>>
      %dma_wait3A_1568 = tpu.memref_squeeze %dma_wait3A_1567 : memref<1x20x32xf32, #tpu.memory_space<hbm>> -> memref<20x32xf32, #tpu.memory_space<hbm>>
      %dma_wait3A_1569 = arith.constant 120 : i32
      %dma_wait3A_1570 = arith.constant 0 : i32
      %dma_wait3A_1571 = tpu.memref_slice %arg6[%dma_wait3A_1569, %dma_wait3A_1570] : memref<640x32xf32, #tpu.memory_space<vmem>> -> memref<20x32xf32, #tpu.memory_space<vmem>>
      tpu.wait_dma2 semaphore(%arg10 : memref<!tpu.dma_semaphore, #tpu.memory_space<semaphore_mem>>) src(%dma_wait3A_1571 : memref<20x32xf32, #tpu.memory_space<vmem>>) dst(%dma_wait3A_1568 : memref<20x32xf32, #tpu.memory_space<hbm>>)
      %mul3A_1572 = arith.constant 32 : i32
      %mul3A_1573 = arith.muli %add3A_52, %mul3A_1572 : i32
      %add3A_1574 = arith.addi %mul3A_2, %mul3A_1573 : i32
      %add3A_1575 = arith.constant 7 : i32
      %add3A_1576 = arith.addi %add3A_1574, %add3A_1575 : i32
      %dma_wait3A_1577 = arith.constant 140 : i32
      %dma_wait3A_1578 = arith.constant 0 : i32
      %dma_wait3A_1579 = tpu.memref_slice %arg6[%dma_wait3A_1577, %dma_wait3A_1578] : memref<640x32xf32, #tpu.memory_space<vmem>> -> memref<20x32xf32, #tpu.memory_space<vmem>>
      %dma_wait3A_1580 = arith.constant 0 : i32
      %dma_wait3A_1581 = arith.constant 0 : i32
      %dma_wait3A_1582 = tpu.memref_slice %arg4[%add3A_1576, %dma_wait3A_1580, %dma_wait3A_1581] : memref<16384x20x32xf32, #tpu.memory_space<hbm>> -> memref<1x20x32xf32, #tpu.memory_space<hbm>>
      %dma_wait3A_1583 = tpu.memref_squeeze %dma_wait3A_1582 : memref<1x20x32xf32, #tpu.memory_space<hbm>> -> memref<20x32xf32, #tpu.memory_space<hbm>>
      %dma_wait3A_1584 = arith.constant 0 : i32
      %dma_wait3A_1585 = arith.constant 0 : i32
      %dma_wait3A_1586 = tpu.memref_slice %arg4[%add3A_1576, %dma_wait3A_1584, %dma_wait3A_1585] : memref<16384x20x32xf32, #tpu.memory_space<hbm>> -> memref<1x20x32xf32, #tpu.memory_space<hbm>>
      %dma_wait3A_1587 = tpu.memref_squeeze %dma_wait3A_1586 : memref<1x20x32xf32, #tpu.memory_space<hbm>> -> memref<20x32xf32, #tpu.memory_space<hbm>>
      %dma_wait3A_1588 = arith.constant 140 : i32
      %dma_wait3A_1589 = arith.constant 0 : i32
      %dma_wait3A_1590 = tpu.memref_slice %arg6[%dma_wait3A_1588, %dma_wait3A_1589] : memref<640x32xf32, #tpu.memory_space<vmem>> -> memref<20x32xf32, #tpu.memory_space<vmem>>
      tpu.wait_dma2 semaphore(%arg10 : memref<!tpu.dma_semaphore, #tpu.memory_space<semaphore_mem>>) src(%dma_wait3A_1590 : memref<20x32xf32, #tpu.memory_space<vmem>>) dst(%dma_wait3A_1587 : memref<20x32xf32, #tpu.memory_space<hbm>>)
      %mul3A_1591 = arith.constant 32 : i32
      %mul3A_1592 = arith.muli %add3A_52, %mul3A_1591 : i32
      %add3A_1593 = arith.addi %mul3A_2, %mul3A_1592 : i32
      %add3A_1594 = arith.constant 8 : i32
      %add3A_1595 = arith.addi %add3A_1593, %add3A_1594 : i32
      %dma_wait3A_1596 = arith.constant 160 : i32
      %dma_wait3A_1597 = arith.constant 0 : i32
      %dma_wait3A_1598 = tpu.memref_slice %arg6[%dma_wait3A_1596, %dma_wait3A_1597] : memref<640x32xf32, #tpu.memory_space<vmem>> -> memref<20x32xf32, #tpu.memory_space<vmem>>
      %dma_wait3A_1599 = arith.constant 0 : i32
      %dma_wait3A_1600 = arith.constant 0 : i32
      %dma_wait3A_1601 = tpu.memref_slice %arg4[%add3A_1595, %dma_wait3A_1599, %dma_wait3A_1600] : memref<16384x20x32xf32, #tpu.memory_space<hbm>> -> memref<1x20x32xf32, #tpu.memory_space<hbm>>
      %dma_wait3A_1602 = tpu.memref_squeeze %dma_wait3A_1601 : memref<1x20x32xf32, #tpu.memory_space<hbm>> -> memref<20x32xf32, #tpu.memory_space<hbm>>
      %dma_wait3A_1603 = arith.constant 0 : i32
      %dma_wait3A_1604 = arith.constant 0 : i32
      %dma_wait3A_1605 = tpu.memref_slice %arg4[%add3A_1595, %dma_wait3A_1603, %dma_wait3A_1604] : memref<16384x20x32xf32, #tpu.memory_space<hbm>> -> memref<1x20x32xf32, #tpu.memory_space<hbm>>
      %dma_wait3A_1606 = tpu.memref_squeeze %dma_wait3A_1605 : memref<1x20x32xf32, #tpu.memory_space<hbm>> -> memref<20x32xf32, #tpu.memory_space<hbm>>
      %dma_wait3A_1607 = arith.constant 160 : i32
      %dma_wait3A_1608 = arith.constant 0 : i32
      %dma_wait3A_1609 = tpu.memref_slice %arg6[%dma_wait3A_1607, %dma_wait3A_1608] : memref<640x32xf32, #tpu.memory_space<vmem>> -> memref<20x32xf32, #tpu.memory_space<vmem>>
      tpu.wait_dma2 semaphore(%arg10 : memref<!tpu.dma_semaphore, #tpu.memory_space<semaphore_mem>>) src(%dma_wait3A_1609 : memref<20x32xf32, #tpu.memory_space<vmem>>) dst(%dma_wait3A_1606 : memref<20x32xf32, #tpu.memory_space<hbm>>)
      %mul3A_1610 = arith.constant 32 : i32
      %mul3A_1611 = arith.muli %add3A_52, %mul3A_1610 : i32
      %add3A_1612 = arith.addi %mul3A_2, %mul3A_1611 : i32
      %add3A_1613 = arith.constant 9 : i32
      %add3A_1614 = arith.addi %add3A_1612, %add3A_1613 : i32
      %dma_wait3A_1615 = arith.constant 180 : i32
      %dma_wait3A_1616 = arith.constant 0 : i32
      %dma_wait3A_1617 = tpu.memref_slice %arg6[%dma_wait3A_1615, %dma_wait3A_1616] : memref<640x32xf32, #tpu.memory_space<vmem>> -> memref<20x32xf32, #tpu.memory_space<vmem>>
      %dma_wait3A_1618 = arith.constant 0 : i32
      %dma_wait3A_1619 = arith.constant 0 : i32
      %dma_wait3A_1620 = tpu.memref_slice %arg4[%add3A_1614, %dma_wait3A_1618, %dma_wait3A_1619] : memref<16384x20x32xf32, #tpu.memory_space<hbm>> -> memref<1x20x32xf32, #tpu.memory_space<hbm>>
      %dma_wait3A_1621 = tpu.memref_squeeze %dma_wait3A_1620 : memref<1x20x32xf32, #tpu.memory_space<hbm>> -> memref<20x32xf32, #tpu.memory_space<hbm>>
      %dma_wait3A_1622 = arith.constant 0 : i32
      %dma_wait3A_1623 = arith.constant 0 : i32
      %dma_wait3A_1624 = tpu.memref_slice %arg4[%add3A_1614, %dma_wait3A_1622, %dma_wait3A_1623] : memref<16384x20x32xf32, #tpu.memory_space<hbm>> -> memref<1x20x32xf32, #tpu.memory_space<hbm>>
      %dma_wait3A_1625 = tpu.memref_squeeze %dma_wait3A_1624 : memref<1x20x32xf32, #tpu.memory_space<hbm>> -> memref<20x32xf32, #tpu.memory_space<hbm>>
      %dma_wait3A_1626 = arith.constant 180 : i32
      %dma_wait3A_1627 = arith.constant 0 : i32
      %dma_wait3A_1628 = tpu.memref_slice %arg6[%dma_wait3A_1626, %dma_wait3A_1627] : memref<640x32xf32, #tpu.memory_space<vmem>> -> memref<20x32xf32, #tpu.memory_space<vmem>>
      tpu.wait_dma2 semaphore(%arg10 : memref<!tpu.dma_semaphore, #tpu.memory_space<semaphore_mem>>) src(%dma_wait3A_1628 : memref<20x32xf32, #tpu.memory_space<vmem>>) dst(%dma_wait3A_1625 : memref<20x32xf32, #tpu.memory_space<hbm>>)
      %mul3A_1629 = arith.constant 32 : i32
      %mul3A_1630 = arith.muli %add3A_52, %mul3A_1629 : i32
      %add3A_1631 = arith.addi %mul3A_2, %mul3A_1630 : i32
      %add3A_1632 = arith.constant 10 : i32
      %add3A_1633 = arith.addi %add3A_1631, %add3A_1632 : i32
      %dma_wait3A_1634 = arith.constant 200 : i32
      %dma_wait3A_1635 = arith.constant 0 : i32
      %dma_wait3A_1636 = tpu.memref_slice %arg6[%dma_wait3A_1634, %dma_wait3A_1635] : memref<640x32xf32, #tpu.memory_space<vmem>> -> memref<20x32xf32, #tpu.memory_space<vmem>>
      %dma_wait3A_1637 = arith.constant 0 : i32
      %dma_wait3A_1638 = arith.constant 0 : i32
      %dma_wait3A_1639 = tpu.memref_slice %arg4[%add3A_1633, %dma_wait3A_1637, %dma_wait3A_1638] : memref<16384x20x32xf32, #tpu.memory_space<hbm>> -> memref<1x20x32xf32, #tpu.memory_space<hbm>>
      %dma_wait3A_1640 = tpu.memref_squeeze %dma_wait3A_1639 : memref<1x20x32xf32, #tpu.memory_space<hbm>> -> memref<20x32xf32, #tpu.memory_space<hbm>>
      %dma_wait3A_1641 = arith.constant 0 : i32
      %dma_wait3A_1642 = arith.constant 0 : i32
      %dma_wait3A_1643 = tpu.memref_slice %arg4[%add3A_1633, %dma_wait3A_1641, %dma_wait3A_1642] : memref<16384x20x32xf32, #tpu.memory_space<hbm>> -> memref<1x20x32xf32, #tpu.memory_space<hbm>>
      %dma_wait3A_1644 = tpu.memref_squeeze %dma_wait3A_1643 : memref<1x20x32xf32, #tpu.memory_space<hbm>> -> memref<20x32xf32, #tpu.memory_space<hbm>>
      %dma_wait3A_1645 = arith.constant 200 : i32
      %dma_wait3A_1646 = arith.constant 0 : i32
      %dma_wait3A_1647 = tpu.memref_slice %arg6[%dma_wait3A_1645, %dma_wait3A_1646] : memref<640x32xf32, #tpu.memory_space<vmem>> -> memref<20x32xf32, #tpu.memory_space<vmem>>
      tpu.wait_dma2 semaphore(%arg10 : memref<!tpu.dma_semaphore, #tpu.memory_space<semaphore_mem>>) src(%dma_wait3A_1647 : memref<20x32xf32, #tpu.memory_space<vmem>>) dst(%dma_wait3A_1644 : memref<20x32xf32, #tpu.memory_space<hbm>>)
      %mul3A_1648 = arith.constant 32 : i32
      %mul3A_1649 = arith.muli %add3A_52, %mul3A_1648 : i32
      %add3A_1650 = arith.addi %mul3A_2, %mul3A_1649 : i32
      %add3A_1651 = arith.constant 11 : i32
      %add3A_1652 = arith.addi %add3A_1650, %add3A_1651 : i32
      %dma_wait3A_1653 = arith.constant 220 : i32
      %dma_wait3A_1654 = arith.constant 0 : i32
      %dma_wait3A_1655 = tpu.memref_slice %arg6[%dma_wait3A_1653, %dma_wait3A_1654] : memref<640x32xf32, #tpu.memory_space<vmem>> -> memref<20x32xf32, #tpu.memory_space<vmem>>
      %dma_wait3A_1656 = arith.constant 0 : i32
      %dma_wait3A_1657 = arith.constant 0 : i32
      %dma_wait3A_1658 = tpu.memref_slice %arg4[%add3A_1652, %dma_wait3A_1656, %dma_wait3A_1657] : memref<16384x20x32xf32, #tpu.memory_space<hbm>> -> memref<1x20x32xf32, #tpu.memory_space<hbm>>
      %dma_wait3A_1659 = tpu.memref_squeeze %dma_wait3A_1658 : memref<1x20x32xf32, #tpu.memory_space<hbm>> -> memref<20x32xf32, #tpu.memory_space<hbm>>
      %dma_wait3A_1660 = arith.constant 0 : i32
      %dma_wait3A_1661 = arith.constant 0 : i32
      %dma_wait3A_1662 = tpu.memref_slice %arg4[%add3A_1652, %dma_wait3A_1660, %dma_wait3A_1661] : memref<16384x20x32xf32, #tpu.memory_space<hbm>> -> memref<1x20x32xf32, #tpu.memory_space<hbm>>
      %dma_wait3A_1663 = tpu.memref_squeeze %dma_wait3A_1662 : memref<1x20x32xf32, #tpu.memory_space<hbm>> -> memref<20x32xf32, #tpu.memory_space<hbm>>
      %dma_wait3A_1664 = arith.constant 220 : i32
      %dma_wait3A_1665 = arith.constant 0 : i32
      %dma_wait3A_1666 = tpu.memref_slice %arg6[%dma_wait3A_1664, %dma_wait3A_1665] : memref<640x32xf32, #tpu.memory_space<vmem>> -> memref<20x32xf32, #tpu.memory_space<vmem>>
      tpu.wait_dma2 semaphore(%arg10 : memref<!tpu.dma_semaphore, #tpu.memory_space<semaphore_mem>>) src(%dma_wait3A_1666 : memref<20x32xf32, #tpu.memory_space<vmem>>) dst(%dma_wait3A_1663 : memref<20x32xf32, #tpu.memory_space<hbm>>)
      %mul3A_1667 = arith.constant 32 : i32
      %mul3A_1668 = arith.muli %add3A_52, %mul3A_1667 : i32
      %add3A_1669 = arith.addi %mul3A_2, %mul3A_1668 : i32
      %add3A_1670 = arith.constant 12 : i32
      %add3A_1671 = arith.addi %add3A_1669, %add3A_1670 : i32
      %dma_wait3A_1672 = arith.constant 240 : i32
      %dma_wait3A_1673 = arith.constant 0 : i32
      %dma_wait3A_1674 = tpu.memref_slice %arg6[%dma_wait3A_1672, %dma_wait3A_1673] : memref<640x32xf32, #tpu.memory_space<vmem>> -> memref<20x32xf32, #tpu.memory_space<vmem>>
      %dma_wait3A_1675 = arith.constant 0 : i32
      %dma_wait3A_1676 = arith.constant 0 : i32
      %dma_wait3A_1677 = tpu.memref_slice %arg4[%add3A_1671, %dma_wait3A_1675, %dma_wait3A_1676] : memref<16384x20x32xf32, #tpu.memory_space<hbm>> -> memref<1x20x32xf32, #tpu.memory_space<hbm>>
      %dma_wait3A_1678 = tpu.memref_squeeze %dma_wait3A_1677 : memref<1x20x32xf32, #tpu.memory_space<hbm>> -> memref<20x32xf32, #tpu.memory_space<hbm>>
      %dma_wait3A_1679 = arith.constant 0 : i32
      %dma_wait3A_1680 = arith.constant 0 : i32
      %dma_wait3A_1681 = tpu.memref_slice %arg4[%add3A_1671, %dma_wait3A_1679, %dma_wait3A_1680] : memref<16384x20x32xf32, #tpu.memory_space<hbm>> -> memref<1x20x32xf32, #tpu.memory_space<hbm>>
      %dma_wait3A_1682 = tpu.memref_squeeze %dma_wait3A_1681 : memref<1x20x32xf32, #tpu.memory_space<hbm>> -> memref<20x32xf32, #tpu.memory_space<hbm>>
      %dma_wait3A_1683 = arith.constant 240 : i32
      %dma_wait3A_1684 = arith.constant 0 : i32
      %dma_wait3A_1685 = tpu.memref_slice %arg6[%dma_wait3A_1683, %dma_wait3A_1684] : memref<640x32xf32, #tpu.memory_space<vmem>> -> memref<20x32xf32, #tpu.memory_space<vmem>>
      tpu.wait_dma2 semaphore(%arg10 : memref<!tpu.dma_semaphore, #tpu.memory_space<semaphore_mem>>) src(%dma_wait3A_1685 : memref<20x32xf32, #tpu.memory_space<vmem>>) dst(%dma_wait3A_1682 : memref<20x32xf32, #tpu.memory_space<hbm>>)
      %mul3A_1686 = arith.constant 32 : i32
      %mul3A_1687 = arith.muli %add3A_52, %mul3A_1686 : i32
      %add3A_1688 = arith.addi %mul3A_2, %mul3A_1687 : i32
      %add3A_1689 = arith.constant 13 : i32
      %add3A_1690 = arith.addi %add3A_1688, %add3A_1689 : i32
      %dma_wait3A_1691 = arith.constant 260 : i32
      %dma_wait3A_1692 = arith.constant 0 : i32
      %dma_wait3A_1693 = tpu.memref_slice %arg6[%dma_wait3A_1691, %dma_wait3A_1692] : memref<640x32xf32, #tpu.memory_space<vmem>> -> memref<20x32xf32, #tpu.memory_space<vmem>>
      %dma_wait3A_1694 = arith.constant 0 : i32
      %dma_wait3A_1695 = arith.constant 0 : i32
      %dma_wait3A_1696 = tpu.memref_slice %arg4[%add3A_1690, %dma_wait3A_1694, %dma_wait3A_1695] : memref<16384x20x32xf32, #tpu.memory_space<hbm>> -> memref<1x20x32xf32, #tpu.memory_space<hbm>>
      %dma_wait3A_1697 = tpu.memref_squeeze %dma_wait3A_1696 : memref<1x20x32xf32, #tpu.memory_space<hbm>> -> memref<20x32xf32, #tpu.memory_space<hbm>>
      %dma_wait3A_1698 = arith.constant 0 : i32
      %dma_wait3A_1699 = arith.constant 0 : i32
      %dma_wait3A_1700 = tpu.memref_slice %arg4[%add3A_1690, %dma_wait3A_1698, %dma_wait3A_1699] : memref<16384x20x32xf32, #tpu.memory_space<hbm>> -> memref<1x20x32xf32, #tpu.memory_space<hbm>>
      %dma_wait3A_1701 = tpu.memref_squeeze %dma_wait3A_1700 : memref<1x20x32xf32, #tpu.memory_space<hbm>> -> memref<20x32xf32, #tpu.memory_space<hbm>>
      %dma_wait3A_1702 = arith.constant 260 : i32
      %dma_wait3A_1703 = arith.constant 0 : i32
      %dma_wait3A_1704 = tpu.memref_slice %arg6[%dma_wait3A_1702, %dma_wait3A_1703] : memref<640x32xf32, #tpu.memory_space<vmem>> -> memref<20x32xf32, #tpu.memory_space<vmem>>
      tpu.wait_dma2 semaphore(%arg10 : memref<!tpu.dma_semaphore, #tpu.memory_space<semaphore_mem>>) src(%dma_wait3A_1704 : memref<20x32xf32, #tpu.memory_space<vmem>>) dst(%dma_wait3A_1701 : memref<20x32xf32, #tpu.memory_space<hbm>>)
      %mul3A_1705 = arith.constant 32 : i32
      %mul3A_1706 = arith.muli %add3A_52, %mul3A_1705 : i32
      %add3A_1707 = arith.addi %mul3A_2, %mul3A_1706 : i32
      %add3A_1708 = arith.constant 14 : i32
      %add3A_1709 = arith.addi %add3A_1707, %add3A_1708 : i32
      %dma_wait3A_1710 = arith.constant 280 : i32
      %dma_wait3A_1711 = arith.constant 0 : i32
      %dma_wait3A_1712 = tpu.memref_slice %arg6[%dma_wait3A_1710, %dma_wait3A_1711] : memref<640x32xf32, #tpu.memory_space<vmem>> -> memref<20x32xf32, #tpu.memory_space<vmem>>
      %dma_wait3A_1713 = arith.constant 0 : i32
      %dma_wait3A_1714 = arith.constant 0 : i32
      %dma_wait3A_1715 = tpu.memref_slice %arg4[%add3A_1709, %dma_wait3A_1713, %dma_wait3A_1714] : memref<16384x20x32xf32, #tpu.memory_space<hbm>> -> memref<1x20x32xf32, #tpu.memory_space<hbm>>
      %dma_wait3A_1716 = tpu.memref_squeeze %dma_wait3A_1715 : memref<1x20x32xf32, #tpu.memory_space<hbm>> -> memref<20x32xf32, #tpu.memory_space<hbm>>
      %dma_wait3A_1717 = arith.constant 0 : i32
      %dma_wait3A_1718 = arith.constant 0 : i32
      %dma_wait3A_1719 = tpu.memref_slice %arg4[%add3A_1709, %dma_wait3A_1717, %dma_wait3A_1718] : memref<16384x20x32xf32, #tpu.memory_space<hbm>> -> memref<1x20x32xf32, #tpu.memory_space<hbm>>
      %dma_wait3A_1720 = tpu.memref_squeeze %dma_wait3A_1719 : memref<1x20x32xf32, #tpu.memory_space<hbm>> -> memref<20x32xf32, #tpu.memory_space<hbm>>
      %dma_wait3A_1721 = arith.constant 280 : i32
      %dma_wait3A_1722 = arith.constant 0 : i32
      %dma_wait3A_1723 = tpu.memref_slice %arg6[%dma_wait3A_1721, %dma_wait3A_1722] : memref<640x32xf32, #tpu.memory_space<vmem>> -> memref<20x32xf32, #tpu.memory_space<vmem>>
      tpu.wait_dma2 semaphore(%arg10 : memref<!tpu.dma_semaphore, #tpu.memory_space<semaphore_mem>>) src(%dma_wait3A_1723 : memref<20x32xf32, #tpu.memory_space<vmem>>) dst(%dma_wait3A_1720 : memref<20x32xf32, #tpu.memory_space<hbm>>)
      %mul3A_1724 = arith.constant 32 : i32
      %mul3A_1725 = arith.muli %add3A_52, %mul3A_1724 : i32
      %add3A_1726 = arith.addi %mul3A_2, %mul3A_1725 : i32
      %add3A_1727 = arith.constant 15 : i32
      %add3A_1728 = arith.addi %add3A_1726, %add3A_1727 : i32
      %dma_wait3A_1729 = arith.constant 300 : i32
      %dma_wait3A_1730 = arith.constant 0 : i32
      %dma_wait3A_1731 = tpu.memref_slice %arg6[%dma_wait3A_1729, %dma_wait3A_1730] : memref<640x32xf32, #tpu.memory_space<vmem>> -> memref<20x32xf32, #tpu.memory_space<vmem>>
      %dma_wait3A_1732 = arith.constant 0 : i32
      %dma_wait3A_1733 = arith.constant 0 : i32
      %dma_wait3A_1734 = tpu.memref_slice %arg4[%add3A_1728, %dma_wait3A_1732, %dma_wait3A_1733] : memref<16384x20x32xf32, #tpu.memory_space<hbm>> -> memref<1x20x32xf32, #tpu.memory_space<hbm>>
      %dma_wait3A_1735 = tpu.memref_squeeze %dma_wait3A_1734 : memref<1x20x32xf32, #tpu.memory_space<hbm>> -> memref<20x32xf32, #tpu.memory_space<hbm>>
      %dma_wait3A_1736 = arith.constant 0 : i32
      %dma_wait3A_1737 = arith.constant 0 : i32
      %dma_wait3A_1738 = tpu.memref_slice %arg4[%add3A_1728, %dma_wait3A_1736, %dma_wait3A_1737] : memref<16384x20x32xf32, #tpu.memory_space<hbm>> -> memref<1x20x32xf32, #tpu.memory_space<hbm>>
      %dma_wait3A_1739 = tpu.memref_squeeze %dma_wait3A_1738 : memref<1x20x32xf32, #tpu.memory_space<hbm>> -> memref<20x32xf32, #tpu.memory_space<hbm>>
      %dma_wait3A_1740 = arith.constant 300 : i32
      %dma_wait3A_1741 = arith.constant 0 : i32
      %dma_wait3A_1742 = tpu.memref_slice %arg6[%dma_wait3A_1740, %dma_wait3A_1741] : memref<640x32xf32, #tpu.memory_space<vmem>> -> memref<20x32xf32, #tpu.memory_space<vmem>>
      tpu.wait_dma2 semaphore(%arg10 : memref<!tpu.dma_semaphore, #tpu.memory_space<semaphore_mem>>) src(%dma_wait3A_1742 : memref<20x32xf32, #tpu.memory_space<vmem>>) dst(%dma_wait3A_1739 : memref<20x32xf32, #tpu.memory_space<hbm>>)
      %mul3A_1743 = arith.constant 32 : i32
      %mul3A_1744 = arith.muli %add3A_52, %mul3A_1743 : i32
      %add3A_1745 = arith.addi %mul3A_2, %mul3A_1744 : i32
      %add3A_1746 = arith.constant 16 : i32
      %add3A_1747 = arith.addi %add3A_1745, %add3A_1746 : i32
      %dma_wait3A_1748 = arith.constant 320 : i32
      %dma_wait3A_1749 = arith.constant 0 : i32
      %dma_wait3A_1750 = tpu.memref_slice %arg6[%dma_wait3A_1748, %dma_wait3A_1749] : memref<640x32xf32, #tpu.memory_space<vmem>> -> memref<20x32xf32, #tpu.memory_space<vmem>>
      %dma_wait3A_1751 = arith.constant 0 : i32
      %dma_wait3A_1752 = arith.constant 0 : i32
      %dma_wait3A_1753 = tpu.memref_slice %arg4[%add3A_1747, %dma_wait3A_1751, %dma_wait3A_1752] : memref<16384x20x32xf32, #tpu.memory_space<hbm>> -> memref<1x20x32xf32, #tpu.memory_space<hbm>>
      %dma_wait3A_1754 = tpu.memref_squeeze %dma_wait3A_1753 : memref<1x20x32xf32, #tpu.memory_space<hbm>> -> memref<20x32xf32, #tpu.memory_space<hbm>>
      %dma_wait3A_1755 = arith.constant 0 : i32
      %dma_wait3A_1756 = arith.constant 0 : i32
      %dma_wait3A_1757 = tpu.memref_slice %arg4[%add3A_1747, %dma_wait3A_1755, %dma_wait3A_1756] : memref<16384x20x32xf32, #tpu.memory_space<hbm>> -> memref<1x20x32xf32, #tpu.memory_space<hbm>>
      %dma_wait3A_1758 = tpu.memref_squeeze %dma_wait3A_1757 : memref<1x20x32xf32, #tpu.memory_space<hbm>> -> memref<20x32xf32, #tpu.memory_space<hbm>>
      %dma_wait3A_1759 = arith.constant 320 : i32
      %dma_wait3A_1760 = arith.constant 0 : i32
      %dma_wait3A_1761 = tpu.memref_slice %arg6[%dma_wait3A_1759, %dma_wait3A_1760] : memref<640x32xf32, #tpu.memory_space<vmem>> -> memref<20x32xf32, #tpu.memory_space<vmem>>
      tpu.wait_dma2 semaphore(%arg10 : memref<!tpu.dma_semaphore, #tpu.memory_space<semaphore_mem>>) src(%dma_wait3A_1761 : memref<20x32xf32, #tpu.memory_space<vmem>>) dst(%dma_wait3A_1758 : memref<20x32xf32, #tpu.memory_space<hbm>>)
      %mul3A_1762 = arith.constant 32 : i32
      %mul3A_1763 = arith.muli %add3A_52, %mul3A_1762 : i32
      %add3A_1764 = arith.addi %mul3A_2, %mul3A_1763 : i32
      %add3A_1765 = arith.constant 17 : i32
      %add3A_1766 = arith.addi %add3A_1764, %add3A_1765 : i32
      %dma_wait3A_1767 = arith.constant 340 : i32
      %dma_wait3A_1768 = arith.constant 0 : i32
      %dma_wait3A_1769 = tpu.memref_slice %arg6[%dma_wait3A_1767, %dma_wait3A_1768] : memref<640x32xf32, #tpu.memory_space<vmem>> -> memref<20x32xf32, #tpu.memory_space<vmem>>
      %dma_wait3A_1770 = arith.constant 0 : i32
      %dma_wait3A_1771 = arith.constant 0 : i32
      %dma_wait3A_1772 = tpu.memref_slice %arg4[%add3A_1766, %dma_wait3A_1770, %dma_wait3A_1771] : memref<16384x20x32xf32, #tpu.memory_space<hbm>> -> memref<1x20x32xf32, #tpu.memory_space<hbm>>
      %dma_wait3A_1773 = tpu.memref_squeeze %dma_wait3A_1772 : memref<1x20x32xf32, #tpu.memory_space<hbm>> -> memref<20x32xf32, #tpu.memory_space<hbm>>
      %dma_wait3A_1774 = arith.constant 0 : i32
      %dma_wait3A_1775 = arith.constant 0 : i32
      %dma_wait3A_1776 = tpu.memref_slice %arg4[%add3A_1766, %dma_wait3A_1774, %dma_wait3A_1775] : memref<16384x20x32xf32, #tpu.memory_space<hbm>> -> memref<1x20x32xf32, #tpu.memory_space<hbm>>
      %dma_wait3A_1777 = tpu.memref_squeeze %dma_wait3A_1776 : memref<1x20x32xf32, #tpu.memory_space<hbm>> -> memref<20x32xf32, #tpu.memory_space<hbm>>
      %dma_wait3A_1778 = arith.constant 340 : i32
      %dma_wait3A_1779 = arith.constant 0 : i32
      %dma_wait3A_1780 = tpu.memref_slice %arg6[%dma_wait3A_1778, %dma_wait3A_1779] : memref<640x32xf32, #tpu.memory_space<vmem>> -> memref<20x32xf32, #tpu.memory_space<vmem>>
      tpu.wait_dma2 semaphore(%arg10 : memref<!tpu.dma_semaphore, #tpu.memory_space<semaphore_mem>>) src(%dma_wait3A_1780 : memref<20x32xf32, #tpu.memory_space<vmem>>) dst(%dma_wait3A_1777 : memref<20x32xf32, #tpu.memory_space<hbm>>)
      %mul3A_1781 = arith.constant 32 : i32
      %mul3A_1782 = arith.muli %add3A_52, %mul3A_1781 : i32
      %add3A_1783 = arith.addi %mul3A_2, %mul3A_1782 : i32
      %add3A_1784 = arith.constant 18 : i32
      %add3A_1785 = arith.addi %add3A_1783, %add3A_1784 : i32
      %dma_wait3A_1786 = arith.constant 360 : i32
      %dma_wait3A_1787 = arith.constant 0 : i32
      %dma_wait3A_1788 = tpu.memref_slice %arg6[%dma_wait3A_1786, %dma_wait3A_1787] : memref<640x32xf32, #tpu.memory_space<vmem>> -> memref<20x32xf32, #tpu.memory_space<vmem>>
      %dma_wait3A_1789 = arith.constant 0 : i32
      %dma_wait3A_1790 = arith.constant 0 : i32
      %dma_wait3A_1791 = tpu.memref_slice %arg4[%add3A_1785, %dma_wait3A_1789, %dma_wait3A_1790] : memref<16384x20x32xf32, #tpu.memory_space<hbm>> -> memref<1x20x32xf32, #tpu.memory_space<hbm>>
      %dma_wait3A_1792 = tpu.memref_squeeze %dma_wait3A_1791 : memref<1x20x32xf32, #tpu.memory_space<hbm>> -> memref<20x32xf32, #tpu.memory_space<hbm>>
      %dma_wait3A_1793 = arith.constant 0 : i32
      %dma_wait3A_1794 = arith.constant 0 : i32
      %dma_wait3A_1795 = tpu.memref_slice %arg4[%add3A_1785, %dma_wait3A_1793, %dma_wait3A_1794] : memref<16384x20x32xf32, #tpu.memory_space<hbm>> -> memref<1x20x32xf32, #tpu.memory_space<hbm>>
      %dma_wait3A_1796 = tpu.memref_squeeze %dma_wait3A_1795 : memref<1x20x32xf32, #tpu.memory_space<hbm>> -> memref<20x32xf32, #tpu.memory_space<hbm>>
      %dma_wait3A_1797 = arith.constant 360 : i32
      %dma_wait3A_1798 = arith.constant 0 : i32
      %dma_wait3A_1799 = tpu.memref_slice %arg6[%dma_wait3A_1797, %dma_wait3A_1798] : memref<640x32xf32, #tpu.memory_space<vmem>> -> memref<20x32xf32, #tpu.memory_space<vmem>>
      tpu.wait_dma2 semaphore(%arg10 : memref<!tpu.dma_semaphore, #tpu.memory_space<semaphore_mem>>) src(%dma_wait3A_1799 : memref<20x32xf32, #tpu.memory_space<vmem>>) dst(%dma_wait3A_1796 : memref<20x32xf32, #tpu.memory_space<hbm>>)
      %mul3A_1800 = arith.constant 32 : i32
      %mul3A_1801 = arith.muli %add3A_52, %mul3A_1800 : i32
      %add3A_1802 = arith.addi %mul3A_2, %mul3A_1801 : i32
      %add3A_1803 = arith.constant 19 : i32
      %add3A_1804 = arith.addi %add3A_1802, %add3A_1803 : i32
      %dma_wait3A_1805 = arith.constant 380 : i32
      %dma_wait3A_1806 = arith.constant 0 : i32
      %dma_wait3A_1807 = tpu.memref_slice %arg6[%dma_wait3A_1805, %dma_wait3A_1806] : memref<640x32xf32, #tpu.memory_space<vmem>> -> memref<20x32xf32, #tpu.memory_space<vmem>>
      %dma_wait3A_1808 = arith.constant 0 : i32
      %dma_wait3A_1809 = arith.constant 0 : i32
      %dma_wait3A_1810 = tpu.memref_slice %arg4[%add3A_1804, %dma_wait3A_1808, %dma_wait3A_1809] : memref<16384x20x32xf32, #tpu.memory_space<hbm>> -> memref<1x20x32xf32, #tpu.memory_space<hbm>>
      %dma_wait3A_1811 = tpu.memref_squeeze %dma_wait3A_1810 : memref<1x20x32xf32, #tpu.memory_space<hbm>> -> memref<20x32xf32, #tpu.memory_space<hbm>>
      %dma_wait3A_1812 = arith.constant 0 : i32
      %dma_wait3A_1813 = arith.constant 0 : i32
      %dma_wait3A_1814 = tpu.memref_slice %arg4[%add3A_1804, %dma_wait3A_1812, %dma_wait3A_1813] : memref<16384x20x32xf32, #tpu.memory_space<hbm>> -> memref<1x20x32xf32, #tpu.memory_space<hbm>>
      %dma_wait3A_1815 = tpu.memref_squeeze %dma_wait3A_1814 : memref<1x20x32xf32, #tpu.memory_space<hbm>> -> memref<20x32xf32, #tpu.memory_space<hbm>>
      %dma_wait3A_1816 = arith.constant 380 : i32
      %dma_wait3A_1817 = arith.constant 0 : i32
      %dma_wait3A_1818 = tpu.memref_slice %arg6[%dma_wait3A_1816, %dma_wait3A_1817] : memref<640x32xf32, #tpu.memory_space<vmem>> -> memref<20x32xf32, #tpu.memory_space<vmem>>
      tpu.wait_dma2 semaphore(%arg10 : memref<!tpu.dma_semaphore, #tpu.memory_space<semaphore_mem>>) src(%dma_wait3A_1818 : memref<20x32xf32, #tpu.memory_space<vmem>>) dst(%dma_wait3A_1815 : memref<20x32xf32, #tpu.memory_space<hbm>>)
      %mul3A_1819 = arith.constant 32 : i32
      %mul3A_1820 = arith.muli %add3A_52, %mul3A_1819 : i32
      %add3A_1821 = arith.addi %mul3A_2, %mul3A_1820 : i32
      %add3A_1822 = arith.constant 20 : i32
      %add3A_1823 = arith.addi %add3A_1821, %add3A_1822 : i32
      %dma_wait3A_1824 = arith.constant 400 : i32
      %dma_wait3A_1825 = arith.constant 0 : i32
      %dma_wait3A_1826 = tpu.memref_slice %arg6[%dma_wait3A_1824, %dma_wait3A_1825] : memref<640x32xf32, #tpu.memory_space<vmem>> -> memref<20x32xf32, #tpu.memory_space<vmem>>
      %dma_wait3A_1827 = arith.constant 0 : i32
      %dma_wait3A_1828 = arith.constant 0 : i32
      %dma_wait3A_1829 = tpu.memref_slice %arg4[%add3A_1823, %dma_wait3A_1827, %dma_wait3A_1828] : memref<16384x20x32xf32, #tpu.memory_space<hbm>> -> memref<1x20x32xf32, #tpu.memory_space<hbm>>
      %dma_wait3A_1830 = tpu.memref_squeeze %dma_wait3A_1829 : memref<1x20x32xf32, #tpu.memory_space<hbm>> -> memref<20x32xf32, #tpu.memory_space<hbm>>
      %dma_wait3A_1831 = arith.constant 0 : i32
      %dma_wait3A_1832 = arith.constant 0 : i32
      %dma_wait3A_1833 = tpu.memref_slice %arg4[%add3A_1823, %dma_wait3A_1831, %dma_wait3A_1832] : memref<16384x20x32xf32, #tpu.memory_space<hbm>> -> memref<1x20x32xf32, #tpu.memory_space<hbm>>
      %dma_wait3A_1834 = tpu.memref_squeeze %dma_wait3A_1833 : memref<1x20x32xf32, #tpu.memory_space<hbm>> -> memref<20x32xf32, #tpu.memory_space<hbm>>
      %dma_wait3A_1835 = arith.constant 400 : i32
      %dma_wait3A_1836 = arith.constant 0 : i32
      %dma_wait3A_1837 = tpu.memref_slice %arg6[%dma_wait3A_1835, %dma_wait3A_1836] : memref<640x32xf32, #tpu.memory_space<vmem>> -> memref<20x32xf32, #tpu.memory_space<vmem>>
      tpu.wait_dma2 semaphore(%arg10 : memref<!tpu.dma_semaphore, #tpu.memory_space<semaphore_mem>>) src(%dma_wait3A_1837 : memref<20x32xf32, #tpu.memory_space<vmem>>) dst(%dma_wait3A_1834 : memref<20x32xf32, #tpu.memory_space<hbm>>)
      %mul3A_1838 = arith.constant 32 : i32
      %mul3A_1839 = arith.muli %add3A_52, %mul3A_1838 : i32
      %add3A_1840 = arith.addi %mul3A_2, %mul3A_1839 : i32
      %add3A_1841 = arith.constant 21 : i32
      %add3A_1842 = arith.addi %add3A_1840, %add3A_1841 : i32
      %dma_wait3A_1843 = arith.constant 420 : i32
      %dma_wait3A_1844 = arith.constant 0 : i32
      %dma_wait3A_1845 = tpu.memref_slice %arg6[%dma_wait3A_1843, %dma_wait3A_1844] : memref<640x32xf32, #tpu.memory_space<vmem>> -> memref<20x32xf32, #tpu.memory_space<vmem>>
      %dma_wait3A_1846 = arith.constant 0 : i32
      %dma_wait3A_1847 = arith.constant 0 : i32
      %dma_wait3A_1848 = tpu.memref_slice %arg4[%add3A_1842, %dma_wait3A_1846, %dma_wait3A_1847] : memref<16384x20x32xf32, #tpu.memory_space<hbm>> -> memref<1x20x32xf32, #tpu.memory_space<hbm>>
      %dma_wait3A_1849 = tpu.memref_squeeze %dma_wait3A_1848 : memref<1x20x32xf32, #tpu.memory_space<hbm>> -> memref<20x32xf32, #tpu.memory_space<hbm>>
      %dma_wait3A_1850 = arith.constant 0 : i32
      %dma_wait3A_1851 = arith.constant 0 : i32
      %dma_wait3A_1852 = tpu.memref_slice %arg4[%add3A_1842, %dma_wait3A_1850, %dma_wait3A_1851] : memref<16384x20x32xf32, #tpu.memory_space<hbm>> -> memref<1x20x32xf32, #tpu.memory_space<hbm>>
      %dma_wait3A_1853 = tpu.memref_squeeze %dma_wait3A_1852 : memref<1x20x32xf32, #tpu.memory_space<hbm>> -> memref<20x32xf32, #tpu.memory_space<hbm>>
      %dma_wait3A_1854 = arith.constant 420 : i32
      %dma_wait3A_1855 = arith.constant 0 : i32
      %dma_wait3A_1856 = tpu.memref_slice %arg6[%dma_wait3A_1854, %dma_wait3A_1855] : memref<640x32xf32, #tpu.memory_space<vmem>> -> memref<20x32xf32, #tpu.memory_space<vmem>>
      tpu.wait_dma2 semaphore(%arg10 : memref<!tpu.dma_semaphore, #tpu.memory_space<semaphore_mem>>) src(%dma_wait3A_1856 : memref<20x32xf32, #tpu.memory_space<vmem>>) dst(%dma_wait3A_1853 : memref<20x32xf32, #tpu.memory_space<hbm>>)
      %mul3A_1857 = arith.constant 32 : i32
      %mul3A_1858 = arith.muli %add3A_52, %mul3A_1857 : i32
      %add3A_1859 = arith.addi %mul3A_2, %mul3A_1858 : i32
      %add3A_1860 = arith.constant 22 : i32
      %add3A_1861 = arith.addi %add3A_1859, %add3A_1860 : i32
      %dma_wait3A_1862 = arith.constant 440 : i32
      %dma_wait3A_1863 = arith.constant 0 : i32
      %dma_wait3A_1864 = tpu.memref_slice %arg6[%dma_wait3A_1862, %dma_wait3A_1863] : memref<640x32xf32, #tpu.memory_space<vmem>> -> memref<20x32xf32, #tpu.memory_space<vmem>>
      %dma_wait3A_1865 = arith.constant 0 : i32
      %dma_wait3A_1866 = arith.constant 0 : i32
      %dma_wait3A_1867 = tpu.memref_slice %arg4[%add3A_1861, %dma_wait3A_1865, %dma_wait3A_1866] : memref<16384x20x32xf32, #tpu.memory_space<hbm>> -> memref<1x20x32xf32, #tpu.memory_space<hbm>>
      %dma_wait3A_1868 = tpu.memref_squeeze %dma_wait3A_1867 : memref<1x20x32xf32, #tpu.memory_space<hbm>> -> memref<20x32xf32, #tpu.memory_space<hbm>>
      %dma_wait3A_1869 = arith.constant 0 : i32
      %dma_wait3A_1870 = arith.constant 0 : i32
      %dma_wait3A_1871 = tpu.memref_slice %arg4[%add3A_1861, %dma_wait3A_1869, %dma_wait3A_1870] : memref<16384x20x32xf32, #tpu.memory_space<hbm>> -> memref<1x20x32xf32, #tpu.memory_space<hbm>>
      %dma_wait3A_1872 = tpu.memref_squeeze %dma_wait3A_1871 : memref<1x20x32xf32, #tpu.memory_space<hbm>> -> memref<20x32xf32, #tpu.memory_space<hbm>>
      %dma_wait3A_1873 = arith.constant 440 : i32
      %dma_wait3A_1874 = arith.constant 0 : i32
      %dma_wait3A_1875 = tpu.memref_slice %arg6[%dma_wait3A_1873, %dma_wait3A_1874] : memref<640x32xf32, #tpu.memory_space<vmem>> -> memref<20x32xf32, #tpu.memory_space<vmem>>
      tpu.wait_dma2 semaphore(%arg10 : memref<!tpu.dma_semaphore, #tpu.memory_space<semaphore_mem>>) src(%dma_wait3A_1875 : memref<20x32xf32, #tpu.memory_space<vmem>>) dst(%dma_wait3A_1872 : memref<20x32xf32, #tpu.memory_space<hbm>>)
      %mul3A_1876 = arith.constant 32 : i32
      %mul3A_1877 = arith.muli %add3A_52, %mul3A_1876 : i32
      %add3A_1878 = arith.addi %mul3A_2, %mul3A_1877 : i32
      %add3A_1879 = arith.constant 23 : i32
      %add3A_1880 = arith.addi %add3A_1878, %add3A_1879 : i32
      %dma_wait3A_1881 = arith.constant 460 : i32
      %dma_wait3A_1882 = arith.constant 0 : i32
      %dma_wait3A_1883 = tpu.memref_slice %arg6[%dma_wait3A_1881, %dma_wait3A_1882] : memref<640x32xf32, #tpu.memory_space<vmem>> -> memref<20x32xf32, #tpu.memory_space<vmem>>
      %dma_wait3A_1884 = arith.constant 0 : i32
      %dma_wait3A_1885 = arith.constant 0 : i32
      %dma_wait3A_1886 = tpu.memref_slice %arg4[%add3A_1880, %dma_wait3A_1884, %dma_wait3A_1885] : memref<16384x20x32xf32, #tpu.memory_space<hbm>> -> memref<1x20x32xf32, #tpu.memory_space<hbm>>
      %dma_wait3A_1887 = tpu.memref_squeeze %dma_wait3A_1886 : memref<1x20x32xf32, #tpu.memory_space<hbm>> -> memref<20x32xf32, #tpu.memory_space<hbm>>
      %dma_wait3A_1888 = arith.constant 0 : i32
      %dma_wait3A_1889 = arith.constant 0 : i32
      %dma_wait3A_1890 = tpu.memref_slice %arg4[%add3A_1880, %dma_wait3A_1888, %dma_wait3A_1889] : memref<16384x20x32xf32, #tpu.memory_space<hbm>> -> memref<1x20x32xf32, #tpu.memory_space<hbm>>
      %dma_wait3A_1891 = tpu.memref_squeeze %dma_wait3A_1890 : memref<1x20x32xf32, #tpu.memory_space<hbm>> -> memref<20x32xf32, #tpu.memory_space<hbm>>
      %dma_wait3A_1892 = arith.constant 460 : i32
      %dma_wait3A_1893 = arith.constant 0 : i32
      %dma_wait3A_1894 = tpu.memref_slice %arg6[%dma_wait3A_1892, %dma_wait3A_1893] : memref<640x32xf32, #tpu.memory_space<vmem>> -> memref<20x32xf32, #tpu.memory_space<vmem>>
      tpu.wait_dma2 semaphore(%arg10 : memref<!tpu.dma_semaphore, #tpu.memory_space<semaphore_mem>>) src(%dma_wait3A_1894 : memref<20x32xf32, #tpu.memory_space<vmem>>) dst(%dma_wait3A_1891 : memref<20x32xf32, #tpu.memory_space<hbm>>)
      %mul3A_1895 = arith.constant 32 : i32
      %mul3A_1896 = arith.muli %add3A_52, %mul3A_1895 : i32
      %add3A_1897 = arith.addi %mul3A_2, %mul3A_1896 : i32
      %add3A_1898 = arith.constant 24 : i32
      %add3A_1899 = arith.addi %add3A_1897, %add3A_1898 : i32
      %dma_wait3A_1900 = arith.constant 480 : i32
      %dma_wait3A_1901 = arith.constant 0 : i32
      %dma_wait3A_1902 = tpu.memref_slice %arg6[%dma_wait3A_1900, %dma_wait3A_1901] : memref<640x32xf32, #tpu.memory_space<vmem>> -> memref<20x32xf32, #tpu.memory_space<vmem>>
      %dma_wait3A_1903 = arith.constant 0 : i32
      %dma_wait3A_1904 = arith.constant 0 : i32
      %dma_wait3A_1905 = tpu.memref_slice %arg4[%add3A_1899, %dma_wait3A_1903, %dma_wait3A_1904] : memref<16384x20x32xf32, #tpu.memory_space<hbm>> -> memref<1x20x32xf32, #tpu.memory_space<hbm>>
      %dma_wait3A_1906 = tpu.memref_squeeze %dma_wait3A_1905 : memref<1x20x32xf32, #tpu.memory_space<hbm>> -> memref<20x32xf32, #tpu.memory_space<hbm>>
      %dma_wait3A_1907 = arith.constant 0 : i32
      %dma_wait3A_1908 = arith.constant 0 : i32
      %dma_wait3A_1909 = tpu.memref_slice %arg4[%add3A_1899, %dma_wait3A_1907, %dma_wait3A_1908] : memref<16384x20x32xf32, #tpu.memory_space<hbm>> -> memref<1x20x32xf32, #tpu.memory_space<hbm>>
      %dma_wait3A_1910 = tpu.memref_squeeze %dma_wait3A_1909 : memref<1x20x32xf32, #tpu.memory_space<hbm>> -> memref<20x32xf32, #tpu.memory_space<hbm>>
      %dma_wait3A_1911 = arith.constant 480 : i32
      %dma_wait3A_1912 = arith.constant 0 : i32
      %dma_wait3A_1913 = tpu.memref_slice %arg6[%dma_wait3A_1911, %dma_wait3A_1912] : memref<640x32xf32, #tpu.memory_space<vmem>> -> memref<20x32xf32, #tpu.memory_space<vmem>>
      tpu.wait_dma2 semaphore(%arg10 : memref<!tpu.dma_semaphore, #tpu.memory_space<semaphore_mem>>) src(%dma_wait3A_1913 : memref<20x32xf32, #tpu.memory_space<vmem>>) dst(%dma_wait3A_1910 : memref<20x32xf32, #tpu.memory_space<hbm>>)
      %mul3A_1914 = arith.constant 32 : i32
      %mul3A_1915 = arith.muli %add3A_52, %mul3A_1914 : i32
      %add3A_1916 = arith.addi %mul3A_2, %mul3A_1915 : i32
      %add3A_1917 = arith.constant 25 : i32
      %add3A_1918 = arith.addi %add3A_1916, %add3A_1917 : i32
      %dma_wait3A_1919 = arith.constant 500 : i32
      %dma_wait3A_1920 = arith.constant 0 : i32
      %dma_wait3A_1921 = tpu.memref_slice %arg6[%dma_wait3A_1919, %dma_wait3A_1920] : memref<640x32xf32, #tpu.memory_space<vmem>> -> memref<20x32xf32, #tpu.memory_space<vmem>>
      %dma_wait3A_1922 = arith.constant 0 : i32
      %dma_wait3A_1923 = arith.constant 0 : i32
      %dma_wait3A_1924 = tpu.memref_slice %arg4[%add3A_1918, %dma_wait3A_1922, %dma_wait3A_1923] : memref<16384x20x32xf32, #tpu.memory_space<hbm>> -> memref<1x20x32xf32, #tpu.memory_space<hbm>>
      %dma_wait3A_1925 = tpu.memref_squeeze %dma_wait3A_1924 : memref<1x20x32xf32, #tpu.memory_space<hbm>> -> memref<20x32xf32, #tpu.memory_space<hbm>>
      %dma_wait3A_1926 = arith.constant 0 : i32
      %dma_wait3A_1927 = arith.constant 0 : i32
      %dma_wait3A_1928 = tpu.memref_slice %arg4[%add3A_1918, %dma_wait3A_1926, %dma_wait3A_1927] : memref<16384x20x32xf32, #tpu.memory_space<hbm>> -> memref<1x20x32xf32, #tpu.memory_space<hbm>>
      %dma_wait3A_1929 = tpu.memref_squeeze %dma_wait3A_1928 : memref<1x20x32xf32, #tpu.memory_space<hbm>> -> memref<20x32xf32, #tpu.memory_space<hbm>>
      %dma_wait3A_1930 = arith.constant 500 : i32
      %dma_wait3A_1931 = arith.constant 0 : i32
      %dma_wait3A_1932 = tpu.memref_slice %arg6[%dma_wait3A_1930, %dma_wait3A_1931] : memref<640x32xf32, #tpu.memory_space<vmem>> -> memref<20x32xf32, #tpu.memory_space<vmem>>
      tpu.wait_dma2 semaphore(%arg10 : memref<!tpu.dma_semaphore, #tpu.memory_space<semaphore_mem>>) src(%dma_wait3A_1932 : memref<20x32xf32, #tpu.memory_space<vmem>>) dst(%dma_wait3A_1929 : memref<20x32xf32, #tpu.memory_space<hbm>>)
      %mul3A_1933 = arith.constant 32 : i32
      %mul3A_1934 = arith.muli %add3A_52, %mul3A_1933 : i32
      %add3A_1935 = arith.addi %mul3A_2, %mul3A_1934 : i32
      %add3A_1936 = arith.constant 26 : i32
      %add3A_1937 = arith.addi %add3A_1935, %add3A_1936 : i32
      %dma_wait3A_1938 = arith.constant 520 : i32
      %dma_wait3A_1939 = arith.constant 0 : i32
      %dma_wait3A_1940 = tpu.memref_slice %arg6[%dma_wait3A_1938, %dma_wait3A_1939] : memref<640x32xf32, #tpu.memory_space<vmem>> -> memref<20x32xf32, #tpu.memory_space<vmem>>
      %dma_wait3A_1941 = arith.constant 0 : i32
      %dma_wait3A_1942 = arith.constant 0 : i32
      %dma_wait3A_1943 = tpu.memref_slice %arg4[%add3A_1937, %dma_wait3A_1941, %dma_wait3A_1942] : memref<16384x20x32xf32, #tpu.memory_space<hbm>> -> memref<1x20x32xf32, #tpu.memory_space<hbm>>
      %dma_wait3A_1944 = tpu.memref_squeeze %dma_wait3A_1943 : memref<1x20x32xf32, #tpu.memory_space<hbm>> -> memref<20x32xf32, #tpu.memory_space<hbm>>
      %dma_wait3A_1945 = arith.constant 0 : i32
      %dma_wait3A_1946 = arith.constant 0 : i32
      %dma_wait3A_1947 = tpu.memref_slice %arg4[%add3A_1937, %dma_wait3A_1945, %dma_wait3A_1946] : memref<16384x20x32xf32, #tpu.memory_space<hbm>> -> memref<1x20x32xf32, #tpu.memory_space<hbm>>
      %dma_wait3A_1948 = tpu.memref_squeeze %dma_wait3A_1947 : memref<1x20x32xf32, #tpu.memory_space<hbm>> -> memref<20x32xf32, #tpu.memory_space<hbm>>
      %dma_wait3A_1949 = arith.constant 520 : i32
      %dma_wait3A_1950 = arith.constant 0 : i32
      %dma_wait3A_1951 = tpu.memref_slice %arg6[%dma_wait3A_1949, %dma_wait3A_1950] : memref<640x32xf32, #tpu.memory_space<vmem>> -> memref<20x32xf32, #tpu.memory_space<vmem>>
      tpu.wait_dma2 semaphore(%arg10 : memref<!tpu.dma_semaphore, #tpu.memory_space<semaphore_mem>>) src(%dma_wait3A_1951 : memref<20x32xf32, #tpu.memory_space<vmem>>) dst(%dma_wait3A_1948 : memref<20x32xf32, #tpu.memory_space<hbm>>)
      %mul3A_1952 = arith.constant 32 : i32
      %mul3A_1953 = arith.muli %add3A_52, %mul3A_1952 : i32
      %add3A_1954 = arith.addi %mul3A_2, %mul3A_1953 : i32
      %add3A_1955 = arith.constant 27 : i32
      %add3A_1956 = arith.addi %add3A_1954, %add3A_1955 : i32
      %dma_wait3A_1957 = arith.constant 540 : i32
      %dma_wait3A_1958 = arith.constant 0 : i32
      %dma_wait3A_1959 = tpu.memref_slice %arg6[%dma_wait3A_1957, %dma_wait3A_1958] : memref<640x32xf32, #tpu.memory_space<vmem>> -> memref<20x32xf32, #tpu.memory_space<vmem>>
      %dma_wait3A_1960 = arith.constant 0 : i32
      %dma_wait3A_1961 = arith.constant 0 : i32
      %dma_wait3A_1962 = tpu.memref_slice %arg4[%add3A_1956, %dma_wait3A_1960, %dma_wait3A_1961] : memref<16384x20x32xf32, #tpu.memory_space<hbm>> -> memref<1x20x32xf32, #tpu.memory_space<hbm>>
      %dma_wait3A_1963 = tpu.memref_squeeze %dma_wait3A_1962 : memref<1x20x32xf32, #tpu.memory_space<hbm>> -> memref<20x32xf32, #tpu.memory_space<hbm>>
      %dma_wait3A_1964 = arith.constant 0 : i32
      %dma_wait3A_1965 = arith.constant 0 : i32
      %dma_wait3A_1966 = tpu.memref_slice %arg4[%add3A_1956, %dma_wait3A_1964, %dma_wait3A_1965] : memref<16384x20x32xf32, #tpu.memory_space<hbm>> -> memref<1x20x32xf32, #tpu.memory_space<hbm>>
      %dma_wait3A_1967 = tpu.memref_squeeze %dma_wait3A_1966 : memref<1x20x32xf32, #tpu.memory_space<hbm>> -> memref<20x32xf32, #tpu.memory_space<hbm>>
      %dma_wait3A_1968 = arith.constant 540 : i32
      %dma_wait3A_1969 = arith.constant 0 : i32
      %dma_wait3A_1970 = tpu.memref_slice %arg6[%dma_wait3A_1968, %dma_wait3A_1969] : memref<640x32xf32, #tpu.memory_space<vmem>> -> memref<20x32xf32, #tpu.memory_space<vmem>>
      tpu.wait_dma2 semaphore(%arg10 : memref<!tpu.dma_semaphore, #tpu.memory_space<semaphore_mem>>) src(%dma_wait3A_1970 : memref<20x32xf32, #tpu.memory_space<vmem>>) dst(%dma_wait3A_1967 : memref<20x32xf32, #tpu.memory_space<hbm>>)
      %mul3A_1971 = arith.constant 32 : i32
      %mul3A_1972 = arith.muli %add3A_52, %mul3A_1971 : i32
      %add3A_1973 = arith.addi %mul3A_2, %mul3A_1972 : i32
      %add3A_1974 = arith.constant 28 : i32
      %add3A_1975 = arith.addi %add3A_1973, %add3A_1974 : i32
      %dma_wait3A_1976 = arith.constant 560 : i32
      %dma_wait3A_1977 = arith.constant 0 : i32
      %dma_wait3A_1978 = tpu.memref_slice %arg6[%dma_wait3A_1976, %dma_wait3A_1977] : memref<640x32xf32, #tpu.memory_space<vmem>> -> memref<20x32xf32, #tpu.memory_space<vmem>>
      %dma_wait3A_1979 = arith.constant 0 : i32
      %dma_wait3A_1980 = arith.constant 0 : i32
      %dma_wait3A_1981 = tpu.memref_slice %arg4[%add3A_1975, %dma_wait3A_1979, %dma_wait3A_1980] : memref<16384x20x32xf32, #tpu.memory_space<hbm>> -> memref<1x20x32xf32, #tpu.memory_space<hbm>>
      %dma_wait3A_1982 = tpu.memref_squeeze %dma_wait3A_1981 : memref<1x20x32xf32, #tpu.memory_space<hbm>> -> memref<20x32xf32, #tpu.memory_space<hbm>>
      %dma_wait3A_1983 = arith.constant 0 : i32
      %dma_wait3A_1984 = arith.constant 0 : i32
      %dma_wait3A_1985 = tpu.memref_slice %arg4[%add3A_1975, %dma_wait3A_1983, %dma_wait3A_1984] : memref<16384x20x32xf32, #tpu.memory_space<hbm>> -> memref<1x20x32xf32, #tpu.memory_space<hbm>>
      %dma_wait3A_1986 = tpu.memref_squeeze %dma_wait3A_1985 : memref<1x20x32xf32, #tpu.memory_space<hbm>> -> memref<20x32xf32, #tpu.memory_space<hbm>>
      %dma_wait3A_1987 = arith.constant 560 : i32
      %dma_wait3A_1988 = arith.constant 0 : i32
      %dma_wait3A_1989 = tpu.memref_slice %arg6[%dma_wait3A_1987, %dma_wait3A_1988] : memref<640x32xf32, #tpu.memory_space<vmem>> -> memref<20x32xf32, #tpu.memory_space<vmem>>
      tpu.wait_dma2 semaphore(%arg10 : memref<!tpu.dma_semaphore, #tpu.memory_space<semaphore_mem>>) src(%dma_wait3A_1989 : memref<20x32xf32, #tpu.memory_space<vmem>>) dst(%dma_wait3A_1986 : memref<20x32xf32, #tpu.memory_space<hbm>>)
      %mul3A_1990 = arith.constant 32 : i32
      %mul3A_1991 = arith.muli %add3A_52, %mul3A_1990 : i32
      %add3A_1992 = arith.addi %mul3A_2, %mul3A_1991 : i32
      %add3A_1993 = arith.constant 29 : i32
      %add3A_1994 = arith.addi %add3A_1992, %add3A_1993 : i32
      %dma_wait3A_1995 = arith.constant 580 : i32
      %dma_wait3A_1996 = arith.constant 0 : i32
      %dma_wait3A_1997 = tpu.memref_slice %arg6[%dma_wait3A_1995, %dma_wait3A_1996] : memref<640x32xf32, #tpu.memory_space<vmem>> -> memref<20x32xf32, #tpu.memory_space<vmem>>
      %dma_wait3A_1998 = arith.constant 0 : i32
      %dma_wait3A_1999 = arith.constant 0 : i32
      %dma_wait3A_2000 = tpu.memref_slice %arg4[%add3A_1994, %dma_wait3A_1998, %dma_wait3A_1999] : memref<16384x20x32xf32, #tpu.memory_space<hbm>> -> memref<1x20x32xf32, #tpu.memory_space<hbm>>
      %dma_wait3A_2001 = tpu.memref_squeeze %dma_wait3A_2000 : memref<1x20x32xf32, #tpu.memory_space<hbm>> -> memref<20x32xf32, #tpu.memory_space<hbm>>
      %dma_wait3A_2002 = arith.constant 0 : i32
      %dma_wait3A_2003 = arith.constant 0 : i32
      %dma_wait3A_2004 = tpu.memref_slice %arg4[%add3A_1994, %dma_wait3A_2002, %dma_wait3A_2003] : memref<16384x20x32xf32, #tpu.memory_space<hbm>> -> memref<1x20x32xf32, #tpu.memory_space<hbm>>
      %dma_wait3A_2005 = tpu.memref_squeeze %dma_wait3A_2004 : memref<1x20x32xf32, #tpu.memory_space<hbm>> -> memref<20x32xf32, #tpu.memory_space<hbm>>
      %dma_wait3A_2006 = arith.constant 580 : i32
      %dma_wait3A_2007 = arith.constant 0 : i32
      %dma_wait3A_2008 = tpu.memref_slice %arg6[%dma_wait3A_2006, %dma_wait3A_2007] : memref<640x32xf32, #tpu.memory_space<vmem>> -> memref<20x32xf32, #tpu.memory_space<vmem>>
      tpu.wait_dma2 semaphore(%arg10 : memref<!tpu.dma_semaphore, #tpu.memory_space<semaphore_mem>>) src(%dma_wait3A_2008 : memref<20x32xf32, #tpu.memory_space<vmem>>) dst(%dma_wait3A_2005 : memref<20x32xf32, #tpu.memory_space<hbm>>)
      %mul3A_2009 = arith.constant 32 : i32
      %mul3A_2010 = arith.muli %add3A_52, %mul3A_2009 : i32
      %add3A_2011 = arith.addi %mul3A_2, %mul3A_2010 : i32
      %add3A_2012 = arith.constant 30 : i32
      %add3A_2013 = arith.addi %add3A_2011, %add3A_2012 : i32
      %dma_wait3A_2014 = arith.constant 600 : i32
      %dma_wait3A_2015 = arith.constant 0 : i32
      %dma_wait3A_2016 = tpu.memref_slice %arg6[%dma_wait3A_2014, %dma_wait3A_2015] : memref<640x32xf32, #tpu.memory_space<vmem>> -> memref<20x32xf32, #tpu.memory_space<vmem>>
      %dma_wait3A_2017 = arith.constant 0 : i32
      %dma_wait3A_2018 = arith.constant 0 : i32
      %dma_wait3A_2019 = tpu.memref_slice %arg4[%add3A_2013, %dma_wait3A_2017, %dma_wait3A_2018] : memref<16384x20x32xf32, #tpu.memory_space<hbm>> -> memref<1x20x32xf32, #tpu.memory_space<hbm>>
      %dma_wait3A_2020 = tpu.memref_squeeze %dma_wait3A_2019 : memref<1x20x32xf32, #tpu.memory_space<hbm>> -> memref<20x32xf32, #tpu.memory_space<hbm>>
      %dma_wait3A_2021 = arith.constant 0 : i32
      %dma_wait3A_2022 = arith.constant 0 : i32
      %dma_wait3A_2023 = tpu.memref_slice %arg4[%add3A_2013, %dma_wait3A_2021, %dma_wait3A_2022] : memref<16384x20x32xf32, #tpu.memory_space<hbm>> -> memref<1x20x32xf32, #tpu.memory_space<hbm>>
      %dma_wait3A_2024 = tpu.memref_squeeze %dma_wait3A_2023 : memref<1x20x32xf32, #tpu.memory_space<hbm>> -> memref<20x32xf32, #tpu.memory_space<hbm>>
      %dma_wait3A_2025 = arith.constant 600 : i32
      %dma_wait3A_2026 = arith.constant 0 : i32
      %dma_wait3A_2027 = tpu.memref_slice %arg6[%dma_wait3A_2025, %dma_wait3A_2026] : memref<640x32xf32, #tpu.memory_space<vmem>> -> memref<20x32xf32, #tpu.memory_space<vmem>>
      tpu.wait_dma2 semaphore(%arg10 : memref<!tpu.dma_semaphore, #tpu.memory_space<semaphore_mem>>) src(%dma_wait3A_2027 : memref<20x32xf32, #tpu.memory_space<vmem>>) dst(%dma_wait3A_2024 : memref<20x32xf32, #tpu.memory_space<hbm>>)
      %mul3A_2028 = arith.constant 32 : i32
      %mul3A_2029 = arith.muli %add3A_52, %mul3A_2028 : i32
      %add3A_2030 = arith.addi %mul3A_2, %mul3A_2029 : i32
      %add3A_2031 = arith.constant 31 : i32
      %add3A_2032 = arith.addi %add3A_2030, %add3A_2031 : i32
      %dma_wait3A_2033 = arith.constant 620 : i32
      %dma_wait3A_2034 = arith.constant 0 : i32
      %dma_wait3A_2035 = tpu.memref_slice %arg6[%dma_wait3A_2033, %dma_wait3A_2034] : memref<640x32xf32, #tpu.memory_space<vmem>> -> memref<20x32xf32, #tpu.memory_space<vmem>>
      %dma_wait3A_2036 = arith.constant 0 : i32
      %dma_wait3A_2037 = arith.constant 0 : i32
      %dma_wait3A_2038 = tpu.memref_slice %arg4[%add3A_2032, %dma_wait3A_2036, %dma_wait3A_2037] : memref<16384x20x32xf32, #tpu.memory_space<hbm>> -> memref<1x20x32xf32, #tpu.memory_space<hbm>>
      %dma_wait3A_2039 = tpu.memref_squeeze %dma_wait3A_2038 : memref<1x20x32xf32, #tpu.memory_space<hbm>> -> memref<20x32xf32, #tpu.memory_space<hbm>>
      %dma_wait3A_2040 = arith.constant 0 : i32
      %dma_wait3A_2041 = arith.constant 0 : i32
      %dma_wait3A_2042 = tpu.memref_slice %arg4[%add3A_2032, %dma_wait3A_2040, %dma_wait3A_2041] : memref<16384x20x32xf32, #tpu.memory_space<hbm>> -> memref<1x20x32xf32, #tpu.memory_space<hbm>>
      %dma_wait3A_2043 = tpu.memref_squeeze %dma_wait3A_2042 : memref<1x20x32xf32, #tpu.memory_space<hbm>> -> memref<20x32xf32, #tpu.memory_space<hbm>>
      %dma_wait3A_2044 = arith.constant 620 : i32
      %dma_wait3A_2045 = arith.constant 0 : i32
      %dma_wait3A_2046 = tpu.memref_slice %arg6[%dma_wait3A_2044, %dma_wait3A_2045] : memref<640x32xf32, #tpu.memory_space<vmem>> -> memref<20x32xf32, #tpu.memory_space<vmem>>
      tpu.wait_dma2 semaphore(%arg10 : memref<!tpu.dma_semaphore, #tpu.memory_space<semaphore_mem>>) src(%dma_wait3A_2046 : memref<20x32xf32, #tpu.memory_space<vmem>>) dst(%dma_wait3A_2043 : memref<20x32xf32, #tpu.memory_space<hbm>>)
      %add3A_2047 = arith.constant 2 : i32
      %add3A_2048 = arith.addi %add3A_52, %add3A_2047 : i32
      %lt3A = arith.constant 16 : i32
      %lt3A_2049 = arith.cmpi slt, %add3A_2048, %lt3A : i32
      %convert_element_type3A = arith.extui %lt3A_2049 : i1 to i32
      %cond3A = arith.constant 0 : i32
      %cond3A_2050 = arith.cmpi ne, %convert_element_type3A, %cond3A : i32
      scf.if %cond3A_2050 {
        %add3A_2661 = arith.constant 2 : i32
        %add3A_2662 = arith.addi %add3A_52, %add3A_2661 : i32
        %mul3A_2663 = arith.constant 640 : i32
        %mul3A_2664 = arith.muli %add3A_2662, %mul3A_2663 : i32
        %add3A_2665 = arith.constant 0 : i32
        %add3A_2666 = arith.addi %mul3A_2664, %add3A_2665 : i32
        %dma_start3A_2667 = arith.constant 0 : i32
        %dma_start3A_2668 = arith.constant 0 : i32
        %dma_start3A_2669 = tpu.memref_slice %arg6[%dma_start3A_2667, %dma_start3A_2668] : memref<640x32xf32, #tpu.memory_space<vmem>> -> memref<128x32xf32, #tpu.memory_space<vmem>>
        %dma_start3A_2670 = tpu.memref_slice %arg5[%add3A_2666] : memref<10240xi32, #tpu.memory_space<vmem>> -> memref<128xi32, #tpu.memory_space<vmem>>
        %dma_start3A_2671 = arith.constant 0 : i32
        %dma_start3A_2672 = arith.constant 0 : i32
        %dma_start3A_2673 = tpu.memref_slice %arg3[%dma_start3A_2671, %dma_start3A_2672] : memref<100000x32xf32, #tpu.memory_space<hbm>> -> memref<100000x32xf32, #tpu.memory_space<hbm>>
        tpu.enqueue_indirect_dma source(%dma_start3A_2673 : memref<100000x32xf32, #tpu.memory_space<hbm>>) target(%dma_start3A_2669 : memref<128x32xf32, #tpu.memory_space<vmem>>) offsets(%dma_start3A_2670 : memref<128xi32, #tpu.memory_space<vmem>>) semaphore(%arg8 : memref<!tpu.dma_semaphore, #tpu.memory_space<semaphore_mem>>)
        %mul3A_2674 = arith.constant 640 : i32
        %mul3A_2675 = arith.muli %add3A_2662, %mul3A_2674 : i32
        %add3A_2676 = arith.constant 128 : i32
        %add3A_2677 = arith.addi %mul3A_2675, %add3A_2676 : i32
        %dma_start3A_2678 = arith.constant 128 : i32
        %dma_start3A_2679 = arith.constant 0 : i32
        %dma_start3A_2680 = tpu.memref_slice %arg6[%dma_start3A_2678, %dma_start3A_2679] : memref<640x32xf32, #tpu.memory_space<vmem>> -> memref<128x32xf32, #tpu.memory_space<vmem>>
        %dma_start3A_2681 = tpu.memref_slice %arg5[%add3A_2677] : memref<10240xi32, #tpu.memory_space<vmem>> -> memref<128xi32, #tpu.memory_space<vmem>>
        %dma_start3A_2682 = arith.constant 0 : i32
        %dma_start3A_2683 = arith.constant 0 : i32
        %dma_start3A_2684 = tpu.memref_slice %arg3[%dma_start3A_2682, %dma_start3A_2683] : memref<100000x32xf32, #tpu.memory_space<hbm>> -> memref<100000x32xf32, #tpu.memory_space<hbm>>
        tpu.enqueue_indirect_dma source(%dma_start3A_2684 : memref<100000x32xf32, #tpu.memory_space<hbm>>) target(%dma_start3A_2680 : memref<128x32xf32, #tpu.memory_space<vmem>>) offsets(%dma_start3A_2681 : memref<128xi32, #tpu.memory_space<vmem>>) semaphore(%arg8 : memref<!tpu.dma_semaphore, #tpu.memory_space<semaphore_mem>>)
        %mul3A_2685 = arith.constant 640 : i32
        %mul3A_2686 = arith.muli %add3A_2662, %mul3A_2685 : i32
        %add3A_2687 = arith.constant 256 : i32
        %add3A_2688 = arith.addi %mul3A_2686, %add3A_2687 : i32
        %dma_start3A_2689 = arith.constant 256 : i32
        %dma_start3A_2690 = arith.constant 0 : i32
        %dma_start3A_2691 = tpu.memref_slice %arg6[%dma_start3A_2689, %dma_start3A_2690] : memref<640x32xf32, #tpu.memory_space<vmem>> -> memref<128x32xf32, #tpu.memory_space<vmem>>
        %dma_start3A_2692 = tpu.memref_slice %arg5[%add3A_2688] : memref<10240xi32, #tpu.memory_space<vmem>> -> memref<128xi32, #tpu.memory_space<vmem>>
        %dma_start3A_2693 = arith.constant 0 : i32
        %dma_start3A_2694 = arith.constant 0 : i32
        %dma_start3A_2695 = tpu.memref_slice %arg3[%dma_start3A_2693, %dma_start3A_2694] : memref<100000x32xf32, #tpu.memory_space<hbm>> -> memref<100000x32xf32, #tpu.memory_space<hbm>>
        tpu.enqueue_indirect_dma source(%dma_start3A_2695 : memref<100000x32xf32, #tpu.memory_space<hbm>>) target(%dma_start3A_2691 : memref<128x32xf32, #tpu.memory_space<vmem>>) offsets(%dma_start3A_2692 : memref<128xi32, #tpu.memory_space<vmem>>) semaphore(%arg8 : memref<!tpu.dma_semaphore, #tpu.memory_space<semaphore_mem>>)
        %mul3A_2696 = arith.constant 640 : i32
        %mul3A_2697 = arith.muli %add3A_2662, %mul3A_2696 : i32
        %add3A_2698 = arith.constant 384 : i32
        %add3A_2699 = arith.addi %mul3A_2697, %add3A_2698 : i32
        %dma_start3A_2700 = arith.constant 384 : i32
        %dma_start3A_2701 = arith.constant 0 : i32
        %dma_start3A_2702 = tpu.memref_slice %arg6[%dma_start3A_2700, %dma_start3A_2701] : memref<640x32xf32, #tpu.memory_space<vmem>> -> memref<128x32xf32, #tpu.memory_space<vmem>>
        %dma_start3A_2703 = tpu.memref_slice %arg5[%add3A_2699] : memref<10240xi32, #tpu.memory_space<vmem>> -> memref<128xi32, #tpu.memory_space<vmem>>
        %dma_start3A_2704 = arith.constant 0 : i32
        %dma_start3A_2705 = arith.constant 0 : i32
        %dma_start3A_2706 = tpu.memref_slice %arg3[%dma_start3A_2704, %dma_start3A_2705] : memref<100000x32xf32, #tpu.memory_space<hbm>> -> memref<100000x32xf32, #tpu.memory_space<hbm>>
        tpu.enqueue_indirect_dma source(%dma_start3A_2706 : memref<100000x32xf32, #tpu.memory_space<hbm>>) target(%dma_start3A_2702 : memref<128x32xf32, #tpu.memory_space<vmem>>) offsets(%dma_start3A_2703 : memref<128xi32, #tpu.memory_space<vmem>>) semaphore(%arg8 : memref<!tpu.dma_semaphore, #tpu.memory_space<semaphore_mem>>)
        %mul3A_2707 = arith.constant 640 : i32
        %mul3A_2708 = arith.muli %add3A_2662, %mul3A_2707 : i32
        %add3A_2709 = arith.constant 512 : i32
        %add3A_2710 = arith.addi %mul3A_2708, %add3A_2709 : i32
        %dma_start3A_2711 = arith.constant 512 : i32
        %dma_start3A_2712 = arith.constant 0 : i32
        %dma_start3A_2713 = tpu.memref_slice %arg6[%dma_start3A_2711, %dma_start3A_2712] : memref<640x32xf32, #tpu.memory_space<vmem>> -> memref<128x32xf32, #tpu.memory_space<vmem>>
        %dma_start3A_2714 = tpu.memref_slice %arg5[%add3A_2710] : memref<10240xi32, #tpu.memory_space<vmem>> -> memref<128xi32, #tpu.memory_space<vmem>>
        %dma_start3A_2715 = arith.constant 0 : i32
        %dma_start3A_2716 = arith.constant 0 : i32
        %dma_start3A_2717 = tpu.memref_slice %arg3[%dma_start3A_2715, %dma_start3A_2716] : memref<100000x32xf32, #tpu.memory_space<hbm>> -> memref<100000x32xf32, #tpu.memory_space<hbm>>
        tpu.enqueue_indirect_dma source(%dma_start3A_2717 : memref<100000x32xf32, #tpu.memory_space<hbm>>) target(%dma_start3A_2713 : memref<128x32xf32, #tpu.memory_space<vmem>>) offsets(%dma_start3A_2714 : memref<128xi32, #tpu.memory_space<vmem>>) semaphore(%arg8 : memref<!tpu.dma_semaphore, #tpu.memory_space<semaphore_mem>>)
      } else {
      }
      %add3A_2051 = arith.constant 1 : i32
      %add3A_2052 = arith.addi %add3A_52, %add3A_2051 : i32
      %mul3A_2053 = arith.constant 32 : i32
      %mul3A_2054 = arith.muli %add3A_2052, %mul3A_2053 : i32
      %add3A_2055 = arith.addi %mul3A_2, %mul3A_2054 : i32
      %add3A_2056 = arith.constant 0 : i32
      %add3A_2057 = arith.addi %add3A_2055, %add3A_2056 : i32
      %dma_wait3A_2058 = arith.constant 0 : i32
      %dma_wait3A_2059 = arith.constant 0 : i32
      %dma_wait3A_2060 = tpu.memref_slice %arg7[%dma_wait3A_2058, %dma_wait3A_2059] : memref<640x32xf32, #tpu.memory_space<vmem>> -> memref<20x32xf32, #tpu.memory_space<vmem>>
      %dma_wait3A_2061 = arith.constant 0 : i32
      %dma_wait3A_2062 = arith.constant 0 : i32
      %dma_wait3A_2063 = tpu.memref_slice %arg4[%add3A_2057, %dma_wait3A_2061, %dma_wait3A_2062] : memref<16384x20x32xf32, #tpu.memory_space<hbm>> -> memref<1x20x32xf32, #tpu.memory_space<hbm>>
      %dma_wait3A_2064 = tpu.memref_squeeze %dma_wait3A_2063 : memref<1x20x32xf32, #tpu.memory_space<hbm>> -> memref<20x32xf32, #tpu.memory_space<hbm>>
      %dma_wait3A_2065 = arith.constant 0 : i32
      %dma_wait3A_2066 = arith.constant 0 : i32
      %dma_wait3A_2067 = tpu.memref_slice %arg4[%add3A_2057, %dma_wait3A_2065, %dma_wait3A_2066] : memref<16384x20x32xf32, #tpu.memory_space<hbm>> -> memref<1x20x32xf32, #tpu.memory_space<hbm>>
      %dma_wait3A_2068 = tpu.memref_squeeze %dma_wait3A_2067 : memref<1x20x32xf32, #tpu.memory_space<hbm>> -> memref<20x32xf32, #tpu.memory_space<hbm>>
      %dma_wait3A_2069 = arith.constant 0 : i32
      %dma_wait3A_2070 = arith.constant 0 : i32
      %dma_wait3A_2071 = tpu.memref_slice %arg7[%dma_wait3A_2069, %dma_wait3A_2070] : memref<640x32xf32, #tpu.memory_space<vmem>> -> memref<20x32xf32, #tpu.memory_space<vmem>>
      tpu.wait_dma2 semaphore(%arg11 : memref<!tpu.dma_semaphore, #tpu.memory_space<semaphore_mem>>) src(%dma_wait3A_2071 : memref<20x32xf32, #tpu.memory_space<vmem>>) dst(%dma_wait3A_2068 : memref<20x32xf32, #tpu.memory_space<hbm>>)
      %mul3A_2072 = arith.constant 32 : i32
      %mul3A_2073 = arith.muli %add3A_2052, %mul3A_2072 : i32
      %add3A_2074 = arith.addi %mul3A_2, %mul3A_2073 : i32
      %add3A_2075 = arith.constant 1 : i32
      %add3A_2076 = arith.addi %add3A_2074, %add3A_2075 : i32
      %dma_wait3A_2077 = arith.constant 20 : i32
      %dma_wait3A_2078 = arith.constant 0 : i32
      %dma_wait3A_2079 = tpu.memref_slice %arg7[%dma_wait3A_2077, %dma_wait3A_2078] : memref<640x32xf32, #tpu.memory_space<vmem>> -> memref<20x32xf32, #tpu.memory_space<vmem>>
      %dma_wait3A_2080 = arith.constant 0 : i32
      %dma_wait3A_2081 = arith.constant 0 : i32
      %dma_wait3A_2082 = tpu.memref_slice %arg4[%add3A_2076, %dma_wait3A_2080, %dma_wait3A_2081] : memref<16384x20x32xf32, #tpu.memory_space<hbm>> -> memref<1x20x32xf32, #tpu.memory_space<hbm>>
      %dma_wait3A_2083 = tpu.memref_squeeze %dma_wait3A_2082 : memref<1x20x32xf32, #tpu.memory_space<hbm>> -> memref<20x32xf32, #tpu.memory_space<hbm>>
      %dma_wait3A_2084 = arith.constant 0 : i32
      %dma_wait3A_2085 = arith.constant 0 : i32
      %dma_wait3A_2086 = tpu.memref_slice %arg4[%add3A_2076, %dma_wait3A_2084, %dma_wait3A_2085] : memref<16384x20x32xf32, #tpu.memory_space<hbm>> -> memref<1x20x32xf32, #tpu.memory_space<hbm>>
      %dma_wait3A_2087 = tpu.memref_squeeze %dma_wait3A_2086 : memref<1x20x32xf32, #tpu.memory_space<hbm>> -> memref<20x32xf32, #tpu.memory_space<hbm>>
      %dma_wait3A_2088 = arith.constant 20 : i32
      %dma_wait3A_2089 = arith.constant 0 : i32
      %dma_wait3A_2090 = tpu.memref_slice %arg7[%dma_wait3A_2088, %dma_wait3A_2089] : memref<640x32xf32, #tpu.memory_space<vmem>> -> memref<20x32xf32, #tpu.memory_space<vmem>>
      tpu.wait_dma2 semaphore(%arg11 : memref<!tpu.dma_semaphore, #tpu.memory_space<semaphore_mem>>) src(%dma_wait3A_2090 : memref<20x32xf32, #tpu.memory_space<vmem>>) dst(%dma_wait3A_2087 : memref<20x32xf32, #tpu.memory_space<hbm>>)
      %mul3A_2091 = arith.constant 32 : i32
      %mul3A_2092 = arith.muli %add3A_2052, %mul3A_2091 : i32
      %add3A_2093 = arith.addi %mul3A_2, %mul3A_2092 : i32
      %add3A_2094 = arith.constant 2 : i32
      %add3A_2095 = arith.addi %add3A_2093, %add3A_2094 : i32
      %dma_wait3A_2096 = arith.constant 40 : i32
      %dma_wait3A_2097 = arith.constant 0 : i32
      %dma_wait3A_2098 = tpu.memref_slice %arg7[%dma_wait3A_2096, %dma_wait3A_2097] : memref<640x32xf32, #tpu.memory_space<vmem>> -> memref<20x32xf32, #tpu.memory_space<vmem>>
      %dma_wait3A_2099 = arith.constant 0 : i32
      %dma_wait3A_2100 = arith.constant 0 : i32
      %dma_wait3A_2101 = tpu.memref_slice %arg4[%add3A_2095, %dma_wait3A_2099, %dma_wait3A_2100] : memref<16384x20x32xf32, #tpu.memory_space<hbm>> -> memref<1x20x32xf32, #tpu.memory_space<hbm>>
      %dma_wait3A_2102 = tpu.memref_squeeze %dma_wait3A_2101 : memref<1x20x32xf32, #tpu.memory_space<hbm>> -> memref<20x32xf32, #tpu.memory_space<hbm>>
      %dma_wait3A_2103 = arith.constant 0 : i32
      %dma_wait3A_2104 = arith.constant 0 : i32
      %dma_wait3A_2105 = tpu.memref_slice %arg4[%add3A_2095, %dma_wait3A_2103, %dma_wait3A_2104] : memref<16384x20x32xf32, #tpu.memory_space<hbm>> -> memref<1x20x32xf32, #tpu.memory_space<hbm>>
      %dma_wait3A_2106 = tpu.memref_squeeze %dma_wait3A_2105 : memref<1x20x32xf32, #tpu.memory_space<hbm>> -> memref<20x32xf32, #tpu.memory_space<hbm>>
      %dma_wait3A_2107 = arith.constant 40 : i32
      %dma_wait3A_2108 = arith.constant 0 : i32
      %dma_wait3A_2109 = tpu.memref_slice %arg7[%dma_wait3A_2107, %dma_wait3A_2108] : memref<640x32xf32, #tpu.memory_space<vmem>> -> memref<20x32xf32, #tpu.memory_space<vmem>>
      tpu.wait_dma2 semaphore(%arg11 : memref<!tpu.dma_semaphore, #tpu.memory_space<semaphore_mem>>) src(%dma_wait3A_2109 : memref<20x32xf32, #tpu.memory_space<vmem>>) dst(%dma_wait3A_2106 : memref<20x32xf32, #tpu.memory_space<hbm>>)
      %mul3A_2110 = arith.constant 32 : i32
      %mul3A_2111 = arith.muli %add3A_2052, %mul3A_2110 : i32
      %add3A_2112 = arith.addi %mul3A_2, %mul3A_2111 : i32
      %add3A_2113 = arith.constant 3 : i32
      %add3A_2114 = arith.addi %add3A_2112, %add3A_2113 : i32
      %dma_wait3A_2115 = arith.constant 60 : i32
      %dma_wait3A_2116 = arith.constant 0 : i32
      %dma_wait3A_2117 = tpu.memref_slice %arg7[%dma_wait3A_2115, %dma_wait3A_2116] : memref<640x32xf32, #tpu.memory_space<vmem>> -> memref<20x32xf32, #tpu.memory_space<vmem>>
      %dma_wait3A_2118 = arith.constant 0 : i32
      %dma_wait3A_2119 = arith.constant 0 : i32
      %dma_wait3A_2120 = tpu.memref_slice %arg4[%add3A_2114, %dma_wait3A_2118, %dma_wait3A_2119] : memref<16384x20x32xf32, #tpu.memory_space<hbm>> -> memref<1x20x32xf32, #tpu.memory_space<hbm>>
      %dma_wait3A_2121 = tpu.memref_squeeze %dma_wait3A_2120 : memref<1x20x32xf32, #tpu.memory_space<hbm>> -> memref<20x32xf32, #tpu.memory_space<hbm>>
      %dma_wait3A_2122 = arith.constant 0 : i32
      %dma_wait3A_2123 = arith.constant 0 : i32
      %dma_wait3A_2124 = tpu.memref_slice %arg4[%add3A_2114, %dma_wait3A_2122, %dma_wait3A_2123] : memref<16384x20x32xf32, #tpu.memory_space<hbm>> -> memref<1x20x32xf32, #tpu.memory_space<hbm>>
      %dma_wait3A_2125 = tpu.memref_squeeze %dma_wait3A_2124 : memref<1x20x32xf32, #tpu.memory_space<hbm>> -> memref<20x32xf32, #tpu.memory_space<hbm>>
      %dma_wait3A_2126 = arith.constant 60 : i32
      %dma_wait3A_2127 = arith.constant 0 : i32
      %dma_wait3A_2128 = tpu.memref_slice %arg7[%dma_wait3A_2126, %dma_wait3A_2127] : memref<640x32xf32, #tpu.memory_space<vmem>> -> memref<20x32xf32, #tpu.memory_space<vmem>>
      tpu.wait_dma2 semaphore(%arg11 : memref<!tpu.dma_semaphore, #tpu.memory_space<semaphore_mem>>) src(%dma_wait3A_2128 : memref<20x32xf32, #tpu.memory_space<vmem>>) dst(%dma_wait3A_2125 : memref<20x32xf32, #tpu.memory_space<hbm>>)
      %mul3A_2129 = arith.constant 32 : i32
      %mul3A_2130 = arith.muli %add3A_2052, %mul3A_2129 : i32
      %add3A_2131 = arith.addi %mul3A_2, %mul3A_2130 : i32
      %add3A_2132 = arith.constant 4 : i32
      %add3A_2133 = arith.addi %add3A_2131, %add3A_2132 : i32
      %dma_wait3A_2134 = arith.constant 80 : i32
      %dma_wait3A_2135 = arith.constant 0 : i32
      %dma_wait3A_2136 = tpu.memref_slice %arg7[%dma_wait3A_2134, %dma_wait3A_2135] : memref<640x32xf32, #tpu.memory_space<vmem>> -> memref<20x32xf32, #tpu.memory_space<vmem>>
      %dma_wait3A_2137 = arith.constant 0 : i32
      %dma_wait3A_2138 = arith.constant 0 : i32
      %dma_wait3A_2139 = tpu.memref_slice %arg4[%add3A_2133, %dma_wait3A_2137, %dma_wait3A_2138] : memref<16384x20x32xf32, #tpu.memory_space<hbm>> -> memref<1x20x32xf32, #tpu.memory_space<hbm>>
      %dma_wait3A_2140 = tpu.memref_squeeze %dma_wait3A_2139 : memref<1x20x32xf32, #tpu.memory_space<hbm>> -> memref<20x32xf32, #tpu.memory_space<hbm>>
      %dma_wait3A_2141 = arith.constant 0 : i32
      %dma_wait3A_2142 = arith.constant 0 : i32
      %dma_wait3A_2143 = tpu.memref_slice %arg4[%add3A_2133, %dma_wait3A_2141, %dma_wait3A_2142] : memref<16384x20x32xf32, #tpu.memory_space<hbm>> -> memref<1x20x32xf32, #tpu.memory_space<hbm>>
      %dma_wait3A_2144 = tpu.memref_squeeze %dma_wait3A_2143 : memref<1x20x32xf32, #tpu.memory_space<hbm>> -> memref<20x32xf32, #tpu.memory_space<hbm>>
      %dma_wait3A_2145 = arith.constant 80 : i32
      %dma_wait3A_2146 = arith.constant 0 : i32
      %dma_wait3A_2147 = tpu.memref_slice %arg7[%dma_wait3A_2145, %dma_wait3A_2146] : memref<640x32xf32, #tpu.memory_space<vmem>> -> memref<20x32xf32, #tpu.memory_space<vmem>>
      tpu.wait_dma2 semaphore(%arg11 : memref<!tpu.dma_semaphore, #tpu.memory_space<semaphore_mem>>) src(%dma_wait3A_2147 : memref<20x32xf32, #tpu.memory_space<vmem>>) dst(%dma_wait3A_2144 : memref<20x32xf32, #tpu.memory_space<hbm>>)
      %mul3A_2148 = arith.constant 32 : i32
      %mul3A_2149 = arith.muli %add3A_2052, %mul3A_2148 : i32
      %add3A_2150 = arith.addi %mul3A_2, %mul3A_2149 : i32
      %add3A_2151 = arith.constant 5 : i32
      %add3A_2152 = arith.addi %add3A_2150, %add3A_2151 : i32
      %dma_wait3A_2153 = arith.constant 100 : i32
      %dma_wait3A_2154 = arith.constant 0 : i32
      %dma_wait3A_2155 = tpu.memref_slice %arg7[%dma_wait3A_2153, %dma_wait3A_2154] : memref<640x32xf32, #tpu.memory_space<vmem>> -> memref<20x32xf32, #tpu.memory_space<vmem>>
      %dma_wait3A_2156 = arith.constant 0 : i32
      %dma_wait3A_2157 = arith.constant 0 : i32
      %dma_wait3A_2158 = tpu.memref_slice %arg4[%add3A_2152, %dma_wait3A_2156, %dma_wait3A_2157] : memref<16384x20x32xf32, #tpu.memory_space<hbm>> -> memref<1x20x32xf32, #tpu.memory_space<hbm>>
      %dma_wait3A_2159 = tpu.memref_squeeze %dma_wait3A_2158 : memref<1x20x32xf32, #tpu.memory_space<hbm>> -> memref<20x32xf32, #tpu.memory_space<hbm>>
      %dma_wait3A_2160 = arith.constant 0 : i32
      %dma_wait3A_2161 = arith.constant 0 : i32
      %dma_wait3A_2162 = tpu.memref_slice %arg4[%add3A_2152, %dma_wait3A_2160, %dma_wait3A_2161] : memref<16384x20x32xf32, #tpu.memory_space<hbm>> -> memref<1x20x32xf32, #tpu.memory_space<hbm>>
      %dma_wait3A_2163 = tpu.memref_squeeze %dma_wait3A_2162 : memref<1x20x32xf32, #tpu.memory_space<hbm>> -> memref<20x32xf32, #tpu.memory_space<hbm>>
      %dma_wait3A_2164 = arith.constant 100 : i32
      %dma_wait3A_2165 = arith.constant 0 : i32
      %dma_wait3A_2166 = tpu.memref_slice %arg7[%dma_wait3A_2164, %dma_wait3A_2165] : memref<640x32xf32, #tpu.memory_space<vmem>> -> memref<20x32xf32, #tpu.memory_space<vmem>>
      tpu.wait_dma2 semaphore(%arg11 : memref<!tpu.dma_semaphore, #tpu.memory_space<semaphore_mem>>) src(%dma_wait3A_2166 : memref<20x32xf32, #tpu.memory_space<vmem>>) dst(%dma_wait3A_2163 : memref<20x32xf32, #tpu.memory_space<hbm>>)
      %mul3A_2167 = arith.constant 32 : i32
      %mul3A_2168 = arith.muli %add3A_2052, %mul3A_2167 : i32
      %add3A_2169 = arith.addi %mul3A_2, %mul3A_2168 : i32
      %add3A_2170 = arith.constant 6 : i32
      %add3A_2171 = arith.addi %add3A_2169, %add3A_2170 : i32
      %dma_wait3A_2172 = arith.constant 120 : i32
      %dma_wait3A_2173 = arith.constant 0 : i32
      %dma_wait3A_2174 = tpu.memref_slice %arg7[%dma_wait3A_2172, %dma_wait3A_2173] : memref<640x32xf32, #tpu.memory_space<vmem>> -> memref<20x32xf32, #tpu.memory_space<vmem>>
      %dma_wait3A_2175 = arith.constant 0 : i32
      %dma_wait3A_2176 = arith.constant 0 : i32
      %dma_wait3A_2177 = tpu.memref_slice %arg4[%add3A_2171, %dma_wait3A_2175, %dma_wait3A_2176] : memref<16384x20x32xf32, #tpu.memory_space<hbm>> -> memref<1x20x32xf32, #tpu.memory_space<hbm>>
      %dma_wait3A_2178 = tpu.memref_squeeze %dma_wait3A_2177 : memref<1x20x32xf32, #tpu.memory_space<hbm>> -> memref<20x32xf32, #tpu.memory_space<hbm>>
      %dma_wait3A_2179 = arith.constant 0 : i32
      %dma_wait3A_2180 = arith.constant 0 : i32
      %dma_wait3A_2181 = tpu.memref_slice %arg4[%add3A_2171, %dma_wait3A_2179, %dma_wait3A_2180] : memref<16384x20x32xf32, #tpu.memory_space<hbm>> -> memref<1x20x32xf32, #tpu.memory_space<hbm>>
      %dma_wait3A_2182 = tpu.memref_squeeze %dma_wait3A_2181 : memref<1x20x32xf32, #tpu.memory_space<hbm>> -> memref<20x32xf32, #tpu.memory_space<hbm>>
      %dma_wait3A_2183 = arith.constant 120 : i32
      %dma_wait3A_2184 = arith.constant 0 : i32
      %dma_wait3A_2185 = tpu.memref_slice %arg7[%dma_wait3A_2183, %dma_wait3A_2184] : memref<640x32xf32, #tpu.memory_space<vmem>> -> memref<20x32xf32, #tpu.memory_space<vmem>>
      tpu.wait_dma2 semaphore(%arg11 : memref<!tpu.dma_semaphore, #tpu.memory_space<semaphore_mem>>) src(%dma_wait3A_2185 : memref<20x32xf32, #tpu.memory_space<vmem>>) dst(%dma_wait3A_2182 : memref<20x32xf32, #tpu.memory_space<hbm>>)
      %mul3A_2186 = arith.constant 32 : i32
      %mul3A_2187 = arith.muli %add3A_2052, %mul3A_2186 : i32
      %add3A_2188 = arith.addi %mul3A_2, %mul3A_2187 : i32
      %add3A_2189 = arith.constant 7 : i32
      %add3A_2190 = arith.addi %add3A_2188, %add3A_2189 : i32
      %dma_wait3A_2191 = arith.constant 140 : i32
      %dma_wait3A_2192 = arith.constant 0 : i32
      %dma_wait3A_2193 = tpu.memref_slice %arg7[%dma_wait3A_2191, %dma_wait3A_2192] : memref<640x32xf32, #tpu.memory_space<vmem>> -> memref<20x32xf32, #tpu.memory_space<vmem>>
      %dma_wait3A_2194 = arith.constant 0 : i32
      %dma_wait3A_2195 = arith.constant 0 : i32
      %dma_wait3A_2196 = tpu.memref_slice %arg4[%add3A_2190, %dma_wait3A_2194, %dma_wait3A_2195] : memref<16384x20x32xf32, #tpu.memory_space<hbm>> -> memref<1x20x32xf32, #tpu.memory_space<hbm>>
      %dma_wait3A_2197 = tpu.memref_squeeze %dma_wait3A_2196 : memref<1x20x32xf32, #tpu.memory_space<hbm>> -> memref<20x32xf32, #tpu.memory_space<hbm>>
      %dma_wait3A_2198 = arith.constant 0 : i32
      %dma_wait3A_2199 = arith.constant 0 : i32
      %dma_wait3A_2200 = tpu.memref_slice %arg4[%add3A_2190, %dma_wait3A_2198, %dma_wait3A_2199] : memref<16384x20x32xf32, #tpu.memory_space<hbm>> -> memref<1x20x32xf32, #tpu.memory_space<hbm>>
      %dma_wait3A_2201 = tpu.memref_squeeze %dma_wait3A_2200 : memref<1x20x32xf32, #tpu.memory_space<hbm>> -> memref<20x32xf32, #tpu.memory_space<hbm>>
      %dma_wait3A_2202 = arith.constant 140 : i32
      %dma_wait3A_2203 = arith.constant 0 : i32
      %dma_wait3A_2204 = tpu.memref_slice %arg7[%dma_wait3A_2202, %dma_wait3A_2203] : memref<640x32xf32, #tpu.memory_space<vmem>> -> memref<20x32xf32, #tpu.memory_space<vmem>>
      tpu.wait_dma2 semaphore(%arg11 : memref<!tpu.dma_semaphore, #tpu.memory_space<semaphore_mem>>) src(%dma_wait3A_2204 : memref<20x32xf32, #tpu.memory_space<vmem>>) dst(%dma_wait3A_2201 : memref<20x32xf32, #tpu.memory_space<hbm>>)
      %mul3A_2205 = arith.constant 32 : i32
      %mul3A_2206 = arith.muli %add3A_2052, %mul3A_2205 : i32
      %add3A_2207 = arith.addi %mul3A_2, %mul3A_2206 : i32
      %add3A_2208 = arith.constant 8 : i32
      %add3A_2209 = arith.addi %add3A_2207, %add3A_2208 : i32
      %dma_wait3A_2210 = arith.constant 160 : i32
      %dma_wait3A_2211 = arith.constant 0 : i32
      %dma_wait3A_2212 = tpu.memref_slice %arg7[%dma_wait3A_2210, %dma_wait3A_2211] : memref<640x32xf32, #tpu.memory_space<vmem>> -> memref<20x32xf32, #tpu.memory_space<vmem>>
      %dma_wait3A_2213 = arith.constant 0 : i32
      %dma_wait3A_2214 = arith.constant 0 : i32
      %dma_wait3A_2215 = tpu.memref_slice %arg4[%add3A_2209, %dma_wait3A_2213, %dma_wait3A_2214] : memref<16384x20x32xf32, #tpu.memory_space<hbm>> -> memref<1x20x32xf32, #tpu.memory_space<hbm>>
      %dma_wait3A_2216 = tpu.memref_squeeze %dma_wait3A_2215 : memref<1x20x32xf32, #tpu.memory_space<hbm>> -> memref<20x32xf32, #tpu.memory_space<hbm>>
      %dma_wait3A_2217 = arith.constant 0 : i32
      %dma_wait3A_2218 = arith.constant 0 : i32
      %dma_wait3A_2219 = tpu.memref_slice %arg4[%add3A_2209, %dma_wait3A_2217, %dma_wait3A_2218] : memref<16384x20x32xf32, #tpu.memory_space<hbm>> -> memref<1x20x32xf32, #tpu.memory_space<hbm>>
      %dma_wait3A_2220 = tpu.memref_squeeze %dma_wait3A_2219 : memref<1x20x32xf32, #tpu.memory_space<hbm>> -> memref<20x32xf32, #tpu.memory_space<hbm>>
      %dma_wait3A_2221 = arith.constant 160 : i32
      %dma_wait3A_2222 = arith.constant 0 : i32
      %dma_wait3A_2223 = tpu.memref_slice %arg7[%dma_wait3A_2221, %dma_wait3A_2222] : memref<640x32xf32, #tpu.memory_space<vmem>> -> memref<20x32xf32, #tpu.memory_space<vmem>>
      tpu.wait_dma2 semaphore(%arg11 : memref<!tpu.dma_semaphore, #tpu.memory_space<semaphore_mem>>) src(%dma_wait3A_2223 : memref<20x32xf32, #tpu.memory_space<vmem>>) dst(%dma_wait3A_2220 : memref<20x32xf32, #tpu.memory_space<hbm>>)
      %mul3A_2224 = arith.constant 32 : i32
      %mul3A_2225 = arith.muli %add3A_2052, %mul3A_2224 : i32
      %add3A_2226 = arith.addi %mul3A_2, %mul3A_2225 : i32
      %add3A_2227 = arith.constant 9 : i32
      %add3A_2228 = arith.addi %add3A_2226, %add3A_2227 : i32
      %dma_wait3A_2229 = arith.constant 180 : i32
      %dma_wait3A_2230 = arith.constant 0 : i32
      %dma_wait3A_2231 = tpu.memref_slice %arg7[%dma_wait3A_2229, %dma_wait3A_2230] : memref<640x32xf32, #tpu.memory_space<vmem>> -> memref<20x32xf32, #tpu.memory_space<vmem>>
      %dma_wait3A_2232 = arith.constant 0 : i32
      %dma_wait3A_2233 = arith.constant 0 : i32
      %dma_wait3A_2234 = tpu.memref_slice %arg4[%add3A_2228, %dma_wait3A_2232, %dma_wait3A_2233] : memref<16384x20x32xf32, #tpu.memory_space<hbm>> -> memref<1x20x32xf32, #tpu.memory_space<hbm>>
      %dma_wait3A_2235 = tpu.memref_squeeze %dma_wait3A_2234 : memref<1x20x32xf32, #tpu.memory_space<hbm>> -> memref<20x32xf32, #tpu.memory_space<hbm>>
      %dma_wait3A_2236 = arith.constant 0 : i32
      %dma_wait3A_2237 = arith.constant 0 : i32
      %dma_wait3A_2238 = tpu.memref_slice %arg4[%add3A_2228, %dma_wait3A_2236, %dma_wait3A_2237] : memref<16384x20x32xf32, #tpu.memory_space<hbm>> -> memref<1x20x32xf32, #tpu.memory_space<hbm>>
      %dma_wait3A_2239 = tpu.memref_squeeze %dma_wait3A_2238 : memref<1x20x32xf32, #tpu.memory_space<hbm>> -> memref<20x32xf32, #tpu.memory_space<hbm>>
      %dma_wait3A_2240 = arith.constant 180 : i32
      %dma_wait3A_2241 = arith.constant 0 : i32
      %dma_wait3A_2242 = tpu.memref_slice %arg7[%dma_wait3A_2240, %dma_wait3A_2241] : memref<640x32xf32, #tpu.memory_space<vmem>> -> memref<20x32xf32, #tpu.memory_space<vmem>>
      tpu.wait_dma2 semaphore(%arg11 : memref<!tpu.dma_semaphore, #tpu.memory_space<semaphore_mem>>) src(%dma_wait3A_2242 : memref<20x32xf32, #tpu.memory_space<vmem>>) dst(%dma_wait3A_2239 : memref<20x32xf32, #tpu.memory_space<hbm>>)
      %mul3A_2243 = arith.constant 32 : i32
      %mul3A_2244 = arith.muli %add3A_2052, %mul3A_2243 : i32
      %add3A_2245 = arith.addi %mul3A_2, %mul3A_2244 : i32
      %add3A_2246 = arith.constant 10 : i32
      %add3A_2247 = arith.addi %add3A_2245, %add3A_2246 : i32
      %dma_wait3A_2248 = arith.constant 200 : i32
      %dma_wait3A_2249 = arith.constant 0 : i32
      %dma_wait3A_2250 = tpu.memref_slice %arg7[%dma_wait3A_2248, %dma_wait3A_2249] : memref<640x32xf32, #tpu.memory_space<vmem>> -> memref<20x32xf32, #tpu.memory_space<vmem>>
      %dma_wait3A_2251 = arith.constant 0 : i32
      %dma_wait3A_2252 = arith.constant 0 : i32
      %dma_wait3A_2253 = tpu.memref_slice %arg4[%add3A_2247, %dma_wait3A_2251, %dma_wait3A_2252] : memref<16384x20x32xf32, #tpu.memory_space<hbm>> -> memref<1x20x32xf32, #tpu.memory_space<hbm>>
      %dma_wait3A_2254 = tpu.memref_squeeze %dma_wait3A_2253 : memref<1x20x32xf32, #tpu.memory_space<hbm>> -> memref<20x32xf32, #tpu.memory_space<hbm>>
      %dma_wait3A_2255 = arith.constant 0 : i32
      %dma_wait3A_2256 = arith.constant 0 : i32
      %dma_wait3A_2257 = tpu.memref_slice %arg4[%add3A_2247, %dma_wait3A_2255, %dma_wait3A_2256] : memref<16384x20x32xf32, #tpu.memory_space<hbm>> -> memref<1x20x32xf32, #tpu.memory_space<hbm>>
      %dma_wait3A_2258 = tpu.memref_squeeze %dma_wait3A_2257 : memref<1x20x32xf32, #tpu.memory_space<hbm>> -> memref<20x32xf32, #tpu.memory_space<hbm>>
      %dma_wait3A_2259 = arith.constant 200 : i32
      %dma_wait3A_2260 = arith.constant 0 : i32
      %dma_wait3A_2261 = tpu.memref_slice %arg7[%dma_wait3A_2259, %dma_wait3A_2260] : memref<640x32xf32, #tpu.memory_space<vmem>> -> memref<20x32xf32, #tpu.memory_space<vmem>>
      tpu.wait_dma2 semaphore(%arg11 : memref<!tpu.dma_semaphore, #tpu.memory_space<semaphore_mem>>) src(%dma_wait3A_2261 : memref<20x32xf32, #tpu.memory_space<vmem>>) dst(%dma_wait3A_2258 : memref<20x32xf32, #tpu.memory_space<hbm>>)
      %mul3A_2262 = arith.constant 32 : i32
      %mul3A_2263 = arith.muli %add3A_2052, %mul3A_2262 : i32
      %add3A_2264 = arith.addi %mul3A_2, %mul3A_2263 : i32
      %add3A_2265 = arith.constant 11 : i32
      %add3A_2266 = arith.addi %add3A_2264, %add3A_2265 : i32
      %dma_wait3A_2267 = arith.constant 220 : i32
      %dma_wait3A_2268 = arith.constant 0 : i32
      %dma_wait3A_2269 = tpu.memref_slice %arg7[%dma_wait3A_2267, %dma_wait3A_2268] : memref<640x32xf32, #tpu.memory_space<vmem>> -> memref<20x32xf32, #tpu.memory_space<vmem>>
      %dma_wait3A_2270 = arith.constant 0 : i32
      %dma_wait3A_2271 = arith.constant 0 : i32
      %dma_wait3A_2272 = tpu.memref_slice %arg4[%add3A_2266, %dma_wait3A_2270, %dma_wait3A_2271] : memref<16384x20x32xf32, #tpu.memory_space<hbm>> -> memref<1x20x32xf32, #tpu.memory_space<hbm>>
      %dma_wait3A_2273 = tpu.memref_squeeze %dma_wait3A_2272 : memref<1x20x32xf32, #tpu.memory_space<hbm>> -> memref<20x32xf32, #tpu.memory_space<hbm>>
      %dma_wait3A_2274 = arith.constant 0 : i32
      %dma_wait3A_2275 = arith.constant 0 : i32
      %dma_wait3A_2276 = tpu.memref_slice %arg4[%add3A_2266, %dma_wait3A_2274, %dma_wait3A_2275] : memref<16384x20x32xf32, #tpu.memory_space<hbm>> -> memref<1x20x32xf32, #tpu.memory_space<hbm>>
      %dma_wait3A_2277 = tpu.memref_squeeze %dma_wait3A_2276 : memref<1x20x32xf32, #tpu.memory_space<hbm>> -> memref<20x32xf32, #tpu.memory_space<hbm>>
      %dma_wait3A_2278 = arith.constant 220 : i32
      %dma_wait3A_2279 = arith.constant 0 : i32
      %dma_wait3A_2280 = tpu.memref_slice %arg7[%dma_wait3A_2278, %dma_wait3A_2279] : memref<640x32xf32, #tpu.memory_space<vmem>> -> memref<20x32xf32, #tpu.memory_space<vmem>>
      tpu.wait_dma2 semaphore(%arg11 : memref<!tpu.dma_semaphore, #tpu.memory_space<semaphore_mem>>) src(%dma_wait3A_2280 : memref<20x32xf32, #tpu.memory_space<vmem>>) dst(%dma_wait3A_2277 : memref<20x32xf32, #tpu.memory_space<hbm>>)
      %mul3A_2281 = arith.constant 32 : i32
      %mul3A_2282 = arith.muli %add3A_2052, %mul3A_2281 : i32
      %add3A_2283 = arith.addi %mul3A_2, %mul3A_2282 : i32
      %add3A_2284 = arith.constant 12 : i32
      %add3A_2285 = arith.addi %add3A_2283, %add3A_2284 : i32
      %dma_wait3A_2286 = arith.constant 240 : i32
      %dma_wait3A_2287 = arith.constant 0 : i32
      %dma_wait3A_2288 = tpu.memref_slice %arg7[%dma_wait3A_2286, %dma_wait3A_2287] : memref<640x32xf32, #tpu.memory_space<vmem>> -> memref<20x32xf32, #tpu.memory_space<vmem>>
      %dma_wait3A_2289 = arith.constant 0 : i32
      %dma_wait3A_2290 = arith.constant 0 : i32
      %dma_wait3A_2291 = tpu.memref_slice %arg4[%add3A_2285, %dma_wait3A_2289, %dma_wait3A_2290] : memref<16384x20x32xf32, #tpu.memory_space<hbm>> -> memref<1x20x32xf32, #tpu.memory_space<hbm>>
      %dma_wait3A_2292 = tpu.memref_squeeze %dma_wait3A_2291 : memref<1x20x32xf32, #tpu.memory_space<hbm>> -> memref<20x32xf32, #tpu.memory_space<hbm>>
      %dma_wait3A_2293 = arith.constant 0 : i32
      %dma_wait3A_2294 = arith.constant 0 : i32
      %dma_wait3A_2295 = tpu.memref_slice %arg4[%add3A_2285, %dma_wait3A_2293, %dma_wait3A_2294] : memref<16384x20x32xf32, #tpu.memory_space<hbm>> -> memref<1x20x32xf32, #tpu.memory_space<hbm>>
      %dma_wait3A_2296 = tpu.memref_squeeze %dma_wait3A_2295 : memref<1x20x32xf32, #tpu.memory_space<hbm>> -> memref<20x32xf32, #tpu.memory_space<hbm>>
      %dma_wait3A_2297 = arith.constant 240 : i32
      %dma_wait3A_2298 = arith.constant 0 : i32
      %dma_wait3A_2299 = tpu.memref_slice %arg7[%dma_wait3A_2297, %dma_wait3A_2298] : memref<640x32xf32, #tpu.memory_space<vmem>> -> memref<20x32xf32, #tpu.memory_space<vmem>>
      tpu.wait_dma2 semaphore(%arg11 : memref<!tpu.dma_semaphore, #tpu.memory_space<semaphore_mem>>) src(%dma_wait3A_2299 : memref<20x32xf32, #tpu.memory_space<vmem>>) dst(%dma_wait3A_2296 : memref<20x32xf32, #tpu.memory_space<hbm>>)
      %mul3A_2300 = arith.constant 32 : i32
      %mul3A_2301 = arith.muli %add3A_2052, %mul3A_2300 : i32
      %add3A_2302 = arith.addi %mul3A_2, %mul3A_2301 : i32
      %add3A_2303 = arith.constant 13 : i32
      %add3A_2304 = arith.addi %add3A_2302, %add3A_2303 : i32
      %dma_wait3A_2305 = arith.constant 260 : i32
      %dma_wait3A_2306 = arith.constant 0 : i32
      %dma_wait3A_2307 = tpu.memref_slice %arg7[%dma_wait3A_2305, %dma_wait3A_2306] : memref<640x32xf32, #tpu.memory_space<vmem>> -> memref<20x32xf32, #tpu.memory_space<vmem>>
      %dma_wait3A_2308 = arith.constant 0 : i32
      %dma_wait3A_2309 = arith.constant 0 : i32
      %dma_wait3A_2310 = tpu.memref_slice %arg4[%add3A_2304, %dma_wait3A_2308, %dma_wait3A_2309] : memref<16384x20x32xf32, #tpu.memory_space<hbm>> -> memref<1x20x32xf32, #tpu.memory_space<hbm>>
      %dma_wait3A_2311 = tpu.memref_squeeze %dma_wait3A_2310 : memref<1x20x32xf32, #tpu.memory_space<hbm>> -> memref<20x32xf32, #tpu.memory_space<hbm>>
      %dma_wait3A_2312 = arith.constant 0 : i32
      %dma_wait3A_2313 = arith.constant 0 : i32
      %dma_wait3A_2314 = tpu.memref_slice %arg4[%add3A_2304, %dma_wait3A_2312, %dma_wait3A_2313] : memref<16384x20x32xf32, #tpu.memory_space<hbm>> -> memref<1x20x32xf32, #tpu.memory_space<hbm>>
      %dma_wait3A_2315 = tpu.memref_squeeze %dma_wait3A_2314 : memref<1x20x32xf32, #tpu.memory_space<hbm>> -> memref<20x32xf32, #tpu.memory_space<hbm>>
      %dma_wait3A_2316 = arith.constant 260 : i32
      %dma_wait3A_2317 = arith.constant 0 : i32
      %dma_wait3A_2318 = tpu.memref_slice %arg7[%dma_wait3A_2316, %dma_wait3A_2317] : memref<640x32xf32, #tpu.memory_space<vmem>> -> memref<20x32xf32, #tpu.memory_space<vmem>>
      tpu.wait_dma2 semaphore(%arg11 : memref<!tpu.dma_semaphore, #tpu.memory_space<semaphore_mem>>) src(%dma_wait3A_2318 : memref<20x32xf32, #tpu.memory_space<vmem>>) dst(%dma_wait3A_2315 : memref<20x32xf32, #tpu.memory_space<hbm>>)
      %mul3A_2319 = arith.constant 32 : i32
      %mul3A_2320 = arith.muli %add3A_2052, %mul3A_2319 : i32
      %add3A_2321 = arith.addi %mul3A_2, %mul3A_2320 : i32
      %add3A_2322 = arith.constant 14 : i32
      %add3A_2323 = arith.addi %add3A_2321, %add3A_2322 : i32
      %dma_wait3A_2324 = arith.constant 280 : i32
      %dma_wait3A_2325 = arith.constant 0 : i32
      %dma_wait3A_2326 = tpu.memref_slice %arg7[%dma_wait3A_2324, %dma_wait3A_2325] : memref<640x32xf32, #tpu.memory_space<vmem>> -> memref<20x32xf32, #tpu.memory_space<vmem>>
      %dma_wait3A_2327 = arith.constant 0 : i32
      %dma_wait3A_2328 = arith.constant 0 : i32
      %dma_wait3A_2329 = tpu.memref_slice %arg4[%add3A_2323, %dma_wait3A_2327, %dma_wait3A_2328] : memref<16384x20x32xf32, #tpu.memory_space<hbm>> -> memref<1x20x32xf32, #tpu.memory_space<hbm>>
      %dma_wait3A_2330 = tpu.memref_squeeze %dma_wait3A_2329 : memref<1x20x32xf32, #tpu.memory_space<hbm>> -> memref<20x32xf32, #tpu.memory_space<hbm>>
      %dma_wait3A_2331 = arith.constant 0 : i32
      %dma_wait3A_2332 = arith.constant 0 : i32
      %dma_wait3A_2333 = tpu.memref_slice %arg4[%add3A_2323, %dma_wait3A_2331, %dma_wait3A_2332] : memref<16384x20x32xf32, #tpu.memory_space<hbm>> -> memref<1x20x32xf32, #tpu.memory_space<hbm>>
      %dma_wait3A_2334 = tpu.memref_squeeze %dma_wait3A_2333 : memref<1x20x32xf32, #tpu.memory_space<hbm>> -> memref<20x32xf32, #tpu.memory_space<hbm>>
      %dma_wait3A_2335 = arith.constant 280 : i32
      %dma_wait3A_2336 = arith.constant 0 : i32
      %dma_wait3A_2337 = tpu.memref_slice %arg7[%dma_wait3A_2335, %dma_wait3A_2336] : memref<640x32xf32, #tpu.memory_space<vmem>> -> memref<20x32xf32, #tpu.memory_space<vmem>>
      tpu.wait_dma2 semaphore(%arg11 : memref<!tpu.dma_semaphore, #tpu.memory_space<semaphore_mem>>) src(%dma_wait3A_2337 : memref<20x32xf32, #tpu.memory_space<vmem>>) dst(%dma_wait3A_2334 : memref<20x32xf32, #tpu.memory_space<hbm>>)
      %mul3A_2338 = arith.constant 32 : i32
      %mul3A_2339 = arith.muli %add3A_2052, %mul3A_2338 : i32
      %add3A_2340 = arith.addi %mul3A_2, %mul3A_2339 : i32
      %add3A_2341 = arith.constant 15 : i32
      %add3A_2342 = arith.addi %add3A_2340, %add3A_2341 : i32
      %dma_wait3A_2343 = arith.constant 300 : i32
      %dma_wait3A_2344 = arith.constant 0 : i32
      %dma_wait3A_2345 = tpu.memref_slice %arg7[%dma_wait3A_2343, %dma_wait3A_2344] : memref<640x32xf32, #tpu.memory_space<vmem>> -> memref<20x32xf32, #tpu.memory_space<vmem>>
      %dma_wait3A_2346 = arith.constant 0 : i32
      %dma_wait3A_2347 = arith.constant 0 : i32
      %dma_wait3A_2348 = tpu.memref_slice %arg4[%add3A_2342, %dma_wait3A_2346, %dma_wait3A_2347] : memref<16384x20x32xf32, #tpu.memory_space<hbm>> -> memref<1x20x32xf32, #tpu.memory_space<hbm>>
      %dma_wait3A_2349 = tpu.memref_squeeze %dma_wait3A_2348 : memref<1x20x32xf32, #tpu.memory_space<hbm>> -> memref<20x32xf32, #tpu.memory_space<hbm>>
      %dma_wait3A_2350 = arith.constant 0 : i32
      %dma_wait3A_2351 = arith.constant 0 : i32
      %dma_wait3A_2352 = tpu.memref_slice %arg4[%add3A_2342, %dma_wait3A_2350, %dma_wait3A_2351] : memref<16384x20x32xf32, #tpu.memory_space<hbm>> -> memref<1x20x32xf32, #tpu.memory_space<hbm>>
      %dma_wait3A_2353 = tpu.memref_squeeze %dma_wait3A_2352 : memref<1x20x32xf32, #tpu.memory_space<hbm>> -> memref<20x32xf32, #tpu.memory_space<hbm>>
      %dma_wait3A_2354 = arith.constant 300 : i32
      %dma_wait3A_2355 = arith.constant 0 : i32
      %dma_wait3A_2356 = tpu.memref_slice %arg7[%dma_wait3A_2354, %dma_wait3A_2355] : memref<640x32xf32, #tpu.memory_space<vmem>> -> memref<20x32xf32, #tpu.memory_space<vmem>>
      tpu.wait_dma2 semaphore(%arg11 : memref<!tpu.dma_semaphore, #tpu.memory_space<semaphore_mem>>) src(%dma_wait3A_2356 : memref<20x32xf32, #tpu.memory_space<vmem>>) dst(%dma_wait3A_2353 : memref<20x32xf32, #tpu.memory_space<hbm>>)
      %mul3A_2357 = arith.constant 32 : i32
      %mul3A_2358 = arith.muli %add3A_2052, %mul3A_2357 : i32
      %add3A_2359 = arith.addi %mul3A_2, %mul3A_2358 : i32
      %add3A_2360 = arith.constant 16 : i32
      %add3A_2361 = arith.addi %add3A_2359, %add3A_2360 : i32
      %dma_wait3A_2362 = arith.constant 320 : i32
      %dma_wait3A_2363 = arith.constant 0 : i32
      %dma_wait3A_2364 = tpu.memref_slice %arg7[%dma_wait3A_2362, %dma_wait3A_2363] : memref<640x32xf32, #tpu.memory_space<vmem>> -> memref<20x32xf32, #tpu.memory_space<vmem>>
      %dma_wait3A_2365 = arith.constant 0 : i32
      %dma_wait3A_2366 = arith.constant 0 : i32
      %dma_wait3A_2367 = tpu.memref_slice %arg4[%add3A_2361, %dma_wait3A_2365, %dma_wait3A_2366] : memref<16384x20x32xf32, #tpu.memory_space<hbm>> -> memref<1x20x32xf32, #tpu.memory_space<hbm>>
      %dma_wait3A_2368 = tpu.memref_squeeze %dma_wait3A_2367 : memref<1x20x32xf32, #tpu.memory_space<hbm>> -> memref<20x32xf32, #tpu.memory_space<hbm>>
      %dma_wait3A_2369 = arith.constant 0 : i32
      %dma_wait3A_2370 = arith.constant 0 : i32
      %dma_wait3A_2371 = tpu.memref_slice %arg4[%add3A_2361, %dma_wait3A_2369, %dma_wait3A_2370] : memref<16384x20x32xf32, #tpu.memory_space<hbm>> -> memref<1x20x32xf32, #tpu.memory_space<hbm>>
      %dma_wait3A_2372 = tpu.memref_squeeze %dma_wait3A_2371 : memref<1x20x32xf32, #tpu.memory_space<hbm>> -> memref<20x32xf32, #tpu.memory_space<hbm>>
      %dma_wait3A_2373 = arith.constant 320 : i32
      %dma_wait3A_2374 = arith.constant 0 : i32
      %dma_wait3A_2375 = tpu.memref_slice %arg7[%dma_wait3A_2373, %dma_wait3A_2374] : memref<640x32xf32, #tpu.memory_space<vmem>> -> memref<20x32xf32, #tpu.memory_space<vmem>>
      tpu.wait_dma2 semaphore(%arg11 : memref<!tpu.dma_semaphore, #tpu.memory_space<semaphore_mem>>) src(%dma_wait3A_2375 : memref<20x32xf32, #tpu.memory_space<vmem>>) dst(%dma_wait3A_2372 : memref<20x32xf32, #tpu.memory_space<hbm>>)
      %mul3A_2376 = arith.constant 32 : i32
      %mul3A_2377 = arith.muli %add3A_2052, %mul3A_2376 : i32
      %add3A_2378 = arith.addi %mul3A_2, %mul3A_2377 : i32
      %add3A_2379 = arith.constant 17 : i32
      %add3A_2380 = arith.addi %add3A_2378, %add3A_2379 : i32
      %dma_wait3A_2381 = arith.constant 340 : i32
      %dma_wait3A_2382 = arith.constant 0 : i32
      %dma_wait3A_2383 = tpu.memref_slice %arg7[%dma_wait3A_2381, %dma_wait3A_2382] : memref<640x32xf32, #tpu.memory_space<vmem>> -> memref<20x32xf32, #tpu.memory_space<vmem>>
      %dma_wait3A_2384 = arith.constant 0 : i32
      %dma_wait3A_2385 = arith.constant 0 : i32
      %dma_wait3A_2386 = tpu.memref_slice %arg4[%add3A_2380, %dma_wait3A_2384, %dma_wait3A_2385] : memref<16384x20x32xf32, #tpu.memory_space<hbm>> -> memref<1x20x32xf32, #tpu.memory_space<hbm>>
      %dma_wait3A_2387 = tpu.memref_squeeze %dma_wait3A_2386 : memref<1x20x32xf32, #tpu.memory_space<hbm>> -> memref<20x32xf32, #tpu.memory_space<hbm>>
      %dma_wait3A_2388 = arith.constant 0 : i32
      %dma_wait3A_2389 = arith.constant 0 : i32
      %dma_wait3A_2390 = tpu.memref_slice %arg4[%add3A_2380, %dma_wait3A_2388, %dma_wait3A_2389] : memref<16384x20x32xf32, #tpu.memory_space<hbm>> -> memref<1x20x32xf32, #tpu.memory_space<hbm>>
      %dma_wait3A_2391 = tpu.memref_squeeze %dma_wait3A_2390 : memref<1x20x32xf32, #tpu.memory_space<hbm>> -> memref<20x32xf32, #tpu.memory_space<hbm>>
      %dma_wait3A_2392 = arith.constant 340 : i32
      %dma_wait3A_2393 = arith.constant 0 : i32
      %dma_wait3A_2394 = tpu.memref_slice %arg7[%dma_wait3A_2392, %dma_wait3A_2393] : memref<640x32xf32, #tpu.memory_space<vmem>> -> memref<20x32xf32, #tpu.memory_space<vmem>>
      tpu.wait_dma2 semaphore(%arg11 : memref<!tpu.dma_semaphore, #tpu.memory_space<semaphore_mem>>) src(%dma_wait3A_2394 : memref<20x32xf32, #tpu.memory_space<vmem>>) dst(%dma_wait3A_2391 : memref<20x32xf32, #tpu.memory_space<hbm>>)
      %mul3A_2395 = arith.constant 32 : i32
      %mul3A_2396 = arith.muli %add3A_2052, %mul3A_2395 : i32
      %add3A_2397 = arith.addi %mul3A_2, %mul3A_2396 : i32
      %add3A_2398 = arith.constant 18 : i32
      %add3A_2399 = arith.addi %add3A_2397, %add3A_2398 : i32
      %dma_wait3A_2400 = arith.constant 360 : i32
      %dma_wait3A_2401 = arith.constant 0 : i32
      %dma_wait3A_2402 = tpu.memref_slice %arg7[%dma_wait3A_2400, %dma_wait3A_2401] : memref<640x32xf32, #tpu.memory_space<vmem>> -> memref<20x32xf32, #tpu.memory_space<vmem>>
      %dma_wait3A_2403 = arith.constant 0 : i32
      %dma_wait3A_2404 = arith.constant 0 : i32
      %dma_wait3A_2405 = tpu.memref_slice %arg4[%add3A_2399, %dma_wait3A_2403, %dma_wait3A_2404] : memref<16384x20x32xf32, #tpu.memory_space<hbm>> -> memref<1x20x32xf32, #tpu.memory_space<hbm>>
      %dma_wait3A_2406 = tpu.memref_squeeze %dma_wait3A_2405 : memref<1x20x32xf32, #tpu.memory_space<hbm>> -> memref<20x32xf32, #tpu.memory_space<hbm>>
      %dma_wait3A_2407 = arith.constant 0 : i32
      %dma_wait3A_2408 = arith.constant 0 : i32
      %dma_wait3A_2409 = tpu.memref_slice %arg4[%add3A_2399, %dma_wait3A_2407, %dma_wait3A_2408] : memref<16384x20x32xf32, #tpu.memory_space<hbm>> -> memref<1x20x32xf32, #tpu.memory_space<hbm>>
      %dma_wait3A_2410 = tpu.memref_squeeze %dma_wait3A_2409 : memref<1x20x32xf32, #tpu.memory_space<hbm>> -> memref<20x32xf32, #tpu.memory_space<hbm>>
      %dma_wait3A_2411 = arith.constant 360 : i32
      %dma_wait3A_2412 = arith.constant 0 : i32
      %dma_wait3A_2413 = tpu.memref_slice %arg7[%dma_wait3A_2411, %dma_wait3A_2412] : memref<640x32xf32, #tpu.memory_space<vmem>> -> memref<20x32xf32, #tpu.memory_space<vmem>>
      tpu.wait_dma2 semaphore(%arg11 : memref<!tpu.dma_semaphore, #tpu.memory_space<semaphore_mem>>) src(%dma_wait3A_2413 : memref<20x32xf32, #tpu.memory_space<vmem>>) dst(%dma_wait3A_2410 : memref<20x32xf32, #tpu.memory_space<hbm>>)
      %mul3A_2414 = arith.constant 32 : i32
      %mul3A_2415 = arith.muli %add3A_2052, %mul3A_2414 : i32
      %add3A_2416 = arith.addi %mul3A_2, %mul3A_2415 : i32
      %add3A_2417 = arith.constant 19 : i32
      %add3A_2418 = arith.addi %add3A_2416, %add3A_2417 : i32
      %dma_wait3A_2419 = arith.constant 380 : i32
      %dma_wait3A_2420 = arith.constant 0 : i32
      %dma_wait3A_2421 = tpu.memref_slice %arg7[%dma_wait3A_2419, %dma_wait3A_2420] : memref<640x32xf32, #tpu.memory_space<vmem>> -> memref<20x32xf32, #tpu.memory_space<vmem>>
      %dma_wait3A_2422 = arith.constant 0 : i32
      %dma_wait3A_2423 = arith.constant 0 : i32
      %dma_wait3A_2424 = tpu.memref_slice %arg4[%add3A_2418, %dma_wait3A_2422, %dma_wait3A_2423] : memref<16384x20x32xf32, #tpu.memory_space<hbm>> -> memref<1x20x32xf32, #tpu.memory_space<hbm>>
      %dma_wait3A_2425 = tpu.memref_squeeze %dma_wait3A_2424 : memref<1x20x32xf32, #tpu.memory_space<hbm>> -> memref<20x32xf32, #tpu.memory_space<hbm>>
      %dma_wait3A_2426 = arith.constant 0 : i32
      %dma_wait3A_2427 = arith.constant 0 : i32
      %dma_wait3A_2428 = tpu.memref_slice %arg4[%add3A_2418, %dma_wait3A_2426, %dma_wait3A_2427] : memref<16384x20x32xf32, #tpu.memory_space<hbm>> -> memref<1x20x32xf32, #tpu.memory_space<hbm>>
      %dma_wait3A_2429 = tpu.memref_squeeze %dma_wait3A_2428 : memref<1x20x32xf32, #tpu.memory_space<hbm>> -> memref<20x32xf32, #tpu.memory_space<hbm>>
      %dma_wait3A_2430 = arith.constant 380 : i32
      %dma_wait3A_2431 = arith.constant 0 : i32
      %dma_wait3A_2432 = tpu.memref_slice %arg7[%dma_wait3A_2430, %dma_wait3A_2431] : memref<640x32xf32, #tpu.memory_space<vmem>> -> memref<20x32xf32, #tpu.memory_space<vmem>>
      tpu.wait_dma2 semaphore(%arg11 : memref<!tpu.dma_semaphore, #tpu.memory_space<semaphore_mem>>) src(%dma_wait3A_2432 : memref<20x32xf32, #tpu.memory_space<vmem>>) dst(%dma_wait3A_2429 : memref<20x32xf32, #tpu.memory_space<hbm>>)
      %mul3A_2433 = arith.constant 32 : i32
      %mul3A_2434 = arith.muli %add3A_2052, %mul3A_2433 : i32
      %add3A_2435 = arith.addi %mul3A_2, %mul3A_2434 : i32
      %add3A_2436 = arith.constant 20 : i32
      %add3A_2437 = arith.addi %add3A_2435, %add3A_2436 : i32
      %dma_wait3A_2438 = arith.constant 400 : i32
      %dma_wait3A_2439 = arith.constant 0 : i32
      %dma_wait3A_2440 = tpu.memref_slice %arg7[%dma_wait3A_2438, %dma_wait3A_2439] : memref<640x32xf32, #tpu.memory_space<vmem>> -> memref<20x32xf32, #tpu.memory_space<vmem>>
      %dma_wait3A_2441 = arith.constant 0 : i32
      %dma_wait3A_2442 = arith.constant 0 : i32
      %dma_wait3A_2443 = tpu.memref_slice %arg4[%add3A_2437, %dma_wait3A_2441, %dma_wait3A_2442] : memref<16384x20x32xf32, #tpu.memory_space<hbm>> -> memref<1x20x32xf32, #tpu.memory_space<hbm>>
      %dma_wait3A_2444 = tpu.memref_squeeze %dma_wait3A_2443 : memref<1x20x32xf32, #tpu.memory_space<hbm>> -> memref<20x32xf32, #tpu.memory_space<hbm>>
      %dma_wait3A_2445 = arith.constant 0 : i32
      %dma_wait3A_2446 = arith.constant 0 : i32
      %dma_wait3A_2447 = tpu.memref_slice %arg4[%add3A_2437, %dma_wait3A_2445, %dma_wait3A_2446] : memref<16384x20x32xf32, #tpu.memory_space<hbm>> -> memref<1x20x32xf32, #tpu.memory_space<hbm>>
      %dma_wait3A_2448 = tpu.memref_squeeze %dma_wait3A_2447 : memref<1x20x32xf32, #tpu.memory_space<hbm>> -> memref<20x32xf32, #tpu.memory_space<hbm>>
      %dma_wait3A_2449 = arith.constant 400 : i32
      %dma_wait3A_2450 = arith.constant 0 : i32
      %dma_wait3A_2451 = tpu.memref_slice %arg7[%dma_wait3A_2449, %dma_wait3A_2450] : memref<640x32xf32, #tpu.memory_space<vmem>> -> memref<20x32xf32, #tpu.memory_space<vmem>>
      tpu.wait_dma2 semaphore(%arg11 : memref<!tpu.dma_semaphore, #tpu.memory_space<semaphore_mem>>) src(%dma_wait3A_2451 : memref<20x32xf32, #tpu.memory_space<vmem>>) dst(%dma_wait3A_2448 : memref<20x32xf32, #tpu.memory_space<hbm>>)
      %mul3A_2452 = arith.constant 32 : i32
      %mul3A_2453 = arith.muli %add3A_2052, %mul3A_2452 : i32
      %add3A_2454 = arith.addi %mul3A_2, %mul3A_2453 : i32
      %add3A_2455 = arith.constant 21 : i32
      %add3A_2456 = arith.addi %add3A_2454, %add3A_2455 : i32
      %dma_wait3A_2457 = arith.constant 420 : i32
      %dma_wait3A_2458 = arith.constant 0 : i32
      %dma_wait3A_2459 = tpu.memref_slice %arg7[%dma_wait3A_2457, %dma_wait3A_2458] : memref<640x32xf32, #tpu.memory_space<vmem>> -> memref<20x32xf32, #tpu.memory_space<vmem>>
      %dma_wait3A_2460 = arith.constant 0 : i32
      %dma_wait3A_2461 = arith.constant 0 : i32
      %dma_wait3A_2462 = tpu.memref_slice %arg4[%add3A_2456, %dma_wait3A_2460, %dma_wait3A_2461] : memref<16384x20x32xf32, #tpu.memory_space<hbm>> -> memref<1x20x32xf32, #tpu.memory_space<hbm>>
      %dma_wait3A_2463 = tpu.memref_squeeze %dma_wait3A_2462 : memref<1x20x32xf32, #tpu.memory_space<hbm>> -> memref<20x32xf32, #tpu.memory_space<hbm>>
      %dma_wait3A_2464 = arith.constant 0 : i32
      %dma_wait3A_2465 = arith.constant 0 : i32
      %dma_wait3A_2466 = tpu.memref_slice %arg4[%add3A_2456, %dma_wait3A_2464, %dma_wait3A_2465] : memref<16384x20x32xf32, #tpu.memory_space<hbm>> -> memref<1x20x32xf32, #tpu.memory_space<hbm>>
      %dma_wait3A_2467 = tpu.memref_squeeze %dma_wait3A_2466 : memref<1x20x32xf32, #tpu.memory_space<hbm>> -> memref<20x32xf32, #tpu.memory_space<hbm>>
      %dma_wait3A_2468 = arith.constant 420 : i32
      %dma_wait3A_2469 = arith.constant 0 : i32
      %dma_wait3A_2470 = tpu.memref_slice %arg7[%dma_wait3A_2468, %dma_wait3A_2469] : memref<640x32xf32, #tpu.memory_space<vmem>> -> memref<20x32xf32, #tpu.memory_space<vmem>>
      tpu.wait_dma2 semaphore(%arg11 : memref<!tpu.dma_semaphore, #tpu.memory_space<semaphore_mem>>) src(%dma_wait3A_2470 : memref<20x32xf32, #tpu.memory_space<vmem>>) dst(%dma_wait3A_2467 : memref<20x32xf32, #tpu.memory_space<hbm>>)
      %mul3A_2471 = arith.constant 32 : i32
      %mul3A_2472 = arith.muli %add3A_2052, %mul3A_2471 : i32
      %add3A_2473 = arith.addi %mul3A_2, %mul3A_2472 : i32
      %add3A_2474 = arith.constant 22 : i32
      %add3A_2475 = arith.addi %add3A_2473, %add3A_2474 : i32
      %dma_wait3A_2476 = arith.constant 440 : i32
      %dma_wait3A_2477 = arith.constant 0 : i32
      %dma_wait3A_2478 = tpu.memref_slice %arg7[%dma_wait3A_2476, %dma_wait3A_2477] : memref<640x32xf32, #tpu.memory_space<vmem>> -> memref<20x32xf32, #tpu.memory_space<vmem>>
      %dma_wait3A_2479 = arith.constant 0 : i32
      %dma_wait3A_2480 = arith.constant 0 : i32
      %dma_wait3A_2481 = tpu.memref_slice %arg4[%add3A_2475, %dma_wait3A_2479, %dma_wait3A_2480] : memref<16384x20x32xf32, #tpu.memory_space<hbm>> -> memref<1x20x32xf32, #tpu.memory_space<hbm>>
      %dma_wait3A_2482 = tpu.memref_squeeze %dma_wait3A_2481 : memref<1x20x32xf32, #tpu.memory_space<hbm>> -> memref<20x32xf32, #tpu.memory_space<hbm>>
      %dma_wait3A_2483 = arith.constant 0 : i32
      %dma_wait3A_2484 = arith.constant 0 : i32
      %dma_wait3A_2485 = tpu.memref_slice %arg4[%add3A_2475, %dma_wait3A_2483, %dma_wait3A_2484] : memref<16384x20x32xf32, #tpu.memory_space<hbm>> -> memref<1x20x32xf32, #tpu.memory_space<hbm>>
      %dma_wait3A_2486 = tpu.memref_squeeze %dma_wait3A_2485 : memref<1x20x32xf32, #tpu.memory_space<hbm>> -> memref<20x32xf32, #tpu.memory_space<hbm>>
      %dma_wait3A_2487 = arith.constant 440 : i32
      %dma_wait3A_2488 = arith.constant 0 : i32
      %dma_wait3A_2489 = tpu.memref_slice %arg7[%dma_wait3A_2487, %dma_wait3A_2488] : memref<640x32xf32, #tpu.memory_space<vmem>> -> memref<20x32xf32, #tpu.memory_space<vmem>>
      tpu.wait_dma2 semaphore(%arg11 : memref<!tpu.dma_semaphore, #tpu.memory_space<semaphore_mem>>) src(%dma_wait3A_2489 : memref<20x32xf32, #tpu.memory_space<vmem>>) dst(%dma_wait3A_2486 : memref<20x32xf32, #tpu.memory_space<hbm>>)
      %mul3A_2490 = arith.constant 32 : i32
      %mul3A_2491 = arith.muli %add3A_2052, %mul3A_2490 : i32
      %add3A_2492 = arith.addi %mul3A_2, %mul3A_2491 : i32
      %add3A_2493 = arith.constant 23 : i32
      %add3A_2494 = arith.addi %add3A_2492, %add3A_2493 : i32
      %dma_wait3A_2495 = arith.constant 460 : i32
      %dma_wait3A_2496 = arith.constant 0 : i32
      %dma_wait3A_2497 = tpu.memref_slice %arg7[%dma_wait3A_2495, %dma_wait3A_2496] : memref<640x32xf32, #tpu.memory_space<vmem>> -> memref<20x32xf32, #tpu.memory_space<vmem>>
      %dma_wait3A_2498 = arith.constant 0 : i32
      %dma_wait3A_2499 = arith.constant 0 : i32
      %dma_wait3A_2500 = tpu.memref_slice %arg4[%add3A_2494, %dma_wait3A_2498, %dma_wait3A_2499] : memref<16384x20x32xf32, #tpu.memory_space<hbm>> -> memref<1x20x32xf32, #tpu.memory_space<hbm>>
      %dma_wait3A_2501 = tpu.memref_squeeze %dma_wait3A_2500 : memref<1x20x32xf32, #tpu.memory_space<hbm>> -> memref<20x32xf32, #tpu.memory_space<hbm>>
      %dma_wait3A_2502 = arith.constant 0 : i32
      %dma_wait3A_2503 = arith.constant 0 : i32
      %dma_wait3A_2504 = tpu.memref_slice %arg4[%add3A_2494, %dma_wait3A_2502, %dma_wait3A_2503] : memref<16384x20x32xf32, #tpu.memory_space<hbm>> -> memref<1x20x32xf32, #tpu.memory_space<hbm>>
      %dma_wait3A_2505 = tpu.memref_squeeze %dma_wait3A_2504 : memref<1x20x32xf32, #tpu.memory_space<hbm>> -> memref<20x32xf32, #tpu.memory_space<hbm>>
      %dma_wait3A_2506 = arith.constant 460 : i32
      %dma_wait3A_2507 = arith.constant 0 : i32
      %dma_wait3A_2508 = tpu.memref_slice %arg7[%dma_wait3A_2506, %dma_wait3A_2507] : memref<640x32xf32, #tpu.memory_space<vmem>> -> memref<20x32xf32, #tpu.memory_space<vmem>>
      tpu.wait_dma2 semaphore(%arg11 : memref<!tpu.dma_semaphore, #tpu.memory_space<semaphore_mem>>) src(%dma_wait3A_2508 : memref<20x32xf32, #tpu.memory_space<vmem>>) dst(%dma_wait3A_2505 : memref<20x32xf32, #tpu.memory_space<hbm>>)
      %mul3A_2509 = arith.constant 32 : i32
      %mul3A_2510 = arith.muli %add3A_2052, %mul3A_2509 : i32
      %add3A_2511 = arith.addi %mul3A_2, %mul3A_2510 : i32
      %add3A_2512 = arith.constant 24 : i32
      %add3A_2513 = arith.addi %add3A_2511, %add3A_2512 : i32
      %dma_wait3A_2514 = arith.constant 480 : i32
      %dma_wait3A_2515 = arith.constant 0 : i32
      %dma_wait3A_2516 = tpu.memref_slice %arg7[%dma_wait3A_2514, %dma_wait3A_2515] : memref<640x32xf32, #tpu.memory_space<vmem>> -> memref<20x32xf32, #tpu.memory_space<vmem>>
      %dma_wait3A_2517 = arith.constant 0 : i32
      %dma_wait3A_2518 = arith.constant 0 : i32
      %dma_wait3A_2519 = tpu.memref_slice %arg4[%add3A_2513, %dma_wait3A_2517, %dma_wait3A_2518] : memref<16384x20x32xf32, #tpu.memory_space<hbm>> -> memref<1x20x32xf32, #tpu.memory_space<hbm>>
      %dma_wait3A_2520 = tpu.memref_squeeze %dma_wait3A_2519 : memref<1x20x32xf32, #tpu.memory_space<hbm>> -> memref<20x32xf32, #tpu.memory_space<hbm>>
      %dma_wait3A_2521 = arith.constant 0 : i32
      %dma_wait3A_2522 = arith.constant 0 : i32
      %dma_wait3A_2523 = tpu.memref_slice %arg4[%add3A_2513, %dma_wait3A_2521, %dma_wait3A_2522] : memref<16384x20x32xf32, #tpu.memory_space<hbm>> -> memref<1x20x32xf32, #tpu.memory_space<hbm>>
      %dma_wait3A_2524 = tpu.memref_squeeze %dma_wait3A_2523 : memref<1x20x32xf32, #tpu.memory_space<hbm>> -> memref<20x32xf32, #tpu.memory_space<hbm>>
      %dma_wait3A_2525 = arith.constant 480 : i32
      %dma_wait3A_2526 = arith.constant 0 : i32
      %dma_wait3A_2527 = tpu.memref_slice %arg7[%dma_wait3A_2525, %dma_wait3A_2526] : memref<640x32xf32, #tpu.memory_space<vmem>> -> memref<20x32xf32, #tpu.memory_space<vmem>>
      tpu.wait_dma2 semaphore(%arg11 : memref<!tpu.dma_semaphore, #tpu.memory_space<semaphore_mem>>) src(%dma_wait3A_2527 : memref<20x32xf32, #tpu.memory_space<vmem>>) dst(%dma_wait3A_2524 : memref<20x32xf32, #tpu.memory_space<hbm>>)
      %mul3A_2528 = arith.constant 32 : i32
      %mul3A_2529 = arith.muli %add3A_2052, %mul3A_2528 : i32
      %add3A_2530 = arith.addi %mul3A_2, %mul3A_2529 : i32
      %add3A_2531 = arith.constant 25 : i32
      %add3A_2532 = arith.addi %add3A_2530, %add3A_2531 : i32
      %dma_wait3A_2533 = arith.constant 500 : i32
      %dma_wait3A_2534 = arith.constant 0 : i32
      %dma_wait3A_2535 = tpu.memref_slice %arg7[%dma_wait3A_2533, %dma_wait3A_2534] : memref<640x32xf32, #tpu.memory_space<vmem>> -> memref<20x32xf32, #tpu.memory_space<vmem>>
      %dma_wait3A_2536 = arith.constant 0 : i32
      %dma_wait3A_2537 = arith.constant 0 : i32
      %dma_wait3A_2538 = tpu.memref_slice %arg4[%add3A_2532, %dma_wait3A_2536, %dma_wait3A_2537] : memref<16384x20x32xf32, #tpu.memory_space<hbm>> -> memref<1x20x32xf32, #tpu.memory_space<hbm>>
      %dma_wait3A_2539 = tpu.memref_squeeze %dma_wait3A_2538 : memref<1x20x32xf32, #tpu.memory_space<hbm>> -> memref<20x32xf32, #tpu.memory_space<hbm>>
      %dma_wait3A_2540 = arith.constant 0 : i32
      %dma_wait3A_2541 = arith.constant 0 : i32
      %dma_wait3A_2542 = tpu.memref_slice %arg4[%add3A_2532, %dma_wait3A_2540, %dma_wait3A_2541] : memref<16384x20x32xf32, #tpu.memory_space<hbm>> -> memref<1x20x32xf32, #tpu.memory_space<hbm>>
      %dma_wait3A_2543 = tpu.memref_squeeze %dma_wait3A_2542 : memref<1x20x32xf32, #tpu.memory_space<hbm>> -> memref<20x32xf32, #tpu.memory_space<hbm>>
      %dma_wait3A_2544 = arith.constant 500 : i32
      %dma_wait3A_2545 = arith.constant 0 : i32
      %dma_wait3A_2546 = tpu.memref_slice %arg7[%dma_wait3A_2544, %dma_wait3A_2545] : memref<640x32xf32, #tpu.memory_space<vmem>> -> memref<20x32xf32, #tpu.memory_space<vmem>>
      tpu.wait_dma2 semaphore(%arg11 : memref<!tpu.dma_semaphore, #tpu.memory_space<semaphore_mem>>) src(%dma_wait3A_2546 : memref<20x32xf32, #tpu.memory_space<vmem>>) dst(%dma_wait3A_2543 : memref<20x32xf32, #tpu.memory_space<hbm>>)
      %mul3A_2547 = arith.constant 32 : i32
      %mul3A_2548 = arith.muli %add3A_2052, %mul3A_2547 : i32
      %add3A_2549 = arith.addi %mul3A_2, %mul3A_2548 : i32
      %add3A_2550 = arith.constant 26 : i32
      %add3A_2551 = arith.addi %add3A_2549, %add3A_2550 : i32
      %dma_wait3A_2552 = arith.constant 520 : i32
      %dma_wait3A_2553 = arith.constant 0 : i32
      %dma_wait3A_2554 = tpu.memref_slice %arg7[%dma_wait3A_2552, %dma_wait3A_2553] : memref<640x32xf32, #tpu.memory_space<vmem>> -> memref<20x32xf32, #tpu.memory_space<vmem>>
      %dma_wait3A_2555 = arith.constant 0 : i32
      %dma_wait3A_2556 = arith.constant 0 : i32
      %dma_wait3A_2557 = tpu.memref_slice %arg4[%add3A_2551, %dma_wait3A_2555, %dma_wait3A_2556] : memref<16384x20x32xf32, #tpu.memory_space<hbm>> -> memref<1x20x32xf32, #tpu.memory_space<hbm>>
      %dma_wait3A_2558 = tpu.memref_squeeze %dma_wait3A_2557 : memref<1x20x32xf32, #tpu.memory_space<hbm>> -> memref<20x32xf32, #tpu.memory_space<hbm>>
      %dma_wait3A_2559 = arith.constant 0 : i32
      %dma_wait3A_2560 = arith.constant 0 : i32
      %dma_wait3A_2561 = tpu.memref_slice %arg4[%add3A_2551, %dma_wait3A_2559, %dma_wait3A_2560] : memref<16384x20x32xf32, #tpu.memory_space<hbm>> -> memref<1x20x32xf32, #tpu.memory_space<hbm>>
      %dma_wait3A_2562 = tpu.memref_squeeze %dma_wait3A_2561 : memref<1x20x32xf32, #tpu.memory_space<hbm>> -> memref<20x32xf32, #tpu.memory_space<hbm>>
      %dma_wait3A_2563 = arith.constant 520 : i32
      %dma_wait3A_2564 = arith.constant 0 : i32
      %dma_wait3A_2565 = tpu.memref_slice %arg7[%dma_wait3A_2563, %dma_wait3A_2564] : memref<640x32xf32, #tpu.memory_space<vmem>> -> memref<20x32xf32, #tpu.memory_space<vmem>>
      tpu.wait_dma2 semaphore(%arg11 : memref<!tpu.dma_semaphore, #tpu.memory_space<semaphore_mem>>) src(%dma_wait3A_2565 : memref<20x32xf32, #tpu.memory_space<vmem>>) dst(%dma_wait3A_2562 : memref<20x32xf32, #tpu.memory_space<hbm>>)
      %mul3A_2566 = arith.constant 32 : i32
      %mul3A_2567 = arith.muli %add3A_2052, %mul3A_2566 : i32
      %add3A_2568 = arith.addi %mul3A_2, %mul3A_2567 : i32
      %add3A_2569 = arith.constant 27 : i32
      %add3A_2570 = arith.addi %add3A_2568, %add3A_2569 : i32
      %dma_wait3A_2571 = arith.constant 540 : i32
      %dma_wait3A_2572 = arith.constant 0 : i32
      %dma_wait3A_2573 = tpu.memref_slice %arg7[%dma_wait3A_2571, %dma_wait3A_2572] : memref<640x32xf32, #tpu.memory_space<vmem>> -> memref<20x32xf32, #tpu.memory_space<vmem>>
      %dma_wait3A_2574 = arith.constant 0 : i32
      %dma_wait3A_2575 = arith.constant 0 : i32
      %dma_wait3A_2576 = tpu.memref_slice %arg4[%add3A_2570, %dma_wait3A_2574, %dma_wait3A_2575] : memref<16384x20x32xf32, #tpu.memory_space<hbm>> -> memref<1x20x32xf32, #tpu.memory_space<hbm>>
      %dma_wait3A_2577 = tpu.memref_squeeze %dma_wait3A_2576 : memref<1x20x32xf32, #tpu.memory_space<hbm>> -> memref<20x32xf32, #tpu.memory_space<hbm>>
      %dma_wait3A_2578 = arith.constant 0 : i32
      %dma_wait3A_2579 = arith.constant 0 : i32
      %dma_wait3A_2580 = tpu.memref_slice %arg4[%add3A_2570, %dma_wait3A_2578, %dma_wait3A_2579] : memref<16384x20x32xf32, #tpu.memory_space<hbm>> -> memref<1x20x32xf32, #tpu.memory_space<hbm>>
      %dma_wait3A_2581 = tpu.memref_squeeze %dma_wait3A_2580 : memref<1x20x32xf32, #tpu.memory_space<hbm>> -> memref<20x32xf32, #tpu.memory_space<hbm>>
      %dma_wait3A_2582 = arith.constant 540 : i32
      %dma_wait3A_2583 = arith.constant 0 : i32
      %dma_wait3A_2584 = tpu.memref_slice %arg7[%dma_wait3A_2582, %dma_wait3A_2583] : memref<640x32xf32, #tpu.memory_space<vmem>> -> memref<20x32xf32, #tpu.memory_space<vmem>>
      tpu.wait_dma2 semaphore(%arg11 : memref<!tpu.dma_semaphore, #tpu.memory_space<semaphore_mem>>) src(%dma_wait3A_2584 : memref<20x32xf32, #tpu.memory_space<vmem>>) dst(%dma_wait3A_2581 : memref<20x32xf32, #tpu.memory_space<hbm>>)
      %mul3A_2585 = arith.constant 32 : i32
      %mul3A_2586 = arith.muli %add3A_2052, %mul3A_2585 : i32
      %add3A_2587 = arith.addi %mul3A_2, %mul3A_2586 : i32
      %add3A_2588 = arith.constant 28 : i32
      %add3A_2589 = arith.addi %add3A_2587, %add3A_2588 : i32
      %dma_wait3A_2590 = arith.constant 560 : i32
      %dma_wait3A_2591 = arith.constant 0 : i32
      %dma_wait3A_2592 = tpu.memref_slice %arg7[%dma_wait3A_2590, %dma_wait3A_2591] : memref<640x32xf32, #tpu.memory_space<vmem>> -> memref<20x32xf32, #tpu.memory_space<vmem>>
      %dma_wait3A_2593 = arith.constant 0 : i32
      %dma_wait3A_2594 = arith.constant 0 : i32
      %dma_wait3A_2595 = tpu.memref_slice %arg4[%add3A_2589, %dma_wait3A_2593, %dma_wait3A_2594] : memref<16384x20x32xf32, #tpu.memory_space<hbm>> -> memref<1x20x32xf32, #tpu.memory_space<hbm>>
      %dma_wait3A_2596 = tpu.memref_squeeze %dma_wait3A_2595 : memref<1x20x32xf32, #tpu.memory_space<hbm>> -> memref<20x32xf32, #tpu.memory_space<hbm>>
      %dma_wait3A_2597 = arith.constant 0 : i32
      %dma_wait3A_2598 = arith.constant 0 : i32
      %dma_wait3A_2599 = tpu.memref_slice %arg4[%add3A_2589, %dma_wait3A_2597, %dma_wait3A_2598] : memref<16384x20x32xf32, #tpu.memory_space<hbm>> -> memref<1x20x32xf32, #tpu.memory_space<hbm>>
      %dma_wait3A_2600 = tpu.memref_squeeze %dma_wait3A_2599 : memref<1x20x32xf32, #tpu.memory_space<hbm>> -> memref<20x32xf32, #tpu.memory_space<hbm>>
      %dma_wait3A_2601 = arith.constant 560 : i32
      %dma_wait3A_2602 = arith.constant 0 : i32
      %dma_wait3A_2603 = tpu.memref_slice %arg7[%dma_wait3A_2601, %dma_wait3A_2602] : memref<640x32xf32, #tpu.memory_space<vmem>> -> memref<20x32xf32, #tpu.memory_space<vmem>>
      tpu.wait_dma2 semaphore(%arg11 : memref<!tpu.dma_semaphore, #tpu.memory_space<semaphore_mem>>) src(%dma_wait3A_2603 : memref<20x32xf32, #tpu.memory_space<vmem>>) dst(%dma_wait3A_2600 : memref<20x32xf32, #tpu.memory_space<hbm>>)
      %mul3A_2604 = arith.constant 32 : i32
      %mul3A_2605 = arith.muli %add3A_2052, %mul3A_2604 : i32
      %add3A_2606 = arith.addi %mul3A_2, %mul3A_2605 : i32
      %add3A_2607 = arith.constant 29 : i32
      %add3A_2608 = arith.addi %add3A_2606, %add3A_2607 : i32
      %dma_wait3A_2609 = arith.constant 580 : i32
      %dma_wait3A_2610 = arith.constant 0 : i32
      %dma_wait3A_2611 = tpu.memref_slice %arg7[%dma_wait3A_2609, %dma_wait3A_2610] : memref<640x32xf32, #tpu.memory_space<vmem>> -> memref<20x32xf32, #tpu.memory_space<vmem>>
      %dma_wait3A_2612 = arith.constant 0 : i32
      %dma_wait3A_2613 = arith.constant 0 : i32
      %dma_wait3A_2614 = tpu.memref_slice %arg4[%add3A_2608, %dma_wait3A_2612, %dma_wait3A_2613] : memref<16384x20x32xf32, #tpu.memory_space<hbm>> -> memref<1x20x32xf32, #tpu.memory_space<hbm>>
      %dma_wait3A_2615 = tpu.memref_squeeze %dma_wait3A_2614 : memref<1x20x32xf32, #tpu.memory_space<hbm>> -> memref<20x32xf32, #tpu.memory_space<hbm>>
      %dma_wait3A_2616 = arith.constant 0 : i32
      %dma_wait3A_2617 = arith.constant 0 : i32
      %dma_wait3A_2618 = tpu.memref_slice %arg4[%add3A_2608, %dma_wait3A_2616, %dma_wait3A_2617] : memref<16384x20x32xf32, #tpu.memory_space<hbm>> -> memref<1x20x32xf32, #tpu.memory_space<hbm>>
      %dma_wait3A_2619 = tpu.memref_squeeze %dma_wait3A_2618 : memref<1x20x32xf32, #tpu.memory_space<hbm>> -> memref<20x32xf32, #tpu.memory_space<hbm>>
      %dma_wait3A_2620 = arith.constant 580 : i32
      %dma_wait3A_2621 = arith.constant 0 : i32
      %dma_wait3A_2622 = tpu.memref_slice %arg7[%dma_wait3A_2620, %dma_wait3A_2621] : memref<640x32xf32, #tpu.memory_space<vmem>> -> memref<20x32xf32, #tpu.memory_space<vmem>>
      tpu.wait_dma2 semaphore(%arg11 : memref<!tpu.dma_semaphore, #tpu.memory_space<semaphore_mem>>) src(%dma_wait3A_2622 : memref<20x32xf32, #tpu.memory_space<vmem>>) dst(%dma_wait3A_2619 : memref<20x32xf32, #tpu.memory_space<hbm>>)
      %mul3A_2623 = arith.constant 32 : i32
      %mul3A_2624 = arith.muli %add3A_2052, %mul3A_2623 : i32
      %add3A_2625 = arith.addi %mul3A_2, %mul3A_2624 : i32
      %add3A_2626 = arith.constant 30 : i32
      %add3A_2627 = arith.addi %add3A_2625, %add3A_2626 : i32
      %dma_wait3A_2628 = arith.constant 600 : i32
      %dma_wait3A_2629 = arith.constant 0 : i32
      %dma_wait3A_2630 = tpu.memref_slice %arg7[%dma_wait3A_2628, %dma_wait3A_2629] : memref<640x32xf32, #tpu.memory_space<vmem>> -> memref<20x32xf32, #tpu.memory_space<vmem>>
      %dma_wait3A_2631 = arith.constant 0 : i32
      %dma_wait3A_2632 = arith.constant 0 : i32
      %dma_wait3A_2633 = tpu.memref_slice %arg4[%add3A_2627, %dma_wait3A_2631, %dma_wait3A_2632] : memref<16384x20x32xf32, #tpu.memory_space<hbm>> -> memref<1x20x32xf32, #tpu.memory_space<hbm>>
      %dma_wait3A_2634 = tpu.memref_squeeze %dma_wait3A_2633 : memref<1x20x32xf32, #tpu.memory_space<hbm>> -> memref<20x32xf32, #tpu.memory_space<hbm>>
      %dma_wait3A_2635 = arith.constant 0 : i32
      %dma_wait3A_2636 = arith.constant 0 : i32
      %dma_wait3A_2637 = tpu.memref_slice %arg4[%add3A_2627, %dma_wait3A_2635, %dma_wait3A_2636] : memref<16384x20x32xf32, #tpu.memory_space<hbm>> -> memref<1x20x32xf32, #tpu.memory_space<hbm>>
      %dma_wait3A_2638 = tpu.memref_squeeze %dma_wait3A_2637 : memref<1x20x32xf32, #tpu.memory_space<hbm>> -> memref<20x32xf32, #tpu.memory_space<hbm>>
      %dma_wait3A_2639 = arith.constant 600 : i32
      %dma_wait3A_2640 = arith.constant 0 : i32
      %dma_wait3A_2641 = tpu.memref_slice %arg7[%dma_wait3A_2639, %dma_wait3A_2640] : memref<640x32xf32, #tpu.memory_space<vmem>> -> memref<20x32xf32, #tpu.memory_space<vmem>>
      tpu.wait_dma2 semaphore(%arg11 : memref<!tpu.dma_semaphore, #tpu.memory_space<semaphore_mem>>) src(%dma_wait3A_2641 : memref<20x32xf32, #tpu.memory_space<vmem>>) dst(%dma_wait3A_2638 : memref<20x32xf32, #tpu.memory_space<hbm>>)
      %mul3A_2642 = arith.constant 32 : i32
      %mul3A_2643 = arith.muli %add3A_2052, %mul3A_2642 : i32
      %add3A_2644 = arith.addi %mul3A_2, %mul3A_2643 : i32
      %add3A_2645 = arith.constant 31 : i32
      %add3A_2646 = arith.addi %add3A_2644, %add3A_2645 : i32
      %dma_wait3A_2647 = arith.constant 620 : i32
      %dma_wait3A_2648 = arith.constant 0 : i32
      %dma_wait3A_2649 = tpu.memref_slice %arg7[%dma_wait3A_2647, %dma_wait3A_2648] : memref<640x32xf32, #tpu.memory_space<vmem>> -> memref<20x32xf32, #tpu.memory_space<vmem>>
      %dma_wait3A_2650 = arith.constant 0 : i32
      %dma_wait3A_2651 = arith.constant 0 : i32
      %dma_wait3A_2652 = tpu.memref_slice %arg4[%add3A_2646, %dma_wait3A_2650, %dma_wait3A_2651] : memref<16384x20x32xf32, #tpu.memory_space<hbm>> -> memref<1x20x32xf32, #tpu.memory_space<hbm>>
      %dma_wait3A_2653 = tpu.memref_squeeze %dma_wait3A_2652 : memref<1x20x32xf32, #tpu.memory_space<hbm>> -> memref<20x32xf32, #tpu.memory_space<hbm>>
      %dma_wait3A_2654 = arith.constant 0 : i32
      %dma_wait3A_2655 = arith.constant 0 : i32
      %dma_wait3A_2656 = tpu.memref_slice %arg4[%add3A_2646, %dma_wait3A_2654, %dma_wait3A_2655] : memref<16384x20x32xf32, #tpu.memory_space<hbm>> -> memref<1x20x32xf32, #tpu.memory_space<hbm>>
      %dma_wait3A_2657 = tpu.memref_squeeze %dma_wait3A_2656 : memref<1x20x32xf32, #tpu.memory_space<hbm>> -> memref<20x32xf32, #tpu.memory_space<hbm>>
      %dma_wait3A_2658 = arith.constant 620 : i32
      %dma_wait3A_2659 = arith.constant 0 : i32
      %dma_wait3A_2660 = tpu.memref_slice %arg7[%dma_wait3A_2658, %dma_wait3A_2659] : memref<640x32xf32, #tpu.memory_space<vmem>> -> memref<20x32xf32, #tpu.memory_space<vmem>>
      tpu.wait_dma2 semaphore(%arg11 : memref<!tpu.dma_semaphore, #tpu.memory_space<semaphore_mem>>) src(%dma_wait3A_2660 : memref<20x32xf32, #tpu.memory_space<vmem>>) dst(%dma_wait3A_2657 : memref<20x32xf32, #tpu.memory_space<hbm>>)
    }
    %scan3A_47 = arith.constant 8 : i32
    return
  }
}

module attributes {stable_mosaic.version = 14 : i64} {
  func.func @_transpose_body(%arg0: i32, %arg1: memref<640x128xf32, #tpu.memory_space<vmem>>, %arg2: memref<5x640x128xf32, #tpu.memory_space<vmem>>, %arg3: memref<20x4x1x8x128xf32, #tpu.memory_space<vmem>>) attributes {dimension_semantics = [#tpu.dimension_semantics<arbitrary>], iteration_bounds = array<i64: 128>, scalar_prefetch = 0 : i64, scratch_operands = 0 : i64, tpu.core_type = #tpu.core_type<tc>, window_params = [{transform_indices = @transform_0, window_bounds = array<i64: 640, 128>}, {pipeline_mode = #tpu.pipeline_mode<synchronous>, transform_indices = @transform_1, window_bounds = array<i64: 5, 640, 128>}, {transform_indices = @transform_2, window_bounds = array<i64: 20, 4, 1, 8, 128>}]} {
    %get3A = arith.constant 0 : index
    %get3A_0 = arith.constant 0 : index
    %get3A_1 = vector.load %arg1[%get3A, %get3A_0] : memref<640x128xf32, #tpu.memory_space<vmem>>, vector<640x128xf32>
    %get3A_2 = arith.constant 0 : index
    %get3A_3 = arith.constant 0 : index
    %get3A_4 = arith.constant 0 : index
    %get3A_5 = vector.load %arg2[%get3A_2, %get3A_3, %get3A_4] : memref<5x640x128xf32, #tpu.memory_space<vmem>>, vector<1x640x128xf32>
    %get3A_6 = vector.shape_cast %get3A_5 : vector<1x640x128xf32> to vector<640x128xf32>
    %dot_general3A = arith.constant dense<0.000000e+00> : vector<128x128xf32>
    %dot_general3A_7 = tpu.matmul %get3A_1, %get3A_6, %dot_general3A {dimension_numbers = #tpu.dot_dimension_numbers<[0], [0], [1], [1], [0, 1, 1, 1], [], []>, precision = #tpu.contract_precision<fp32>, transpose_lhs_hint = false} : vector<640x128xf32>, vector<640x128xf32>, vector<128x128xf32> -> vector<128x128xf32>
    %reshape3A = vector.shape_cast %dot_general3A_7 : vector<128x128xf32> to vector<4x4x1x8x128xf32>
    %swap3A = arith.constant 0 : index
    %swap3A_8 = arith.constant 0 : index
    %swap3A_9 = arith.constant 0 : index
    %swap3A_10 = arith.constant 0 : index
    %swap3A_11 = arith.constant 0 : index
    %swap3A_12 = vector.load %arg3[%swap3A, %swap3A_8, %swap3A_9, %swap3A_10, %swap3A_11] : memref<20x4x1x8x128xf32, #tpu.memory_space<vmem>>, vector<4x4x1x8x128xf32>
    tpu.vector_store %arg3[%swap3A, %swap3A_8, %swap3A_9, %swap3A_10, %swap3A_11], %reshape3A {strides = array<i32>} : memref<20x4x1x8x128xf32, #tpu.memory_space<vmem>>, vector<4x4x1x8x128xf32>,
    %get3A_13 = arith.constant 1 : index
    %get3A_14 = arith.constant 0 : index
    %get3A_15 = arith.constant 0 : index
    %get3A_16 = vector.load %arg2[%get3A_13, %get3A_14, %get3A_15] : memref<5x640x128xf32, #tpu.memory_space<vmem>>, vector<1x640x128xf32>
    %get3A_17 = vector.shape_cast %get3A_16 : vector<1x640x128xf32> to vector<640x128xf32>
    %dot_general3A_18 = arith.constant dense<0.000000e+00> : vector<128x128xf32>
    %dot_general3A_19 = tpu.matmul %get3A_1, %get3A_17, %dot_general3A_18 {dimension_numbers = #tpu.dot_dimension_numbers<[0], [0], [1], [1], [0, 1, 1, 1], [], []>, precision = #tpu.contract_precision<fp32>, transpose_lhs_hint = false} : vector<640x128xf32>, vector<640x128xf32>, vector<128x128xf32> -> vector<128x128xf32>
    %reshape3A_20 = vector.shape_cast %dot_general3A_19 : vector<128x128xf32> to vector<4x4x1x8x128xf32>
    %swap3A_21 = arith.constant 4 : index
    %swap3A_22 = arith.constant 0 : index
    %swap3A_23 = arith.constant 0 : index
    %swap3A_24 = arith.constant 0 : index
    %swap3A_25 = arith.constant 0 : index
    %swap3A_26 = vector.load %arg3[%swap3A_21, %swap3A_22, %swap3A_23, %swap3A_24, %swap3A_25] : memref<20x4x1x8x128xf32, #tpu.memory_space<vmem>>, vector<4x4x1x8x128xf32>
    tpu.vector_store %arg3[%swap3A_21, %swap3A_22, %swap3A_23, %swap3A_24, %swap3A_25], %reshape3A_20 {strides = array<i32>} : memref<20x4x1x8x128xf32, #tpu.memory_space<vmem>>, vector<4x4x1x8x128xf32>,
    %get3A_27 = arith.constant 2 : index
    %get3A_28 = arith.constant 0 : index
    %get3A_29 = arith.constant 0 : index
    %get3A_30 = vector.load %arg2[%get3A_27, %get3A_28, %get3A_29] : memref<5x640x128xf32, #tpu.memory_space<vmem>>, vector<1x640x128xf32>
    %get3A_31 = vector.shape_cast %get3A_30 : vector<1x640x128xf32> to vector<640x128xf32>
    %dot_general3A_32 = arith.constant dense<0.000000e+00> : vector<128x128xf32>
    %dot_general3A_33 = tpu.matmul %get3A_1, %get3A_31, %dot_general3A_32 {dimension_numbers = #tpu.dot_dimension_numbers<[0], [0], [1], [1], [0, 1, 1, 1], [], []>, precision = #tpu.contract_precision<fp32>, transpose_lhs_hint = false} : vector<640x128xf32>, vector<640x128xf32>, vector<128x128xf32> -> vector<128x128xf32>
    %reshape3A_34 = vector.shape_cast %dot_general3A_33 : vector<128x128xf32> to vector<4x4x1x8x128xf32>
    %swap3A_35 = arith.constant 8 : index
    %swap3A_36 = arith.constant 0 : index
    %swap3A_37 = arith.constant 0 : index
    %swap3A_38 = arith.constant 0 : index
    %swap3A_39 = arith.constant 0 : index
    %swap3A_40 = vector.load %arg3[%swap3A_35, %swap3A_36, %swap3A_37, %swap3A_38, %swap3A_39] : memref<20x4x1x8x128xf32, #tpu.memory_space<vmem>>, vector<4x4x1x8x128xf32>
    tpu.vector_store %arg3[%swap3A_35, %swap3A_36, %swap3A_37, %swap3A_38, %swap3A_39], %reshape3A_34 {strides = array<i32>} : memref<20x4x1x8x128xf32, #tpu.memory_space<vmem>>, vector<4x4x1x8x128xf32>,
    %get3A_41 = arith.constant 3 : index
    %get3A_42 = arith.constant 0 : index
    %get3A_43 = arith.constant 0 : index
    %get3A_44 = vector.load %arg2[%get3A_41, %get3A_42, %get3A_43] : memref<5x640x128xf32, #tpu.memory_space<vmem>>, vector<1x640x128xf32>
    %get3A_45 = vector.shape_cast %get3A_44 : vector<1x640x128xf32> to vector<640x128xf32>
    %dot_general3A_46 = arith.constant dense<0.000000e+00> : vector<128x128xf32>
    %dot_general3A_47 = tpu.matmul %get3A_1, %get3A_45, %dot_general3A_46 {dimension_numbers = #tpu.dot_dimension_numbers<[0], [0], [1], [1], [0, 1, 1, 1], [], []>, precision = #tpu.contract_precision<fp32>, transpose_lhs_hint = false} : vector<640x128xf32>, vector<640x128xf32>, vector<128x128xf32> -> vector<128x128xf32>
    %reshape3A_48 = vector.shape_cast %dot_general3A_47 : vector<128x128xf32> to vector<4x4x1x8x128xf32>
    %swap3A_49 = arith.constant 12 : index
    %swap3A_50 = arith.constant 0 : index
    %swap3A_51 = arith.constant 0 : index
    %swap3A_52 = arith.constant 0 : index
    %swap3A_53 = arith.constant 0 : index
    %swap3A_54 = vector.load %arg3[%swap3A_49, %swap3A_50, %swap3A_51, %swap3A_52, %swap3A_53] : memref<20x4x1x8x128xf32, #tpu.memory_space<vmem>>, vector<4x4x1x8x128xf32>
    tpu.vector_store %arg3[%swap3A_49, %swap3A_50, %swap3A_51, %swap3A_52, %swap3A_53], %reshape3A_48 {strides = array<i32>} : memref<20x4x1x8x128xf32, #tpu.memory_space<vmem>>, vector<4x4x1x8x128xf32>,
    %get3A_55 = arith.constant 4 : index
    %get3A_56 = arith.constant 0 : index
    %get3A_57 = arith.constant 0 : index
    %get3A_58 = vector.load %arg2[%get3A_55, %get3A_56, %get3A_57] : memref<5x640x128xf32, #tpu.memory_space<vmem>>, vector<1x640x128xf32>
    %get3A_59 = vector.shape_cast %get3A_58 : vector<1x640x128xf32> to vector<640x128xf32>
    %dot_general3A_60 = arith.constant dense<0.000000e+00> : vector<128x128xf32>
    %dot_general3A_61 = tpu.matmul %get3A_1, %get3A_59, %dot_general3A_60 {dimension_numbers = #tpu.dot_dimension_numbers<[0], [0], [1], [1], [0, 1, 1, 1], [], []>, precision = #tpu.contract_precision<fp32>, transpose_lhs_hint = false} : vector<640x128xf32>, vector<640x128xf32>, vector<128x128xf32> -> vector<128x128xf32>
    %reshape3A_62 = vector.shape_cast %dot_general3A_61 : vector<128x128xf32> to vector<4x4x1x8x128xf32>
    %swap3A_63 = arith.constant 16 : index
    %swap3A_64 = arith.constant 0 : index
    %swap3A_65 = arith.constant 0 : index
    %swap3A_66 = arith.constant 0 : index
    %swap3A_67 = arith.constant 0 : index
    %swap3A_68 = vector.load %arg3[%swap3A_63, %swap3A_64, %swap3A_65, %swap3A_66, %swap3A_67] : memref<20x4x1x8x128xf32, #tpu.memory_space<vmem>>, vector<4x4x1x8x128xf32>
    tpu.vector_store %arg3[%swap3A_63, %swap3A_64, %swap3A_65, %swap3A_66, %swap3A_67], %reshape3A_62 {strides = array<i32>} : memref<20x4x1x8x128xf32, #tpu.memory_space<vmem>>, vector<4x4x1x8x128xf32>,
    return
  }
  func.func @transform_0(%arg0: i32) -> (i32, i32) {
    %c0_i32 = arith.constant 0 : i32
    %c0_i32_0 = arith.constant 0 : i32
    return %arg0, %c0_i32 : i32, i32
  }
  func.func @transform_1(%arg0: i32) -> (i32, i32, i32) {
    %c0_i32 = arith.constant 0 : i32
    %c0_i32_0 = arith.constant 0 : i32
    %c0_i32_1 = arith.constant 0 : i32
    %c0_i32_2 = arith.constant 0 : i32
    return %c0_i32, %c0_i32_0, %c0_i32_1 : i32, i32, i32
  }
  func.func @transform_2(%arg0: i32) -> (i32, i32, i32, i32, i32) {
    %c0_i32 = arith.constant 0 : i32
    %c0_i32_0 = arith.constant 0 : i32
    %c0_i32_1 = arith.constant 0 : i32
    %c0_i32_2 = arith.constant 0 : i32
    %c0_i32_3 = arith.constant 0 : i32
    return %c0_i32, %c0_i32_0, %arg0, %c0_i32_1, %c0_i32_2 : i32, i32, i32, i32, i32
  }
}

</mosaic_0001>

<sc_bundles>
// kernel: kernel.4.cloned.1.call-start
scs
__scs_entry_jumppad:
0x0: {  	(pc) =	sbr.rel $0x88, $3  }
0x1: {  	(tag) =	ssettag $0x0;
	lr =	simm.s32 $0x1  }
0x2: {  	[smem:$0x3F9F] =	sst lr;
	_ =	strace $0xD0000000  }
0x3: {  	_ = 	snop  }
0x4: {  	_ = 	snop  }
0x5: {  	_ = 	snop  }
0x6: {  	_ = 	snop  }
0x7: {  	_ = 	snop  }
__scs_overlays_trampoline_lowered:
0x8: {  	[smem:$0x3FAE] =	sst s0  }
0x9: {  	[smem:$0x3FAF] =	sst s1  }
0xa: {  	[smem:$0x3FB0] =	sst s2  }
0xb: {  	[smem:$0x3FB1] =	sst s3  }
0xc: {  	[smem:$0x3FB2] =	sst s4  }
0xd: {  	[smem:$0x3FB3] =	sst s5  }
0xe: {  	[smem:$0x3FB4] =	sst s6  }
0xf: {  	[smem:$0x3FB5] =	sst s7  }
0x10: {  	[smem:$0x3FB6] =	sst s8  }
0x11: {  	[smem:$0x3FB7] =	sst s9;
	s0 =	simm.s32 @!p0 $0x0  }
0x12: {  	s1 =	sld [smem:$0x3F9D];
	s0 =	simm.s32 @p0 $0x1  }
0x13: {  	[smem:$0x3FB8] =	sst s0;
	s0 =	simm.s32 @!p1 $0x0  }
0x14: {  	s2 =	sld [smem:$0x3F9C];
	s0 =	simm.s32 @p1 $0x1  }
0x15: {  	[smem:$0x3FB9] =	sst s0;
	s0 =	simm.s32 @!p2 $0x0  }
0x16: {  	s3 =	sld [smem:$0x3FDB];
	s0 =	simm.s32 @p2 $0x1  }
0x17: {  	s4 =	simm.s32 $0x1BF5;
	[smem:$0x3FBB] =	sst s0  }
0x18: {  	s0 =	sld [smem:$0x3F9E];
	_ =	swait.ge [sflag:s4], $0x0  }
0x19: {  	s7 =	sld [smem:$0x3F9F]  }
0x1a: {  	s8 =	sadd.s32 $0xFFFFE003, lr  }
0x1b: {  	s9 =	sadd.s32 $0xFFFFFEF7, lr;
	s5 =	simm.s32 $0xFFFFFFFF;
	p2 =	slt.u32 s8, $0xFFFFF086  }
0x1c: {  	p1 =	slt.u32 s9, $0xF7A;
	s5 =	simm.s32 @!p2 $0x0  }
0x1d: {  	s5 =	simm.s32 @p1 $0x1;
	p0 =	seq.s32 s7, s2  }
0x1e: {  	s7 =	smul.u32 @!p0 $0xF7A, s2;
	p2 =	seq.s32 @!p0 s5, $0x0  }
0x1f: {  	s9 =	smul.u32 $0xF7A, s1;
	s8 =	simm.s32 @!p0 $0x1BF5;
	p2 =	por !p2, p0  }
0x20: {  	[sflag:s8] =	ssyncset.s32 @!p0 $0xFFFFF086;
	s6 =	sadd.s32 @!p0 s3, s7;
	s7 =	simm.s32 @!p0 $0x108  }
0x21: {  	s3 =	sadd.s32 s3, s9;
	s6 =	sadd.s32 @!p0 $0x88, s6;
	s7 =	simm.s32 @p2 $0x1082  }
0x22: {  	[simem:s7], [sflag:s8] =	dma.local @!p0 [hbm:s6], $0xF7A  }
0x23: {  	s9 =	sor.u32 $0xD0000000, s2;
	s6 =	simm.s32 $0x108;
	_ =	swait.ge @!p0 [sflag:s8], $0x0  }
0x24: {  	s3 =	sadd.s32 $0x88, s3;
	s6 =	simm.s32 @!p1 $0x1082;
	[sflag:s4] =	ssyncset.s32 $0xFFFFF086  }
0x25: {  	[simem:s6], [sflag:s4] =	dma.local [hbm:s3], $0xF7A  }
0x26: {  	[smem:$0x3F9F] =	sst s1;
	(tag) =	ssettag s2;
	_ =	strace s9  }
0x27: {  	s1 =	sld [smem:$0x3FAF]  }
0x28: {  	s2 =	sld [smem:$0x3FB0]  }
0x29: {  	s4 =	sld [smem:$0x3FB2]  }
0x2a: {  	p0 =	seq.s32 s5, $0x0;
	s5 =	sld [smem:$0x3FB3]  }
0x2b: {  	s6 =	sld [smem:$0x3FB4]  }
0x2c: {  	s7 =	sld [smem:$0x3FB5]  }
0x2d: {  	s3 =	simm.s32 $0x108;
	s8 =	sld [smem:$0x3FB6]  }
0x2e: {  	s3 =	simm.s32 @!p0 $0x1082;
	s9 =	sld [smem:$0x3FB7]  }
0x2f: {  	lr =	sadd.s32 s0, s3;
	s0 =	sld [smem:$0x3FAE]  }
0x30: {  	s3 =	sld [smem:$0x3FB1]  }
0x31: {  	[smem:$0x3FBA] =	sst s10  }
0x32: {  	s10 =	sld [smem:$0x3FB8];
	_ =	sdelay $0x3  }
0x33: {  	p0 =	seq.s32 s10, $0x1;
	s10 =	sld [smem:$0x3FBA];
	_ =	sdelay $0x3  }
0x34: {  	[smem:$0x3FBA] =	sst s10  }
0x35: {  	s10 =	sld [smem:$0x3FB9];
	_ =	sdelay $0x3  }
0x36: {  	p1 =	seq.s32 s10, $0x1;
	s10 =	sld [smem:$0x3FBA];
	_ =	sdelay $0x3  }
0x37: {  	[smem:$0x3FBA] =	sst s10  }
0x38: {  	s10 =	sld [smem:$0x3FBB]  }
0x39: {  	_ = 	snop;
	(pc) =	sbr.ind lr, $3  }
0x3a: {  	_ = 	snop  }
0x3b: {  	_ = 	snop  }
0x3c: {  	p2 =	seq.s32 s10, $0x1;
	s10 =	sld [smem:$0x3FBA]  }
0x3d: {  	_ =	shalt  }
0x3e: {  	_ =	shalt  }
0x3f: {  	_ =	shalt  }
0x40: {  	_ =	shalt  }
0x41: {  	_ =	shalt  }
0x42: {  	_ =	shalt  }
0x43: {  	_ =	shalt  }
0x44: {  	_ =	shalt  }
0x45: {  	_ =	shalt  }
0x46: {  	_ =	shalt  }
0x47: {  	_ =	shalt  }
0x48: {  	_ =	shalt  }
0x49: {  	_ =	shalt  }
0x4a: {  	_ =	shalt  }
0x4b: {  	_ =	shalt  }
0x4c: {  	_ =	shalt  }
0x4d: {  	_ =	shalt  }
0x4e: {  	_ =	shalt  }
0x4f: {  	_ =	shalt  }
0x50: {  	_ =	shalt  }
0x51: {  	_ =	shalt  }
0x52: {  	_ =	shalt  }
0x53: {  	_ =	shalt  }
0x54: {  	_ =	shalt  }
0x55: {  	_ =	shalt  }
0x56: {  	_ =	shalt  }
0x57: {  	_ =	shalt  }
0x58: {  	_ =	shalt  }
0x59: {  	_ =	shalt  }
0x5a: {  	_ =	shalt  }
0x5b: {  	_ =	shalt  }
0x5c: {  	_ =	shalt  }
0x5d: {  	_ =	shalt  }
0x5e: {  	_ =	shalt  }
0x5f: {  	_ =	shalt  }
0x60: {  	_ =	shalt  }
0x61: {  	_ =	shalt  }
0x62: {  	_ =	shalt  }
0x63: {  	_ =	shalt  }
0x64: {  	_ =	shalt  }
0x65: {  	_ =	shalt  }
0x66: {  	_ =	shalt  }
0x67: {  	_ =	shalt  }
0x68: {  	_ =	shalt  }
0x69: {  	_ =	shalt  }
0x6a: {  	_ =	shalt  }
0x6b: {  	_ =	shalt  }
0x6c: {  	_ =	shalt  }
0x6d: {  	_ =	shalt  }
0x6e: {  	_ =	shalt  }
0x6f: {  	_ =	shalt  }
0x70: {  	_ =	shalt  }
0x71: {  	_ =	shalt  }
0x72: {  	_ =	shalt  }
0x73: {  	_ =	shalt  }
0x74: {  	_ =	shalt  }
0x75: {  	_ =	shalt  }
0x76: {  	_ =	shalt  }
0x77: {  	_ =	shalt  }
0x78: {  	_ =	shalt  }
0x79: {  	_ =	shalt  }
0x7a: {  	_ =	shalt  }
0x7b: {  	_ =	shalt  }
0x7c: {  	_ =	shalt  }
0x7d: {  	_ =	shalt  }
0x7e: {  	_ =	shalt  }
0x7f: {  	_ =	shalt  }
0x80: {  	_ =	shalt  }
0x81: {  	_ =	shalt  }
0x82: {  	_ =	shalt  }
0x83: {  	_ =	shalt  }
0x84: {  	_ =	shalt  }
0x85: {  	_ =	shalt  }
0x86: {  	_ =	shalt  }
0x87: {  	_ =	shalt  }
.Lfunc_end0:
.L_simem_size_0:
called_computation_lowered:
.L_overlay_start_0:
0x88: {  	s2 =	sld [smem:$0x3FD9]  }
0x89: {  	s3 =	sld [smem:$0x3FFE];
	_ =	sdelay $0x1  }
0x8a: {  	s1 =	srdreg.scid  }
0x8b: {  	s0 =	sand.u32 $0x1, s1  }
0x8c: {  	s17 =	sshll.u32 s0, $0xA;
	s2 =	sadd.s32 s3, s2  }
0x8d: {  	s2 =	sadd.s32 s2, s17  }
0x8e: {  	[smem:$0x3FC6] =	sst s2  }
0x8f: {  	_ = 	snop  }
0x90: {  	s2 =	sld [smem:$0x3FD0];
	(tm) =	ssettm $0x1  }
0x91: {  	s18 =	sld [smem:$0x3FFB];
	_ =	sdelay $0x3  }
0x92: {  	_ =	strace s18  }
0x93: {  	s3 =	sld [smem:$0x3FFC];
	_ =	sdelay $0x3  }
0x94: {  	_ =	strace s3  }
0x95: {  	s3 =	sld [smem:$0x3FFD];
	_ =	sdelay $0x3  }
0x96: {  	_ =	strace s3  }
0x97: {  	_ =	strace $0x8FFFFFFF  }
0x98: {  	s19 =	sld [smem:$0x3FDB];
	_ =	sdelay $0x1  }
0x99: {  	s4 =	simm.s32 $_scs_section_size  }
0x9a: {  	s5 =	simm.s32 $_size__tile_overlayer_lowered;
	s6 =	simm.s32 $_tile_overlayer_lowered  }
0x9b: {  	s22 =	simm.s32 $0x1BFF;
	s21 =	sshll.u32 s6, $0x1;
	s3 =	sadd.s32 s4, s19  }
0x9c: {  	s7 =	simm.s32 $0x0;
	s20 =	sshll.u32 s5, $0x1;
	s5 =	sadd.s32 s21, s3  }
0x9d: {  	[timem:s7], [sflag:s22] =	dma.local [hbm:s5], s20  }
0x9e: {  	_ =	swait.ge [sflag:s22], s20  }
0x9f: {  	s4 =	ssub.s32 $0x0, s20;
	[sflag:s22] =	ssyncset.done $0x0  }
0xa0: {  	[sflag:s22] =	ssyncadd.s32 s4;
	_ =	sdelay $0x1  }
0xa1: {  	s23 =	simm.s32 $0x1B8B  }
0xa2: {  	_ =	swait.ge [sflag:s23], $0x1  }
0xa3: {  	[sflag:s23] =	ssyncset.done $0x0  }
0xa4: {  	s25 =	simm.s32 $0x1B8E;
	s24 =	sld [smem:$0x3FFE];
	[sflag:s23] =	ssyncadd.s32 $0xFFFFFFFF  }
0xa5: {  	s26 =	simm.s32 $execute0_lowered;
	[smem:$0x3FD2] =	sst s25  }
0xa6: {  	s5 =	sshll.u32 s26, $0x1;
	_ =	strace $0x80000046;
	[dreg:$0x1] =	wrdreg $0xFFFFFFFF  }
0xa7: {  	s28 =	simm.s32 $_size_execute0_lowered;
	s3 =	sadd.s32 s3, s5;
	[dreg:$0x0] =	wrdreg $0x0  }
0xa8: {  	s5 =	sshll.u32 s28, $0x1;
	[dreg:$0x2] =	wrdreg s3  }
0xa9: {  	[dreg:$0x3] =	wrdreg s5  }
0xaa: {  	[dreg:$0x4] =	wrdreg $0xC0  }
0xab: {  	_ =	task [dreg:s7], $0x5FFFF  }
0xac: {  	[dreg:$0x1] =	wrdreg $0xFFFFFFFF  }
0xad: {  	[dreg:$0x0] =	wrdreg $0x60  }
0xae: {  	[dreg:$0x2] =	wrdreg s24  }
0xaf: {  	[dreg:$0x3] =	wrdreg s2  }
0xb0: {  	[dreg:$0x4] =	wrdreg $0x9  }
0xb1: {  	_ =	task.clear_ibuf [dreg:s7], $0x5FFFF;
	_ =	strace $0x90000046  }
0xb2: {  	s29 =	simm.s32 $0x9;
	_ =	strace $0x80000048  }
0xb3: {  	_ =	swait.ge [sflag:s29], $0x1  }
0xb4: {  	[sflag:s29] =	ssyncadd.s32 $0xFFFFFFFF  }
0xb5: {  	_ =	strace $0x90000048  }
0xb6: {  	_ =	sfence  }
0xb7: {  	s30 =	sld [smem:$0x0];
	_ =	sdelay $0x2  }
0xb8: {  	s31 =	sshll.u32 s1, $0xD;
	s1 =	sshrl.u32 s1, $0x2  }
0xb9: {  	s3 =	sand.u32 $0x4000, s31;
	s1 =	sadd.s32 s1, s30  }
0xba: {  	s0 =	sor.u32 s3, s0;
	s1 =	sshll.u32 s1, $0x11  }
0xbb: {  	s0 =	sor.u32 s1, s0  }
0xbc: {  	s0 =	sadd.s32 $0x8F2B, s0  }
0xbd: {  	[sflag:s0] =	ssyncadd.remote.s32 $0x1  }
0xbe: {  	_ =	sfence.sel $0xFFFF  }
0xbf: {  	[dreg:$0x0] =	wrdreg $0xFFFFFFFF;
	(pc) =	sbr.abs _section_cstart, $3  }
0xc0: {  	[dreg:$0x1] =	wrdreg $0xFFFFFFFF  }
0xc1: {  	_ =	task.clear_ibuf [dreg:s7], $0x2FFFF;
	_ =	strace $0x9FFFFFFF  }
0xc2: {  	(tm) =	ssettm $0x7FFFFFFF  }
0xc3: {  	_ =	shalt  }
tec
execute0_lowered:
.L_overlay_start_1:
0x0: {  	(tag) =	ssettag $0x1  }
0x1: {  	s1 =	srdreg.scid  }
0x2: {  	s0 =	stileid.u32;
	s5 =	rddreg [dreg:$0x0]  }
0x3: {  	s2 =	rddreg [dreg:$0x1];
	s4 =	sand.u32 $0x1, s1;
	s6 =	smul.u32 $0xA0000, s0  }
0x4: {  	s3 =	simm.s32 $0x0;
	s1 =	rddreg [dreg:$0x2];
	s7 =	smul.u32 $0x50000, s4  }
0x5: {  	[smem:$0x7FF] =	sst s3  }
0x6: {  	_ =	strace $0x80000047;
	s7 =	sadd.s32 s7, s6;
	s6 =	sadd.s32 $0xA800, s5  }
0x7: {  	s8 =	sor.u32 $0x4D80, s7;
	s9 =	sor.u32 $0x4B00, s7;
	s26 =	sor.u32 $0x4880, s7  }
0x8: {  	s29 =	sor.u32 $0x4600, s7;
	s10 =	sor.u32 $0x4380, s7;
	s11 =	sor.u32 $0x4100, s7  }
0x9: {  	s13 =	sor.u32 $0x3E80, s7;
	s14 =	sor.u32 $0x3C00, s7;
	s18 =	sor.u32 $0x3980, s7  }
0xa: {  	s20 =	sor.u32 $0x3700, s7;
	s21 =	sor.u32 $0x3480, s7;
	s8 =	sshrl.u32 s8, $0x3  }
0xb: {  	s9 =	sshrl.u32 s9, $0x3;
	s28 =	sshrl.u32 s26, $0x3;
	s31 =	sshrl.u32 s10, $0x3  }
0xc: {  	s12 =	sshrl.u32 s11, $0x3;
	s16 =	sshrl.u32 s14, $0x3;
	s19 =	sshrl.u32 s18, $0x3  }
0xd: {  	s23 =	sshrl.u32 s21, $0x3;
	s11 =	sor.u32 $0x2A80, s7;
	s14 =	sor.u32 $0x2580, s7  }
0xe: {  	s18 =	sor.u32 $0x2300, s7;
	s21 =	smul.u32 $0x14000, s0;
	s8 =	sadd.s32 s8, s6  }
0xf: {  	s25 =	sadd.s32 s9, s6;
	s9 =	sshrl.u32 s29, $0x3;
	s10 =	sadd.s32 s31, s6  }
0x10: {  	s17 =	sadd.s32 s16, s6;
	s24 =	sadd.s32 s23, s6;
	[dreg:$0x3] =	wrdreg s8  }
0x11: {  	s29 =	sor.u32 $0x2D00, s7;
	s16 =	sshrl.u32 s14, $0x3;
	[dreg:$0x4] =	wrdreg s25  }
0x12: {  	s23 =	smul.u32 $0xA000, s4;
	s8 =	sadd.s32 s28, s6;
	[dreg:$0x7] =	wrdreg s10  }
0x13: {  	s30 =	sadd.s32 s9, s6;
	s9 =	sshrl.u32 s13, $0x3;
	[dreg:$0xa] =	wrdreg s17  }
0x14: {  	s25 =	sor.u32 $0x3200, s7;
	[dreg:$0xd] =	wrdreg s24;
	s28 =	sor.u32 $0x2F80, s7  }
0x15: {  	s31 =	sshrl.u32 s29, $0x3;
	s13 =	sor.u32 $0x2800, s7;
	[dreg:$0x5] =	wrdreg s8  }
0x16: {  	s17 =	sadd.s32 s16, s6;
	s16 =	sor.u32 $0x8E80, s7;
	[dreg:$0x6] =	wrdreg s30  }
0x17: {  	s8 =	sadd.s32 s12, s6;
	s15 =	sadd.s32 s9, s6;
	s9 =	sshrl.u32 s20, $0x3  }
0x18: {  	s26 =	sshrl.u32 s25, $0x3;
	s10 =	sadd.s32 s31, s6;
	[dreg:$0x13] =	wrdreg s17  }
0x19: {  	s12 =	sshrl.u32 s11, $0x3;
	s20 =	sor.u32 $0x2080, s7;
	[dreg:$0x8] =	wrdreg s8  }
0x1a: {  	s11 =	sor.u32 $0x9D80, s7;
	s31 =	sor.u32 $0x9600, s7;
	[dreg:$0x9] =	wrdreg s15  }
0x1b: {  	s8 =	sadd.s32 s19, s6;
	s22 =	sadd.s32 s9, s6;
	[dreg:$0x10] =	wrdreg s10  }
0x1c: {  	s9 =	sshrl.u32 s28, $0x3;
	s19 =	sshrl.u32 s18, $0x3;
	[dreg:$0xb] =	wrdreg s8  }
0x1d: {  	s10 =	sadd.s32 s21, s6;
	[dreg:$0xc] =	wrdreg s22;
	s8 =	sadd.s32 s26, s6  }
0x1e: {  	s25 =	sshrl.u32 s11, $0x3;
	s30 =	sadd.s32 s9, s6;
	[dreg:$0xe] =	wrdreg s8  }
0x1f: {  	s11 =	sshrl.u32 s31, $0x3;
	s24 =	sadd.s32 s23, s10;
	[dreg:$0xf] =	wrdreg s30  }
0x20: {  	s18 =	sshrl.u32 s16, $0x3;
	s26 =	sadd.s32 s25, s6;
	[dreg:$0x16] =	wrdreg s24  }
0x21: {  	s31 =	sor.u32 $0x7F80, s7;
	s10 =	simm.s32 $0x4880;
	[dreg:$0x17] =	wrdreg s26  }
0x22: {  	s9 =	sshrl.u32 s13, $0x3;
	s8 =	sadd.s32 s12, s6;
	[smem:$0x7CC] =	sst s10  }
0x23: {  	s16 =	sor.u32 $0x7800, s7;
	s15 =	sadd.s32 s9, s6;
	[dreg:$0x11] =	wrdreg s8  }
0x24: {  	s22 =	sshrl.u32 s20, $0x3;
	s12 =	sadd.s32 s11, s6;
	[dreg:$0x12] =	wrdreg s15  }
0x25: {  	s23 =	sor.u32 $0x8700, s7;
	s10 =	simm.s32 $0x8700;
	[dreg:$0x1a] =	wrdreg s12  }
0x26: {  	s30 =	sor.u32 $0x9880, s7;
	s8 =	sadd.s32 s19, s6;
	[smem:$0x7E4] =	sst s10  }
0x27: {  	s25 =	sshrl.u32 s23, $0x3;
	s19 =	sadd.s32 s18, s6;
	[dreg:$0x14] =	wrdreg s8  }
0x28: {  	s11 =	sshrl.u32 s31, $0x3;
	s26 =	sadd.s32 s25, s6;
	[dreg:$0x1d] =	wrdreg s19  }
0x29: {  	s23 =	sor.u32 $0x7080, s7;
	s12 =	sadd.s32 s11, s6;
	[smem:$0x7AC] =	sst s26  }
0x2a: {  	s25 =	sshrl.u32 s23, $0x3;
	s23 =	simm.s32 $0x2D00;
	[smem:$0x7AF] =	sst s12  }
0x2b: {  	s9 =	sshrl.u32 s30, $0x3;
	s8 =	sadd.s32 s22, s6;
	[smem:$0x7C1] =	sst s23  }
0x2c: {  	s18 =	sshrl.u32 s16, $0x3;
	s9 =	sadd.s32 s9, s6;
	[dreg:$0x15] =	wrdreg s8  }
0x2d: {  	s19 =	sadd.s32 s18, s6;
	[dreg:$0x19] =	wrdreg s9  }
0x2e: {  	s26 =	sadd.s32 s25, s6;
	[smem:$0x7B2] =	sst s19  }
0x2f: {  	s28 =	sor.u32 $0x9B00, s7;
	s18 =	simm.s32 $0x8800;
	[smem:$0x7B5] =	sst s26  }
0x30: {  	s31 =	sor.u32 $0x6900, s7;
	s25 =	simm.s32 $0x3200;
	[smem:$0x7BC] =	sst s18  }
0x31: {  	s12 =	sshrl.u32 s31, $0x3;
	s31 =	simm.s32 $0x3E80;
	[smem:$0x7C3] =	sst s25  }
0x32: {  	s29 =	sshrl.u32 s28, $0x3;
	s23 =	simm.s32 $0x6900;
	[smem:$0x7C8] =	sst s31  }
0x33: {  	s8 =	sadd.s32 s29, s6;
	[smem:$0x7D9] =	sst s23  }
0x34: {  	s19 =	simm.s32 $0x9800;
	[dreg:$0x18] =	wrdreg s8  }
0x35: {  	s26 =	simm.s32 $0x3480;
	[smem:$0x7BD] =	sst s19  }
0x36: {  	s18 =	simm.s32 $0x5C80;
	[smem:$0x7C4] =	sst s26  }
0x37: {  	s13 =	sor.u32 $0x9380, s7;
	s25 =	simm.s32 $0x6E00;
	[smem:$0x7D4] =	sst s18  }
0x38: {  	s14 =	sshrl.u32 s13, $0x3;
	s31 =	simm.s32 $0x7D00;
	[smem:$0x7DB] =	sst s25  }
0x39: {  	s15 =	sor.u32 $0x9100, s7;
	s23 =	simm.s32 $0xA280;
	[smem:$0x7E0] =	sst s31  }
0x3a: {  	s9 =	sshrl.u32 s15, $0x3;
	s8 =	sadd.s32 s14, s6;
	[smem:$0x7EF] =	sst s23  }
0x3b: {  	s13 =	sor.u32 $0x7D00, s7;
	s17 =	sadd.s32 s9, s6;
	[dreg:$0x1b] =	wrdreg s8  }
0x3c: {  	s14 =	sshrl.u32 s13, $0x3;
	s13 =	sadd.s32 s12, s6;
	[dreg:$0x1c] =	wrdreg s17  }
0x3d: {  	s12 =	simm.s32 $0x4D80;
	[smem:$0x7B8] =	sst s13  }
0x3e: {  	s19 =	simm.s32 $0x5F00;
	[smem:$0x7CE] =	sst s12  }
0x3f: {  	s26 =	simm.s32 $0x7080;
	[smem:$0x7D5] =	sst s19  }
0x40: {  	s20 =	sor.u32 $0x8C00, s7;
	s18 =	simm.s32 $0x9880;
	[smem:$0x7DC] =	sst s26  }
0x41: {  	s21 =	sshrl.u32 s20, $0x3;
	s25 =	simm.s32 $0xA780;
	[smem:$0x7EB] =	sst s18  }
0x42: {  	s22 =	sor.u32 $0x8980, s7;
	s31 =	simm.s32 $0xB400;
	[smem:$0x7F1] =	sst s25  }
0x43: {  	s9 =	sshrl.u32 s22, $0x3;
	s8 =	sadd.s32 s21, s6;
	[smem:$0x7F6] =	sst s31  }
0x44: {  	s20 =	sor.u32 $0x7580, s7;
	s24 =	sadd.s32 s9, s6;
	[dreg:$0x1e] =	wrdreg s8  }
0x45: {  	s21 =	sshrl.u32 s20, $0x3;
	s20 =	simm.s32 $0xA800;
	[dreg:$0x1f] =	wrdreg s24  }
0x46: {  	s13 =	simm.s32 $0x5000;
	[smem:$0x7BE] =	sst s20  }
0x47: {  	s28 =	sor.u32 $0x8480, s7;
	s12 =	simm.s32 $0x8C00;
	[smem:$0x7CF] =	sst s13  }
0x48: {  	s30 =	sor.u32 $0x8200, s7;
	s19 =	simm.s32 $0x9B00;
	[smem:$0x7E6] =	sst s12  }
0x49: {  	s29 =	sshrl.u32 s28, $0x3;
	s26 =	simm.s32 $0xAA00;
	[smem:$0x7EC] =	sst s19  }
0x4a: {  	s9 =	sshrl.u32 s30, $0x3;
	s8 =	sadd.s32 s29, s6;
	[smem:$0x7F2] =	sst s26  }
0x4b: {  	s28 =	sor.u32 $0x6E00, s7;
	s9 =	sadd.s32 s9, s6;
	[smem:$0x7AD] =	sst s8  }
0x4c: {  	s29 =	sshrl.u32 s28, $0x3;
	s28 =	simm.s32 $0x3700;
	[smem:$0x7AE] =	sst s9  }
0x4d: {  	s20 =	simm.s32 $0x6180;
	[smem:$0x7C5] =	sst s28  }
0x4e: {  	s13 =	simm.s32 $0x8E80;
	[smem:$0x7D6] =	sst s20  }
0x4f: {  	s12 =	simm.s32 $0xB680;
	[smem:$0x7E7] =	sst s13  }
0x50: {  	s19 =	simm.s32 $0xC580;
	[smem:$0x7F7] =	sst s12  }
0x51: {  	s8 =	sadd.s32 s14, s6;
	[smem:$0x7FD] =	sst s19  }
0x52: {  	s28 =	simm.s32 $0x7300;
	[smem:$0x7B0] =	sst s8  }
0x53: {  	s15 =	sor.u32 $0x7A80, s7;
	s20 =	simm.s32 $0x9D80;
	[smem:$0x7DD] =	sst s28  }
0x54: {  	s9 =	sshrl.u32 s15, $0x3;
	s13 =	simm.s32 $0xB900;
	[smem:$0x7ED] =	sst s20  }
0x55: {  	s17 =	sadd.s32 s9, s6;
	[smem:$0x7F8] =	sst s13  }
0x56: {  	s22 =	sor.u32 $0x7300, s7;
	s8 =	sadd.s32 s21, s6;
	[smem:$0x7B1] =	sst s17  }
0x57: {  	s14 =	sor.u32 $0x6680, s7;
	s21 =	simm.s32 $0xB800;
	[smem:$0x7B3] =	sst s8  }
0x58: {  	s9 =	sshrl.u32 s22, $0x3;
	s22 =	simm.s32 $0x2A80;
	[smem:$0x7BF] =	sst s21  }
0x59: {  	s15 =	sshrl.u32 s14, $0x3;
	s14 =	simm.s32 $0x5280;
	[smem:$0x7C0] =	sst s22  }
0x5a: {  	s28 =	simm.s32 $0xAC80;
	[smem:$0x7D0] =	sst s14  }
0x5b: {  	s24 =	sadd.s32 s9, s6;
	[smem:$0x7F3] =	sst s28  }
0x5c: {  	s8 =	sadd.s32 s29, s6;
	[smem:$0x7B4] =	sst s24  }
0x5d: {  	s30 =	sor.u32 $0x6B80, s7;
	s29 =	simm.s32 $0x3980;
	[smem:$0x7B6] =	sst s8  }
0x5e: {  	s9 =	sshrl.u32 s30, $0x3;
	s30 =	simm.s32 $0x3C00;
	[smem:$0x7C6] =	sst s29  }
0x5f: {  	s21 =	simm.s32 $0x6400;
	[smem:$0x7C7] =	sst s30  }
0x60: {  	s22 =	simm.s32 $0x6680;
	[smem:$0x7D7] =	sst s21  }
0x61: {  	s14 =	simm.s32 $0x9100;
	[smem:$0x7D8] =	sst s22  }
0x62: {  	s11 =	sadd.s32 s9, s6;
	[smem:$0x7E8] =	sst s14  }
0x63: {  	s8 =	sadd.s32 s15, s6;
	[smem:$0x7B7] =	sst s11  }
0x64: {  	s24 =	simm.s32 $0x2F80;
	[smem:$0x7B9] =	sst s8  }
0x65: {  	s16 =	sor.u32 $0x6400, s7;
	s15 =	simm.s32 $0x5500;
	[smem:$0x7C2] =	sst s24  }
0x66: {  	s9 =	sshrl.u32 s16, $0x3;
	s16 =	simm.s32 $0x5780;
	[smem:$0x7D1] =	sst s15  }
0x67: {  	s29 =	simm.s32 $0x7580;
	[smem:$0x7D2] =	sst s16  }
0x68: {  	s30 =	simm.s32 $0x7A80;
	[smem:$0x7DE] =	sst s29  }
0x69: {  	s21 =	simm.s32 $0xA000;
	[smem:$0x7DF] =	sst s30  }
0x6a: {  	s7 =	sor.u32 $0x6180, s7;
	s14 =	simm.s32 $0xBB80;
	[smem:$0x7EE] =	sst s21  }
0x6b: {  	s7 =	sshrl.u32 s7, $0x3;
	s17 =	sadd.s32 s9, s6;
	[smem:$0x7F9] =	sst s14  }
0x6c: {  	s6 =	sadd.s32 s7, s6;
	[smem:$0x7BA] =	sst s17  }
0x6d: {  	s7 =	simm.s32 $0x4100;
	[smem:$0x7BB] =	sst s6  }
0x6e: {  	s10 =	simm.s32 $0x100;
	s8 =	simm.s32 $0x4380;
	[smem:$0x7C9] =	sst s7  }
0x6f: {  	s18 =	simm.s32 $0x2;
	s9 =	simm.s32 $0x4600;
	[smem:$0x7CA] =	sst s8  }
0x70: {  	s12 =	simm.s32 $0x180;
	s11 =	simm.s32 $0x4B00;
	[smem:$0x7CB] =	sst s9  }
0x71: {  	s19 =	simm.s32 $0x3;
	s24 =	simm.s32 $0x6B80;
	[smem:$0x7CD] =	sst s11  }
0x72: {  	s13 =	simm.s32 $0x5800;
	s16 =	simm.s32 $0x9380;
	[smem:$0x7DA] =	sst s24  }
0x73: {  	s20 =	simm.s32 $0x4;
	s29 =	simm.s32 $0xAF00;
	[smem:$0x7E9] =	sst s16  }
0x74: {  	s15 =	sshll.u32 s0, $0x1;
	s30 =	simm.s32 $0xB180;
	[smem:$0x7F4] =	sst s29  }
0x75: {  	s14 =	simm.s32 $0x200;
	s17 =	simm.s32 $0x5A00;
	[smem:$0x7F5] =	sst s30  }
0x76: {  	s21 =	simm.s32 $0x0;
	s7 =	simm.s32 $0x7F80;
	[smem:$0x7D3] =	sst s17  }
0x77: {  	s8 =	simm.s32 $0x8200;
	s9 =	simm.s32 $0x8480;
	[smem:$0x7E1] =	sst s7  }
0x78: {  	s11 =	simm.s32 $0x8980;
	s24 =	simm.s32 $0xA500;
	[smem:$0x7E2] =	sst s8  }
0x79: {  	s6 =	simm.s32 $0x5;
	s16 =	simm.s32 $0xC080;
	[smem:$0x7E3] =	sst s9  }
0x7a: {  	[smem:$0x7E5] =	sst s11;
	s7 =	sor.u32 s4, s15;
	s17 =	simm.s32 $0x9600  }
0x7b: {  	s4 =	ssub.s32 $0x2, s4;
	[smem:$0x7F0] =	sst s24;
	s8 =	simm.s32 $0x2800  }
0x7c: {  	s9 =	simm.s32 $0x3800;
	s11 =	simm.s32 $0x4800;
	[smem:$0x7FB] =	sst s16  }
0x7d: {  	s15 =	simm.s32 $0xBE00;
	s16 =	simm.s32 $0x7800;
	[smem:$0x7EA] =	sst s17  }
0x7e: {  	s7 =	smul.u32 $0x500, s7;
	[smem:$0x7FA] =	sst s15;
	s17 =	simm.s32 $0xC300  }
0x7f: {  	s22 =	sshrl.u32 s4, $0x1;
	s15 =	simm.s32 $0x6800;
	[smem:$0x7FC] =	sst s17  }
0x80: {  	s17 =	simm.s32 $0x1;
	s5 =	sadd.s32 s7, s5;
	s7 =	ssub.s32 s4, s22  }
0x81: {  	s4 =	sadd.s32 $0x800, s5;
	s5 =	smax.u32 s7, $0x1;
	s7 =	simm.s32 $0x80  }
.LBB2_1:
0x82: {  	[tilespmem:s3], [sflag:$0x5] =	stream.linear.gather [hbm4b:s4+s3], $0x2800, $0x38;
	[tilespmem:$0xC800] =	vst v63  }
0x83: {  	_ =	swait.ge [sflag:s6], $0x2800  }
0x84: {  	[sflag:s6] =	ssyncset.done $0x0  }
0x85: {  	[sflag:s6] =	ssyncadd.s32 $0xFFFFD800  }
0x86: {  	[tilespmem:s8], [sflag:$0x1] =	stream.indirect.gather [hbm4b:s2+s7], $0x20, s3, s7, $0xb8;
	[tilespmem:$0xC800] =	vst v63  }
0x87: {  	_ = 	snop  }
0x88: {  	[tilespmem:s9], [sflag:$0x1] =	stream.indirect.gather [hbm4b:s2+s7], $0x20, s7, s7, $0xb8;
	[tilespmem:$0xC800] =	vst v63  }
0x89: {  	_ = 	snop  }
0x8a: {  	[tilespmem:s11], [sflag:$0x1] =	stream.indirect.gather [hbm4b:s2+s7], $0x20, s10, s7, $0xb8;
	[tilespmem:$0xC800] =	vst v63  }
0x8b: {  	_ = 	snop  }
0x8c: {  	[tilespmem:s13], [sflag:$0x1] =	stream.indirect.gather [hbm4b:s2+s7], $0x20, s12, s7, $0xb8;
	[tilespmem:$0xC800] =	vst v63  }
0x8d: {  	s22 =	simm.s32 $0x0  }
0x8e: {  	[tilespmem:s15], [sflag:$0x1] =	stream.indirect.gather [hbm4b:s2+s7], $0x20, s14, s7, $0xb8;
	[tilespmem:$0xC800] =	vst v63  }
.LBB2_2:
0x8f: {  	s23 =	sshra.s32 s22, $0x2  }
0x90: {  	s25 =	sld [smem:$0x7BC];
	s24 =	sadd.s32 $0x280, s23  }
0x91: {  	[tilespmem:s16], [sflag:$0x2] =	stream.indirect.gather [hbm4b:s2+s7], $0x20, s24, s7, $0xb8;
	[tilespmem:$0xC800] =	vst v63  }
0x92: {  	s26 =	sld [smem:$0x7BD];
	s31 =	sadd.s32 $0x300, s23  }
0x93: {  	[tilespmem:s25], [sflag:$0x2] =	stream.indirect.gather [hbm4b:s2+s7], $0x20, s31, s7, $0xb8;
	[tilespmem:$0xC800] =	vst v63  }
0x94: {  	s29 =	sld [smem:$0x7BE];
	s28 =	sadd.s32 $0x380, s23  }
0x95: {  	[tilespmem:s26], [sflag:$0x2] =	stream.indirect.gather [hbm4b:s2+s7], $0x20, s28, s7, $0xb8;
	[tilespmem:$0xC800] =	vst v63  }
0x96: {  	s30 =	sadd.s32 $0x400, s23;
	s31 =	sld [smem:$0x7BF]  }
0x97: {  	[tilespmem:s29], [sflag:$0x2] =	stream.indirect.gather [hbm4b:s2+s7], $0x20, s30, s7, $0xb8;
	[tilespmem:$0xC800] =	vst v63  }
0x98: {  	s23 =	sadd.s32 $0x480, s23  }
0x99: {  	[tilespmem:s31], [sflag:$0x2] =	stream.indirect.gather [hbm4b:s2+s7], $0x20, s23, s7, $0xb8;
	[tilespmem:$0xC800] =	vst v63  }
0x9a: {  	_ =	swait.ge [sflag:s17], $0x1000  }
0x9b: {  	[sflag:s17] =	ssyncset.done $0x0  }
0x9c: {  	[sflag:s17] =	ssyncadd.s32 $0xFFFFF000  }
0x9d: {  	_ =	swait.ge [sflag:s17], $0x1000  }
0x9e: {  	[sflag:s17] =	ssyncset.done $0x0  }
0x9f: {  	[sflag:s17] =	ssyncadd.s32 $0xFFFFF000  }
0xa0: {  	_ =	swait.ge [sflag:s17], $0x1000  }
0xa1: {  	[sflag:s17] =	ssyncset.done $0x0  }
0xa2: {  	[sflag:s17] =	ssyncadd.s32 $0xFFFFF000  }
0xa3: {  	_ =	swait.ge [sflag:s17], $0x1000  }
0xa4: {  	[sflag:s17] =	ssyncset.done $0x0  }
0xa5: {  	[sflag:s17] =	ssyncadd.s32 $0xFFFFF000  }
0xa6: {  	_ =	swait.ge [sflag:s17], $0x1000  }
0xa7: {  	s25 =	rddreg [dreg:$0x16]  }
0xa8: {  	s26 =	sld [smem:$0x7C0]  }
0xa9: {  	[sflag:s17] =	ssyncset.done $0x0;
	s29 =	sld [smem:$0x7C1]  }
0xaa: {  	s31 =	sld [smem:$0x7C2];
	[sflag:s17] =	ssyncadd.s32 $0xFFFFF000;
	s23 =	sadd.s32 s22, s25  }
0xab: {  	[hbm4b:s23+s3] =	stream.linear.scatter [tilespmem:s8], [sflag:$0x3], $0x280, $0x38;
	[tilespmem:$0xC800] =	vst v63  }
0xac: {  	s25 =	rddreg [dreg:$0x14];
	s28 =	sadd.s32 $0x50, s23  }
0xad: {  	[hbm4b:s28+s3] =	stream.linear.scatter [tilespmem:s26], [sflag:$0x3], $0x280, $0x38;
	[tilespmem:$0xC800] =	vst v63  }
0xae: {  	s30 =	sadd.s32 $0xA0, s23;
	s24 =	sadd.s32 s22, s25;
	s25 =	rddreg [dreg:$0x12]  }
0xaf: {  	[hbm4b:s30+s3] =	stream.linear.scatter [tilespmem:s29], [sflag:$0x3], $0x280, $0x38;
	[tilespmem:$0xC800] =	vst v63  }
0xb0: {  	s28 =	sadd.s32 $0xF0, s23;
	s29 =	sld [smem:$0x7C3]  }
0xb1: {  	[hbm4b:s28+s3] =	stream.linear.scatter [tilespmem:s31], [sflag:$0x3], $0x280, $0x38;
	[tilespmem:$0xC800] =	vst v63  }
0xb2: {  	s30 =	sadd.s32 $0x140, s23;
	s31 =	sld [smem:$0x7C4]  }
0xb3: {  	[hbm4b:s30+s3] =	stream.linear.scatter [tilespmem:s29], [sflag:$0x3], $0x280, $0x38;
	[tilespmem:$0xC800] =	vst v63  }
0xb4: {  	s28 =	sadd.s32 $0x190, s23;
	s29 =	sld [smem:$0x7C5]  }
0xb5: {  	[hbm4b:s28+s3] =	stream.linear.scatter [tilespmem:s31], [sflag:$0x3], $0x280, $0x38;
	[tilespmem:$0xC800] =	vst v63  }
0xb6: {  	s30 =	sadd.s32 $0x1E0, s23;
	s31 =	sld [smem:$0x7C6]  }
0xb7: {  	[hbm4b:s30+s3] =	stream.linear.scatter [tilespmem:s29], [sflag:$0x3], $0x280, $0x38;
	[tilespmem:$0xC800] =	vst v63  }
0xb8: {  	s28 =	sadd.s32 $0x230, s23;
	s29 =	sld [smem:$0x7C7]  }
0xb9: {  	[hbm4b:s28+s3] =	stream.linear.scatter [tilespmem:s31], [sflag:$0x3], $0x280, $0x38;
	[tilespmem:$0xC800] =	vst v63  }
0xba: {  	s31 =	sld [smem:$0x7C8]  }
0xbb: {  	s30 =	sadd.s32 $0x280, s23;
	s28 =	sld [smem:$0x7C9]  }
0xbc: {  	[hbm4b:s30+s3] =	stream.linear.scatter [tilespmem:s29], [sflag:$0x3], $0x280, $0x38;
	[tilespmem:$0xC800] =	vst v63  }
0xbd: {  	s26 =	sadd.s32 $0x2D0, s23;
	s30 =	sld [smem:$0x7CA]  }
0xbe: {  	[hbm4b:s26+s3] =	stream.linear.scatter [tilespmem:s31], [sflag:$0x3], $0x280, $0x38;
	[tilespmem:$0xC800] =	vst v63  }
0xbf: {  	s29 =	sadd.s32 $0x320, s23;
	s26 =	sld [smem:$0x7CB]  }
0xc0: {  	[hbm4b:s29+s3] =	stream.linear.scatter [tilespmem:s28], [sflag:$0x3], $0x280, $0x38;
	[tilespmem:$0xC800] =	vst v63  }
0xc1: {  	s29 =	rddreg [dreg:$0x15]  }
0xc2: {  	s31 =	sadd.s32 $0x370, s23;
	s28 =	sld [smem:$0x7CC]  }
0xc3: {  	[hbm4b:s31+s3] =	stream.linear.scatter [tilespmem:s30], [sflag:$0x3], $0x280, $0x38;
	[tilespmem:$0xC800] =	vst v63  }
0xc4: {  	s30 =	sadd.s32 $0x3C0, s23;
	s31 =	sadd.s32 s22, s29;
	s29 =	rddreg [dreg:$0x13]  }
0xc5: {  	[hbm4b:s30+s3] =	stream.linear.scatter [tilespmem:s26], [sflag:$0x3], $0x280, $0x38;
	[tilespmem:$0xC800] =	vst v63  }
0xc6: {  	s26 =	sld [smem:$0x7CD]  }
0xc7: {  	s30 =	sld [smem:$0x7CE]  }
0xc8: {  	[hbm4b:s31+s3] =	stream.linear.scatter [tilespmem:s28], [sflag:$0x3], $0x280, $0x38;
	[tilespmem:$0xC800] =	vst v63  }
0xc9: {  	s31 =	sadd.s32 s22, s29;
	s29 =	rddreg [dreg:$0x11]  }
0xca: {  	[hbm4b:s24+s3] =	stream.linear.scatter [tilespmem:s26], [sflag:$0x3], $0x280, $0x38;
	[tilespmem:$0xC800] =	vst v63  }
0xcb: {  	s26 =	sld [smem:$0x7CF]  }
0xcc: {  	s24 =	sadd.s32 s22, s25;
	s25 =	rddreg [dreg:$0x10]  }
0xcd: {  	[hbm4b:s31+s3] =	stream.linear.scatter [tilespmem:s30], [sflag:$0x3], $0x280, $0x38;
	[tilespmem:$0xC800] =	vst v63  }
0xce: {  	s30 =	sld [smem:$0x7D0]  }
0xcf: {  	s31 =	sadd.s32 s22, s29;
	s29 =	rddreg [dreg:$0xf]  }
0xd0: {  	[hbm4b:s24+s3] =	stream.linear.scatter [tilespmem:s26], [sflag:$0x3], $0x280, $0x38;
	[tilespmem:$0xC800] =	vst v63  }
0xd1: {  	s26 =	sld [smem:$0x7D1]  }
0xd2: {  	s24 =	sadd.s32 s22, s25;
	s25 =	rddreg [dreg:$0xe]  }
0xd3: {  	[hbm4b:s31+s3] =	stream.linear.scatter [tilespmem:s30], [sflag:$0x3], $0x280, $0x38;
	[tilespmem:$0xC800] =	vst v63  }
0xd4: {  	s30 =	sld [smem:$0x7D2]  }
0xd5: {  	s31 =	sadd.s32 s22, s29;
	s29 =	rddreg [dreg:$0xd]  }
0xd6: {  	[hbm4b:s24+s3] =	stream.linear.scatter [tilespmem:s26], [sflag:$0x3], $0x280, $0x38;
	[tilespmem:$0xC800] =	vst v63  }
0xd7: {  	s26 =	sld [smem:$0x7D3]  }
0xd8: {  	s24 =	sadd.s32 s22, s25;
	s25 =	rddreg [dreg:$0xc]  }
0xd9: {  	[hbm4b:s31+s3] =	stream.linear.scatter [tilespmem:s30], [sflag:$0x3], $0x280, $0x38;
	[tilespmem:$0xC800] =	vst v63  }
0xda: {  	s30 =	sld [smem:$0x7D4]  }
0xdb: {  	s31 =	sadd.s32 s22, s29;
	s29 =	rddreg [dreg:$0xb]  }
0xdc: {  	[hbm4b:s24+s3] =	stream.linear.scatter [tilespmem:s26], [sflag:$0x3], $0x280, $0x38;
	[tilespmem:$0xC800] =	vst v63  }
0xdd: {  	s26 =	sld [smem:$0x7D5]  }
0xde: {  	s24 =	sadd.s32 s22, s25;
	s25 =	rddreg [dreg:$0xa]  }
0xdf: {  	[hbm4b:s31+s3] =	stream.linear.scatter [tilespmem:s30], [sflag:$0x3], $0x280, $0x38;
	[tilespmem:$0xC800] =	vst v63  }
0xe0: {  	s30 =	sld [smem:$0x7D6]  }
0xe1: {  	s31 =	sadd.s32 s22, s29;
	s29 =	rddreg [dreg:$0x9]  }
0xe2: {  	[hbm4b:s24+s3] =	stream.linear.scatter [tilespmem:s26], [sflag:$0x3], $0x280, $0x38;
	[tilespmem:$0xC800] =	vst v63  }
0xe3: {  	s26 =	sld [smem:$0x7D7]  }
0xe4: {  	s24 =	sadd.s32 s22, s25;
	s25 =	rddreg [dreg:$0x8]  }
0xe5: {  	[hbm4b:s31+s3] =	stream.linear.scatter [tilespmem:s30], [sflag:$0x3], $0x280, $0x38;
	[tilespmem:$0xC800] =	vst v63  }
0xe6: {  	s30 =	sld [smem:$0x7D8]  }
0xe7: {  	s31 =	sadd.s32 s22, s29;
	s29 =	rddreg [dreg:$0x7]  }
0xe8: {  	[hbm4b:s24+s3] =	stream.linear.scatter [tilespmem:s26], [sflag:$0x3], $0x280, $0x38;
	[tilespmem:$0xC800] =	vst v63  }
0xe9: {  	s26 =	sld [smem:$0x7D9]  }
0xea: {  	s24 =	sadd.s32 s22, s25;
	s25 =	rddreg [dreg:$0x6]  }
0xeb: {  	[hbm4b:s31+s3] =	stream.linear.scatter [tilespmem:s30], [sflag:$0x3], $0x280, $0x38;
	[tilespmem:$0xC800] =	vst v63  }
0xec: {  	s30 =	sld [smem:$0x7DA]  }
0xed: {  	s31 =	sadd.s32 s22, s29;
	s29 =	rddreg [dreg:$0x5]  }
0xee: {  	[hbm4b:s24+s3] =	stream.linear.scatter [tilespmem:s26], [sflag:$0x3], $0x280, $0x38;
	[tilespmem:$0xC800] =	vst v63  }
0xef: {  	s26 =	sld [smem:$0x7DB]  }
0xf0: {  	s24 =	sadd.s32 s22, s25;
	s25 =	rddreg [dreg:$0x4]  }
0xf1: {  	[hbm4b:s31+s3] =	stream.linear.scatter [tilespmem:s30], [sflag:$0x3], $0x280, $0x38;
	[tilespmem:$0xC800] =	vst v63  }
0xf2: {  	s30 =	sld [smem:$0x7DC]  }
0xf3: {  	s31 =	sadd.s32 s22, s29;
	s29 =	rddreg [dreg:$0x3]  }
0xf4: {  	[hbm4b:s24+s3] =	stream.linear.scatter [tilespmem:s26], [sflag:$0x3], $0x280, $0x38;
	[tilespmem:$0xC800] =	vst v63  }
0xf5: {  	s26 =	sld [smem:$0x7DD]  }
0xf6: {  	[hbm4b:s31+s3] =	stream.linear.scatter [tilespmem:s30], [sflag:$0x3], $0x280, $0x38;
	[tilespmem:$0xC800] =	vst v63  }
0xf7: {  	s24 =	sadd.s32 s22, s25;
	s30 =	sld [smem:$0x7DE]  }
0xf8: {  	[hbm4b:s24+s3] =	stream.linear.scatter [tilespmem:s26], [sflag:$0x3], $0x280, $0x38;
	[tilespmem:$0xC800] =	vst v63  }
0xf9: {  	s31 =	sadd.s32 s22, s29  }
0xfa: {  	[hbm4b:s31+s3] =	stream.linear.scatter [tilespmem:s30], [sflag:$0x3], $0x280, $0x38;
	[tilespmem:$0xC800] =	vst v63  }
0xfb: {  	_ =	swait.ge [sflag:s18], $0x1000  }
0xfc: {  	[sflag:s18] =	ssyncset.done $0x0  }
0xfd: {  	[sflag:s18] =	ssyncadd.s32 $0xFFFFF000  }
0xfe: {  	_ =	swait.ge [sflag:s18], $0x1000  }
0xff: {  	[sflag:s18] =	ssyncset.done $0x0  }
0x100: {  	[sflag:s18] =	ssyncadd.s32 $0xFFFFF000  }
0x101: {  	_ =	swait.ge [sflag:s18], $0x1000  }
0x102: {  	[sflag:s18] =	ssyncset.done $0x0  }
0x103: {  	[sflag:s18] =	ssyncadd.s32 $0xFFFFF000  }
0x104: {  	_ =	swait.ge [sflag:s18], $0x1000  }
0x105: {  	[sflag:s18] =	ssyncset.done $0x0  }
0x106: {  	[sflag:s18] =	ssyncadd.s32 $0xFFFFF000  }
0x107: {  	_ =	swait.ge [sflag:s18], $0x1000  }
0x108: {  	[sflag:s18] =	ssyncset.done $0x0;
	s26 =	sld [smem:$0x7DF]  }
0x109: {  	s25 =	sadd.s32 $0xA00, s23;
	s29 =	sld [smem:$0x7E0];
	[sflag:s18] =	ssyncadd.s32 $0xFFFFF000  }
0x10a: {  	[hbm4b:s25+s3] =	stream.linear.scatter [tilespmem:s16], [sflag:$0x4], $0x280, $0x38;
	[tilespmem:$0xC800] =	vst v63  }
0x10b: {  	s28 =	sadd.s32 $0xA50, s23;
	s31 =	sld [smem:$0x7E1]  }
0x10c: {  	[hbm4b:s28+s3] =	stream.linear.scatter [tilespmem:s26], [sflag:$0x4], $0x280, $0x38;
	[tilespmem:$0xC800] =	vst v63  }
0x10d: {  	s30 =	sadd.s32 $0xAA0, s23;
	s26 =	rddreg [dreg:$0x18]  }
0x10e: {  	[hbm4b:s30+s3] =	stream.linear.scatter [tilespmem:s29], [sflag:$0x4], $0x280, $0x38;
	[tilespmem:$0xC800] =	vst v63  }
0x10f: {  	s28 =	sadd.s32 $0xAF0, s23;
	s29 =	sld [smem:$0x7E2]  }
0x110: {  	[hbm4b:s28+s3] =	stream.linear.scatter [tilespmem:s31], [sflag:$0x4], $0x280, $0x38;
	[tilespmem:$0xC800] =	vst v63  }
0x111: {  	s30 =	sadd.s32 $0xB40, s23;
	s31 =	sld [smem:$0x7E3]  }
0x112: {  	[hbm4b:s30+s3] =	stream.linear.scatter [tilespmem:s29], [sflag:$0x4], $0x280, $0x38;
	[tilespmem:$0xC800] =	vst v63  }
0x113: {  	s29 =	sld [smem:$0x7E4]  }
0x114: {  	s28 =	sadd.s32 $0xB90, s23;
	s30 =	sld [smem:$0x7BB]  }
0x115: {  	[hbm4b:s28+s3] =	stream.linear.scatter [tilespmem:s31], [sflag:$0x4], $0x280, $0x38;
	[tilespmem:$0xC800] =	vst v63  }
0x116: {  	s31 =	sld [smem:$0x7E5]  }
0x117: {  	s28 =	sld [smem:$0x7BA]  }
0x118: {  	s23 =	sadd.s32 $0xBE0, s23;
	s25 =	sadd.s32 s22, s30;
	s30 =	sld [smem:$0x7B9]  }
0x119: {  	[hbm4b:s23+s3] =	stream.linear.scatter [tilespmem:s29], [sflag:$0x4], $0x280, $0x38;
	[tilespmem:$0xC800] =	vst v63  }
0x11a: {  	s29 =	sld [smem:$0x7E6]  }
0x11b: {  	s23 =	sadd.s32 s22, s28;
	s28 =	sld [smem:$0x7B8]  }
0x11c: {  	[hbm4b:s25+s3] =	stream.linear.scatter [tilespmem:s31], [sflag:$0x4], $0x280, $0x38;
	[tilespmem:$0xC800] =	vst v63  }
0x11d: {  	s31 =	sld [smem:$0x7E7]  }
0x11e: {  	s25 =	sadd.s32 s22, s30;
	s30 =	sld [smem:$0x7B7]  }
0x11f: {  	[hbm4b:s23+s3] =	stream.linear.scatter [tilespmem:s29], [sflag:$0x4], $0x280, $0x38;
	[tilespmem:$0xC800] =	vst v63  }
0x120: {  	s29 =	sld [smem:$0x7E8]  }
0x121: {  	s23 =	sadd.s32 s22, s28;
	s28 =	sld [smem:$0x7B6]  }
0x122: {  	[hbm4b:s25+s3] =	stream.linear.scatter [tilespmem:s31], [sflag:$0x4], $0x280, $0x38;
	[tilespmem:$0xC800] =	vst v63  }
0x123: {  	s31 =	sld [smem:$0x7E9]  }
0x124: {  	s25 =	sadd.s32 s22, s30;
	s30 =	sld [smem:$0x7B5]  }
0x125: {  	[hbm4b:s23+s3] =	stream.linear.scatter [tilespmem:s29], [sflag:$0x4], $0x280, $0x38;
	[tilespmem:$0xC800] =	vst v63  }
0x126: {  	s29 =	sld [smem:$0x7EA]  }
0x127: {  	s23 =	sadd.s32 s22, s28;
	s28 =	sld [smem:$0x7B4]  }
0x128: {  	[hbm4b:s25+s3] =	stream.linear.scatter [tilespmem:s31], [sflag:$0x4], $0x280, $0x38;
	[tilespmem:$0xC800] =	vst v63  }
0x129: {  	s31 =	sld [smem:$0x7EB]  }
0x12a: {  	s25 =	sadd.s32 s22, s30;
	s30 =	sld [smem:$0x7B3]  }
0x12b: {  	[hbm4b:s23+s3] =	stream.linear.scatter [tilespmem:s29], [sflag:$0x4], $0x280, $0x38;
	[tilespmem:$0xC800] =	vst v63  }
0x12c: {  	s29 =	sld [smem:$0x7EC]  }
0x12d: {  	s23 =	sadd.s32 s22, s28;
	s28 =	sld [smem:$0x7B2]  }
0x12e: {  	[hbm4b:s25+s3] =	stream.linear.scatter [tilespmem:s31], [sflag:$0x4], $0x280, $0x38;
	[tilespmem:$0xC800] =	vst v63  }
0x12f: {  	s31 =	sld [smem:$0x7ED]  }
0x130: {  	s25 =	sadd.s32 s22, s30;
	s30 =	sld [smem:$0x7B1]  }
0x131: {  	[hbm4b:s23+s3] =	stream.linear.scatter [tilespmem:s29], [sflag:$0x4], $0x280, $0x38;
	[tilespmem:$0xC800] =	vst v63  }
0x132: {  	s29 =	sld [smem:$0x7EE]  }
0x133: {  	s23 =	sadd.s32 s22, s28;
	s28 =	sld [smem:$0x7B0]  }
0x134: {  	[hbm4b:s25+s3] =	stream.linear.scatter [tilespmem:s31], [sflag:$0x4], $0x280, $0x38;
	[tilespmem:$0xC800] =	vst v63  }
0x135: {  	s31 =	sld [smem:$0x7EF]  }
0x136: {  	s25 =	sadd.s32 s22, s30;
	s30 =	sld [smem:$0x7AF]  }
0x137: {  	[hbm4b:s23+s3] =	stream.linear.scatter [tilespmem:s29], [sflag:$0x4], $0x280, $0x38;
	[tilespmem:$0xC800] =	vst v63  }
0x138: {  	s29 =	sld [smem:$0x7F0]  }
0x139: {  	s23 =	sadd.s32 s22, s28;
	s28 =	sld [smem:$0x7AE]  }
0x13a: {  	[hbm4b:s25+s3] =	stream.linear.scatter [tilespmem:s31], [sflag:$0x4], $0x280, $0x38;
	[tilespmem:$0xC800] =	vst v63  }
0x13b: {  	s31 =	sld [smem:$0x7F1]  }
0x13c: {  	s25 =	sadd.s32 s22, s30;
	s30 =	sld [smem:$0x7AD]  }
0x13d: {  	[hbm4b:s23+s3] =	stream.linear.scatter [tilespmem:s29], [sflag:$0x4], $0x280, $0x38;
	[tilespmem:$0xC800] =	vst v63  }
0x13e: {  	s29 =	sld [smem:$0x7F2]  }
0x13f: {  	s23 =	sadd.s32 s22, s28;
	s28 =	sld [smem:$0x7AC]  }
0x140: {  	[hbm4b:s25+s3] =	stream.linear.scatter [tilespmem:s31], [sflag:$0x4], $0x280, $0x38;
	[tilespmem:$0xC800] =	vst v63  }
0x141: {  	s31 =	sld [smem:$0x7F3]  }
0x142: {  	s25 =	sadd.s32 s22, s30;
	s30 =	rddreg [dreg:$0x1f]  }
0x143: {  	[hbm4b:s23+s3] =	stream.linear.scatter [tilespmem:s29], [sflag:$0x4], $0x280, $0x38;
	[tilespmem:$0xC800] =	vst v63  }
0x144: {  	s29 =	sld [smem:$0x7F4]  }
0x145: {  	s23 =	sadd.s32 s22, s28;
	s28 =	rddreg [dreg:$0x1e]  }
0x146: {  	[hbm4b:s25+s3] =	stream.linear.scatter [tilespmem:s31], [sflag:$0x4], $0x280, $0x38;
	[tilespmem:$0xC800] =	vst v63  }
0x147: {  	s31 =	sld [smem:$0x7F5]  }
0x148: {  	s25 =	sadd.s32 s22, s30;
	s30 =	rddreg [dreg:$0x1d]  }
0x149: {  	[hbm4b:s23+s3] =	stream.linear.scatter [tilespmem:s29], [sflag:$0x4], $0x280, $0x38;
	[tilespmem:$0xC800] =	vst v63  }
0x14a: {  	s29 =	sld [smem:$0x7F6]  }
0x14b: {  	s23 =	sadd.s32 s22, s28;
	s28 =	rddreg [dreg:$0x1c]  }
0x14c: {  	[hbm4b:s25+s3] =	stream.linear.scatter [tilespmem:s31], [sflag:$0x4], $0x280, $0x38;
	[tilespmem:$0xC800] =	vst v63  }
0x14d: {  	s31 =	sld [smem:$0x7F7]  }
0x14e: {  	s25 =	sadd.s32 s22, s30;
	s30 =	rddreg [dreg:$0x1b]  }
0x14f: {  	[hbm4b:s23+s3] =	stream.linear.scatter [tilespmem:s29], [sflag:$0x4], $0x280, $0x38;
	[tilespmem:$0xC800] =	vst v63  }
0x150: {  	s29 =	sld [smem:$0x7F8]  }
0x151: {  	s23 =	sadd.s32 s22, s28;
	s28 =	rddreg [dreg:$0x1a]  }
0x152: {  	[hbm4b:s25+s3] =	stream.linear.scatter [tilespmem:s31], [sflag:$0x4], $0x280, $0x38;
	[tilespmem:$0xC800] =	vst v63  }
0x153: {  	s31 =	sld [smem:$0x7F9]  }
0x154: {  	s25 =	sadd.s32 s22, s30;
	s30 =	rddreg [dreg:$0x19]  }
0x155: {  	[hbm4b:s23+s3] =	stream.linear.scatter [tilespmem:s29], [sflag:$0x4], $0x280, $0x38;
	[tilespmem:$0xC800] =	vst v63  }
0x156: {  	s29 =	sld [smem:$0x7FA]  }
0x157: {  	s23 =	sadd.s32 s22, s28;
	s28 =	sld [smem:$0x7FC]  }
0x158: {  	[hbm4b:s25+s3] =	stream.linear.scatter [tilespmem:s31], [sflag:$0x4], $0x280, $0x38;
	[tilespmem:$0xC800] =	vst v63  }
0x159: {  	s31 =	sld [smem:$0x7FB]  }
0x15a: {  	[hbm4b:s23+s3] =	stream.linear.scatter [tilespmem:s29], [sflag:$0x4], $0x280, $0x38;
	[tilespmem:$0xC800] =	vst v63  }
0x15b: {  	s25 =	sadd.s32 s22, s30;
	s30 =	sld [smem:$0x7FD]  }
0x15c: {  	[hbm4b:s25+s3] =	stream.linear.scatter [tilespmem:s31], [sflag:$0x4], $0x280, $0x38;
	[tilespmem:$0xC800] =	vst v63  }
0x15d: {  	s29 =	rddreg [dreg:$0x17];
	s23 =	sadd.s32 s22, s26  }
0x15e: {  	[hbm4b:s23+s3] =	stream.linear.scatter [tilespmem:s28], [sflag:$0x4], $0x280, $0x38;
	[tilespmem:$0xC800] =	vst v63  }
0x15f: {  	s31 =	sadd.s32 s22, s29  }
0x160: {  	[hbm4b:s31+s3] =	stream.linear.scatter [tilespmem:s30], [sflag:$0x4], $0x280, $0x38;
	[tilespmem:$0xC800] =	vst v63  }
0x161: {  	_ =	swait.ge [sflag:s19], $0x280  }
0x162: {  	[sflag:s19] =	ssyncset.done $0x0  }
0x163: {  	[sflag:s19] =	ssyncadd.s32 $0xFFFFFD80  }
0x164: {  	_ =	swait.ge [sflag:s19], $0x280  }
0x165: {  	[sflag:s19] =	ssyncset.done $0x0  }
0x166: {  	[sflag:s19] =	ssyncadd.s32 $0xFFFFFD80  }
0x167: {  	_ =	swait.ge [sflag:s19], $0x280  }
0x168: {  	[sflag:s19] =	ssyncset.done $0x0  }
0x169: {  	[sflag:s19] =	ssyncadd.s32 $0xFFFFFD80  }
0x16a: {  	_ =	swait.ge [sflag:s19], $0x280  }
0x16b: {  	[sflag:s19] =	ssyncset.done $0x0  }
0x16c: {  	[sflag:s19] =	ssyncadd.s32 $0xFFFFFD80  }
0x16d: {  	_ =	swait.ge [sflag:s19], $0x280  }
0x16e: {  	[sflag:s19] =	ssyncset.done $0x0  }
0x16f: {  	[sflag:s19] =	ssyncadd.s32 $0xFFFFFD80  }
0x170: {  	_ =	swait.ge [sflag:s19], $0x280  }
0x171: {  	[sflag:s19] =	ssyncset.done $0x0  }
0x172: {  	[sflag:s19] =	ssyncadd.s32 $0xFFFFFD80  }
0x173: {  	_ =	swait.ge [sflag:s19], $0x280  }
0x174: {  	[sflag:s19] =	ssyncset.done $0x0  }
0x175: {  	[sflag:s19] =	ssyncadd.s32 $0xFFFFFD80  }
0x176: {  	_ =	swait.ge [sflag:s19], $0x280  }
0x177: {  	[sflag:s19] =	ssyncset.done $0x0  }
0x178: {  	[sflag:s19] =	ssyncadd.s32 $0xFFFFFD80  }
0x179: {  	_ =	swait.ge [sflag:s19], $0x280  }
0x17a: {  	[sflag:s19] =	ssyncset.done $0x0  }
0x17b: {  	[sflag:s19] =	ssyncadd.s32 $0xFFFFFD80  }
0x17c: {  	_ =	swait.ge [sflag:s19], $0x280  }
0x17d: {  	[sflag:s19] =	ssyncset.done $0x0  }
0x17e: {  	[sflag:s19] =	ssyncadd.s32 $0xFFFFFD80  }
0x17f: {  	_ =	swait.ge [sflag:s19], $0x280  }
0x180: {  	[sflag:s19] =	ssyncset.done $0x0  }
0x181: {  	[sflag:s19] =	ssyncadd.s32 $0xFFFFFD80  }
0x182: {  	_ =	swait.ge [sflag:s19], $0x280  }
0x183: {  	[sflag:s19] =	ssyncset.done $0x0  }
0x184: {  	[sflag:s19] =	ssyncadd.s32 $0xFFFFFD80  }
0x185: {  	_ =	swait.ge [sflag:s19], $0x280  }
0x186: {  	[sflag:s19] =	ssyncset.done $0x0  }
0x187: {  	[sflag:s19] =	ssyncadd.s32 $0xFFFFFD80  }
0x188: {  	_ =	swait.ge [sflag:s19], $0x280  }
0x189: {  	[sflag:s19] =	ssyncset.done $0x0  }
0x18a: {  	[sflag:s19] =	ssyncadd.s32 $0xFFFFFD80  }
0x18b: {  	_ =	swait.ge [sflag:s19], $0x280  }
0x18c: {  	[sflag:s19] =	ssyncset.done $0x0  }
0x18d: {  	[sflag:s19] =	ssyncadd.s32 $0xFFFFFD80  }
0x18e: {  	_ =	swait.ge [sflag:s19], $0x280  }
0x18f: {  	[sflag:s19] =	ssyncset.done $0x0  }
0x190: {  	[sflag:s19] =	ssyncadd.s32 $0xFFFFFD80  }
0x191: {  	_ =	swait.ge [sflag:s19], $0x280  }
0x192: {  	[sflag:s19] =	ssyncset.done $0x0  }
0x193: {  	[sflag:s19] =	ssyncadd.s32 $0xFFFFFD80  }
0x194: {  	_ =	swait.ge [sflag:s19], $0x280  }
0x195: {  	[sflag:s19] =	ssyncset.done $0x0  }
0x196: {  	[sflag:s19] =	ssyncadd.s32 $0xFFFFFD80  }
0x197: {  	_ =	swait.ge [sflag:s19], $0x280  }
0x198: {  	[sflag:s19] =	ssyncset.done $0x0  }
0x199: {  	[sflag:s19] =	ssyncadd.s32 $0xFFFFFD80  }
0x19a: {  	_ =	swait.ge [sflag:s19], $0x280  }
0x19b: {  	[sflag:s19] =	ssyncset.done $0x0  }
0x19c: {  	[sflag:s19] =	ssyncadd.s32 $0xFFFFFD80  }
0x19d: {  	_ =	swait.ge [sflag:s19], $0x280  }
0x19e: {  	[sflag:s19] =	ssyncset.done $0x0  }
0x19f: {  	[sflag:s19] =	ssyncadd.s32 $0xFFFFFD80  }
0x1a0: {  	_ =	swait.ge [sflag:s19], $0x280  }
0x1a1: {  	[sflag:s19] =	ssyncset.done $0x0  }
0x1a2: {  	[sflag:s19] =	ssyncadd.s32 $0xFFFFFD80  }
0x1a3: {  	_ =	swait.ge [sflag:s19], $0x280  }
0x1a4: {  	[sflag:s19] =	ssyncset.done $0x0  }
0x1a5: {  	[sflag:s19] =	ssyncadd.s32 $0xFFFFFD80  }
0x1a6: {  	_ =	swait.ge [sflag:s19], $0x280  }
0x1a7: {  	[sflag:s19] =	ssyncset.done $0x0  }
0x1a8: {  	[sflag:s19] =	ssyncadd.s32 $0xFFFFFD80  }
0x1a9: {  	_ =	swait.ge [sflag:s19], $0x280  }
0x1aa: {  	[sflag:s19] =	ssyncset.done $0x0  }
0x1ab: {  	[sflag:s19] =	ssyncadd.s32 $0xFFFFFD80  }
0x1ac: {  	_ =	swait.ge [sflag:s19], $0x280  }
0x1ad: {  	[sflag:s19] =	ssyncset.done $0x0  }
0x1ae: {  	[sflag:s19] =	ssyncadd.s32 $0xFFFFFD80  }
0x1af: {  	_ =	swait.ge [sflag:s19], $0x280  }
0x1b0: {  	[sflag:s19] =	ssyncset.done $0x0  }
0x1b1: {  	[sflag:s19] =	ssyncadd.s32 $0xFFFFFD80  }
0x1b2: {  	_ =	swait.ge [sflag:s19], $0x280  }
0x1b3: {  	[sflag:s19] =	ssyncset.done $0x0  }
0x1b4: {  	[sflag:s19] =	ssyncadd.s32 $0xFFFFFD80  }
0x1b5: {  	_ =	swait.ge [sflag:s19], $0x280  }
0x1b6: {  	[sflag:s19] =	ssyncset.done $0x0  }
0x1b7: {  	[sflag:s19] =	ssyncadd.s32 $0xFFFFFD80  }
0x1b8: {  	_ =	swait.ge [sflag:s19], $0x280  }
0x1b9: {  	[sflag:s19] =	ssyncset.done $0x0  }
0x1ba: {  	[sflag:s19] =	ssyncadd.s32 $0xFFFFFD80  }
0x1bb: {  	_ =	swait.ge [sflag:s19], $0x280  }
0x1bc: {  	[sflag:s19] =	ssyncset.done $0x0  }
0x1bd: {  	[sflag:s19] =	ssyncadd.s32 $0xFFFFFD80  }
0x1be: {  	p0 =	seq.s32 s22, $0x8C00;
	_ =	swait.ge [sflag:s19], $0x280  }
0x1bf: {  	s26 =	simm.s32 @!p0 $0x2800;
	s23 =	sshra.s32 @!p0 s22, $0x2;
	[sflag:s19] =	ssyncset.done $0x0  }
0x1c0: {  	s25 =	simm.s32 @!p0 $0x80;
	s24 =	sadd.s32 @!p0 $0x500, s23;
	[sflag:s19] =	ssyncadd.s32 $0xFFFFFD80  }
0x1c1: {  	[tilespmem:s26], [sflag:$0x1] =	stream.indirect.gather @!p0 [hbm4b:s2+s25], $0x20, s24, s25, $0xb8;
	[tilespmem:$0xC800] =	vst v63  }
0x1c2: {  	s24 =	sadd.s32 @!p0 $0x580, s23;
	s26 =	simm.s32 @!p0 $0x3800  }
0x1c3: {  	[tilespmem:s26], [sflag:$0x1] =	stream.indirect.gather @!p0 [hbm4b:s2+s25], $0x20, s24, s25, $0xb8;
	[tilespmem:$0xC800] =	vst v63  }
0x1c4: {  	s24 =	sadd.s32 @!p0 $0x600, s23;
	s26 =	simm.s32 @!p0 $0x4800  }
0x1c5: {  	[tilespmem:s26], [sflag:$0x1] =	stream.indirect.gather @!p0 [hbm4b:s2+s25], $0x20, s24, s25, $0xb8;
	[tilespmem:$0xC800] =	vst v63  }
0x1c6: {  	s24 =	sadd.s32 @!p0 $0x680, s23;
	s26 =	simm.s32 @!p0 $0x5800  }
0x1c7: {  	[tilespmem:s26], [sflag:$0x1] =	stream.indirect.gather @!p0 [hbm4b:s2+s25], $0x20, s24, s25, $0xb8;
	[tilespmem:$0xC800] =	vst v63  }
0x1c8: {  	s23 =	sadd.s32 @!p0 $0x700, s23;
	s24 =	simm.s32 @!p0 $0x6800  }
0x1c9: {  	[tilespmem:s24], [sflag:$0x1] =	stream.indirect.gather @!p0 [hbm4b:s2+s25], $0x20, s23, s25, $0xb8;
	[tilespmem:$0xC800] =	vst v63  }
0x1ca: {  	_ =	swait.ge [sflag:s20], $0x280  }
0x1cb: {  	[sflag:s20] =	ssyncset.done $0x0  }
0x1cc: {  	[sflag:s20] =	ssyncadd.s32 $0xFFFFFD80  }
0x1cd: {  	_ =	swait.ge [sflag:s20], $0x280  }
0x1ce: {  	[sflag:s20] =	ssyncset.done $0x0  }
0x1cf: {  	[sflag:s20] =	ssyncadd.s32 $0xFFFFFD80  }
0x1d0: {  	_ =	swait.ge [sflag:s20], $0x280  }
0x1d1: {  	[sflag:s20] =	ssyncset.done $0x0  }
0x1d2: {  	[sflag:s20] =	ssyncadd.s32 $0xFFFFFD80  }
0x1d3: {  	_ =	swait.ge [sflag:s20], $0x280  }
0x1d4: {  	[sflag:s20] =	ssyncset.done $0x0  }
0x1d5: {  	[sflag:s20] =	ssyncadd.s32 $0xFFFFFD80  }
0x1d6: {  	_ =	swait.ge [sflag:s20], $0x280  }
0x1d7: {  	[sflag:s20] =	ssyncset.done $0x0  }
0x1d8: {  	[sflag:s20] =	ssyncadd.s32 $0xFFFFFD80  }
0x1d9: {  	_ =	swait.ge [sflag:s20], $0x280  }
0x1da: {  	[sflag:s20] =	ssyncset.done $0x0  }
0x1db: {  	[sflag:s20] =	ssyncadd.s32 $0xFFFFFD80  }
0x1dc: {  	_ =	swait.ge [sflag:s20], $0x280  }
0x1dd: {  	[sflag:s20] =	ssyncset.done $0x0  }
0x1de: {  	[sflag:s20] =	ssyncadd.s32 $0xFFFFFD80  }
0x1df: {  	_ =	swait.ge [sflag:s20], $0x280  }
0x1e0: {  	[sflag:s20] =	ssyncset.done $0x0  }
0x1e1: {  	[sflag:s20] =	ssyncadd.s32 $0xFFFFFD80  }
0x1e2: {  	_ =	swait.ge [sflag:s20], $0x280  }
0x1e3: {  	[sflag:s20] =	ssyncset.done $0x0  }
0x1e4: {  	[sflag:s20] =	ssyncadd.s32 $0xFFFFFD80  }
0x1e5: {  	_ =	swait.ge [sflag:s20], $0x280  }
0x1e6: {  	[sflag:s20] =	ssyncset.done $0x0  }
0x1e7: {  	[sflag:s20] =	ssyncadd.s32 $0xFFFFFD80  }
0x1e8: {  	_ =	swait.ge [sflag:s20], $0x280  }
0x1e9: {  	[sflag:s20] =	ssyncset.done $0x0  }
0x1ea: {  	[sflag:s20] =	ssyncadd.s32 $0xFFFFFD80  }
0x1eb: {  	_ =	swait.ge [sflag:s20], $0x280  }
0x1ec: {  	[sflag:s20] =	ssyncset.done $0x0  }
0x1ed: {  	[sflag:s20] =	ssyncadd.s32 $0xFFFFFD80  }
0x1ee: {  	_ =	swait.ge [sflag:s20], $0x280  }
0x1ef: {  	[sflag:s20] =	ssyncset.done $0x0  }
0x1f0: {  	[sflag:s20] =	ssyncadd.s32 $0xFFFFFD80  }
0x1f1: {  	_ =	swait.ge [sflag:s20], $0x280  }
0x1f2: {  	[sflag:s20] =	ssyncset.done $0x0  }
0x1f3: {  	[sflag:s20] =	ssyncadd.s32 $0xFFFFFD80  }
0x1f4: {  	_ =	swait.ge [sflag:s20], $0x280  }
0x1f5: {  	[sflag:s20] =	ssyncset.done $0x0  }
0x1f6: {  	[sflag:s20] =	ssyncadd.s32 $0xFFFFFD80  }
0x1f7: {  	_ =	swait.ge [sflag:s20], $0x280  }
0x1f8: {  	[sflag:s20] =	ssyncset.done $0x0  }
0x1f9: {  	[sflag:s20] =	ssyncadd.s32 $0xFFFFFD80  }
0x1fa: {  	_ =	swait.ge [sflag:s20], $0x280  }
0x1fb: {  	[sflag:s20] =	ssyncset.done $0x0  }
0x1fc: {  	[sflag:s20] =	ssyncadd.s32 $0xFFFFFD80  }
0x1fd: {  	_ =	swait.ge [sflag:s20], $0x280  }
0x1fe: {  	[sflag:s20] =	ssyncset.done $0x0  }
0x1ff: {  	[sflag:s20] =	ssyncadd.s32 $0xFFFFFD80  }
0x200: {  	_ =	swait.ge [sflag:s20], $0x280  }
0x201: {  	[sflag:s20] =	ssyncset.done $0x0  }
0x202: {  	[sflag:s20] =	ssyncadd.s32 $0xFFFFFD80  }
0x203: {  	_ =	swait.ge [sflag:s20], $0x280  }
0x204: {  	[sflag:s20] =	ssyncset.done $0x0  }
0x205: {  	[sflag:s20] =	ssyncadd.s32 $0xFFFFFD80  }
0x206: {  	_ =	swait.ge [sflag:s20], $0x280  }
0x207: {  	[sflag:s20] =	ssyncset.done $0x0  }
0x208: {  	[sflag:s20] =	ssyncadd.s32 $0xFFFFFD80  }
0x209: {  	_ =	swait.ge [sflag:s20], $0x280  }
0x20a: {  	[sflag:s20] =	ssyncset.done $0x0  }
0x20b: {  	[sflag:s20] =	ssyncadd.s32 $0xFFFFFD80  }
0x20c: {  	_ =	swait.ge [sflag:s20], $0x280  }
0x20d: {  	[sflag:s20] =	ssyncset.done $0x0  }
0x20e: {  	[sflag:s20] =	ssyncadd.s32 $0xFFFFFD80  }
0x20f: {  	_ =	swait.ge [sflag:s20], $0x280  }
0x210: {  	[sflag:s20] =	ssyncset.done $0x0  }
0x211: {  	[sflag:s20] =	ssyncadd.s32 $0xFFFFFD80  }
0x212: {  	_ =	swait.ge [sflag:s20], $0x280  }
0x213: {  	[sflag:s20] =	ssyncset.done $0x0  }
0x214: {  	[sflag:s20] =	ssyncadd.s32 $0xFFFFFD80  }
0x215: {  	_ =	swait.ge [sflag:s20], $0x280  }
0x216: {  	[sflag:s20] =	ssyncset.done $0x0  }
0x217: {  	[sflag:s20] =	ssyncadd.s32 $0xFFFFFD80  }
0x218: {  	_ =	swait.ge [sflag:s20], $0x280  }
0x219: {  	[sflag:s20] =	ssyncset.done $0x0  }
0x21a: {  	[sflag:s20] =	ssyncadd.s32 $0xFFFFFD80  }
0x21b: {  	_ =	swait.ge [sflag:s20], $0x280  }
0x21c: {  	[sflag:s20] =	ssyncset.done $0x0  }
0x21d: {  	[sflag:s20] =	ssyncadd.s32 $0xFFFFFD80  }
0x21e: {  	_ =	swait.ge [sflag:s20], $0x280  }
0x21f: {  	[sflag:s20] =	ssyncset.done $0x0  }
0x220: {  	[sflag:s20] =	ssyncadd.s32 $0xFFFFFD80  }
0x221: {  	_ =	swait.ge [sflag:s20], $0x280  }
0x222: {  	[sflag:s20] =	ssyncset.done $0x0  }
0x223: {  	s22 =	sadd.s32 $0x1400, s22;
	[sflag:s20] =	ssyncadd.s32 $0xFFFFFD80  }
0x224: {  	p0 =	sne.s32 s22, $0xA000;
	_ =	swait.ge [sflag:s20], $0x280  }
.Ltmp0:
0x225: {  	[sflag:s20] =	ssyncset.done $0x0;
	(pc) =	sbr.rel @p0 .LBB2_2-.Ltmp0, $4  }
0x226: {  	[sflag:s20] =	ssyncadd.s32 $0xFFFFFD80  }
0x227: {  	_ =	swait.ge [sflag:s20], $0x280  }
0x228: {  	[sflag:s20] =	ssyncset.done $0x0  }
0x229: {  	[sflag:s20] =	ssyncadd.s32 $0xFFFFFD80  }
0x22a: {  	s21 =	sadd.s32 $0x1, s21  }
0x22b: {  	p0 =	sne.s32 s21, s5  }
.Ltmp1:
0x22c: {  	_ = 	snop;
	(pc) =	sbr.rel @p0 .LBB2_1-.Ltmp1, $1  }
0x22d: {  	_ =	sdelay $0x3  }
0x22e: {  	_ =	sfence.sel $0x180000  }
0x22f: {  	[bflag:$0x0] =	sbarrier.arrive $0xFFFF  }
0x230: {  	p0 =	sne.s32 s0, $0x0;
	_ =	strace $0x90000047  }
0x231: {  	s0 =	sadd.s32 @!p0 $0x100000, s1;
	[bflag:$0x2] =	sbarrier.arrive $0xFFFF  }
0x232: {  	[sflag:s0] =	ssyncadd.tile.s32 @!p0 $0x1;
	_ =	shalt  }
.Lfunc_end2:
_tile_overlayer_lowered:
.L_overlay_start_2:
0x233: {  	(tag) =	ssettag $0x2  }
0x234: {  	s0 =	rddreg [dreg:$0x0];
	s2 =	stileid.u32  }
0x235: {  	s1 =	rddreg [dreg:$0x1];
	p0 =	sne.s32 s2, $0x0  }
0x236: {  	s3 =	rddreg [dreg:$0x2];
	[bflag:$0x3] =	sbarrier.arrive $0xFFFF;
	s2 =	simm.s32 @!p0 $0x1C05  }
0x237: {  	[timem:s3], [sflag:s2] =	dma.local @!p0 [hbm:s0], s1  }
0x238: {  	s0 =	simm.s32 @!p0 $0x5  }
0x239: {  	_ =	swait.ge @!p0 [sflag:s0], s1  }
0x23a: {  	s1 =	ssub.s32 @!p0 $0x0, s1;
	[sflag:s0] =	ssyncset.done @!p0 $0x0  }
0x23b: {  	[sflag:s0] =	ssyncadd.s32 @!p0 s1  }
0x23c: {  	[bflag:$0x3] =	sbarrier.arrive $0xFFFF  }
0x23d: {  	_ =	shalt  }

</sc_bundles>
